<compile_context>
chip_gen: v7x
topology: tpu7x:2x2x1
jax: 0.10.2.dev20260603
libtpu: 0.0.44.dev20260713+nightly
codegen_flags: <defaults>
</compile_context>

<pallas_src>
import jax
import jax.numpy as jnp
from jax import lax
from jax.experimental import pallas as pl
from jax.experimental.pallas import tpu as pltpu, tpu_sc as plsc

_N = 100000
_K = 16
_C = 3
_NC = 2
_NS = 16
_NW = _NC * _NS
_NP = 102400
_PTS = _NP // _NW
_SUB = 640
_NSUB = _PTS // _SUB
_GRP = _SUB // 16


def _body(tab_hbm, idxT_hbm, out_hbm, part_hbm, tab_v, idx_v, acc_v, tot_v):
    wid = lax.axis_index("s") * _NC + lax.axis_index("c")
    base = wid * _PTS

    def zero(g, _):
        acc_v[pl.ds(g * 16, 16)] = jnp.zeros((16,), jnp.float32)
        return 0

    lax.fori_loop(0, _PTS // 16, zero, 0)

    for c in range(_C):
        pltpu.sync_copy(tab_hbm.at[pl.ds(c * _NP, _NP)], tab_v)
        for sb in range(_NSUB):
            pltpu.sync_copy(
                idxT_hbm.at[:, pl.ds(base + sb * _SUB, _SUB)], idx_v)

            def grp(g, _, sb=sb):
                off = sb * _SUB + g * 16
                center = tab_v[pl.ds(base + off, 16)]
                a = acc_v[pl.ds(off, 16)]
                for k in range(1, _K):
                    idx = idx_v[k, pl.ds(g * 16, 16)]
                    nb = plsc.load_gather(tab_v, [idx])
                    a = a + jnp.abs(center - nb)
                acc_v[pl.ds(off, 16)] = a
                return 0

            lax.fori_loop(0, _GRP, grp, 0)

    lanes = lax.iota(jnp.int32, 16)

    def fin(g, tot):
        a = acc_v[pl.ds(g * 16, 16)] * jnp.float32(1.0 / (_K - 1))
        acc_v[pl.ds(g * 16, 16)] = a
        gp = base + g * 16 + lanes
        return tot + jnp.where(gp < _N, a, jnp.float32(0.0))

    tot = lax.fori_loop(0, _PTS // 16, fin, jnp.zeros((16,), jnp.float32))
    tot_v[...] = tot
    pltpu.sync_copy(tot_v, part_hbm.at[wid])
    pltpu.sync_copy(acc_v, out_hbm.at[pl.ds(base, _PTS)])


@jax.jit
def kernel(pred_flow, NN_idx):
    bs, n, c = pred_flow.shape
    flow = pred_flow.reshape(n, c)
    tab = jnp.zeros((_C, _NP), jnp.float32).at[:, :n].set(
        flow.T).reshape(_C * _NP)
    idxT = jnp.zeros((_K, _NP), jnp.int32).at[:, :n].set(
        NN_idx.reshape(n, _K).T)

    f = pl.kernel(
        _body,
        out_type=(
            jax.ShapeDtypeStruct((_NP,), jnp.float32),
            jax.ShapeDtypeStruct((_NW, 16), jnp.float32),
        ),
        mesh=plsc.VectorSubcoreMesh(
            core_axis_name="c", subcore_axis_name="s"),
        compiler_params=pltpu.CompilerParams(needs_layout_passes=False),
        scratch_types=[
            pltpu.VMEM((_NP,), jnp.float32),
            pltpu.VMEM((_K, _SUB), jnp.int32),
            pltpu.VMEM((_PTS,), jnp.float32),
            pltpu.VMEM((16,), jnp.float32),
        ],
    )
    per_point_pad, partials = f(tab, idxT)
    loss = jnp.sum(partials) / jnp.float32(n)
    per_point = per_point_pad[:n].reshape(bs, n)
    return (loss, per_point)

# --- scband reference (transcript-rebuilt; emitter-appended) ---
"""Pipeline reference for scband-visibility-smoothness-loss-29076928594560 (READ-ONLY COPY).

The authoritative reference and input builder live on the scoring server;
editing this copy changes nothing except your own understanding.
"""

import jax, jax.numpy as jnp
import numpy as np

N = 100000
K = 16
C = 3

def setup_inputs(seed: int = 0) -> dict:
    key = jax.random.key(seed)
    k1, k2 = jax.random.split(key)
    pred_flow = jax.random.normal(k1, (1, N, C), dtype=jnp.float32)
    NN_idx = jax.random.randint(k2, (1, N, K), 0, N, dtype=jnp.int32)
    return {"pred_flow": pred_flow, "NN_idx": NN_idx}


def reference(pred_flow, NN_idx):
    # Faithful translation of smoothness_loss(est_flow, NN_idx, loss_norm=1)
    bs, n, c = pred_flow.shape
    Kn = NN_idx.shape[2]
    est_flow_flat = pred_flow.reshape(bs * n, c)
    # gather neighbor flows: [bs*n, K, c]
    est_flow_neigh = jnp.take(est_flow_flat, NN_idx.reshape(bs * n, Kn), axis=0)
    # drop self (index 0): [bs*n, K-1, c]
    est_flow_neigh = est_flow_neigh[:, 1:Kn, :]
    # [K-1, bs*n, c]
    flow_diff = est_flow_flat[None, :, :] - jnp.transpose(est_flow_neigh, (1, 0, 2))
    # L1 norm over channel dim (loss_norm=1): [K-1, bs*n]
    flow_diff = jnp.sum(jnp.abs(flow_diff), axis=2)
    smooth_flow_loss = flow_diff.mean()
    smooth_flow_per_point = flow_diff.mean(axis=0).reshape(bs, n)
    return (smooth_flow_loss, smooth_flow_per_point)

if __name__ == "__main__":
    import jax
    _d = setup_inputs()
    print(jax.jit(kernel)(*tuple(_d.values())))

</pallas_src>

<mosaic_0001>
#map = affine_map<(d0, d1) -> (0)>
#map1 = affine_map<(d0, d1) -> (0, 0)>
module attributes {stable_mosaic.version = 14 : i64} {
  func.func @_body(%arg0: i32, %arg1: i32, %arg2: memref<307200xf32, #tpu.memory_space<hbm>>, %arg3: memref<16x102400xi32, #tpu.memory_space<hbm>>, %arg4: memref<102400xf32, #tpu.memory_space<hbm>>, %arg5: memref<32x16xf32, #tpu.memory_space<hbm>>, %arg6: memref<102400xf32, #tpu.memory_space<vmem>>, %arg7: memref<16x640xi32, #tpu.memory_space<vmem>>, %arg8: memref<3200xf32, #tpu.memory_space<vmem>>, %arg9: memref<16xf32, #tpu.memory_space<vmem>>) attributes {dimension_semantics = [#tpu.dimension_semantics<core_parallel>, #tpu.dimension_semantics<subcore_parallel>], iteration_bounds = array<i64: 2, 16>, scalar_prefetch = 0 : i64, scratch_operands = 4 : i64, tpu.core_type = #tpu.core_type<sc_vector_subcore>, window_params = [{transform_indices = #map}, {transform_indices = #map1}, {transform_indices = #map}, {transform_indices = #map1}]} {
    %mul3A = arith.constant 2 : i32
    %mul3A_0 = arith.muli %arg1, %mul3A : i32
    %add3A = arith.addi %mul3A_0, %arg0 : i32
    %mul3A_1 = arith.constant 3200 : i32
    %mul3A_2 = arith.muli %add3A, %mul3A_1 : i32
    %scan3A = arith.constant 0 : i32
    %scan3A_3 = arith.constant 0 : i32
    %scan3A_4 = arith.constant 200 : i32
    %scan3A_5 = arith.addi %scan3A_3, %scan3A_4 : i32
    %scan3A_6 = arith.constant 1 : i32
    %scan3A_7 = scf.for %scan3A_152 = %scan3A_3 to %scan3A_5 step %scan3A_6 iter_args(%scan3A_153 = %scan3A) -> (i32)  : i32 {
      %broadcast_in_dim3A_154 = arith.constant 0.000000e+00 : f32
      %broadcast_in_dim3A_155 = vector.broadcast %broadcast_in_dim3A_154 : f32 to vector<16xf32>
      %mul3A_156 = arith.constant 16 : i32
      %mul3A_157 = arith.muli %scan3A_152, %mul3A_156 : i32
      %swap3A_158 = arith.index_cast %mul3A_157 : i32 to index
      %swap3A_159 = tpu.vector_load %arg8[%swap3A_158] {strides = array<i32>} : memref<3200xf32, #tpu.memory_space<vmem>>, vector<16xf32>,
      tpu.vector_store %arg8[%swap3A_158], %broadcast_in_dim3A_155 {strides = array<i32>} : memref<3200xf32, #tpu.memory_space<vmem>>, vector<16xf32>,
      %scan3A_160 = arith.constant 0 : i32
      scf.yield %scan3A_160 : i32
    }
    %scan3A_8 = arith.constant 200 : i32
    "tpu.region"() ({
      %run_scoped3A = tpu.sem_alloc : memref<!tpu.dma_semaphore, #tpu.memory_space<semaphore_mem>>
      %dma_start3A = arith.constant 0 : i32
      %dma_start3A_152 = tpu.memref_slice %arg2[%dma_start3A] : memref<307200xf32, #tpu.memory_space<hbm>> -> memref<102400xf32, #tpu.memory_space<hbm>>
      %dma_start3A_153 = arith.constant 0 : i32
      %dma_start3A_154 = tpu.memref_slice %arg2[%dma_start3A_153] : memref<307200xf32, #tpu.memory_space<hbm>> -> memref<102400xf32, #tpu.memory_space<hbm>>
      tpu.enqueue_dma source(%dma_start3A_154 : memref<102400xf32, #tpu.memory_space<hbm>>) target(%arg6 : memref<102400xf32, #tpu.memory_space<vmem>>) target_semaphore(%run_scoped3A : memref<!tpu.dma_semaphore, #tpu.memory_space<semaphore_mem>>)
      %dma_wait3A = arith.constant 0 : i32
      %dma_wait3A_155 = tpu.memref_slice %arg2[%dma_wait3A] : memref<307200xf32, #tpu.memory_space<hbm>> -> memref<102400xf32, #tpu.memory_space<hbm>>
      %dma_wait3A_156 = arith.constant 0 : i32
      %dma_wait3A_157 = tpu.memref_slice %arg2[%dma_wait3A_156] : memref<307200xf32, #tpu.memory_space<hbm>> -> memref<102400xf32, #tpu.memory_space<hbm>>
      tpu.wait_dma2 semaphore(%run_scoped3A : memref<!tpu.dma_semaphore, #tpu.memory_space<semaphore_mem>>) src(%dma_wait3A_157 : memref<102400xf32, #tpu.memory_space<hbm>>) dst(%arg6 : memref<102400xf32, #tpu.memory_space<vmem>>)
      tpu.yield
    }) : () -> ()
    %add3A_9 = arith.constant 0 : i32
    %add3A_10 = arith.addi %mul3A_2, %add3A_9 : i32
    "tpu.region"() ({
      %run_scoped3A = tpu.sem_alloc : memref<!tpu.dma_semaphore, #tpu.memory_space<semaphore_mem>>
      %dma_start3A = arith.constant 0 : i32
      %dma_start3A_152 = tpu.memref_slice %arg3[%dma_start3A, %add3A_10] : memref<16x102400xi32, #tpu.memory_space<hbm>> -> memref<16x640xi32, #tpu.memory_space<hbm>>
      %dma_start3A_153 = arith.constant 0 : i32
      %dma_start3A_154 = tpu.memref_slice %arg3[%dma_start3A_153, %add3A_10] : memref<16x102400xi32, #tpu.memory_space<hbm>> -> memref<16x640xi32, #tpu.memory_space<hbm>>
      tpu.enqueue_dma source(%dma_start3A_154 : memref<16x640xi32, #tpu.memory_space<hbm>>) target(%arg7 : memref<16x640xi32, #tpu.memory_space<vmem>>) target_semaphore(%run_scoped3A : memref<!tpu.dma_semaphore, #tpu.memory_space<semaphore_mem>>)
      %dma_wait3A = arith.constant 0 : i32
      %dma_wait3A_155 = tpu.memref_slice %arg3[%dma_wait3A, %add3A_10] : memref<16x102400xi32, #tpu.memory_space<hbm>> -> memref<16x640xi32, #tpu.memory_space<hbm>>
      %dma_wait3A_156 = arith.constant 0 : i32
      %dma_wait3A_157 = tpu.memref_slice %arg3[%dma_wait3A_156, %add3A_10] : memref<16x102400xi32, #tpu.memory_space<hbm>> -> memref<16x640xi32, #tpu.memory_space<hbm>>
      tpu.wait_dma2 semaphore(%run_scoped3A : memref<!tpu.dma_semaphore, #tpu.memory_space<semaphore_mem>>) src(%dma_wait3A_157 : memref<16x640xi32, #tpu.memory_space<hbm>>) dst(%arg7 : memref<16x640xi32, #tpu.memory_space<vmem>>)
      tpu.yield
    }) : () -> ()
    %scan3A_11 = arith.constant 0 : i32
    %scan3A_12 = arith.constant 0 : i32
    %scan3A_13 = arith.constant 40 : i32
    %scan3A_14 = arith.addi %scan3A_12, %scan3A_13 : i32
    %scan3A_15 = arith.constant 1 : i32
    %scan3A_16 = scf.for %scan3A_152 = %scan3A_12 to %scan3A_14 step %scan3A_15 iter_args(%scan3A_153 = %scan3A_11) -> (i32)  : i32 {
      %mul3A_154 = arith.constant 16 : i32
      %mul3A_155 = arith.muli %scan3A_152, %mul3A_154 : i32
      %add3A_156 = arith.constant 0 : i32
      %add3A_157 = arith.addi %add3A_156, %mul3A_155 : i32
      %add3A_158 = arith.addi %mul3A_2, %add3A_157 : i32
      %get3A = arith.index_cast %add3A_158 : i32 to index
      %get3A_159 = tpu.vector_load %arg6[%get3A] {strides = array<i32>} : memref<102400xf32, #tpu.memory_space<vmem>>, vector<16xf32>,
      %get3A_160 = arith.index_cast %add3A_157 : i32 to index
      %get3A_161 = tpu.vector_load %arg8[%get3A_160] {strides = array<i32>} : memref<3200xf32, #tpu.memory_space<vmem>>, vector<16xf32>,
      %mul3A_162 = arith.constant 16 : i32
      %mul3A_163 = arith.muli %scan3A_152, %mul3A_162 : i32
      %get3A_164 = arith.constant 1 : i32
      %get3A_165 = arith.index_cast %get3A_164 : i32 to index
      %get3A_166 = arith.index_cast %mul3A_163 : i32 to index
      %get3A_167 = tpu.vector_load %arg7[%get3A_165, %get3A_166] {strides = array<i32>} : memref<16x640xi32, #tpu.memory_space<vmem>>, vector<16xi32>,
      %gather3A = tpu.vector_load_idx %arg6[%get3A_167] : memref<102400xf32, #tpu.memory_space<vmem>>[vector<16xi32>], vector<16xf32>,
      %sub3A = arith.subf %get3A_159, %gather3A : vector<16xf32>
      %abs3A = math.absf %sub3A : vector<16xf32>
      %add3A_168 = arith.addf %get3A_161, %abs3A : vector<16xf32>
      %mul3A_169 = arith.constant 16 : i32
      %mul3A_170 = arith.muli %scan3A_152, %mul3A_169 : i32
      %get3A_171 = arith.constant 2 : i32
      %get3A_172 = arith.index_cast %get3A_171 : i32 to index
      %get3A_173 = arith.index_cast %mul3A_170 : i32 to index
      %get3A_174 = tpu.vector_load %arg7[%get3A_172, %get3A_173] {strides = array<i32>} : memref<16x640xi32, #tpu.memory_space<vmem>>, vector<16xi32>,
      %gather3A_175 = tpu.vector_load_idx %arg6[%get3A_174] : memref<102400xf32, #tpu.memory_space<vmem>>[vector<16xi32>], vector<16xf32>,
      %sub3A_176 = arith.subf %get3A_159, %gather3A_175 : vector<16xf32>
      %abs3A_177 = math.absf %sub3A_176 : vector<16xf32>
      %add3A_178 = arith.addf %add3A_168, %abs3A_177 : vector<16xf32>
      %mul3A_179 = arith.constant 16 : i32
      %mul3A_180 = arith.muli %scan3A_152, %mul3A_179 : i32
      %get3A_181 = arith.constant 3 : i32
      %get3A_182 = arith.index_cast %get3A_181 : i32 to index
      %get3A_183 = arith.index_cast %mul3A_180 : i32 to index
      %get3A_184 = tpu.vector_load %arg7[%get3A_182, %get3A_183] {strides = array<i32>} : memref<16x640xi32, #tpu.memory_space<vmem>>, vector<16xi32>,
      %gather3A_185 = tpu.vector_load_idx %arg6[%get3A_184] : memref<102400xf32, #tpu.memory_space<vmem>>[vector<16xi32>], vector<16xf32>,
      %sub3A_186 = arith.subf %get3A_159, %gather3A_185 : vector<16xf32>
      %abs3A_187 = math.absf %sub3A_186 : vector<16xf32>
      %add3A_188 = arith.addf %add3A_178, %abs3A_187 : vector<16xf32>
      %mul3A_189 = arith.constant 16 : i32
      %mul3A_190 = arith.muli %scan3A_152, %mul3A_189 : i32
      %get3A_191 = arith.constant 4 : i32
      %get3A_192 = arith.index_cast %get3A_191 : i32 to index
      %get3A_193 = arith.index_cast %mul3A_190 : i32 to index
      %get3A_194 = tpu.vector_load %arg7[%get3A_192, %get3A_193] {strides = array<i32>} : memref<16x640xi32, #tpu.memory_space<vmem>>, vector<16xi32>,
      %gather3A_195 = tpu.vector_load_idx %arg6[%get3A_194] : memref<102400xf32, #tpu.memory_space<vmem>>[vector<16xi32>], vector<16xf32>,
      %sub3A_196 = arith.subf %get3A_159, %gather3A_195 : vector<16xf32>
      %abs3A_197 = math.absf %sub3A_196 : vector<16xf32>
      %add3A_198 = arith.addf %add3A_188, %abs3A_197 : vector<16xf32>
      %mul3A_199 = arith.constant 16 : i32
      %mul3A_200 = arith.muli %scan3A_152, %mul3A_199 : i32
      %get3A_201 = arith.constant 5 : i32
      %get3A_202 = arith.index_cast %get3A_201 : i32 to index
      %get3A_203 = arith.index_cast %mul3A_200 : i32 to index
      %get3A_204 = tpu.vector_load %arg7[%get3A_202, %get3A_203] {strides = array<i32>} : memref<16x640xi32, #tpu.memory_space<vmem>>, vector<16xi32>,
      %gather3A_205 = tpu.vector_load_idx %arg6[%get3A_204] : memref<102400xf32, #tpu.memory_space<vmem>>[vector<16xi32>], vector<16xf32>,
      %sub3A_206 = arith.subf %get3A_159, %gather3A_205 : vector<16xf32>
      %abs3A_207 = math.absf %sub3A_206 : vector<16xf32>
      %add3A_208 = arith.addf %add3A_198, %abs3A_207 : vector<16xf32>
      %mul3A_209 = arith.constant 16 : i32
      %mul3A_210 = arith.muli %scan3A_152, %mul3A_209 : i32
      %get3A_211 = arith.constant 6 : i32
      %get3A_212 = arith.index_cast %get3A_211 : i32 to index
      %get3A_213 = arith.index_cast %mul3A_210 : i32 to index
      %get3A_214 = tpu.vector_load %arg7[%get3A_212, %get3A_213] {strides = array<i32>} : memref<16x640xi32, #tpu.memory_space<vmem>>, vector<16xi32>,
      %gather3A_215 = tpu.vector_load_idx %arg6[%get3A_214] : memref<102400xf32, #tpu.memory_space<vmem>>[vector<16xi32>], vector<16xf32>,
      %sub3A_216 = arith.subf %get3A_159, %gather3A_215 : vector<16xf32>
      %abs3A_217 = math.absf %sub3A_216 : vector<16xf32>
      %add3A_218 = arith.addf %add3A_208, %abs3A_217 : vector<16xf32>
      %mul3A_219 = arith.constant 16 : i32
      %mul3A_220 = arith.muli %scan3A_152, %mul3A_219 : i32
      %get3A_221 = arith.constant 7 : i32
      %get3A_222 = arith.index_cast %get3A_221 : i32 to index
      %get3A_223 = arith.index_cast %mul3A_220 : i32 to index
      %get3A_224 = tpu.vector_load %arg7[%get3A_222, %get3A_223] {strides = array<i32>} : memref<16x640xi32, #tpu.memory_space<vmem>>, vector<16xi32>,
      %gather3A_225 = tpu.vector_load_idx %arg6[%get3A_224] : memref<102400xf32, #tpu.memory_space<vmem>>[vector<16xi32>], vector<16xf32>,
      %sub3A_226 = arith.subf %get3A_159, %gather3A_225 : vector<16xf32>
      %abs3A_227 = math.absf %sub3A_226 : vector<16xf32>
      %add3A_228 = arith.addf %add3A_218, %abs3A_227 : vector<16xf32>
      %mul3A_229 = arith.constant 16 : i32
      %mul3A_230 = arith.muli %scan3A_152, %mul3A_229 : i32
      %get3A_231 = arith.constant 8 : i32
      %get3A_232 = arith.index_cast %get3A_231 : i32 to index
      %get3A_233 = arith.index_cast %mul3A_230 : i32 to index
      %get3A_234 = tpu.vector_load %arg7[%get3A_232, %get3A_233] {strides = array<i32>} : memref<16x640xi32, #tpu.memory_space<vmem>>, vector<16xi32>,
      %gather3A_235 = tpu.vector_load_idx %arg6[%get3A_234] : memref<102400xf32, #tpu.memory_space<vmem>>[vector<16xi32>], vector<16xf32>,
      %sub3A_236 = arith.subf %get3A_159, %gather3A_235 : vector<16xf32>
      %abs3A_237 = math.absf %sub3A_236 : vector<16xf32>
      %add3A_238 = arith.addf %add3A_228, %abs3A_237 : vector<16xf32>
      %mul3A_239 = arith.constant 16 : i32
      %mul3A_240 = arith.muli %scan3A_152, %mul3A_239 : i32
      %get3A_241 = arith.constant 9 : i32
      %get3A_242 = arith.index_cast %get3A_241 : i32 to index
      %get3A_243 = arith.index_cast %mul3A_240 : i32 to index
      %get3A_244 = tpu.vector_load %arg7[%get3A_242, %get3A_243] {strides = array<i32>} : memref<16x640xi32, #tpu.memory_space<vmem>>, vector<16xi32>,
      %gather3A_245 = tpu.vector_load_idx %arg6[%get3A_244] : memref<102400xf32, #tpu.memory_space<vmem>>[vector<16xi32>], vector<16xf32>,
      %sub3A_246 = arith.subf %get3A_159, %gather3A_245 : vector<16xf32>
      %abs3A_247 = math.absf %sub3A_246 : vector<16xf32>
      %add3A_248 = arith.addf %add3A_238, %abs3A_247 : vector<16xf32>
      %mul3A_249 = arith.constant 16 : i32
      %mul3A_250 = arith.muli %scan3A_152, %mul3A_249 : i32
      %get3A_251 = arith.constant 10 : i32
      %get3A_252 = arith.index_cast %get3A_251 : i32 to index
      %get3A_253 = arith.index_cast %mul3A_250 : i32 to index
      %get3A_254 = tpu.vector_load %arg7[%get3A_252, %get3A_253] {strides = array<i32>} : memref<16x640xi32, #tpu.memory_space<vmem>>, vector<16xi32>,
      %gather3A_255 = tpu.vector_load_idx %arg6[%get3A_254] : memref<102400xf32, #tpu.memory_space<vmem>>[vector<16xi32>], vector<16xf32>,
      %sub3A_256 = arith.subf %get3A_159, %gather3A_255 : vector<16xf32>
      %abs3A_257 = math.absf %sub3A_256 : vector<16xf32>
      %add3A_258 = arith.addf %add3A_248, %abs3A_257 : vector<16xf32>
      %mul3A_259 = arith.constant 16 : i32
      %mul3A_260 = arith.muli %scan3A_152, %mul3A_259 : i32
      %get3A_261 = arith.constant 11 : i32
      %get3A_262 = arith.index_cast %get3A_261 : i32 to index
      %get3A_263 = arith.index_cast %mul3A_260 : i32 to index
      %get3A_264 = tpu.vector_load %arg7[%get3A_262, %get3A_263] {strides = array<i32>} : memref<16x640xi32, #tpu.memory_space<vmem>>, vector<16xi32>,
      %gather3A_265 = tpu.vector_load_idx %arg6[%get3A_264] : memref<102400xf32, #tpu.memory_space<vmem>>[vector<16xi32>], vector<16xf32>,
      %sub3A_266 = arith.subf %get3A_159, %gather3A_265 : vector<16xf32>
      %abs3A_267 = math.absf %sub3A_266 : vector<16xf32>
      %add3A_268 = arith.addf %add3A_258, %abs3A_267 : vector<16xf32>
      %mul3A_269 = arith.constant 16 : i32
      %mul3A_270 = arith.muli %scan3A_152, %mul3A_269 : i32
      %get3A_271 = arith.constant 12 : i32
      %get3A_272 = arith.index_cast %get3A_271 : i32 to index
      %get3A_273 = arith.index_cast %mul3A_270 : i32 to index
      %get3A_274 = tpu.vector_load %arg7[%get3A_272, %get3A_273] {strides = array<i32>} : memref<16x640xi32, #tpu.memory_space<vmem>>, vector<16xi32>,
      %gather3A_275 = tpu.vector_load_idx %arg6[%get3A_274] : memref<102400xf32, #tpu.memory_space<vmem>>[vector<16xi32>], vector<16xf32>,
      %sub3A_276 = arith.subf %get3A_159, %gather3A_275 : vector<16xf32>
      %abs3A_277 = math.absf %sub3A_276 : vector<16xf32>
      %add3A_278 = arith.addf %add3A_268, %abs3A_277 : vector<16xf32>
      %mul3A_279 = arith.constant 16 : i32
      %mul3A_280 = arith.muli %scan3A_152, %mul3A_279 : i32
      %get3A_281 = arith.constant 13 : i32
      %get3A_282 = arith.index_cast %get3A_281 : i32 to index
      %get3A_283 = arith.index_cast %mul3A_280 : i32 to index
      %get3A_284 = tpu.vector_load %arg7[%get3A_282, %get3A_283] {strides = array<i32>} : memref<16x640xi32, #tpu.memory_space<vmem>>, vector<16xi32>,
      %gather3A_285 = tpu.vector_load_idx %arg6[%get3A_284] : memref<102400xf32, #tpu.memory_space<vmem>>[vector<16xi32>], vector<16xf32>,
      %sub3A_286 = arith.subf %get3A_159, %gather3A_285 : vector<16xf32>
      %abs3A_287 = math.absf %sub3A_286 : vector<16xf32>
      %add3A_288 = arith.addf %add3A_278, %abs3A_287 : vector<16xf32>
      %mul3A_289 = arith.constant 16 : i32
      %mul3A_290 = arith.muli %scan3A_152, %mul3A_289 : i32
      %get3A_291 = arith.constant 14 : i32
      %get3A_292 = arith.index_cast %get3A_291 : i32 to index
      %get3A_293 = arith.index_cast %mul3A_290 : i32 to index
      %get3A_294 = tpu.vector_load %arg7[%get3A_292, %get3A_293] {strides = array<i32>} : memref<16x640xi32, #tpu.memory_space<vmem>>, vector<16xi32>,
      %gather3A_295 = tpu.vector_load_idx %arg6[%get3A_294] : memref<102400xf32, #tpu.memory_space<vmem>>[vector<16xi32>], vector<16xf32>,
      %sub3A_296 = arith.subf %get3A_159, %gather3A_295 : vector<16xf32>
      %abs3A_297 = math.absf %sub3A_296 : vector<16xf32>
      %add3A_298 = arith.addf %add3A_288, %abs3A_297 : vector<16xf32>
      %mul3A_299 = arith.constant 16 : i32
      %mul3A_300 = arith.muli %scan3A_152, %mul3A_299 : i32
      %get3A_301 = arith.constant 15 : i32
      %get3A_302 = arith.index_cast %get3A_301 : i32 to index
      %get3A_303 = arith.index_cast %mul3A_300 : i32 to index
      %get3A_304 = tpu.vector_load %arg7[%get3A_302, %get3A_303] {strides = array<i32>} : memref<16x640xi32, #tpu.memory_space<vmem>>, vector<16xi32>,
      %gather3A_305 = tpu.vector_load_idx %arg6[%get3A_304] : memref<102400xf32, #tpu.memory_space<vmem>>[vector<16xi32>], vector<16xf32>,
      %sub3A_306 = arith.subf %get3A_159, %gather3A_305 : vector<16xf32>
      %abs3A_307 = math.absf %sub3A_306 : vector<16xf32>
      %add3A_308 = arith.addf %add3A_298, %abs3A_307 : vector<16xf32>
      %swap3A_309 = arith.index_cast %add3A_157 : i32 to index
      %swap3A_310 = tpu.vector_load %arg8[%swap3A_309] {strides = array<i32>} : memref<3200xf32, #tpu.memory_space<vmem>>, vector<16xf32>,
      tpu.vector_store %arg8[%swap3A_309], %add3A_308 {strides = array<i32>} : memref<3200xf32, #tpu.memory_space<vmem>>, vector<16xf32>,
      %scan3A_311 = arith.constant 0 : i32
      scf.yield %scan3A_311 : i32
    }
    %scan3A_17 = arith.constant 40 : i32
    %add3A_18 = arith.constant 640 : i32
    %add3A_19 = arith.addi %mul3A_2, %add3A_18 : i32
    "tpu.region"() ({
      %run_scoped3A = tpu.sem_alloc : memref<!tpu.dma_semaphore, #tpu.memory_space<semaphore_mem>>
      %dma_start3A = arith.constant 0 : i32
      %dma_start3A_152 = tpu.memref_slice %arg3[%dma_start3A, %add3A_19] : memref<16x102400xi32, #tpu.memory_space<hbm>> -> memref<16x640xi32, #tpu.memory_space<hbm>>
      %dma_start3A_153 = arith.constant 0 : i32
      %dma_start3A_154 = tpu.memref_slice %arg3[%dma_start3A_153, %add3A_19] : memref<16x102400xi32, #tpu.memory_space<hbm>> -> memref<16x640xi32, #tpu.memory_space<hbm>>
      tpu.enqueue_dma source(%dma_start3A_154 : memref<16x640xi32, #tpu.memory_space<hbm>>) target(%arg7 : memref<16x640xi32, #tpu.memory_space<vmem>>) target_semaphore(%run_scoped3A : memref<!tpu.dma_semaphore, #tpu.memory_space<semaphore_mem>>)
      %dma_wait3A = arith.constant 0 : i32
      %dma_wait3A_155 = tpu.memref_slice %arg3[%dma_wait3A, %add3A_19] : memref<16x102400xi32, #tpu.memory_space<hbm>> -> memref<16x640xi32, #tpu.memory_space<hbm>>
      %dma_wait3A_156 = arith.constant 0 : i32
      %dma_wait3A_157 = tpu.memref_slice %arg3[%dma_wait3A_156, %add3A_19] : memref<16x102400xi32, #tpu.memory_space<hbm>> -> memref<16x640xi32, #tpu.memory_space<hbm>>
      tpu.wait_dma2 semaphore(%run_scoped3A : memref<!tpu.dma_semaphore, #tpu.memory_space<semaphore_mem>>) src(%dma_wait3A_157 : memref<16x640xi32, #tpu.memory_space<hbm>>) dst(%arg7 : memref<16x640xi32, #tpu.memory_space<vmem>>)
      tpu.yield
    }) : () -> ()
    %scan3A_20 = arith.constant 0 : i32
    %scan3A_21 = arith.constant 0 : i32
    %scan3A_22 = arith.constant 40 : i32
    %scan3A_23 = arith.addi %scan3A_21, %scan3A_22 : i32
    %scan3A_24 = arith.constant 1 : i32
    %scan3A_25 = scf.for %scan3A_152 = %scan3A_21 to %scan3A_23 step %scan3A_24 iter_args(%scan3A_153 = %scan3A_20) -> (i32)  : i32 {
      %mul3A_154 = arith.constant 16 : i32
      %mul3A_155 = arith.muli %scan3A_152, %mul3A_154 : i32
      %add3A_156 = arith.constant 640 : i32
      %add3A_157 = arith.addi %add3A_156, %mul3A_155 : i32
      %add3A_158 = arith.addi %mul3A_2, %add3A_157 : i32
      %get3A = arith.index_cast %add3A_158 : i32 to index
      %get3A_159 = tpu.vector_load %arg6[%get3A] {strides = array<i32>} : memref<102400xf32, #tpu.memory_space<vmem>>, vector<16xf32>,
      %get3A_160 = arith.index_cast %add3A_157 : i32 to index
      %get3A_161 = tpu.vector_load %arg8[%get3A_160] {strides = array<i32>} : memref<3200xf32, #tpu.memory_space<vmem>>, vector<16xf32>,
      %mul3A_162 = arith.constant 16 : i32
      %mul3A_163 = arith.muli %scan3A_152, %mul3A_162 : i32
      %get3A_164 = arith.constant 1 : i32
      %get3A_165 = arith.index_cast %get3A_164 : i32 to index
      %get3A_166 = arith.index_cast %mul3A_163 : i32 to index
      %get3A_167 = tpu.vector_load %arg7[%get3A_165, %get3A_166] {strides = array<i32>} : memref<16x640xi32, #tpu.memory_space<vmem>>, vector<16xi32>,
      %gather3A = tpu.vector_load_idx %arg6[%get3A_167] : memref<102400xf32, #tpu.memory_space<vmem>>[vector<16xi32>], vector<16xf32>,
      %sub3A = arith.subf %get3A_159, %gather3A : vector<16xf32>
      %abs3A = math.absf %sub3A : vector<16xf32>
      %add3A_168 = arith.addf %get3A_161, %abs3A : vector<16xf32>
      %mul3A_169 = arith.constant 16 : i32
      %mul3A_170 = arith.muli %scan3A_152, %mul3A_169 : i32
      %get3A_171 = arith.constant 2 : i32
      %get3A_172 = arith.index_cast %get3A_171 : i32 to index
      %get3A_173 = arith.index_cast %mul3A_170 : i32 to index
      %get3A_174 = tpu.vector_load %arg7[%get3A_172, %get3A_173] {strides = array<i32>} : memref<16x640xi32, #tpu.memory_space<vmem>>, vector<16xi32>,
      %gather3A_175 = tpu.vector_load_idx %arg6[%get3A_174] : memref<102400xf32, #tpu.memory_space<vmem>>[vector<16xi32>], vector<16xf32>,
      %sub3A_176 = arith.subf %get3A_159, %gather3A_175 : vector<16xf32>
      %abs3A_177 = math.absf %sub3A_176 : vector<16xf32>
      %add3A_178 = arith.addf %add3A_168, %abs3A_177 : vector<16xf32>
      %mul3A_179 = arith.constant 16 : i32
      %mul3A_180 = arith.muli %scan3A_152, %mul3A_179 : i32
      %get3A_181 = arith.constant 3 : i32
      %get3A_182 = arith.index_cast %get3A_181 : i32 to index
      %get3A_183 = arith.index_cast %mul3A_180 : i32 to index
      %get3A_184 = tpu.vector_load %arg7[%get3A_182, %get3A_183] {strides = array<i32>} : memref<16x640xi32, #tpu.memory_space<vmem>>, vector<16xi32>,
      %gather3A_185 = tpu.vector_load_idx %arg6[%get3A_184] : memref<102400xf32, #tpu.memory_space<vmem>>[vector<16xi32>], vector<16xf32>,
      %sub3A_186 = arith.subf %get3A_159, %gather3A_185 : vector<16xf32>
      %abs3A_187 = math.absf %sub3A_186 : vector<16xf32>
      %add3A_188 = arith.addf %add3A_178, %abs3A_187 : vector<16xf32>
      %mul3A_189 = arith.constant 16 : i32
      %mul3A_190 = arith.muli %scan3A_152, %mul3A_189 : i32
      %get3A_191 = arith.constant 4 : i32
      %get3A_192 = arith.index_cast %get3A_191 : i32 to index
      %get3A_193 = arith.index_cast %mul3A_190 : i32 to index
      %get3A_194 = tpu.vector_load %arg7[%get3A_192, %get3A_193] {strides = array<i32>} : memref<16x640xi32, #tpu.memory_space<vmem>>, vector<16xi32>,
      %gather3A_195 = tpu.vector_load_idx %arg6[%get3A_194] : memref<102400xf32, #tpu.memory_space<vmem>>[vector<16xi32>], vector<16xf32>,
      %sub3A_196 = arith.subf %get3A_159, %gather3A_195 : vector<16xf32>
      %abs3A_197 = math.absf %sub3A_196 : vector<16xf32>
      %add3A_198 = arith.addf %add3A_188, %abs3A_197 : vector<16xf32>
      %mul3A_199 = arith.constant 16 : i32
      %mul3A_200 = arith.muli %scan3A_152, %mul3A_199 : i32
      %get3A_201 = arith.constant 5 : i32
      %get3A_202 = arith.index_cast %get3A_201 : i32 to index
      %get3A_203 = arith.index_cast %mul3A_200 : i32 to index
      %get3A_204 = tpu.vector_load %arg7[%get3A_202, %get3A_203] {strides = array<i32>} : memref<16x640xi32, #tpu.memory_space<vmem>>, vector<16xi32>,
      %gather3A_205 = tpu.vector_load_idx %arg6[%get3A_204] : memref<102400xf32, #tpu.memory_space<vmem>>[vector<16xi32>], vector<16xf32>,
      %sub3A_206 = arith.subf %get3A_159, %gather3A_205 : vector<16xf32>
      %abs3A_207 = math.absf %sub3A_206 : vector<16xf32>
      %add3A_208 = arith.addf %add3A_198, %abs3A_207 : vector<16xf32>
      %mul3A_209 = arith.constant 16 : i32
      %mul3A_210 = arith.muli %scan3A_152, %mul3A_209 : i32
      %get3A_211 = arith.constant 6 : i32
      %get3A_212 = arith.index_cast %get3A_211 : i32 to index
      %get3A_213 = arith.index_cast %mul3A_210 : i32 to index
      %get3A_214 = tpu.vector_load %arg7[%get3A_212, %get3A_213] {strides = array<i32>} : memref<16x640xi32, #tpu.memory_space<vmem>>, vector<16xi32>,
      %gather3A_215 = tpu.vector_load_idx %arg6[%get3A_214] : memref<102400xf32, #tpu.memory_space<vmem>>[vector<16xi32>], vector<16xf32>,
      %sub3A_216 = arith.subf %get3A_159, %gather3A_215 : vector<16xf32>
      %abs3A_217 = math.absf %sub3A_216 : vector<16xf32>
      %add3A_218 = arith.addf %add3A_208, %abs3A_217 : vector<16xf32>
      %mul3A_219 = arith.constant 16 : i32
      %mul3A_220 = arith.muli %scan3A_152, %mul3A_219 : i32
      %get3A_221 = arith.constant 7 : i32
      %get3A_222 = arith.index_cast %get3A_221 : i32 to index
      %get3A_223 = arith.index_cast %mul3A_220 : i32 to index
      %get3A_224 = tpu.vector_load %arg7[%get3A_222, %get3A_223] {strides = array<i32>} : memref<16x640xi32, #tpu.memory_space<vmem>>, vector<16xi32>,
      %gather3A_225 = tpu.vector_load_idx %arg6[%get3A_224] : memref<102400xf32, #tpu.memory_space<vmem>>[vector<16xi32>], vector<16xf32>,
      %sub3A_226 = arith.subf %get3A_159, %gather3A_225 : vector<16xf32>
      %abs3A_227 = math.absf %sub3A_226 : vector<16xf32>
      %add3A_228 = arith.addf %add3A_218, %abs3A_227 : vector<16xf32>
      %mul3A_229 = arith.constant 16 : i32
      %mul3A_230 = arith.muli %scan3A_152, %mul3A_229 : i32
      %get3A_231 = arith.constant 8 : i32
      %get3A_232 = arith.index_cast %get3A_231 : i32 to index
      %get3A_233 = arith.index_cast %mul3A_230 : i32 to index
      %get3A_234 = tpu.vector_load %arg7[%get3A_232, %get3A_233] {strides = array<i32>} : memref<16x640xi32, #tpu.memory_space<vmem>>, vector<16xi32>,
      %gather3A_235 = tpu.vector_load_idx %arg6[%get3A_234] : memref<102400xf32, #tpu.memory_space<vmem>>[vector<16xi32>], vector<16xf32>,
      %sub3A_236 = arith.subf %get3A_159, %gather3A_235 : vector<16xf32>
      %abs3A_237 = math.absf %sub3A_236 : vector<16xf32>
      %add3A_238 = arith.addf %add3A_228, %abs3A_237 : vector<16xf32>
      %mul3A_239 = arith.constant 16 : i32
      %mul3A_240 = arith.muli %scan3A_152, %mul3A_239 : i32
      %get3A_241 = arith.constant 9 : i32
      %get3A_242 = arith.index_cast %get3A_241 : i32 to index
      %get3A_243 = arith.index_cast %mul3A_240 : i32 to index
      %get3A_244 = tpu.vector_load %arg7[%get3A_242, %get3A_243] {strides = array<i32>} : memref<16x640xi32, #tpu.memory_space<vmem>>, vector<16xi32>,
      %gather3A_245 = tpu.vector_load_idx %arg6[%get3A_244] : memref<102400xf32, #tpu.memory_space<vmem>>[vector<16xi32>], vector<16xf32>,
      %sub3A_246 = arith.subf %get3A_159, %gather3A_245 : vector<16xf32>
      %abs3A_247 = math.absf %sub3A_246 : vector<16xf32>
      %add3A_248 = arith.addf %add3A_238, %abs3A_247 : vector<16xf32>
      %mul3A_249 = arith.constant 16 : i32
      %mul3A_250 = arith.muli %scan3A_152, %mul3A_249 : i32
      %get3A_251 = arith.constant 10 : i32
      %get3A_252 = arith.index_cast %get3A_251 : i32 to index
      %get3A_253 = arith.index_cast %mul3A_250 : i32 to index
      %get3A_254 = tpu.vector_load %arg7[%get3A_252, %get3A_253] {strides = array<i32>} : memref<16x640xi32, #tpu.memory_space<vmem>>, vector<16xi32>,
      %gather3A_255 = tpu.vector_load_idx %arg6[%get3A_254] : memref<102400xf32, #tpu.memory_space<vmem>>[vector<16xi32>], vector<16xf32>,
      %sub3A_256 = arith.subf %get3A_159, %gather3A_255 : vector<16xf32>
      %abs3A_257 = math.absf %sub3A_256 : vector<16xf32>
      %add3A_258 = arith.addf %add3A_248, %abs3A_257 : vector<16xf32>
      %mul3A_259 = arith.constant 16 : i32
      %mul3A_260 = arith.muli %scan3A_152, %mul3A_259 : i32
      %get3A_261 = arith.constant 11 : i32
      %get3A_262 = arith.index_cast %get3A_261 : i32 to index
      %get3A_263 = arith.index_cast %mul3A_260 : i32 to index
      %get3A_264 = tpu.vector_load %arg7[%get3A_262, %get3A_263] {strides = array<i32>} : memref<16x640xi32, #tpu.memory_space<vmem>>, vector<16xi32>,
      %gather3A_265 = tpu.vector_load_idx %arg6[%get3A_264] : memref<102400xf32, #tpu.memory_space<vmem>>[vector<16xi32>], vector<16xf32>,
      %sub3A_266 = arith.subf %get3A_159, %gather3A_265 : vector<16xf32>
      %abs3A_267 = math.absf %sub3A_266 : vector<16xf32>
      %add3A_268 = arith.addf %add3A_258, %abs3A_267 : vector<16xf32>
      %mul3A_269 = arith.constant 16 : i32
      %mul3A_270 = arith.muli %scan3A_152, %mul3A_269 : i32
      %get3A_271 = arith.constant 12 : i32
      %get3A_272 = arith.index_cast %get3A_271 : i32 to index
      %get3A_273 = arith.index_cast %mul3A_270 : i32 to index
      %get3A_274 = tpu.vector_load %arg7[%get3A_272, %get3A_273] {strides = array<i32>} : memref<16x640xi32, #tpu.memory_space<vmem>>, vector<16xi32>,
      %gather3A_275 = tpu.vector_load_idx %arg6[%get3A_274] : memref<102400xf32, #tpu.memory_space<vmem>>[vector<16xi32>], vector<16xf32>,
      %sub3A_276 = arith.subf %get3A_159, %gather3A_275 : vector<16xf32>
      %abs3A_277 = math.absf %sub3A_276 : vector<16xf32>
      %add3A_278 = arith.addf %add3A_268, %abs3A_277 : vector<16xf32>
      %mul3A_279 = arith.constant 16 : i32
      %mul3A_280 = arith.muli %scan3A_152, %mul3A_279 : i32
      %get3A_281 = arith.constant 13 : i32
      %get3A_282 = arith.index_cast %get3A_281 : i32 to index
      %get3A_283 = arith.index_cast %mul3A_280 : i32 to index
      %get3A_284 = tpu.vector_load %arg7[%get3A_282, %get3A_283] {strides = array<i32>} : memref<16x640xi32, #tpu.memory_space<vmem>>, vector<16xi32>,
      %gather3A_285 = tpu.vector_load_idx %arg6[%get3A_284] : memref<102400xf32, #tpu.memory_space<vmem>>[vector<16xi32>], vector<16xf32>,
      %sub3A_286 = arith.subf %get3A_159, %gather3A_285 : vector<16xf32>
      %abs3A_287 = math.absf %sub3A_286 : vector<16xf32>
      %add3A_288 = arith.addf %add3A_278, %abs3A_287 : vector<16xf32>
      %mul3A_289 = arith.constant 16 : i32
      %mul3A_290 = arith.muli %scan3A_152, %mul3A_289 : i32
      %get3A_291 = arith.constant 14 : i32
      %get3A_292 = arith.index_cast %get3A_291 : i32 to index
      %get3A_293 = arith.index_cast %mul3A_290 : i32 to index
      %get3A_294 = tpu.vector_load %arg7[%get3A_292, %get3A_293] {strides = array<i32>} : memref<16x640xi32, #tpu.memory_space<vmem>>, vector<16xi32>,
      %gather3A_295 = tpu.vector_load_idx %arg6[%get3A_294] : memref<102400xf32, #tpu.memory_space<vmem>>[vector<16xi32>], vector<16xf32>,
      %sub3A_296 = arith.subf %get3A_159, %gather3A_295 : vector<16xf32>
      %abs3A_297 = math.absf %sub3A_296 : vector<16xf32>
      %add3A_298 = arith.addf %add3A_288, %abs3A_297 : vector<16xf32>
      %mul3A_299 = arith.constant 16 : i32
      %mul3A_300 = arith.muli %scan3A_152, %mul3A_299 : i32
      %get3A_301 = arith.constant 15 : i32
      %get3A_302 = arith.index_cast %get3A_301 : i32 to index
      %get3A_303 = arith.index_cast %mul3A_300 : i32 to index
      %get3A_304 = tpu.vector_load %arg7[%get3A_302, %get3A_303] {strides = array<i32>} : memref<16x640xi32, #tpu.memory_space<vmem>>, vector<16xi32>,
      %gather3A_305 = tpu.vector_load_idx %arg6[%get3A_304] : memref<102400xf32, #tpu.memory_space<vmem>>[vector<16xi32>], vector<16xf32>,
      %sub3A_306 = arith.subf %get3A_159, %gather3A_305 : vector<16xf32>
      %abs3A_307 = math.absf %sub3A_306 : vector<16xf32>
      %add3A_308 = arith.addf %add3A_298, %abs3A_307 : vector<16xf32>
      %swap3A_309 = arith.index_cast %add3A_157 : i32 to index
      %swap3A_310 = tpu.vector_load %arg8[%swap3A_309] {strides = array<i32>} : memref<3200xf32, #tpu.memory_space<vmem>>, vector<16xf32>,
      tpu.vector_store %arg8[%swap3A_309], %add3A_308 {strides = array<i32>} : memref<3200xf32, #tpu.memory_space<vmem>>, vector<16xf32>,
      %scan3A_311 = arith.constant 0 : i32
      scf.yield %scan3A_311 : i32
    }
    %scan3A_26 = arith.constant 40 : i32
    %add3A_27 = arith.constant 1280 : i32
    %add3A_28 = arith.addi %mul3A_2, %add3A_27 : i32
    "tpu.region"() ({
      %run_scoped3A = tpu.sem_alloc : memref<!tpu.dma_semaphore, #tpu.memory_space<semaphore_mem>>
      %dma_start3A = arith.constant 0 : i32
      %dma_start3A_152 = tpu.memref_slice %arg3[%dma_start3A, %add3A_28] : memref<16x102400xi32, #tpu.memory_space<hbm>> -> memref<16x640xi32, #tpu.memory_space<hbm>>
      %dma_start3A_153 = arith.constant 0 : i32
      %dma_start3A_154 = tpu.memref_slice %arg3[%dma_start3A_153, %add3A_28] : memref<16x102400xi32, #tpu.memory_space<hbm>> -> memref<16x640xi32, #tpu.memory_space<hbm>>
      tpu.enqueue_dma source(%dma_start3A_154 : memref<16x640xi32, #tpu.memory_space<hbm>>) target(%arg7 : memref<16x640xi32, #tpu.memory_space<vmem>>) target_semaphore(%run_scoped3A : memref<!tpu.dma_semaphore, #tpu.memory_space<semaphore_mem>>)
      %dma_wait3A = arith.constant 0 : i32
      %dma_wait3A_155 = tpu.memref_slice %arg3[%dma_wait3A, %add3A_28] : memref<16x102400xi32, #tpu.memory_space<hbm>> -> memref<16x640xi32, #tpu.memory_space<hbm>>
      %dma_wait3A_156 = arith.constant 0 : i32
      %dma_wait3A_157 = tpu.memref_slice %arg3[%dma_wait3A_156, %add3A_28] : memref<16x102400xi32, #tpu.memory_space<hbm>> -> memref<16x640xi32, #tpu.memory_space<hbm>>
      tpu.wait_dma2 semaphore(%run_scoped3A : memref<!tpu.dma_semaphore, #tpu.memory_space<semaphore_mem>>) src(%dma_wait3A_157 : memref<16x640xi32, #tpu.memory_space<hbm>>) dst(%arg7 : memref<16x640xi32, #tpu.memory_space<vmem>>)
      tpu.yield
    }) : () -> ()
    %scan3A_29 = arith.constant 0 : i32
    %scan3A_30 = arith.constant 0 : i32
    %scan3A_31 = arith.constant 40 : i32
    %scan3A_32 = arith.addi %scan3A_30, %scan3A_31 : i32
    %scan3A_33 = arith.constant 1 : i32
    %scan3A_34 = scf.for %scan3A_152 = %scan3A_30 to %scan3A_32 step %scan3A_33 iter_args(%scan3A_153 = %scan3A_29) -> (i32)  : i32 {
      %mul3A_154 = arith.constant 16 : i32
      %mul3A_155 = arith.muli %scan3A_152, %mul3A_154 : i32
      %add3A_156 = arith.constant 1280 : i32
      %add3A_157 = arith.addi %add3A_156, %mul3A_155 : i32
      %add3A_158 = arith.addi %mul3A_2, %add3A_157 : i32
      %get3A = arith.index_cast %add3A_158 : i32 to index
      %get3A_159 = tpu.vector_load %arg6[%get3A] {strides = array<i32>} : memref<102400xf32, #tpu.memory_space<vmem>>, vector<16xf32>,
      %get3A_160 = arith.index_cast %add3A_157 : i32 to index
      %get3A_161 = tpu.vector_load %arg8[%get3A_160] {strides = array<i32>} : memref<3200xf32, #tpu.memory_space<vmem>>, vector<16xf32>,
      %mul3A_162 = arith.constant 16 : i32
      %mul3A_163 = arith.muli %scan3A_152, %mul3A_162 : i32
      %get3A_164 = arith.constant 1 : i32
      %get3A_165 = arith.index_cast %get3A_164 : i32 to index
      %get3A_166 = arith.index_cast %mul3A_163 : i32 to index
      %get3A_167 = tpu.vector_load %arg7[%get3A_165, %get3A_166] {strides = array<i32>} : memref<16x640xi32, #tpu.memory_space<vmem>>, vector<16xi32>,
      %gather3A = tpu.vector_load_idx %arg6[%get3A_167] : memref<102400xf32, #tpu.memory_space<vmem>>[vector<16xi32>], vector<16xf32>,
      %sub3A = arith.subf %get3A_159, %gather3A : vector<16xf32>
      %abs3A = math.absf %sub3A : vector<16xf32>
      %add3A_168 = arith.addf %get3A_161, %abs3A : vector<16xf32>
      %mul3A_169 = arith.constant 16 : i32
      %mul3A_170 = arith.muli %scan3A_152, %mul3A_169 : i32
      %get3A_171 = arith.constant 2 : i32
      %get3A_172 = arith.index_cast %get3A_171 : i32 to index
      %get3A_173 = arith.index_cast %mul3A_170 : i32 to index
      %get3A_174 = tpu.vector_load %arg7[%get3A_172, %get3A_173] {strides = array<i32>} : memref<16x640xi32, #tpu.memory_space<vmem>>, vector<16xi32>,
      %gather3A_175 = tpu.vector_load_idx %arg6[%get3A_174] : memref<102400xf32, #tpu.memory_space<vmem>>[vector<16xi32>], vector<16xf32>,
      %sub3A_176 = arith.subf %get3A_159, %gather3A_175 : vector<16xf32>
      %abs3A_177 = math.absf %sub3A_176 : vector<16xf32>
      %add3A_178 = arith.addf %add3A_168, %abs3A_177 : vector<16xf32>
      %mul3A_179 = arith.constant 16 : i32
      %mul3A_180 = arith.muli %scan3A_152, %mul3A_179 : i32
      %get3A_181 = arith.constant 3 : i32
      %get3A_182 = arith.index_cast %get3A_181 : i32 to index
      %get3A_183 = arith.index_cast %mul3A_180 : i32 to index
      %get3A_184 = tpu.vector_load %arg7[%get3A_182, %get3A_183] {strides = array<i32>} : memref<16x640xi32, #tpu.memory_space<vmem>>, vector<16xi32>,
      %gather3A_185 = tpu.vector_load_idx %arg6[%get3A_184] : memref<102400xf32, #tpu.memory_space<vmem>>[vector<16xi32>], vector<16xf32>,
      %sub3A_186 = arith.subf %get3A_159, %gather3A_185 : vector<16xf32>
      %abs3A_187 = math.absf %sub3A_186 : vector<16xf32>
      %add3A_188 = arith.addf %add3A_178, %abs3A_187 : vector<16xf32>
      %mul3A_189 = arith.constant 16 : i32
      %mul3A_190 = arith.muli %scan3A_152, %mul3A_189 : i32
      %get3A_191 = arith.constant 4 : i32
      %get3A_192 = arith.index_cast %get3A_191 : i32 to index
      %get3A_193 = arith.index_cast %mul3A_190 : i32 to index
      %get3A_194 = tpu.vector_load %arg7[%get3A_192, %get3A_193] {strides = array<i32>} : memref<16x640xi32, #tpu.memory_space<vmem>>, vector<16xi32>,
      %gather3A_195 = tpu.vector_load_idx %arg6[%get3A_194] : memref<102400xf32, #tpu.memory_space<vmem>>[vector<16xi32>], vector<16xf32>,
      %sub3A_196 = arith.subf %get3A_159, %gather3A_195 : vector<16xf32>
      %abs3A_197 = math.absf %sub3A_196 : vector<16xf32>
      %add3A_198 = arith.addf %add3A_188, %abs3A_197 : vector<16xf32>
      %mul3A_199 = arith.constant 16 : i32
      %mul3A_200 = arith.muli %scan3A_152, %mul3A_199 : i32
      %get3A_201 = arith.constant 5 : i32
      %get3A_202 = arith.index_cast %get3A_201 : i32 to index
      %get3A_203 = arith.index_cast %mul3A_200 : i32 to index
      %get3A_204 = tpu.vector_load %arg7[%get3A_202, %get3A_203] {strides = array<i32>} : memref<16x640xi32, #tpu.memory_space<vmem>>, vector<16xi32>,
      %gather3A_205 = tpu.vector_load_idx %arg6[%get3A_204] : memref<102400xf32, #tpu.memory_space<vmem>>[vector<16xi32>], vector<16xf32>,
      %sub3A_206 = arith.subf %get3A_159, %gather3A_205 : vector<16xf32>
      %abs3A_207 = math.absf %sub3A_206 : vector<16xf32>
      %add3A_208 = arith.addf %add3A_198, %abs3A_207 : vector<16xf32>
      %mul3A_209 = arith.constant 16 : i32
      %mul3A_210 = arith.muli %scan3A_152, %mul3A_209 : i32
      %get3A_211 = arith.constant 6 : i32
      %get3A_212 = arith.index_cast %get3A_211 : i32 to index
      %get3A_213 = arith.index_cast %mul3A_210 : i32 to index
      %get3A_214 = tpu.vector_load %arg7[%get3A_212, %get3A_213] {strides = array<i32>} : memref<16x640xi32, #tpu.memory_space<vmem>>, vector<16xi32>,
      %gather3A_215 = tpu.vector_load_idx %arg6[%get3A_214] : memref<102400xf32, #tpu.memory_space<vmem>>[vector<16xi32>], vector<16xf32>,
      %sub3A_216 = arith.subf %get3A_159, %gather3A_215 : vector<16xf32>
      %abs3A_217 = math.absf %sub3A_216 : vector<16xf32>
      %add3A_218 = arith.addf %add3A_208, %abs3A_217 : vector<16xf32>
      %mul3A_219 = arith.constant 16 : i32
      %mul3A_220 = arith.muli %scan3A_152, %mul3A_219 : i32
      %get3A_221 = arith.constant 7 : i32
      %get3A_222 = arith.index_cast %get3A_221 : i32 to index
      %get3A_223 = arith.index_cast %mul3A_220 : i32 to index
      %get3A_224 = tpu.vector_load %arg7[%get3A_222, %get3A_223] {strides = array<i32>} : memref<16x640xi32, #tpu.memory_space<vmem>>, vector<16xi32>,
      %gather3A_225 = tpu.vector_load_idx %arg6[%get3A_224] : memref<102400xf32, #tpu.memory_space<vmem>>[vector<16xi32>], vector<16xf32>,
      %sub3A_226 = arith.subf %get3A_159, %gather3A_225 : vector<16xf32>
      %abs3A_227 = math.absf %sub3A_226 : vector<16xf32>
      %add3A_228 = arith.addf %add3A_218, %abs3A_227 : vector<16xf32>
      %mul3A_229 = arith.constant 16 : i32
      %mul3A_230 = arith.muli %scan3A_152, %mul3A_229 : i32
      %get3A_231 = arith.constant 8 : i32
      %get3A_232 = arith.index_cast %get3A_231 : i32 to index
      %get3A_233 = arith.index_cast %mul3A_230 : i32 to index
      %get3A_234 = tpu.vector_load %arg7[%get3A_232, %get3A_233] {strides = array<i32>} : memref<16x640xi32, #tpu.memory_space<vmem>>, vector<16xi32>,
      %gather3A_235 = tpu.vector_load_idx %arg6[%get3A_234] : memref<102400xf32, #tpu.memory_space<vmem>>[vector<16xi32>], vector<16xf32>,
      %sub3A_236 = arith.subf %get3A_159, %gather3A_235 : vector<16xf32>
      %abs3A_237 = math.absf %sub3A_236 : vector<16xf32>
      %add3A_238 = arith.addf %add3A_228, %abs3A_237 : vector<16xf32>
      %mul3A_239 = arith.constant 16 : i32
      %mul3A_240 = arith.muli %scan3A_152, %mul3A_239 : i32
      %get3A_241 = arith.constant 9 : i32
      %get3A_242 = arith.index_cast %get3A_241 : i32 to index
      %get3A_243 = arith.index_cast %mul3A_240 : i32 to index
      %get3A_244 = tpu.vector_load %arg7[%get3A_242, %get3A_243] {strides = array<i32>} : memref<16x640xi32, #tpu.memory_space<vmem>>, vector<16xi32>,
      %gather3A_245 = tpu.vector_load_idx %arg6[%get3A_244] : memref<102400xf32, #tpu.memory_space<vmem>>[vector<16xi32>], vector<16xf32>,
      %sub3A_246 = arith.subf %get3A_159, %gather3A_245 : vector<16xf32>
      %abs3A_247 = math.absf %sub3A_246 : vector<16xf32>
      %add3A_248 = arith.addf %add3A_238, %abs3A_247 : vector<16xf32>
      %mul3A_249 = arith.constant 16 : i32
      %mul3A_250 = arith.muli %scan3A_152, %mul3A_249 : i32
      %get3A_251 = arith.constant 10 : i32
      %get3A_252 = arith.index_cast %get3A_251 : i32 to index
      %get3A_253 = arith.index_cast %mul3A_250 : i32 to index
      %get3A_254 = tpu.vector_load %arg7[%get3A_252, %get3A_253] {strides = array<i32>} : memref<16x640xi32, #tpu.memory_space<vmem>>, vector<16xi32>,
      %gather3A_255 = tpu.vector_load_idx %arg6[%get3A_254] : memref<102400xf32, #tpu.memory_space<vmem>>[vector<16xi32>], vector<16xf32>,
      %sub3A_256 = arith.subf %get3A_159, %gather3A_255 : vector<16xf32>
      %abs3A_257 = math.absf %sub3A_256 : vector<16xf32>
      %add3A_258 = arith.addf %add3A_248, %abs3A_257 : vector<16xf32>
      %mul3A_259 = arith.constant 16 : i32
      %mul3A_260 = arith.muli %scan3A_152, %mul3A_259 : i32
      %get3A_261 = arith.constant 11 : i32
      %get3A_262 = arith.index_cast %get3A_261 : i32 to index
      %get3A_263 = arith.index_cast %mul3A_260 : i32 to index
      %get3A_264 = tpu.vector_load %arg7[%get3A_262, %get3A_263] {strides = array<i32>} : memref<16x640xi32, #tpu.memory_space<vmem>>, vector<16xi32>,
      %gather3A_265 = tpu.vector_load_idx %arg6[%get3A_264] : memref<102400xf32, #tpu.memory_space<vmem>>[vector<16xi32>], vector<16xf32>,
      %sub3A_266 = arith.subf %get3A_159, %gather3A_265 : vector<16xf32>
      %abs3A_267 = math.absf %sub3A_266 : vector<16xf32>
      %add3A_268 = arith.addf %add3A_258, %abs3A_267 : vector<16xf32>
      %mul3A_269 = arith.constant 16 : i32
      %mul3A_270 = arith.muli %scan3A_152, %mul3A_269 : i32
      %get3A_271 = arith.constant 12 : i32
      %get3A_272 = arith.index_cast %get3A_271 : i32 to index
      %get3A_273 = arith.index_cast %mul3A_270 : i32 to index
      %get3A_274 = tpu.vector_load %arg7[%get3A_272, %get3A_273] {strides = array<i32>} : memref<16x640xi32, #tpu.memory_space<vmem>>, vector<16xi32>,
      %gather3A_275 = tpu.vector_load_idx %arg6[%get3A_274] : memref<102400xf32, #tpu.memory_space<vmem>>[vector<16xi32>], vector<16xf32>,
      %sub3A_276 = arith.subf %get3A_159, %gather3A_275 : vector<16xf32>
      %abs3A_277 = math.absf %sub3A_276 : vector<16xf32>
      %add3A_278 = arith.addf %add3A_268, %abs3A_277 : vector<16xf32>
      %mul3A_279 = arith.constant 16 : i32
      %mul3A_280 = arith.muli %scan3A_152, %mul3A_279 : i32
      %get3A_281 = arith.constant 13 : i32
      %get3A_282 = arith.index_cast %get3A_281 : i32 to index
      %get3A_283 = arith.index_cast %mul3A_280 : i32 to index
      %get3A_284 = tpu.vector_load %arg7[%get3A_282, %get3A_283] {strides = array<i32>} : memref<16x640xi32, #tpu.memory_space<vmem>>, vector<16xi32>,
      %gather3A_285 = tpu.vector_load_idx %arg6[%get3A_284] : memref<102400xf32, #tpu.memory_space<vmem>>[vector<16xi32>], vector<16xf32>,
      %sub3A_286 = arith.subf %get3A_159, %gather3A_285 : vector<16xf32>
      %abs3A_287 = math.absf %sub3A_286 : vector<16xf32>
      %add3A_288 = arith.addf %add3A_278, %abs3A_287 : vector<16xf32>
      %mul3A_289 = arith.constant 16 : i32
      %mul3A_290 = arith.muli %scan3A_152, %mul3A_289 : i32
      %get3A_291 = arith.constant 14 : i32
      %get3A_292 = arith.index_cast %get3A_291 : i32 to index
      %get3A_293 = arith.index_cast %mul3A_290 : i32 to index
      %get3A_294 = tpu.vector_load %arg7[%get3A_292, %get3A_293] {strides = array<i32>} : memref<16x640xi32, #tpu.memory_space<vmem>>, vector<16xi32>,
      %gather3A_295 = tpu.vector_load_idx %arg6[%get3A_294] : memref<102400xf32, #tpu.memory_space<vmem>>[vector<16xi32>], vector<16xf32>,
      %sub3A_296 = arith.subf %get3A_159, %gather3A_295 : vector<16xf32>
      %abs3A_297 = math.absf %sub3A_296 : vector<16xf32>
      %add3A_298 = arith.addf %add3A_288, %abs3A_297 : vector<16xf32>
      %mul3A_299 = arith.constant 16 : i32
      %mul3A_300 = arith.muli %scan3A_152, %mul3A_299 : i32
      %get3A_301 = arith.constant 15 : i32
      %get3A_302 = arith.index_cast %get3A_301 : i32 to index
      %get3A_303 = arith.index_cast %mul3A_300 : i32 to index
      %get3A_304 = tpu.vector_load %arg7[%get3A_302, %get3A_303] {strides = array<i32>} : memref<16x640xi32, #tpu.memory_space<vmem>>, vector<16xi32>,
      %gather3A_305 = tpu.vector_load_idx %arg6[%get3A_304] : memref<102400xf32, #tpu.memory_space<vmem>>[vector<16xi32>], vector<16xf32>,
      %sub3A_306 = arith.subf %get3A_159, %gather3A_305 : vector<16xf32>
      %abs3A_307 = math.absf %sub3A_306 : vector<16xf32>
      %add3A_308 = arith.addf %add3A_298, %abs3A_307 : vector<16xf32>
      %swap3A_309 = arith.index_cast %add3A_157 : i32 to index
      %swap3A_310 = tpu.vector_load %arg8[%swap3A_309] {strides = array<i32>} : memref<3200xf32, #tpu.memory_space<vmem>>, vector<16xf32>,
      tpu.vector_store %arg8[%swap3A_309], %add3A_308 {strides = array<i32>} : memref<3200xf32, #tpu.memory_space<vmem>>, vector<16xf32>,
      %scan3A_311 = arith.constant 0 : i32
      scf.yield %scan3A_311 : i32
    }
    %scan3A_35 = arith.constant 40 : i32
    %add3A_36 = arith.constant 1920 : i32
    %add3A_37 = arith.addi %mul3A_2, %add3A_36 : i32
    "tpu.region"() ({
      %run_scoped3A = tpu.sem_alloc : memref<!tpu.dma_semaphore, #tpu.memory_space<semaphore_mem>>
      %dma_start3A = arith.constant 0 : i32
      %dma_start3A_152 = tpu.memref_slice %arg3[%dma_start3A, %add3A_37] : memref<16x102400xi32, #tpu.memory_space<hbm>> -> memref<16x640xi32, #tpu.memory_space<hbm>>
      %dma_start3A_153 = arith.constant 0 : i32
      %dma_start3A_154 = tpu.memref_slice %arg3[%dma_start3A_153, %add3A_37] : memref<16x102400xi32, #tpu.memory_space<hbm>> -> memref<16x640xi32, #tpu.memory_space<hbm>>
      tpu.enqueue_dma source(%dma_start3A_154 : memref<16x640xi32, #tpu.memory_space<hbm>>) target(%arg7 : memref<16x640xi32, #tpu.memory_space<vmem>>) target_semaphore(%run_scoped3A : memref<!tpu.dma_semaphore, #tpu.memory_space<semaphore_mem>>)
      %dma_wait3A = arith.constant 0 : i32
      %dma_wait3A_155 = tpu.memref_slice %arg3[%dma_wait3A, %add3A_37] : memref<16x102400xi32, #tpu.memory_space<hbm>> -> memref<16x640xi32, #tpu.memory_space<hbm>>
      %dma_wait3A_156 = arith.constant 0 : i32
      %dma_wait3A_157 = tpu.memref_slice %arg3[%dma_wait3A_156, %add3A_37] : memref<16x102400xi32, #tpu.memory_space<hbm>> -> memref<16x640xi32, #tpu.memory_space<hbm>>
      tpu.wait_dma2 semaphore(%run_scoped3A : memref<!tpu.dma_semaphore, #tpu.memory_space<semaphore_mem>>) src(%dma_wait3A_157 : memref<16x640xi32, #tpu.memory_space<hbm>>) dst(%arg7 : memref<16x640xi32, #tpu.memory_space<vmem>>)
      tpu.yield
    }) : () -> ()
    %scan3A_38 = arith.constant 0 : i32
    %scan3A_39 = arith.constant 0 : i32
    %scan3A_40 = arith.constant 40 : i32
    %scan3A_41 = arith.addi %scan3A_39, %scan3A_40 : i32
    %scan3A_42 = arith.constant 1 : i32
    %scan3A_43 = scf.for %scan3A_152 = %scan3A_39 to %scan3A_41 step %scan3A_42 iter_args(%scan3A_153 = %scan3A_38) -> (i32)  : i32 {
      %mul3A_154 = arith.constant 16 : i32
      %mul3A_155 = arith.muli %scan3A_152, %mul3A_154 : i32
      %add3A_156 = arith.constant 1920 : i32
      %add3A_157 = arith.addi %add3A_156, %mul3A_155 : i32
      %add3A_158 = arith.addi %mul3A_2, %add3A_157 : i32
      %get3A = arith.index_cast %add3A_158 : i32 to index
      %get3A_159 = tpu.vector_load %arg6[%get3A] {strides = array<i32>} : memref<102400xf32, #tpu.memory_space<vmem>>, vector<16xf32>,
      %get3A_160 = arith.index_cast %add3A_157 : i32 to index
      %get3A_161 = tpu.vector_load %arg8[%get3A_160] {strides = array<i32>} : memref<3200xf32, #tpu.memory_space<vmem>>, vector<16xf32>,
      %mul3A_162 = arith.constant 16 : i32
      %mul3A_163 = arith.muli %scan3A_152, %mul3A_162 : i32
      %get3A_164 = arith.constant 1 : i32
      %get3A_165 = arith.index_cast %get3A_164 : i32 to index
      %get3A_166 = arith.index_cast %mul3A_163 : i32 to index
      %get3A_167 = tpu.vector_load %arg7[%get3A_165, %get3A_166] {strides = array<i32>} : memref<16x640xi32, #tpu.memory_space<vmem>>, vector<16xi32>,
      %gather3A = tpu.vector_load_idx %arg6[%get3A_167] : memref<102400xf32, #tpu.memory_space<vmem>>[vector<16xi32>], vector<16xf32>,
      %sub3A = arith.subf %get3A_159, %gather3A : vector<16xf32>
      %abs3A = math.absf %sub3A : vector<16xf32>
      %add3A_168 = arith.addf %get3A_161, %abs3A : vector<16xf32>
      %mul3A_169 = arith.constant 16 : i32
      %mul3A_170 = arith.muli %scan3A_152, %mul3A_169 : i32
      %get3A_171 = arith.constant 2 : i32
      %get3A_172 = arith.index_cast %get3A_171 : i32 to index
      %get3A_173 = arith.index_cast %mul3A_170 : i32 to index
      %get3A_174 = tpu.vector_load %arg7[%get3A_172, %get3A_173] {strides = array<i32>} : memref<16x640xi32, #tpu.memory_space<vmem>>, vector<16xi32>,
      %gather3A_175 = tpu.vector_load_idx %arg6[%get3A_174] : memref<102400xf32, #tpu.memory_space<vmem>>[vector<16xi32>], vector<16xf32>,
      %sub3A_176 = arith.subf %get3A_159, %gather3A_175 : vector<16xf32>
      %abs3A_177 = math.absf %sub3A_176 : vector<16xf32>
      %add3A_178 = arith.addf %add3A_168, %abs3A_177 : vector<16xf32>
      %mul3A_179 = arith.constant 16 : i32
      %mul3A_180 = arith.muli %scan3A_152, %mul3A_179 : i32
      %get3A_181 = arith.constant 3 : i32
      %get3A_182 = arith.index_cast %get3A_181 : i32 to index
      %get3A_183 = arith.index_cast %mul3A_180 : i32 to index
      %get3A_184 = tpu.vector_load %arg7[%get3A_182, %get3A_183] {strides = array<i32>} : memref<16x640xi32, #tpu.memory_space<vmem>>, vector<16xi32>,
      %gather3A_185 = tpu.vector_load_idx %arg6[%get3A_184] : memref<102400xf32, #tpu.memory_space<vmem>>[vector<16xi32>], vector<16xf32>,
      %sub3A_186 = arith.subf %get3A_159, %gather3A_185 : vector<16xf32>
      %abs3A_187 = math.absf %sub3A_186 : vector<16xf32>
      %add3A_188 = arith.addf %add3A_178, %abs3A_187 : vector<16xf32>
      %mul3A_189 = arith.constant 16 : i32
      %mul3A_190 = arith.muli %scan3A_152, %mul3A_189 : i32
      %get3A_191 = arith.constant 4 : i32
      %get3A_192 = arith.index_cast %get3A_191 : i32 to index
      %get3A_193 = arith.index_cast %mul3A_190 : i32 to index
      %get3A_194 = tpu.vector_load %arg7[%get3A_192, %get3A_193] {strides = array<i32>} : memref<16x640xi32, #tpu.memory_space<vmem>>, vector<16xi32>,
      %gather3A_195 = tpu.vector_load_idx %arg6[%get3A_194] : memref<102400xf32, #tpu.memory_space<vmem>>[vector<16xi32>], vector<16xf32>,
      %sub3A_196 = arith.subf %get3A_159, %gather3A_195 : vector<16xf32>
      %abs3A_197 = math.absf %sub3A_196 : vector<16xf32>
      %add3A_198 = arith.addf %add3A_188, %abs3A_197 : vector<16xf32>
      %mul3A_199 = arith.constant 16 : i32
      %mul3A_200 = arith.muli %scan3A_152, %mul3A_199 : i32
      %get3A_201 = arith.constant 5 : i32
      %get3A_202 = arith.index_cast %get3A_201 : i32 to index
      %get3A_203 = arith.index_cast %mul3A_200 : i32 to index
      %get3A_204 = tpu.vector_load %arg7[%get3A_202, %get3A_203] {strides = array<i32>} : memref<16x640xi32, #tpu.memory_space<vmem>>, vector<16xi32>,
      %gather3A_205 = tpu.vector_load_idx %arg6[%get3A_204] : memref<102400xf32, #tpu.memory_space<vmem>>[vector<16xi32>], vector<16xf32>,
      %sub3A_206 = arith.subf %get3A_159, %gather3A_205 : vector<16xf32>
      %abs3A_207 = math.absf %sub3A_206 : vector<16xf32>
      %add3A_208 = arith.addf %add3A_198, %abs3A_207 : vector<16xf32>
      %mul3A_209 = arith.constant 16 : i32
      %mul3A_210 = arith.muli %scan3A_152, %mul3A_209 : i32
      %get3A_211 = arith.constant 6 : i32
      %get3A_212 = arith.index_cast %get3A_211 : i32 to index
      %get3A_213 = arith.index_cast %mul3A_210 : i32 to index
      %get3A_214 = tpu.vector_load %arg7[%get3A_212, %get3A_213] {strides = array<i32>} : memref<16x640xi32, #tpu.memory_space<vmem>>, vector<16xi32>,
      %gather3A_215 = tpu.vector_load_idx %arg6[%get3A_214] : memref<102400xf32, #tpu.memory_space<vmem>>[vector<16xi32>], vector<16xf32>,
      %sub3A_216 = arith.subf %get3A_159, %gather3A_215 : vector<16xf32>
      %abs3A_217 = math.absf %sub3A_216 : vector<16xf32>
      %add3A_218 = arith.addf %add3A_208, %abs3A_217 : vector<16xf32>
      %mul3A_219 = arith.constant 16 : i32
      %mul3A_220 = arith.muli %scan3A_152, %mul3A_219 : i32
      %get3A_221 = arith.constant 7 : i32
      %get3A_222 = arith.index_cast %get3A_221 : i32 to index
      %get3A_223 = arith.index_cast %mul3A_220 : i32 to index
      %get3A_224 = tpu.vector_load %arg7[%get3A_222, %get3A_223] {strides = array<i32>} : memref<16x640xi32, #tpu.memory_space<vmem>>, vector<16xi32>,
      %gather3A_225 = tpu.vector_load_idx %arg6[%get3A_224] : memref<102400xf32, #tpu.memory_space<vmem>>[vector<16xi32>], vector<16xf32>,
      %sub3A_226 = arith.subf %get3A_159, %gather3A_225 : vector<16xf32>
      %abs3A_227 = math.absf %sub3A_226 : vector<16xf32>
      %add3A_228 = arith.addf %add3A_218, %abs3A_227 : vector<16xf32>
      %mul3A_229 = arith.constant 16 : i32
      %mul3A_230 = arith.muli %scan3A_152, %mul3A_229 : i32
      %get3A_231 = arith.constant 8 : i32
      %get3A_232 = arith.index_cast %get3A_231 : i32 to index
      %get3A_233 = arith.index_cast %mul3A_230 : i32 to index
      %get3A_234 = tpu.vector_load %arg7[%get3A_232, %get3A_233] {strides = array<i32>} : memref<16x640xi32, #tpu.memory_space<vmem>>, vector<16xi32>,
      %gather3A_235 = tpu.vector_load_idx %arg6[%get3A_234] : memref<102400xf32, #tpu.memory_space<vmem>>[vector<16xi32>], vector<16xf32>,
      %sub3A_236 = arith.subf %get3A_159, %gather3A_235 : vector<16xf32>
      %abs3A_237 = math.absf %sub3A_236 : vector<16xf32>
      %add3A_238 = arith.addf %add3A_228, %abs3A_237 : vector<16xf32>
      %mul3A_239 = arith.constant 16 : i32
      %mul3A_240 = arith.muli %scan3A_152, %mul3A_239 : i32
      %get3A_241 = arith.constant 9 : i32
      %get3A_242 = arith.index_cast %get3A_241 : i32 to index
      %get3A_243 = arith.index_cast %mul3A_240 : i32 to index
      %get3A_244 = tpu.vector_load %arg7[%get3A_242, %get3A_243] {strides = array<i32>} : memref<16x640xi32, #tpu.memory_space<vmem>>, vector<16xi32>,
      %gather3A_245 = tpu.vector_load_idx %arg6[%get3A_244] : memref<102400xf32, #tpu.memory_space<vmem>>[vector<16xi32>], vector<16xf32>,
      %sub3A_246 = arith.subf %get3A_159, %gather3A_245 : vector<16xf32>
      %abs3A_247 = math.absf %sub3A_246 : vector<16xf32>
      %add3A_248 = arith.addf %add3A_238, %abs3A_247 : vector<16xf32>
      %mul3A_249 = arith.constant 16 : i32
      %mul3A_250 = arith.muli %scan3A_152, %mul3A_249 : i32
      %get3A_251 = arith.constant 10 : i32
      %get3A_252 = arith.index_cast %get3A_251 : i32 to index
      %get3A_253 = arith.index_cast %mul3A_250 : i32 to index
      %get3A_254 = tpu.vector_load %arg7[%get3A_252, %get3A_253] {strides = array<i32>} : memref<16x640xi32, #tpu.memory_space<vmem>>, vector<16xi32>,
      %gather3A_255 = tpu.vector_load_idx %arg6[%get3A_254] : memref<102400xf32, #tpu.memory_space<vmem>>[vector<16xi32>], vector<16xf32>,
      %sub3A_256 = arith.subf %get3A_159, %gather3A_255 : vector<16xf32>
      %abs3A_257 = math.absf %sub3A_256 : vector<16xf32>
      %add3A_258 = arith.addf %add3A_248, %abs3A_257 : vector<16xf32>
      %mul3A_259 = arith.constant 16 : i32
      %mul3A_260 = arith.muli %scan3A_152, %mul3A_259 : i32
      %get3A_261 = arith.constant 11 : i32
      %get3A_262 = arith.index_cast %get3A_261 : i32 to index
      %get3A_263 = arith.index_cast %mul3A_260 : i32 to index
      %get3A_264 = tpu.vector_load %arg7[%get3A_262, %get3A_263] {strides = array<i32>} : memref<16x640xi32, #tpu.memory_space<vmem>>, vector<16xi32>,
      %gather3A_265 = tpu.vector_load_idx %arg6[%get3A_264] : memref<102400xf32, #tpu.memory_space<vmem>>[vector<16xi32>], vector<16xf32>,
      %sub3A_266 = arith.subf %get3A_159, %gather3A_265 : vector<16xf32>
      %abs3A_267 = math.absf %sub3A_266 : vector<16xf32>
      %add3A_268 = arith.addf %add3A_258, %abs3A_267 : vector<16xf32>
      %mul3A_269 = arith.constant 16 : i32
      %mul3A_270 = arith.muli %scan3A_152, %mul3A_269 : i32
      %get3A_271 = arith.constant 12 : i32
      %get3A_272 = arith.index_cast %get3A_271 : i32 to index
      %get3A_273 = arith.index_cast %mul3A_270 : i32 to index
      %get3A_274 = tpu.vector_load %arg7[%get3A_272, %get3A_273] {strides = array<i32>} : memref<16x640xi32, #tpu.memory_space<vmem>>, vector<16xi32>,
      %gather3A_275 = tpu.vector_load_idx %arg6[%get3A_274] : memref<102400xf32, #tpu.memory_space<vmem>>[vector<16xi32>], vector<16xf32>,
      %sub3A_276 = arith.subf %get3A_159, %gather3A_275 : vector<16xf32>
      %abs3A_277 = math.absf %sub3A_276 : vector<16xf32>
      %add3A_278 = arith.addf %add3A_268, %abs3A_277 : vector<16xf32>
      %mul3A_279 = arith.constant 16 : i32
      %mul3A_280 = arith.muli %scan3A_152, %mul3A_279 : i32
      %get3A_281 = arith.constant 13 : i32
      %get3A_282 = arith.index_cast %get3A_281 : i32 to index
      %get3A_283 = arith.index_cast %mul3A_280 : i32 to index
      %get3A_284 = tpu.vector_load %arg7[%get3A_282, %get3A_283] {strides = array<i32>} : memref<16x640xi32, #tpu.memory_space<vmem>>, vector<16xi32>,
      %gather3A_285 = tpu.vector_load_idx %arg6[%get3A_284] : memref<102400xf32, #tpu.memory_space<vmem>>[vector<16xi32>], vector<16xf32>,
      %sub3A_286 = arith.subf %get3A_159, %gather3A_285 : vector<16xf32>
      %abs3A_287 = math.absf %sub3A_286 : vector<16xf32>
      %add3A_288 = arith.addf %add3A_278, %abs3A_287 : vector<16xf32>
      %mul3A_289 = arith.constant 16 : i32
      %mul3A_290 = arith.muli %scan3A_152, %mul3A_289 : i32
      %get3A_291 = arith.constant 14 : i32
      %get3A_292 = arith.index_cast %get3A_291 : i32 to index
      %get3A_293 = arith.index_cast %mul3A_290 : i32 to index
      %get3A_294 = tpu.vector_load %arg7[%get3A_292, %get3A_293] {strides = array<i32>} : memref<16x640xi32, #tpu.memory_space<vmem>>, vector<16xi32>,
      %gather3A_295 = tpu.vector_load_idx %arg6[%get3A_294] : memref<102400xf32, #tpu.memory_space<vmem>>[vector<16xi32>], vector<16xf32>,
      %sub3A_296 = arith.subf %get3A_159, %gather3A_295 : vector<16xf32>
      %abs3A_297 = math.absf %sub3A_296 : vector<16xf32>
      %add3A_298 = arith.addf %add3A_288, %abs3A_297 : vector<16xf32>
      %mul3A_299 = arith.constant 16 : i32
      %mul3A_300 = arith.muli %scan3A_152, %mul3A_299 : i32
      %get3A_301 = arith.constant 15 : i32
      %get3A_302 = arith.index_cast %get3A_301 : i32 to index
      %get3A_303 = arith.index_cast %mul3A_300 : i32 to index
      %get3A_304 = tpu.vector_load %arg7[%get3A_302, %get3A_303] {strides = array<i32>} : memref<16x640xi32, #tpu.memory_space<vmem>>, vector<16xi32>,
      %gather3A_305 = tpu.vector_load_idx %arg6[%get3A_304] : memref<102400xf32, #tpu.memory_space<vmem>>[vector<16xi32>], vector<16xf32>,
      %sub3A_306 = arith.subf %get3A_159, %gather3A_305 : vector<16xf32>
      %abs3A_307 = math.absf %sub3A_306 : vector<16xf32>
      %add3A_308 = arith.addf %add3A_298, %abs3A_307 : vector<16xf32>
      %swap3A_309 = arith.index_cast %add3A_157 : i32 to index
      %swap3A_310 = tpu.vector_load %arg8[%swap3A_309] {strides = array<i32>} : memref<3200xf32, #tpu.memory_space<vmem>>, vector<16xf32>,
      tpu.vector_store %arg8[%swap3A_309], %add3A_308 {strides = array<i32>} : memref<3200xf32, #tpu.memory_space<vmem>>, vector<16xf32>,
      %scan3A_311 = arith.constant 0 : i32
      scf.yield %scan3A_311 : i32
    }
    %scan3A_44 = arith.constant 40 : i32
    %add3A_45 = arith.constant 2560 : i32
    %add3A_46 = arith.addi %mul3A_2, %add3A_45 : i32
    "tpu.region"() ({
      %run_scoped3A = tpu.sem_alloc : memref<!tpu.dma_semaphore, #tpu.memory_space<semaphore_mem>>
      %dma_start3A = arith.constant 0 : i32
      %dma_start3A_152 = tpu.memref_slice %arg3[%dma_start3A, %add3A_46] : memref<16x102400xi32, #tpu.memory_space<hbm>> -> memref<16x640xi32, #tpu.memory_space<hbm>>
      %dma_start3A_153 = arith.constant 0 : i32
      %dma_start3A_154 = tpu.memref_slice %arg3[%dma_start3A_153, %add3A_46] : memref<16x102400xi32, #tpu.memory_space<hbm>> -> memref<16x640xi32, #tpu.memory_space<hbm>>
      tpu.enqueue_dma source(%dma_start3A_154 : memref<16x640xi32, #tpu.memory_space<hbm>>) target(%arg7 : memref<16x640xi32, #tpu.memory_space<vmem>>) target_semaphore(%run_scoped3A : memref<!tpu.dma_semaphore, #tpu.memory_space<semaphore_mem>>)
      %dma_wait3A = arith.constant 0 : i32
      %dma_wait3A_155 = tpu.memref_slice %arg3[%dma_wait3A, %add3A_46] : memref<16x102400xi32, #tpu.memory_space<hbm>> -> memref<16x640xi32, #tpu.memory_space<hbm>>
      %dma_wait3A_156 = arith.constant 0 : i32
      %dma_wait3A_157 = tpu.memref_slice %arg3[%dma_wait3A_156, %add3A_46] : memref<16x102400xi32, #tpu.memory_space<hbm>> -> memref<16x640xi32, #tpu.memory_space<hbm>>
      tpu.wait_dma2 semaphore(%run_scoped3A : memref<!tpu.dma_semaphore, #tpu.memory_space<semaphore_mem>>) src(%dma_wait3A_157 : memref<16x640xi32, #tpu.memory_space<hbm>>) dst(%arg7 : memref<16x640xi32, #tpu.memory_space<vmem>>)
      tpu.yield
    }) : () -> ()
    %scan3A_47 = arith.constant 0 : i32
    %scan3A_48 = arith.constant 0 : i32
    %scan3A_49 = arith.constant 40 : i32
    %scan3A_50 = arith.addi %scan3A_48, %scan3A_49 : i32
    %scan3A_51 = arith.constant 1 : i32
    %scan3A_52 = scf.for %scan3A_152 = %scan3A_48 to %scan3A_50 step %scan3A_51 iter_args(%scan3A_153 = %scan3A_47) -> (i32)  : i32 {
      %mul3A_154 = arith.constant 16 : i32
      %mul3A_155 = arith.muli %scan3A_152, %mul3A_154 : i32
      %add3A_156 = arith.constant 2560 : i32
      %add3A_157 = arith.addi %add3A_156, %mul3A_155 : i32
      %add3A_158 = arith.addi %mul3A_2, %add3A_157 : i32
      %get3A = arith.index_cast %add3A_158 : i32 to index
      %get3A_159 = tpu.vector_load %arg6[%get3A] {strides = array<i32>} : memref<102400xf32, #tpu.memory_space<vmem>>, vector<16xf32>,
      %get3A_160 = arith.index_cast %add3A_157 : i32 to index
      %get3A_161 = tpu.vector_load %arg8[%get3A_160] {strides = array<i32>} : memref<3200xf32, #tpu.memory_space<vmem>>, vector<16xf32>,
      %mul3A_162 = arith.constant 16 : i32
      %mul3A_163 = arith.muli %scan3A_152, %mul3A_162 : i32
      %get3A_164 = arith.constant 1 : i32
      %get3A_165 = arith.index_cast %get3A_164 : i32 to index
      %get3A_166 = arith.index_cast %mul3A_163 : i32 to index
      %get3A_167 = tpu.vector_load %arg7[%get3A_165, %get3A_166] {strides = array<i32>} : memref<16x640xi32, #tpu.memory_space<vmem>>, vector<16xi32>,
      %gather3A = tpu.vector_load_idx %arg6[%get3A_167] : memref<102400xf32, #tpu.memory_space<vmem>>[vector<16xi32>], vector<16xf32>,
      %sub3A = arith.subf %get3A_159, %gather3A : vector<16xf32>
      %abs3A = math.absf %sub3A : vector<16xf32>
      %add3A_168 = arith.addf %get3A_161, %abs3A : vector<16xf32>
      %mul3A_169 = arith.constant 16 : i32
      %mul3A_170 = arith.muli %scan3A_152, %mul3A_169 : i32
      %get3A_171 = arith.constant 2 : i32
      %get3A_172 = arith.index_cast %get3A_171 : i32 to index
      %get3A_173 = arith.index_cast %mul3A_170 : i32 to index
      %get3A_174 = tpu.vector_load %arg7[%get3A_172, %get3A_173] {strides = array<i32>} : memref<16x640xi32, #tpu.memory_space<vmem>>, vector<16xi32>,
      %gather3A_175 = tpu.vector_load_idx %arg6[%get3A_174] : memref<102400xf32, #tpu.memory_space<vmem>>[vector<16xi32>], vector<16xf32>,
      %sub3A_176 = arith.subf %get3A_159, %gather3A_175 : vector<16xf32>
      %abs3A_177 = math.absf %sub3A_176 : vector<16xf32>
      %add3A_178 = arith.addf %add3A_168, %abs3A_177 : vector<16xf32>
      %mul3A_179 = arith.constant 16 : i32
      %mul3A_180 = arith.muli %scan3A_152, %mul3A_179 : i32
      %get3A_181 = arith.constant 3 : i32
      %get3A_182 = arith.index_cast %get3A_181 : i32 to index
      %get3A_183 = arith.index_cast %mul3A_180 : i32 to index
      %get3A_184 = tpu.vector_load %arg7[%get3A_182, %get3A_183] {strides = array<i32>} : memref<16x640xi32, #tpu.memory_space<vmem>>, vector<16xi32>,
      %gather3A_185 = tpu.vector_load_idx %arg6[%get3A_184] : memref<102400xf32, #tpu.memory_space<vmem>>[vector<16xi32>], vector<16xf32>,
      %sub3A_186 = arith.subf %get3A_159, %gather3A_185 : vector<16xf32>
      %abs3A_187 = math.absf %sub3A_186 : vector<16xf32>
      %add3A_188 = arith.addf %add3A_178, %abs3A_187 : vector<16xf32>
      %mul3A_189 = arith.constant 16 : i32
      %mul3A_190 = arith.muli %scan3A_152, %mul3A_189 : i32
      %get3A_191 = arith.constant 4 : i32
      %get3A_192 = arith.index_cast %get3A_191 : i32 to index
      %get3A_193 = arith.index_cast %mul3A_190 : i32 to index
      %get3A_194 = tpu.vector_load %arg7[%get3A_192, %get3A_193] {strides = array<i32>} : memref<16x640xi32, #tpu.memory_space<vmem>>, vector<16xi32>,
      %gather3A_195 = tpu.vector_load_idx %arg6[%get3A_194] : memref<102400xf32, #tpu.memory_space<vmem>>[vector<16xi32>], vector<16xf32>,
      %sub3A_196 = arith.subf %get3A_159, %gather3A_195 : vector<16xf32>
      %abs3A_197 = math.absf %sub3A_196 : vector<16xf32>
      %add3A_198 = arith.addf %add3A_188, %abs3A_197 : vector<16xf32>
      %mul3A_199 = arith.constant 16 : i32
      %mul3A_200 = arith.muli %scan3A_152, %mul3A_199 : i32
      %get3A_201 = arith.constant 5 : i32
      %get3A_202 = arith.index_cast %get3A_201 : i32 to index
      %get3A_203 = arith.index_cast %mul3A_200 : i32 to index
      %get3A_204 = tpu.vector_load %arg7[%get3A_202, %get3A_203] {strides = array<i32>} : memref<16x640xi32, #tpu.memory_space<vmem>>, vector<16xi32>,
      %gather3A_205 = tpu.vector_load_idx %arg6[%get3A_204] : memref<102400xf32, #tpu.memory_space<vmem>>[vector<16xi32>], vector<16xf32>,
      %sub3A_206 = arith.subf %get3A_159, %gather3A_205 : vector<16xf32>
      %abs3A_207 = math.absf %sub3A_206 : vector<16xf32>
      %add3A_208 = arith.addf %add3A_198, %abs3A_207 : vector<16xf32>
      %mul3A_209 = arith.constant 16 : i32
      %mul3A_210 = arith.muli %scan3A_152, %mul3A_209 : i32
      %get3A_211 = arith.constant 6 : i32
      %get3A_212 = arith.index_cast %get3A_211 : i32 to index
      %get3A_213 = arith.index_cast %mul3A_210 : i32 to index
      %get3A_214 = tpu.vector_load %arg7[%get3A_212, %get3A_213] {strides = array<i32>} : memref<16x640xi32, #tpu.memory_space<vmem>>, vector<16xi32>,
      %gather3A_215 = tpu.vector_load_idx %arg6[%get3A_214] : memref<102400xf32, #tpu.memory_space<vmem>>[vector<16xi32>], vector<16xf32>,
      %sub3A_216 = arith.subf %get3A_159, %gather3A_215 : vector<16xf32>
      %abs3A_217 = math.absf %sub3A_216 : vector<16xf32>
      %add3A_218 = arith.addf %add3A_208, %abs3A_217 : vector<16xf32>
      %mul3A_219 = arith.constant 16 : i32
      %mul3A_220 = arith.muli %scan3A_152, %mul3A_219 : i32
      %get3A_221 = arith.constant 7 : i32
      %get3A_222 = arith.index_cast %get3A_221 : i32 to index
      %get3A_223 = arith.index_cast %mul3A_220 : i32 to index
      %get3A_224 = tpu.vector_load %arg7[%get3A_222, %get3A_223] {strides = array<i32>} : memref<16x640xi32, #tpu.memory_space<vmem>>, vector<16xi32>,
      %gather3A_225 = tpu.vector_load_idx %arg6[%get3A_224] : memref<102400xf32, #tpu.memory_space<vmem>>[vector<16xi32>], vector<16xf32>,
      %sub3A_226 = arith.subf %get3A_159, %gather3A_225 : vector<16xf32>
      %abs3A_227 = math.absf %sub3A_226 : vector<16xf32>
      %add3A_228 = arith.addf %add3A_218, %abs3A_227 : vector<16xf32>
      %mul3A_229 = arith.constant 16 : i32
      %mul3A_230 = arith.muli %scan3A_152, %mul3A_229 : i32
      %get3A_231 = arith.constant 8 : i32
      %get3A_232 = arith.index_cast %get3A_231 : i32 to index
      %get3A_233 = arith.index_cast %mul3A_230 : i32 to index
      %get3A_234 = tpu.vector_load %arg7[%get3A_232, %get3A_233] {strides = array<i32>} : memref<16x640xi32, #tpu.memory_space<vmem>>, vector<16xi32>,
      %gather3A_235 = tpu.vector_load_idx %arg6[%get3A_234] : memref<102400xf32, #tpu.memory_space<vmem>>[vector<16xi32>], vector<16xf32>,
      %sub3A_236 = arith.subf %get3A_159, %gather3A_235 : vector<16xf32>
      %abs3A_237 = math.absf %sub3A_236 : vector<16xf32>
      %add3A_238 = arith.addf %add3A_228, %abs3A_237 : vector<16xf32>
      %mul3A_239 = arith.constant 16 : i32
      %mul3A_240 = arith.muli %scan3A_152, %mul3A_239 : i32
      %get3A_241 = arith.constant 9 : i32
      %get3A_242 = arith.index_cast %get3A_241 : i32 to index
      %get3A_243 = arith.index_cast %mul3A_240 : i32 to index
      %get3A_244 = tpu.vector_load %arg7[%get3A_242, %get3A_243] {strides = array<i32>} : memref<16x640xi32, #tpu.memory_space<vmem>>, vector<16xi32>,
      %gather3A_245 = tpu.vector_load_idx %arg6[%get3A_244] : memref<102400xf32, #tpu.memory_space<vmem>>[vector<16xi32>], vector<16xf32>,
      %sub3A_246 = arith.subf %get3A_159, %gather3A_245 : vector<16xf32>
      %abs3A_247 = math.absf %sub3A_246 : vector<16xf32>
      %add3A_248 = arith.addf %add3A_238, %abs3A_247 : vector<16xf32>
      %mul3A_249 = arith.constant 16 : i32
      %mul3A_250 = arith.muli %scan3A_152, %mul3A_249 : i32
      %get3A_251 = arith.constant 10 : i32
      %get3A_252 = arith.index_cast %get3A_251 : i32 to index
      %get3A_253 = arith.index_cast %mul3A_250 : i32 to index
      %get3A_254 = tpu.vector_load %arg7[%get3A_252, %get3A_253] {strides = array<i32>} : memref<16x640xi32, #tpu.memory_space<vmem>>, vector<16xi32>,
      %gather3A_255 = tpu.vector_load_idx %arg6[%get3A_254] : memref<102400xf32, #tpu.memory_space<vmem>>[vector<16xi32>], vector<16xf32>,
      %sub3A_256 = arith.subf %get3A_159, %gather3A_255 : vector<16xf32>
      %abs3A_257 = math.absf %sub3A_256 : vector<16xf32>
      %add3A_258 = arith.addf %add3A_248, %abs3A_257 : vector<16xf32>
      %mul3A_259 = arith.constant 16 : i32
      %mul3A_260 = arith.muli %scan3A_152, %mul3A_259 : i32
      %get3A_261 = arith.constant 11 : i32
      %get3A_262 = arith.index_cast %get3A_261 : i32 to index
      %get3A_263 = arith.index_cast %mul3A_260 : i32 to index
      %get3A_264 = tpu.vector_load %arg7[%get3A_262, %get3A_263] {strides = array<i32>} : memref<16x640xi32, #tpu.memory_space<vmem>>, vector<16xi32>,
      %gather3A_265 = tpu.vector_load_idx %arg6[%get3A_264] : memref<102400xf32, #tpu.memory_space<vmem>>[vector<16xi32>], vector<16xf32>,
      %sub3A_266 = arith.subf %get3A_159, %gather3A_265 : vector<16xf32>
      %abs3A_267 = math.absf %sub3A_266 : vector<16xf32>
      %add3A_268 = arith.addf %add3A_258, %abs3A_267 : vector<16xf32>
      %mul3A_269 = arith.constant 16 : i32
      %mul3A_270 = arith.muli %scan3A_152, %mul3A_269 : i32
      %get3A_271 = arith.constant 12 : i32
      %get3A_272 = arith.index_cast %get3A_271 : i32 to index
      %get3A_273 = arith.index_cast %mul3A_270 : i32 to index
      %get3A_274 = tpu.vector_load %arg7[%get3A_272, %get3A_273] {strides = array<i32>} : memref<16x640xi32, #tpu.memory_space<vmem>>, vector<16xi32>,
      %gather3A_275 = tpu.vector_load_idx %arg6[%get3A_274] : memref<102400xf32, #tpu.memory_space<vmem>>[vector<16xi32>], vector<16xf32>,
      %sub3A_276 = arith.subf %get3A_159, %gather3A_275 : vector<16xf32>
      %abs3A_277 = math.absf %sub3A_276 : vector<16xf32>
      %add3A_278 = arith.addf %add3A_268, %abs3A_277 : vector<16xf32>
      %mul3A_279 = arith.constant 16 : i32
      %mul3A_280 = arith.muli %scan3A_152, %mul3A_279 : i32
      %get3A_281 = arith.constant 13 : i32
      %get3A_282 = arith.index_cast %get3A_281 : i32 to index
      %get3A_283 = arith.index_cast %mul3A_280 : i32 to index
      %get3A_284 = tpu.vector_load %arg7[%get3A_282, %get3A_283] {strides = array<i32>} : memref<16x640xi32, #tpu.memory_space<vmem>>, vector<16xi32>,
      %gather3A_285 = tpu.vector_load_idx %arg6[%get3A_284] : memref<102400xf32, #tpu.memory_space<vmem>>[vector<16xi32>], vector<16xf32>,
      %sub3A_286 = arith.subf %get3A_159, %gather3A_285 : vector<16xf32>
      %abs3A_287 = math.absf %sub3A_286 : vector<16xf32>
      %add3A_288 = arith.addf %add3A_278, %abs3A_287 : vector<16xf32>
      %mul3A_289 = arith.constant 16 : i32
      %mul3A_290 = arith.muli %scan3A_152, %mul3A_289 : i32
      %get3A_291 = arith.constant 14 : i32
      %get3A_292 = arith.index_cast %get3A_291 : i32 to index
      %get3A_293 = arith.index_cast %mul3A_290 : i32 to index
      %get3A_294 = tpu.vector_load %arg7[%get3A_292, %get3A_293] {strides = array<i32>} : memref<16x640xi32, #tpu.memory_space<vmem>>, vector<16xi32>,
      %gather3A_295 = tpu.vector_load_idx %arg6[%get3A_294] : memref<102400xf32, #tpu.memory_space<vmem>>[vector<16xi32>], vector<16xf32>,
      %sub3A_296 = arith.subf %get3A_159, %gather3A_295 : vector<16xf32>
      %abs3A_297 = math.absf %sub3A_296 : vector<16xf32>
      %add3A_298 = arith.addf %add3A_288, %abs3A_297 : vector<16xf32>
      %mul3A_299 = arith.constant 16 : i32
      %mul3A_300 = arith.muli %scan3A_152, %mul3A_299 : i32
      %get3A_301 = arith.constant 15 : i32
      %get3A_302 = arith.index_cast %get3A_301 : i32 to index
      %get3A_303 = arith.index_cast %mul3A_300 : i32 to index
      %get3A_304 = tpu.vector_load %arg7[%get3A_302, %get3A_303] {strides = array<i32>} : memref<16x640xi32, #tpu.memory_space<vmem>>, vector<16xi32>,
      %gather3A_305 = tpu.vector_load_idx %arg6[%get3A_304] : memref<102400xf32, #tpu.memory_space<vmem>>[vector<16xi32>], vector<16xf32>,
      %sub3A_306 = arith.subf %get3A_159, %gather3A_305 : vector<16xf32>
      %abs3A_307 = math.absf %sub3A_306 : vector<16xf32>
      %add3A_308 = arith.addf %add3A_298, %abs3A_307 : vector<16xf32>
      %swap3A_309 = arith.index_cast %add3A_157 : i32 to index
      %swap3A_310 = tpu.vector_load %arg8[%swap3A_309] {strides = array<i32>} : memref<3200xf32, #tpu.memory_space<vmem>>, vector<16xf32>,
      tpu.vector_store %arg8[%swap3A_309], %add3A_308 {strides = array<i32>} : memref<3200xf32, #tpu.memory_space<vmem>>, vector<16xf32>,
      %scan3A_311 = arith.constant 0 : i32
      scf.yield %scan3A_311 : i32
    }
    %scan3A_53 = arith.constant 40 : i32
    "tpu.region"() ({
      %run_scoped3A = tpu.sem_alloc : memref<!tpu.dma_semaphore, #tpu.memory_space<semaphore_mem>>
      %dma_start3A = arith.constant 102400 : i32
      %dma_start3A_152 = tpu.memref_slice %arg2[%dma_start3A] : memref<307200xf32, #tpu.memory_space<hbm>> -> memref<102400xf32, #tpu.memory_space<hbm>>
      %dma_start3A_153 = arith.constant 102400 : i32
      %dma_start3A_154 = tpu.memref_slice %arg2[%dma_start3A_153] : memref<307200xf32, #tpu.memory_space<hbm>> -> memref<102400xf32, #tpu.memory_space<hbm>>
      tpu.enqueue_dma source(%dma_start3A_154 : memref<102400xf32, #tpu.memory_space<hbm>>) target(%arg6 : memref<102400xf32, #tpu.memory_space<vmem>>) target_semaphore(%run_scoped3A : memref<!tpu.dma_semaphore, #tpu.memory_space<semaphore_mem>>)
      %dma_wait3A = arith.constant 102400 : i32
      %dma_wait3A_155 = tpu.memref_slice %arg2[%dma_wait3A] : memref<307200xf32, #tpu.memory_space<hbm>> -> memref<102400xf32, #tpu.memory_space<hbm>>
      %dma_wait3A_156 = arith.constant 102400 : i32
      %dma_wait3A_157 = tpu.memref_slice %arg2[%dma_wait3A_156] : memref<307200xf32, #tpu.memory_space<hbm>> -> memref<102400xf32, #tpu.memory_space<hbm>>
      tpu.wait_dma2 semaphore(%run_scoped3A : memref<!tpu.dma_semaphore, #tpu.memory_space<semaphore_mem>>) src(%dma_wait3A_157 : memref<102400xf32, #tpu.memory_space<hbm>>) dst(%arg6 : memref<102400xf32, #tpu.memory_space<vmem>>)
      tpu.yield
    }) : () -> ()
    %add3A_54 = arith.constant 0 : i32
    %add3A_55 = arith.addi %mul3A_2, %add3A_54 : i32
    "tpu.region"() ({
      %run_scoped3A = tpu.sem_alloc : memref<!tpu.dma_semaphore, #tpu.memory_space<semaphore_mem>>
      %dma_start3A = arith.constant 0 : i32
      %dma_start3A_152 = tpu.memref_slice %arg3[%dma_start3A, %add3A_55] : memref<16x102400xi32, #tpu.memory_space<hbm>> -> memref<16x640xi32, #tpu.memory_space<hbm>>
      %dma_start3A_153 = arith.constant 0 : i32
      %dma_start3A_154 = tpu.memref_slice %arg3[%dma_start3A_153, %add3A_55] : memref<16x102400xi32, #tpu.memory_space<hbm>> -> memref<16x640xi32, #tpu.memory_space<hbm>>
      tpu.enqueue_dma source(%dma_start3A_154 : memref<16x640xi32, #tpu.memory_space<hbm>>) target(%arg7 : memref<16x640xi32, #tpu.memory_space<vmem>>) target_semaphore(%run_scoped3A : memref<!tpu.dma_semaphore, #tpu.memory_space<semaphore_mem>>)
      %dma_wait3A = arith.constant 0 : i32
      %dma_wait3A_155 = tpu.memref_slice %arg3[%dma_wait3A, %add3A_55] : memref<16x102400xi32, #tpu.memory_space<hbm>> -> memref<16x640xi32, #tpu.memory_space<hbm>>
      %dma_wait3A_156 = arith.constant 0 : i32
      %dma_wait3A_157 = tpu.memref_slice %arg3[%dma_wait3A_156, %add3A_55] : memref<16x102400xi32, #tpu.memory_space<hbm>> -> memref<16x640xi32, #tpu.memory_space<hbm>>
      tpu.wait_dma2 semaphore(%run_scoped3A : memref<!tpu.dma_semaphore, #tpu.memory_space<semaphore_mem>>) src(%dma_wait3A_157 : memref<16x640xi32, #tpu.memory_space<hbm>>) dst(%arg7 : memref<16x640xi32, #tpu.memory_space<vmem>>)
      tpu.yield
    }) : () -> ()
    %scan3A_56 = arith.constant 0 : i32
    %scan3A_57 = arith.constant 0 : i32
    %scan3A_58 = arith.constant 40 : i32
    %scan3A_59 = arith.addi %scan3A_57, %scan3A_58 : i32
    %scan3A_60 = arith.constant 1 : i32
    %scan3A_61 = scf.for %scan3A_152 = %scan3A_57 to %scan3A_59 step %scan3A_60 iter_args(%scan3A_153 = %scan3A_56) -> (i32)  : i32 {
      %mul3A_154 = arith.constant 16 : i32
      %mul3A_155 = arith.muli %scan3A_152, %mul3A_154 : i32
      %add3A_156 = arith.constant 0 : i32
      %add3A_157 = arith.addi %add3A_156, %mul3A_155 : i32
      %add3A_158 = arith.addi %mul3A_2, %add3A_157 : i32
      %get3A = arith.index_cast %add3A_158 : i32 to index
      %get3A_159 = tpu.vector_load %arg6[%get3A] {strides = array<i32>} : memref<102400xf32, #tpu.memory_space<vmem>>, vector<16xf32>,
      %get3A_160 = arith.index_cast %add3A_157 : i32 to index
      %get3A_161 = tpu.vector_load %arg8[%get3A_160] {strides = array<i32>} : memref<3200xf32, #tpu.memory_space<vmem>>, vector<16xf32>,
      %mul3A_162 = arith.constant 16 : i32
      %mul3A_163 = arith.muli %scan3A_152, %mul3A_162 : i32
      %get3A_164 = arith.constant 1 : i32
      %get3A_165 = arith.index_cast %get3A_164 : i32 to index
      %get3A_166 = arith.index_cast %mul3A_163 : i32 to index
      %get3A_167 = tpu.vector_load %arg7[%get3A_165, %get3A_166] {strides = array<i32>} : memref<16x640xi32, #tpu.memory_space<vmem>>, vector<16xi32>,
      %gather3A = tpu.vector_load_idx %arg6[%get3A_167] : memref<102400xf32, #tpu.memory_space<vmem>>[vector<16xi32>], vector<16xf32>,
      %sub3A = arith.subf %get3A_159, %gather3A : vector<16xf32>
      %abs3A = math.absf %sub3A : vector<16xf32>
      %add3A_168 = arith.addf %get3A_161, %abs3A : vector<16xf32>
      %mul3A_169 = arith.constant 16 : i32
      %mul3A_170 = arith.muli %scan3A_152, %mul3A_169 : i32
      %get3A_171 = arith.constant 2 : i32
      %get3A_172 = arith.index_cast %get3A_171 : i32 to index
      %get3A_173 = arith.index_cast %mul3A_170 : i32 to index
      %get3A_174 = tpu.vector_load %arg7[%get3A_172, %get3A_173] {strides = array<i32>} : memref<16x640xi32, #tpu.memory_space<vmem>>, vector<16xi32>,
      %gather3A_175 = tpu.vector_load_idx %arg6[%get3A_174] : memref<102400xf32, #tpu.memory_space<vmem>>[vector<16xi32>], vector<16xf32>,
      %sub3A_176 = arith.subf %get3A_159, %gather3A_175 : vector<16xf32>
      %abs3A_177 = math.absf %sub3A_176 : vector<16xf32>
      %add3A_178 = arith.addf %add3A_168, %abs3A_177 : vector<16xf32>
      %mul3A_179 = arith.constant 16 : i32
      %mul3A_180 = arith.muli %scan3A_152, %mul3A_179 : i32
      %get3A_181 = arith.constant 3 : i32
      %get3A_182 = arith.index_cast %get3A_181 : i32 to index
      %get3A_183 = arith.index_cast %mul3A_180 : i32 to index
      %get3A_184 = tpu.vector_load %arg7[%get3A_182, %get3A_183] {strides = array<i32>} : memref<16x640xi32, #tpu.memory_space<vmem>>, vector<16xi32>,
      %gather3A_185 = tpu.vector_load_idx %arg6[%get3A_184] : memref<102400xf32, #tpu.memory_space<vmem>>[vector<16xi32>], vector<16xf32>,
      %sub3A_186 = arith.subf %get3A_159, %gather3A_185 : vector<16xf32>
      %abs3A_187 = math.absf %sub3A_186 : vector<16xf32>
      %add3A_188 = arith.addf %add3A_178, %abs3A_187 : vector<16xf32>
      %mul3A_189 = arith.constant 16 : i32
      %mul3A_190 = arith.muli %scan3A_152, %mul3A_189 : i32
      %get3A_191 = arith.constant 4 : i32
      %get3A_192 = arith.index_cast %get3A_191 : i32 to index
      %get3A_193 = arith.index_cast %mul3A_190 : i32 to index
      %get3A_194 = tpu.vector_load %arg7[%get3A_192, %get3A_193] {strides = array<i32>} : memref<16x640xi32, #tpu.memory_space<vmem>>, vector<16xi32>,
      %gather3A_195 = tpu.vector_load_idx %arg6[%get3A_194] : memref<102400xf32, #tpu.memory_space<vmem>>[vector<16xi32>], vector<16xf32>,
      %sub3A_196 = arith.subf %get3A_159, %gather3A_195 : vector<16xf32>
      %abs3A_197 = math.absf %sub3A_196 : vector<16xf32>
      %add3A_198 = arith.addf %add3A_188, %abs3A_197 : vector<16xf32>
      %mul3A_199 = arith.constant 16 : i32
      %mul3A_200 = arith.muli %scan3A_152, %mul3A_199 : i32
      %get3A_201 = arith.constant 5 : i32
      %get3A_202 = arith.index_cast %get3A_201 : i32 to index
      %get3A_203 = arith.index_cast %mul3A_200 : i32 to index
      %get3A_204 = tpu.vector_load %arg7[%get3A_202, %get3A_203] {strides = array<i32>} : memref<16x640xi32, #tpu.memory_space<vmem>>, vector<16xi32>,
      %gather3A_205 = tpu.vector_load_idx %arg6[%get3A_204] : memref<102400xf32, #tpu.memory_space<vmem>>[vector<16xi32>], vector<16xf32>,
      %sub3A_206 = arith.subf %get3A_159, %gather3A_205 : vector<16xf32>
      %abs3A_207 = math.absf %sub3A_206 : vector<16xf32>
      %add3A_208 = arith.addf %add3A_198, %abs3A_207 : vector<16xf32>
      %mul3A_209 = arith.constant 16 : i32
      %mul3A_210 = arith.muli %scan3A_152, %mul3A_209 : i32
      %get3A_211 = arith.constant 6 : i32
      %get3A_212 = arith.index_cast %get3A_211 : i32 to index
      %get3A_213 = arith.index_cast %mul3A_210 : i32 to index
      %get3A_214 = tpu.vector_load %arg7[%get3A_212, %get3A_213] {strides = array<i32>} : memref<16x640xi32, #tpu.memory_space<vmem>>, vector<16xi32>,
      %gather3A_215 = tpu.vector_load_idx %arg6[%get3A_214] : memref<102400xf32, #tpu.memory_space<vmem>>[vector<16xi32>], vector<16xf32>,
      %sub3A_216 = arith.subf %get3A_159, %gather3A_215 : vector<16xf32>
      %abs3A_217 = math.absf %sub3A_216 : vector<16xf32>
      %add3A_218 = arith.addf %add3A_208, %abs3A_217 : vector<16xf32>
      %mul3A_219 = arith.constant 16 : i32
      %mul3A_220 = arith.muli %scan3A_152, %mul3A_219 : i32
      %get3A_221 = arith.constant 7 : i32
      %get3A_222 = arith.index_cast %get3A_221 : i32 to index
      %get3A_223 = arith.index_cast %mul3A_220 : i32 to index
      %get3A_224 = tpu.vector_load %arg7[%get3A_222, %get3A_223] {strides = array<i32>} : memref<16x640xi32, #tpu.memory_space<vmem>>, vector<16xi32>,
      %gather3A_225 = tpu.vector_load_idx %arg6[%get3A_224] : memref<102400xf32, #tpu.memory_space<vmem>>[vector<16xi32>], vector<16xf32>,
      %sub3A_226 = arith.subf %get3A_159, %gather3A_225 : vector<16xf32>
      %abs3A_227 = math.absf %sub3A_226 : vector<16xf32>
      %add3A_228 = arith.addf %add3A_218, %abs3A_227 : vector<16xf32>
      %mul3A_229 = arith.constant 16 : i32
      %mul3A_230 = arith.muli %scan3A_152, %mul3A_229 : i32
      %get3A_231 = arith.constant 8 : i32
      %get3A_232 = arith.index_cast %get3A_231 : i32 to index
      %get3A_233 = arith.index_cast %mul3A_230 : i32 to index
      %get3A_234 = tpu.vector_load %arg7[%get3A_232, %get3A_233] {strides = array<i32>} : memref<16x640xi32, #tpu.memory_space<vmem>>, vector<16xi32>,
      %gather3A_235 = tpu.vector_load_idx %arg6[%get3A_234] : memref<102400xf32, #tpu.memory_space<vmem>>[vector<16xi32>], vector<16xf32>,
      %sub3A_236 = arith.subf %get3A_159, %gather3A_235 : vector<16xf32>
      %abs3A_237 = math.absf %sub3A_236 : vector<16xf32>
      %add3A_238 = arith.addf %add3A_228, %abs3A_237 : vector<16xf32>
      %mul3A_239 = arith.constant 16 : i32
      %mul3A_240 = arith.muli %scan3A_152, %mul3A_239 : i32
      %get3A_241 = arith.constant 9 : i32
      %get3A_242 = arith.index_cast %get3A_241 : i32 to index
      %get3A_243 = arith.index_cast %mul3A_240 : i32 to index
      %get3A_244 = tpu.vector_load %arg7[%get3A_242, %get3A_243] {strides = array<i32>} : memref<16x640xi32, #tpu.memory_space<vmem>>, vector<16xi32>,
      %gather3A_245 = tpu.vector_load_idx %arg6[%get3A_244] : memref<102400xf32, #tpu.memory_space<vmem>>[vector<16xi32>], vector<16xf32>,
      %sub3A_246 = arith.subf %get3A_159, %gather3A_245 : vector<16xf32>
      %abs3A_247 = math.absf %sub3A_246 : vector<16xf32>
      %add3A_248 = arith.addf %add3A_238, %abs3A_247 : vector<16xf32>
      %mul3A_249 = arith.constant 16 : i32
      %mul3A_250 = arith.muli %scan3A_152, %mul3A_249 : i32
      %get3A_251 = arith.constant 10 : i32
      %get3A_252 = arith.index_cast %get3A_251 : i32 to index
      %get3A_253 = arith.index_cast %mul3A_250 : i32 to index
      %get3A_254 = tpu.vector_load %arg7[%get3A_252, %get3A_253] {strides = array<i32>} : memref<16x640xi32, #tpu.memory_space<vmem>>, vector<16xi32>,
      %gather3A_255 = tpu.vector_load_idx %arg6[%get3A_254] : memref<102400xf32, #tpu.memory_space<vmem>>[vector<16xi32>], vector<16xf32>,
      %sub3A_256 = arith.subf %get3A_159, %gather3A_255 : vector<16xf32>
      %abs3A_257 = math.absf %sub3A_256 : vector<16xf32>
      %add3A_258 = arith.addf %add3A_248, %abs3A_257 : vector<16xf32>
      %mul3A_259 = arith.constant 16 : i32
      %mul3A_260 = arith.muli %scan3A_152, %mul3A_259 : i32
      %get3A_261 = arith.constant 11 : i32
      %get3A_262 = arith.index_cast %get3A_261 : i32 to index
      %get3A_263 = arith.index_cast %mul3A_260 : i32 to index
      %get3A_264 = tpu.vector_load %arg7[%get3A_262, %get3A_263] {strides = array<i32>} : memref<16x640xi32, #tpu.memory_space<vmem>>, vector<16xi32>,
      %gather3A_265 = tpu.vector_load_idx %arg6[%get3A_264] : memref<102400xf32, #tpu.memory_space<vmem>>[vector<16xi32>], vector<16xf32>,
      %sub3A_266 = arith.subf %get3A_159, %gather3A_265 : vector<16xf32>
      %abs3A_267 = math.absf %sub3A_266 : vector<16xf32>
      %add3A_268 = arith.addf %add3A_258, %abs3A_267 : vector<16xf32>
      %mul3A_269 = arith.constant 16 : i32
      %mul3A_270 = arith.muli %scan3A_152, %mul3A_269 : i32
      %get3A_271 = arith.constant 12 : i32
      %get3A_272 = arith.index_cast %get3A_271 : i32 to index
      %get3A_273 = arith.index_cast %mul3A_270 : i32 to index
      %get3A_274 = tpu.vector_load %arg7[%get3A_272, %get3A_273] {strides = array<i32>} : memref<16x640xi32, #tpu.memory_space<vmem>>, vector<16xi32>,
      %gather3A_275 = tpu.vector_load_idx %arg6[%get3A_274] : memref<102400xf32, #tpu.memory_space<vmem>>[vector<16xi32>], vector<16xf32>,
      %sub3A_276 = arith.subf %get3A_159, %gather3A_275 : vector<16xf32>
      %abs3A_277 = math.absf %sub3A_276 : vector<16xf32>
      %add3A_278 = arith.addf %add3A_268, %abs3A_277 : vector<16xf32>
      %mul3A_279 = arith.constant 16 : i32
      %mul3A_280 = arith.muli %scan3A_152, %mul3A_279 : i32
      %get3A_281 = arith.constant 13 : i32
      %get3A_282 = arith.index_cast %get3A_281 : i32 to index
      %get3A_283 = arith.index_cast %mul3A_280 : i32 to index
      %get3A_284 = tpu.vector_load %arg7[%get3A_282, %get3A_283] {strides = array<i32>} : memref<16x640xi32, #tpu.memory_space<vmem>>, vector<16xi32>,
      %gather3A_285 = tpu.vector_load_idx %arg6[%get3A_284] : memref<102400xf32, #tpu.memory_space<vmem>>[vector<16xi32>], vector<16xf32>,
      %sub3A_286 = arith.subf %get3A_159, %gather3A_285 : vector<16xf32>
      %abs3A_287 = math.absf %sub3A_286 : vector<16xf32>
      %add3A_288 = arith.addf %add3A_278, %abs3A_287 : vector<16xf32>
      %mul3A_289 = arith.constant 16 : i32
      %mul3A_290 = arith.muli %scan3A_152, %mul3A_289 : i32
      %get3A_291 = arith.constant 14 : i32
      %get3A_292 = arith.index_cast %get3A_291 : i32 to index
      %get3A_293 = arith.index_cast %mul3A_290 : i32 to index
      %get3A_294 = tpu.vector_load %arg7[%get3A_292, %get3A_293] {strides = array<i32>} : memref<16x640xi32, #tpu.memory_space<vmem>>, vector<16xi32>,
      %gather3A_295 = tpu.vector_load_idx %arg6[%get3A_294] : memref<102400xf32, #tpu.memory_space<vmem>>[vector<16xi32>], vector<16xf32>,
      %sub3A_296 = arith.subf %get3A_159, %gather3A_295 : vector<16xf32>
      %abs3A_297 = math.absf %sub3A_296 : vector<16xf32>
      %add3A_298 = arith.addf %add3A_288, %abs3A_297 : vector<16xf32>
      %mul3A_299 = arith.constant 16 : i32
      %mul3A_300 = arith.muli %scan3A_152, %mul3A_299 : i32
      %get3A_301 = arith.constant 15 : i32
      %get3A_302 = arith.index_cast %get3A_301 : i32 to index
      %get3A_303 = arith.index_cast %mul3A_300 : i32 to index
      %get3A_304 = tpu.vector_load %arg7[%get3A_302, %get3A_303] {strides = array<i32>} : memref<16x640xi32, #tpu.memory_space<vmem>>, vector<16xi32>,
      %gather3A_305 = tpu.vector_load_idx %arg6[%get3A_304] : memref<102400xf32, #tpu.memory_space<vmem>>[vector<16xi32>], vector<16xf32>,
      %sub3A_306 = arith.subf %get3A_159, %gather3A_305 : vector<16xf32>
      %abs3A_307 = math.absf %sub3A_306 : vector<16xf32>
      %add3A_308 = arith.addf %add3A_298, %abs3A_307 : vector<16xf32>
      %swap3A_309 = arith.index_cast %add3A_157 : i32 to index
      %swap3A_310 = tpu.vector_load %arg8[%swap3A_309] {strides = array<i32>} : memref<3200xf32, #tpu.memory_space<vmem>>, vector<16xf32>,
      tpu.vector_store %arg8[%swap3A_309], %add3A_308 {strides = array<i32>} : memref<3200xf32, #tpu.memory_space<vmem>>, vector<16xf32>,
      %scan3A_311 = arith.constant 0 : i32
      scf.yield %scan3A_311 : i32
    }
    %scan3A_62 = arith.constant 40 : i32
    %add3A_63 = arith.constant 640 : i32
    %add3A_64 = arith.addi %mul3A_2, %add3A_63 : i32
    "tpu.region"() ({
      %run_scoped3A = tpu.sem_alloc : memref<!tpu.dma_semaphore, #tpu.memory_space<semaphore_mem>>
      %dma_start3A = arith.constant 0 : i32
      %dma_start3A_152 = tpu.memref_slice %arg3[%dma_start3A, %add3A_64] : memref<16x102400xi32, #tpu.memory_space<hbm>> -> memref<16x640xi32, #tpu.memory_space<hbm>>
      %dma_start3A_153 = arith.constant 0 : i32
      %dma_start3A_154 = tpu.memref_slice %arg3[%dma_start3A_153, %add3A_64] : memref<16x102400xi32, #tpu.memory_space<hbm>> -> memref<16x640xi32, #tpu.memory_space<hbm>>
      tpu.enqueue_dma source(%dma_start3A_154 : memref<16x640xi32, #tpu.memory_space<hbm>>) target(%arg7 : memref<16x640xi32, #tpu.memory_space<vmem>>) target_semaphore(%run_scoped3A : memref<!tpu.dma_semaphore, #tpu.memory_space<semaphore_mem>>)
      %dma_wait3A = arith.constant 0 : i32
      %dma_wait3A_155 = tpu.memref_slice %arg3[%dma_wait3A, %add3A_64] : memref<16x102400xi32, #tpu.memory_space<hbm>> -> memref<16x640xi32, #tpu.memory_space<hbm>>
      %dma_wait3A_156 = arith.constant 0 : i32
      %dma_wait3A_157 = tpu.memref_slice %arg3[%dma_wait3A_156, %add3A_64] : memref<16x102400xi32, #tpu.memory_space<hbm>> -> memref<16x640xi32, #tpu.memory_space<hbm>>
      tpu.wait_dma2 semaphore(%run_scoped3A : memref<!tpu.dma_semaphore, #tpu.memory_space<semaphore_mem>>) src(%dma_wait3A_157 : memref<16x640xi32, #tpu.memory_space<hbm>>) dst(%arg7 : memref<16x640xi32, #tpu.memory_space<vmem>>)
      tpu.yield
    }) : () -> ()
    %scan3A_65 = arith.constant 0 : i32
    %scan3A_66 = arith.constant 0 : i32
    %scan3A_67 = arith.constant 40 : i32
    %scan3A_68 = arith.addi %scan3A_66, %scan3A_67 : i32
    %scan3A_69 = arith.constant 1 : i32
    %scan3A_70 = scf.for %scan3A_152 = %scan3A_66 to %scan3A_68 step %scan3A_69 iter_args(%scan3A_153 = %scan3A_65) -> (i32)  : i32 {
      %mul3A_154 = arith.constant 16 : i32
      %mul3A_155 = arith.muli %scan3A_152, %mul3A_154 : i32
      %add3A_156 = arith.constant 640 : i32
      %add3A_157 = arith.addi %add3A_156, %mul3A_155 : i32
      %add3A_158 = arith.addi %mul3A_2, %add3A_157 : i32
      %get3A = arith.index_cast %add3A_158 : i32 to index
      %get3A_159 = tpu.vector_load %arg6[%get3A] {strides = array<i32>} : memref<102400xf32, #tpu.memory_space<vmem>>, vector<16xf32>,
      %get3A_160 = arith.index_cast %add3A_157 : i32 to index
      %get3A_161 = tpu.vector_load %arg8[%get3A_160] {strides = array<i32>} : memref<3200xf32, #tpu.memory_space<vmem>>, vector<16xf32>,
      %mul3A_162 = arith.constant 16 : i32
      %mul3A_163 = arith.muli %scan3A_152, %mul3A_162 : i32
      %get3A_164 = arith.constant 1 : i32
      %get3A_165 = arith.index_cast %get3A_164 : i32 to index
      %get3A_166 = arith.index_cast %mul3A_163 : i32 to index
      %get3A_167 = tpu.vector_load %arg7[%get3A_165, %get3A_166] {strides = array<i32>} : memref<16x640xi32, #tpu.memory_space<vmem>>, vector<16xi32>,
      %gather3A = tpu.vector_load_idx %arg6[%get3A_167] : memref<102400xf32, #tpu.memory_space<vmem>>[vector<16xi32>], vector<16xf32>,
      %sub3A = arith.subf %get3A_159, %gather3A : vector<16xf32>
      %abs3A = math.absf %sub3A : vector<16xf32>
      %add3A_168 = arith.addf %get3A_161, %abs3A : vector<16xf32>
      %mul3A_169 = arith.constant 16 : i32
      %mul3A_170 = arith.muli %scan3A_152, %mul3A_169 : i32
      %get3A_171 = arith.constant 2 : i32
      %get3A_172 = arith.index_cast %get3A_171 : i32 to index
      %get3A_173 = arith.index_cast %mul3A_170 : i32 to index
      %get3A_174 = tpu.vector_load %arg7[%get3A_172, %get3A_173] {strides = array<i32>} : memref<16x640xi32, #tpu.memory_space<vmem>>, vector<16xi32>,
      %gather3A_175 = tpu.vector_load_idx %arg6[%get3A_174] : memref<102400xf32, #tpu.memory_space<vmem>>[vector<16xi32>], vector<16xf32>,
      %sub3A_176 = arith.subf %get3A_159, %gather3A_175 : vector<16xf32>
      %abs3A_177 = math.absf %sub3A_176 : vector<16xf32>
      %add3A_178 = arith.addf %add3A_168, %abs3A_177 : vector<16xf32>
      %mul3A_179 = arith.constant 16 : i32
      %mul3A_180 = arith.muli %scan3A_152, %mul3A_179 : i32
      %get3A_181 = arith.constant 3 : i32
      %get3A_182 = arith.index_cast %get3A_181 : i32 to index
      %get3A_183 = arith.index_cast %mul3A_180 : i32 to index
      %get3A_184 = tpu.vector_load %arg7[%get3A_182, %get3A_183] {strides = array<i32>} : memref<16x640xi32, #tpu.memory_space<vmem>>, vector<16xi32>,
      %gather3A_185 = tpu.vector_load_idx %arg6[%get3A_184] : memref<102400xf32, #tpu.memory_space<vmem>>[vector<16xi32>], vector<16xf32>,
      %sub3A_186 = arith.subf %get3A_159, %gather3A_185 : vector<16xf32>
      %abs3A_187 = math.absf %sub3A_186 : vector<16xf32>
      %add3A_188 = arith.addf %add3A_178, %abs3A_187 : vector<16xf32>
      %mul3A_189 = arith.constant 16 : i32
      %mul3A_190 = arith.muli %scan3A_152, %mul3A_189 : i32
      %get3A_191 = arith.constant 4 : i32
      %get3A_192 = arith.index_cast %get3A_191 : i32 to index
      %get3A_193 = arith.index_cast %mul3A_190 : i32 to index
      %get3A_194 = tpu.vector_load %arg7[%get3A_192, %get3A_193] {strides = array<i32>} : memref<16x640xi32, #tpu.memory_space<vmem>>, vector<16xi32>,
      %gather3A_195 = tpu.vector_load_idx %arg6[%get3A_194] : memref<102400xf32, #tpu.memory_space<vmem>>[vector<16xi32>], vector<16xf32>,
      %sub3A_196 = arith.subf %get3A_159, %gather3A_195 : vector<16xf32>
      %abs3A_197 = math.absf %sub3A_196 : vector<16xf32>
      %add3A_198 = arith.addf %add3A_188, %abs3A_197 : vector<16xf32>
      %mul3A_199 = arith.constant 16 : i32
      %mul3A_200 = arith.muli %scan3A_152, %mul3A_199 : i32
      %get3A_201 = arith.constant 5 : i32
      %get3A_202 = arith.index_cast %get3A_201 : i32 to index
      %get3A_203 = arith.index_cast %mul3A_200 : i32 to index
      %get3A_204 = tpu.vector_load %arg7[%get3A_202, %get3A_203] {strides = array<i32>} : memref<16x640xi32, #tpu.memory_space<vmem>>, vector<16xi32>,
      %gather3A_205 = tpu.vector_load_idx %arg6[%get3A_204] : memref<102400xf32, #tpu.memory_space<vmem>>[vector<16xi32>], vector<16xf32>,
      %sub3A_206 = arith.subf %get3A_159, %gather3A_205 : vector<16xf32>
      %abs3A_207 = math.absf %sub3A_206 : vector<16xf32>
      %add3A_208 = arith.addf %add3A_198, %abs3A_207 : vector<16xf32>
      %mul3A_209 = arith.constant 16 : i32
      %mul3A_210 = arith.muli %scan3A_152, %mul3A_209 : i32
      %get3A_211 = arith.constant 6 : i32
      %get3A_212 = arith.index_cast %get3A_211 : i32 to index
      %get3A_213 = arith.index_cast %mul3A_210 : i32 to index
      %get3A_214 = tpu.vector_load %arg7[%get3A_212, %get3A_213] {strides = array<i32>} : memref<16x640xi32, #tpu.memory_space<vmem>>, vector<16xi32>,
      %gather3A_215 = tpu.vector_load_idx %arg6[%get3A_214] : memref<102400xf32, #tpu.memory_space<vmem>>[vector<16xi32>], vector<16xf32>,
      %sub3A_216 = arith.subf %get3A_159, %gather3A_215 : vector<16xf32>
      %abs3A_217 = math.absf %sub3A_216 : vector<16xf32>
      %add3A_218 = arith.addf %add3A_208, %abs3A_217 : vector<16xf32>
      %mul3A_219 = arith.constant 16 : i32
      %mul3A_220 = arith.muli %scan3A_152, %mul3A_219 : i32
      %get3A_221 = arith.constant 7 : i32
      %get3A_222 = arith.index_cast %get3A_221 : i32 to index
      %get3A_223 = arith.index_cast %mul3A_220 : i32 to index
      %get3A_224 = tpu.vector_load %arg7[%get3A_222, %get3A_223] {strides = array<i32>} : memref<16x640xi32, #tpu.memory_space<vmem>>, vector<16xi32>,
      %gather3A_225 = tpu.vector_load_idx %arg6[%get3A_224] : memref<102400xf32, #tpu.memory_space<vmem>>[vector<16xi32>], vector<16xf32>,
      %sub3A_226 = arith.subf %get3A_159, %gather3A_225 : vector<16xf32>
      %abs3A_227 = math.absf %sub3A_226 : vector<16xf32>
      %add3A_228 = arith.addf %add3A_218, %abs3A_227 : vector<16xf32>
      %mul3A_229 = arith.constant 16 : i32
      %mul3A_230 = arith.muli %scan3A_152, %mul3A_229 : i32
      %get3A_231 = arith.constant 8 : i32
      %get3A_232 = arith.index_cast %get3A_231 : i32 to index
      %get3A_233 = arith.index_cast %mul3A_230 : i32 to index
      %get3A_234 = tpu.vector_load %arg7[%get3A_232, %get3A_233] {strides = array<i32>} : memref<16x640xi32, #tpu.memory_space<vmem>>, vector<16xi32>,
      %gather3A_235 = tpu.vector_load_idx %arg6[%get3A_234] : memref<102400xf32, #tpu.memory_space<vmem>>[vector<16xi32>], vector<16xf32>,
      %sub3A_236 = arith.subf %get3A_159, %gather3A_235 : vector<16xf32>
      %abs3A_237 = math.absf %sub3A_236 : vector<16xf32>
      %add3A_238 = arith.addf %add3A_228, %abs3A_237 : vector<16xf32>
      %mul3A_239 = arith.constant 16 : i32
      %mul3A_240 = arith.muli %scan3A_152, %mul3A_239 : i32
      %get3A_241 = arith.constant 9 : i32
      %get3A_242 = arith.index_cast %get3A_241 : i32 to index
      %get3A_243 = arith.index_cast %mul3A_240 : i32 to index
      %get3A_244 = tpu.vector_load %arg7[%get3A_242, %get3A_243] {strides = array<i32>} : memref<16x640xi32, #tpu.memory_space<vmem>>, vector<16xi32>,
      %gather3A_245 = tpu.vector_load_idx %arg6[%get3A_244] : memref<102400xf32, #tpu.memory_space<vmem>>[vector<16xi32>], vector<16xf32>,
      %sub3A_246 = arith.subf %get3A_159, %gather3A_245 : vector<16xf32>
      %abs3A_247 = math.absf %sub3A_246 : vector<16xf32>
      %add3A_248 = arith.addf %add3A_238, %abs3A_247 : vector<16xf32>
      %mul3A_249 = arith.constant 16 : i32
      %mul3A_250 = arith.muli %scan3A_152, %mul3A_249 : i32
      %get3A_251 = arith.constant 10 : i32
      %get3A_252 = arith.index_cast %get3A_251 : i32 to index
      %get3A_253 = arith.index_cast %mul3A_250 : i32 to index
      %get3A_254 = tpu.vector_load %arg7[%get3A_252, %get3A_253] {strides = array<i32>} : memref<16x640xi32, #tpu.memory_space<vmem>>, vector<16xi32>,
      %gather3A_255 = tpu.vector_load_idx %arg6[%get3A_254] : memref<102400xf32, #tpu.memory_space<vmem>>[vector<16xi32>], vector<16xf32>,
      %sub3A_256 = arith.subf %get3A_159, %gather3A_255 : vector<16xf32>
      %abs3A_257 = math.absf %sub3A_256 : vector<16xf32>
      %add3A_258 = arith.addf %add3A_248, %abs3A_257 : vector<16xf32>
      %mul3A_259 = arith.constant 16 : i32
      %mul3A_260 = arith.muli %scan3A_152, %mul3A_259 : i32
      %get3A_261 = arith.constant 11 : i32
      %get3A_262 = arith.index_cast %get3A_261 : i32 to index
      %get3A_263 = arith.index_cast %mul3A_260 : i32 to index
      %get3A_264 = tpu.vector_load %arg7[%get3A_262, %get3A_263] {strides = array<i32>} : memref<16x640xi32, #tpu.memory_space<vmem>>, vector<16xi32>,
      %gather3A_265 = tpu.vector_load_idx %arg6[%get3A_264] : memref<102400xf32, #tpu.memory_space<vmem>>[vector<16xi32>], vector<16xf32>,
      %sub3A_266 = arith.subf %get3A_159, %gather3A_265 : vector<16xf32>
      %abs3A_267 = math.absf %sub3A_266 : vector<16xf32>
      %add3A_268 = arith.addf %add3A_258, %abs3A_267 : vector<16xf32>
      %mul3A_269 = arith.constant 16 : i32
      %mul3A_270 = arith.muli %scan3A_152, %mul3A_269 : i32
      %get3A_271 = arith.constant 12 : i32
      %get3A_272 = arith.index_cast %get3A_271 : i32 to index
      %get3A_273 = arith.index_cast %mul3A_270 : i32 to index
      %get3A_274 = tpu.vector_load %arg7[%get3A_272, %get3A_273] {strides = array<i32>} : memref<16x640xi32, #tpu.memory_space<vmem>>, vector<16xi32>,
      %gather3A_275 = tpu.vector_load_idx %arg6[%get3A_274] : memref<102400xf32, #tpu.memory_space<vmem>>[vector<16xi32>], vector<16xf32>,
      %sub3A_276 = arith.subf %get3A_159, %gather3A_275 : vector<16xf32>
      %abs3A_277 = math.absf %sub3A_276 : vector<16xf32>
      %add3A_278 = arith.addf %add3A_268, %abs3A_277 : vector<16xf32>
      %mul3A_279 = arith.constant 16 : i32
      %mul3A_280 = arith.muli %scan3A_152, %mul3A_279 : i32
      %get3A_281 = arith.constant 13 : i32
      %get3A_282 = arith.index_cast %get3A_281 : i32 to index
      %get3A_283 = arith.index_cast %mul3A_280 : i32 to index
      %get3A_284 = tpu.vector_load %arg7[%get3A_282, %get3A_283] {strides = array<i32>} : memref<16x640xi32, #tpu.memory_space<vmem>>, vector<16xi32>,
      %gather3A_285 = tpu.vector_load_idx %arg6[%get3A_284] : memref<102400xf32, #tpu.memory_space<vmem>>[vector<16xi32>], vector<16xf32>,
      %sub3A_286 = arith.subf %get3A_159, %gather3A_285 : vector<16xf32>
      %abs3A_287 = math.absf %sub3A_286 : vector<16xf32>
      %add3A_288 = arith.addf %add3A_278, %abs3A_287 : vector<16xf32>
      %mul3A_289 = arith.constant 16 : i32
      %mul3A_290 = arith.muli %scan3A_152, %mul3A_289 : i32
      %get3A_291 = arith.constant 14 : i32
      %get3A_292 = arith.index_cast %get3A_291 : i32 to index
      %get3A_293 = arith.index_cast %mul3A_290 : i32 to index
      %get3A_294 = tpu.vector_load %arg7[%get3A_292, %get3A_293] {strides = array<i32>} : memref<16x640xi32, #tpu.memory_space<vmem>>, vector<16xi32>,
      %gather3A_295 = tpu.vector_load_idx %arg6[%get3A_294] : memref<102400xf32, #tpu.memory_space<vmem>>[vector<16xi32>], vector<16xf32>,
      %sub3A_296 = arith.subf %get3A_159, %gather3A_295 : vector<16xf32>
      %abs3A_297 = math.absf %sub3A_296 : vector<16xf32>
      %add3A_298 = arith.addf %add3A_288, %abs3A_297 : vector<16xf32>
      %mul3A_299 = arith.constant 16 : i32
      %mul3A_300 = arith.muli %scan3A_152, %mul3A_299 : i32
      %get3A_301 = arith.constant 15 : i32
      %get3A_302 = arith.index_cast %get3A_301 : i32 to index
      %get3A_303 = arith.index_cast %mul3A_300 : i32 to index
      %get3A_304 = tpu.vector_load %arg7[%get3A_302, %get3A_303] {strides = array<i32>} : memref<16x640xi32, #tpu.memory_space<vmem>>, vector<16xi32>,
      %gather3A_305 = tpu.vector_load_idx %arg6[%get3A_304] : memref<102400xf32, #tpu.memory_space<vmem>>[vector<16xi32>], vector<16xf32>,
      %sub3A_306 = arith.subf %get3A_159, %gather3A_305 : vector<16xf32>
      %abs3A_307 = math.absf %sub3A_306 : vector<16xf32>
      %add3A_308 = arith.addf %add3A_298, %abs3A_307 : vector<16xf32>
      %swap3A_309 = arith.index_cast %add3A_157 : i32 to index
      %swap3A_310 = tpu.vector_load %arg8[%swap3A_309] {strides = array<i32>} : memref<3200xf32, #tpu.memory_space<vmem>>, vector<16xf32>,
      tpu.vector_store %arg8[%swap3A_309], %add3A_308 {strides = array<i32>} : memref<3200xf32, #tpu.memory_space<vmem>>, vector<16xf32>,
      %scan3A_311 = arith.constant 0 : i32
      scf.yield %scan3A_311 : i32
    }
    %scan3A_71 = arith.constant 40 : i32
    %add3A_72 = arith.constant 1280 : i32
    %add3A_73 = arith.addi %mul3A_2, %add3A_72 : i32
    "tpu.region"() ({
      %run_scoped3A = tpu.sem_alloc : memref<!tpu.dma_semaphore, #tpu.memory_space<semaphore_mem>>
      %dma_start3A = arith.constant 0 : i32
      %dma_start3A_152 = tpu.memref_slice %arg3[%dma_start3A, %add3A_73] : memref<16x102400xi32, #tpu.memory_space<hbm>> -> memref<16x640xi32, #tpu.memory_space<hbm>>
      %dma_start3A_153 = arith.constant 0 : i32
      %dma_start3A_154 = tpu.memref_slice %arg3[%dma_start3A_153, %add3A_73] : memref<16x102400xi32, #tpu.memory_space<hbm>> -> memref<16x640xi32, #tpu.memory_space<hbm>>
      tpu.enqueue_dma source(%dma_start3A_154 : memref<16x640xi32, #tpu.memory_space<hbm>>) target(%arg7 : memref<16x640xi32, #tpu.memory_space<vmem>>) target_semaphore(%run_scoped3A : memref<!tpu.dma_semaphore, #tpu.memory_space<semaphore_mem>>)
      %dma_wait3A = arith.constant 0 : i32
      %dma_wait3A_155 = tpu.memref_slice %arg3[%dma_wait3A, %add3A_73] : memref<16x102400xi32, #tpu.memory_space<hbm>> -> memref<16x640xi32, #tpu.memory_space<hbm>>
      %dma_wait3A_156 = arith.constant 0 : i32
      %dma_wait3A_157 = tpu.memref_slice %arg3[%dma_wait3A_156, %add3A_73] : memref<16x102400xi32, #tpu.memory_space<hbm>> -> memref<16x640xi32, #tpu.memory_space<hbm>>
      tpu.wait_dma2 semaphore(%run_scoped3A : memref<!tpu.dma_semaphore, #tpu.memory_space<semaphore_mem>>) src(%dma_wait3A_157 : memref<16x640xi32, #tpu.memory_space<hbm>>) dst(%arg7 : memref<16x640xi32, #tpu.memory_space<vmem>>)
      tpu.yield
    }) : () -> ()
    %scan3A_74 = arith.constant 0 : i32
    %scan3A_75 = arith.constant 0 : i32
    %scan3A_76 = arith.constant 40 : i32
    %scan3A_77 = arith.addi %scan3A_75, %scan3A_76 : i32
    %scan3A_78 = arith.constant 1 : i32
    %scan3A_79 = scf.for %scan3A_152 = %scan3A_75 to %scan3A_77 step %scan3A_78 iter_args(%scan3A_153 = %scan3A_74) -> (i32)  : i32 {
      %mul3A_154 = arith.constant 16 : i32
      %mul3A_155 = arith.muli %scan3A_152, %mul3A_154 : i32
      %add3A_156 = arith.constant 1280 : i32
      %add3A_157 = arith.addi %add3A_156, %mul3A_155 : i32
      %add3A_158 = arith.addi %mul3A_2, %add3A_157 : i32
      %get3A = arith.index_cast %add3A_158 : i32 to index
      %get3A_159 = tpu.vector_load %arg6[%get3A] {strides = array<i32>} : memref<102400xf32, #tpu.memory_space<vmem>>, vector<16xf32>,
      %get3A_160 = arith.index_cast %add3A_157 : i32 to index
      %get3A_161 = tpu.vector_load %arg8[%get3A_160] {strides = array<i32>} : memref<3200xf32, #tpu.memory_space<vmem>>, vector<16xf32>,
      %mul3A_162 = arith.constant 16 : i32
      %mul3A_163 = arith.muli %scan3A_152, %mul3A_162 : i32
      %get3A_164 = arith.constant 1 : i32
      %get3A_165 = arith.index_cast %get3A_164 : i32 to index
      %get3A_166 = arith.index_cast %mul3A_163 : i32 to index
      %get3A_167 = tpu.vector_load %arg7[%get3A_165, %get3A_166] {strides = array<i32>} : memref<16x640xi32, #tpu.memory_space<vmem>>, vector<16xi32>,
      %gather3A = tpu.vector_load_idx %arg6[%get3A_167] : memref<102400xf32, #tpu.memory_space<vmem>>[vector<16xi32>], vector<16xf32>,
      %sub3A = arith.subf %get3A_159, %gather3A : vector<16xf32>
      %abs3A = math.absf %sub3A : vector<16xf32>
      %add3A_168 = arith.addf %get3A_161, %abs3A : vector<16xf32>
      %mul3A_169 = arith.constant 16 : i32
      %mul3A_170 = arith.muli %scan3A_152, %mul3A_169 : i32
      %get3A_171 = arith.constant 2 : i32
      %get3A_172 = arith.index_cast %get3A_171 : i32 to index
      %get3A_173 = arith.index_cast %mul3A_170 : i32 to index
      %get3A_174 = tpu.vector_load %arg7[%get3A_172, %get3A_173] {strides = array<i32>} : memref<16x640xi32, #tpu.memory_space<vmem>>, vector<16xi32>,
      %gather3A_175 = tpu.vector_load_idx %arg6[%get3A_174] : memref<102400xf32, #tpu.memory_space<vmem>>[vector<16xi32>], vector<16xf32>,
      %sub3A_176 = arith.subf %get3A_159, %gather3A_175 : vector<16xf32>
      %abs3A_177 = math.absf %sub3A_176 : vector<16xf32>
      %add3A_178 = arith.addf %add3A_168, %abs3A_177 : vector<16xf32>
      %mul3A_179 = arith.constant 16 : i32
      %mul3A_180 = arith.muli %scan3A_152, %mul3A_179 : i32
      %get3A_181 = arith.constant 3 : i32
      %get3A_182 = arith.index_cast %get3A_181 : i32 to index
      %get3A_183 = arith.index_cast %mul3A_180 : i32 to index
      %get3A_184 = tpu.vector_load %arg7[%get3A_182, %get3A_183] {strides = array<i32>} : memref<16x640xi32, #tpu.memory_space<vmem>>, vector<16xi32>,
      %gather3A_185 = tpu.vector_load_idx %arg6[%get3A_184] : memref<102400xf32, #tpu.memory_space<vmem>>[vector<16xi32>], vector<16xf32>,
      %sub3A_186 = arith.subf %get3A_159, %gather3A_185 : vector<16xf32>
      %abs3A_187 = math.absf %sub3A_186 : vector<16xf32>
      %add3A_188 = arith.addf %add3A_178, %abs3A_187 : vector<16xf32>
      %mul3A_189 = arith.constant 16 : i32
      %mul3A_190 = arith.muli %scan3A_152, %mul3A_189 : i32
      %get3A_191 = arith.constant 4 : i32
      %get3A_192 = arith.index_cast %get3A_191 : i32 to index
      %get3A_193 = arith.index_cast %mul3A_190 : i32 to index
      %get3A_194 = tpu.vector_load %arg7[%get3A_192, %get3A_193] {strides = array<i32>} : memref<16x640xi32, #tpu.memory_space<vmem>>, vector<16xi32>,
      %gather3A_195 = tpu.vector_load_idx %arg6[%get3A_194] : memref<102400xf32, #tpu.memory_space<vmem>>[vector<16xi32>], vector<16xf32>,
      %sub3A_196 = arith.subf %get3A_159, %gather3A_195 : vector<16xf32>
      %abs3A_197 = math.absf %sub3A_196 : vector<16xf32>
      %add3A_198 = arith.addf %add3A_188, %abs3A_197 : vector<16xf32>
      %mul3A_199 = arith.constant 16 : i32
      %mul3A_200 = arith.muli %scan3A_152, %mul3A_199 : i32
      %get3A_201 = arith.constant 5 : i32
      %get3A_202 = arith.index_cast %get3A_201 : i32 to index
      %get3A_203 = arith.index_cast %mul3A_200 : i32 to index
      %get3A_204 = tpu.vector_load %arg7[%get3A_202, %get3A_203] {strides = array<i32>} : memref<16x640xi32, #tpu.memory_space<vmem>>, vector<16xi32>,
      %gather3A_205 = tpu.vector_load_idx %arg6[%get3A_204] : memref<102400xf32, #tpu.memory_space<vmem>>[vector<16xi32>], vector<16xf32>,
      %sub3A_206 = arith.subf %get3A_159, %gather3A_205 : vector<16xf32>
      %abs3A_207 = math.absf %sub3A_206 : vector<16xf32>
      %add3A_208 = arith.addf %add3A_198, %abs3A_207 : vector<16xf32>
      %mul3A_209 = arith.constant 16 : i32
      %mul3A_210 = arith.muli %scan3A_152, %mul3A_209 : i32
      %get3A_211 = arith.constant 6 : i32
      %get3A_212 = arith.index_cast %get3A_211 : i32 to index
      %get3A_213 = arith.index_cast %mul3A_210 : i32 to index
      %get3A_214 = tpu.vector_load %arg7[%get3A_212, %get3A_213] {strides = array<i32>} : memref<16x640xi32, #tpu.memory_space<vmem>>, vector<16xi32>,
      %gather3A_215 = tpu.vector_load_idx %arg6[%get3A_214] : memref<102400xf32, #tpu.memory_space<vmem>>[vector<16xi32>], vector<16xf32>,
      %sub3A_216 = arith.subf %get3A_159, %gather3A_215 : vector<16xf32>
      %abs3A_217 = math.absf %sub3A_216 : vector<16xf32>
      %add3A_218 = arith.addf %add3A_208, %abs3A_217 : vector<16xf32>
      %mul3A_219 = arith.constant 16 : i32
      %mul3A_220 = arith.muli %scan3A_152, %mul3A_219 : i32
      %get3A_221 = arith.constant 7 : i32
      %get3A_222 = arith.index_cast %get3A_221 : i32 to index
      %get3A_223 = arith.index_cast %mul3A_220 : i32 to index
      %get3A_224 = tpu.vector_load %arg7[%get3A_222, %get3A_223] {strides = array<i32>} : memref<16x640xi32, #tpu.memory_space<vmem>>, vector<16xi32>,
      %gather3A_225 = tpu.vector_load_idx %arg6[%get3A_224] : memref<102400xf32, #tpu.memory_space<vmem>>[vector<16xi32>], vector<16xf32>,
      %sub3A_226 = arith.subf %get3A_159, %gather3A_225 : vector<16xf32>
      %abs3A_227 = math.absf %sub3A_226 : vector<16xf32>
      %add3A_228 = arith.addf %add3A_218, %abs3A_227 : vector<16xf32>
      %mul3A_229 = arith.constant 16 : i32
      %mul3A_230 = arith.muli %scan3A_152, %mul3A_229 : i32
      %get3A_231 = arith.constant 8 : i32
      %get3A_232 = arith.index_cast %get3A_231 : i32 to index
      %get3A_233 = arith.index_cast %mul3A_230 : i32 to index
      %get3A_234 = tpu.vector_load %arg7[%get3A_232, %get3A_233] {strides = array<i32>} : memref<16x640xi32, #tpu.memory_space<vmem>>, vector<16xi32>,
      %gather3A_235 = tpu.vector_load_idx %arg6[%get3A_234] : memref<102400xf32, #tpu.memory_space<vmem>>[vector<16xi32>], vector<16xf32>,
      %sub3A_236 = arith.subf %get3A_159, %gather3A_235 : vector<16xf32>
      %abs3A_237 = math.absf %sub3A_236 : vector<16xf32>
      %add3A_238 = arith.addf %add3A_228, %abs3A_237 : vector<16xf32>
      %mul3A_239 = arith.constant 16 : i32
      %mul3A_240 = arith.muli %scan3A_152, %mul3A_239 : i32
      %get3A_241 = arith.constant 9 : i32
      %get3A_242 = arith.index_cast %get3A_241 : i32 to index
      %get3A_243 = arith.index_cast %mul3A_240 : i32 to index
      %get3A_244 = tpu.vector_load %arg7[%get3A_242, %get3A_243] {strides = array<i32>} : memref<16x640xi32, #tpu.memory_space<vmem>>, vector<16xi32>,
      %gather3A_245 = tpu.vector_load_idx %arg6[%get3A_244] : memref<102400xf32, #tpu.memory_space<vmem>>[vector<16xi32>], vector<16xf32>,
      %sub3A_246 = arith.subf %get3A_159, %gather3A_245 : vector<16xf32>
      %abs3A_247 = math.absf %sub3A_246 : vector<16xf32>
      %add3A_248 = arith.addf %add3A_238, %abs3A_247 : vector<16xf32>
      %mul3A_249 = arith.constant 16 : i32
      %mul3A_250 = arith.muli %scan3A_152, %mul3A_249 : i32
      %get3A_251 = arith.constant 10 : i32
      %get3A_252 = arith.index_cast %get3A_251 : i32 to index
      %get3A_253 = arith.index_cast %mul3A_250 : i32 to index
      %get3A_254 = tpu.vector_load %arg7[%get3A_252, %get3A_253] {strides = array<i32>} : memref<16x640xi32, #tpu.memory_space<vmem>>, vector<16xi32>,
      %gather3A_255 = tpu.vector_load_idx %arg6[%get3A_254] : memref<102400xf32, #tpu.memory_space<vmem>>[vector<16xi32>], vector<16xf32>,
      %sub3A_256 = arith.subf %get3A_159, %gather3A_255 : vector<16xf32>
      %abs3A_257 = math.absf %sub3A_256 : vector<16xf32>
      %add3A_258 = arith.addf %add3A_248, %abs3A_257 : vector<16xf32>
      %mul3A_259 = arith.constant 16 : i32
      %mul3A_260 = arith.muli %scan3A_152, %mul3A_259 : i32
      %get3A_261 = arith.constant 11 : i32
      %get3A_262 = arith.index_cast %get3A_261 : i32 to index
      %get3A_263 = arith.index_cast %mul3A_260 : i32 to index
      %get3A_264 = tpu.vector_load %arg7[%get3A_262, %get3A_263] {strides = array<i32>} : memref<16x640xi32, #tpu.memory_space<vmem>>, vector<16xi32>,
      %gather3A_265 = tpu.vector_load_idx %arg6[%get3A_264] : memref<102400xf32, #tpu.memory_space<vmem>>[vector<16xi32>], vector<16xf32>,
      %sub3A_266 = arith.subf %get3A_159, %gather3A_265 : vector<16xf32>
      %abs3A_267 = math.absf %sub3A_266 : vector<16xf32>
      %add3A_268 = arith.addf %add3A_258, %abs3A_267 : vector<16xf32>
      %mul3A_269 = arith.constant 16 : i32
      %mul3A_270 = arith.muli %scan3A_152, %mul3A_269 : i32
      %get3A_271 = arith.constant 12 : i32
      %get3A_272 = arith.index_cast %get3A_271 : i32 to index
      %get3A_273 = arith.index_cast %mul3A_270 : i32 to index
      %get3A_274 = tpu.vector_load %arg7[%get3A_272, %get3A_273] {strides = array<i32>} : memref<16x640xi32, #tpu.memory_space<vmem>>, vector<16xi32>,
      %gather3A_275 = tpu.vector_load_idx %arg6[%get3A_274] : memref<102400xf32, #tpu.memory_space<vmem>>[vector<16xi32>], vector<16xf32>,
      %sub3A_276 = arith.subf %get3A_159, %gather3A_275 : vector<16xf32>
      %abs3A_277 = math.absf %sub3A_276 : vector<16xf32>
      %add3A_278 = arith.addf %add3A_268, %abs3A_277 : vector<16xf32>
      %mul3A_279 = arith.constant 16 : i32
      %mul3A_280 = arith.muli %scan3A_152, %mul3A_279 : i32
      %get3A_281 = arith.constant 13 : i32
      %get3A_282 = arith.index_cast %get3A_281 : i32 to index
      %get3A_283 = arith.index_cast %mul3A_280 : i32 to index
      %get3A_284 = tpu.vector_load %arg7[%get3A_282, %get3A_283] {strides = array<i32>} : memref<16x640xi32, #tpu.memory_space<vmem>>, vector<16xi32>,
      %gather3A_285 = tpu.vector_load_idx %arg6[%get3A_284] : memref<102400xf32, #tpu.memory_space<vmem>>[vector<16xi32>], vector<16xf32>,
      %sub3A_286 = arith.subf %get3A_159, %gather3A_285 : vector<16xf32>
      %abs3A_287 = math.absf %sub3A_286 : vector<16xf32>
      %add3A_288 = arith.addf %add3A_278, %abs3A_287 : vector<16xf32>
      %mul3A_289 = arith.constant 16 : i32
      %mul3A_290 = arith.muli %scan3A_152, %mul3A_289 : i32
      %get3A_291 = arith.constant 14 : i32
      %get3A_292 = arith.index_cast %get3A_291 : i32 to index
      %get3A_293 = arith.index_cast %mul3A_290 : i32 to index
      %get3A_294 = tpu.vector_load %arg7[%get3A_292, %get3A_293] {strides = array<i32>} : memref<16x640xi32, #tpu.memory_space<vmem>>, vector<16xi32>,
      %gather3A_295 = tpu.vector_load_idx %arg6[%get3A_294] : memref<102400xf32, #tpu.memory_space<vmem>>[vector<16xi32>], vector<16xf32>,
      %sub3A_296 = arith.subf %get3A_159, %gather3A_295 : vector<16xf32>
      %abs3A_297 = math.absf %sub3A_296 : vector<16xf32>
      %add3A_298 = arith.addf %add3A_288, %abs3A_297 : vector<16xf32>
      %mul3A_299 = arith.constant 16 : i32
      %mul3A_300 = arith.muli %scan3A_152, %mul3A_299 : i32
      %get3A_301 = arith.constant 15 : i32
      %get3A_302 = arith.index_cast %get3A_301 : i32 to index
      %get3A_303 = arith.index_cast %mul3A_300 : i32 to index
      %get3A_304 = tpu.vector_load %arg7[%get3A_302, %get3A_303] {strides = array<i32>} : memref<16x640xi32, #tpu.memory_space<vmem>>, vector<16xi32>,
      %gather3A_305 = tpu.vector_load_idx %arg6[%get3A_304] : memref<102400xf32, #tpu.memory_space<vmem>>[vector<16xi32>], vector<16xf32>,
      %sub3A_306 = arith.subf %get3A_159, %gather3A_305 : vector<16xf32>
      %abs3A_307 = math.absf %sub3A_306 : vector<16xf32>
      %add3A_308 = arith.addf %add3A_298, %abs3A_307 : vector<16xf32>
      %swap3A_309 = arith.index_cast %add3A_157 : i32 to index
      %swap3A_310 = tpu.vector_load %arg8[%swap3A_309] {strides = array<i32>} : memref<3200xf32, #tpu.memory_space<vmem>>, vector<16xf32>,
      tpu.vector_store %arg8[%swap3A_309], %add3A_308 {strides = array<i32>} : memref<3200xf32, #tpu.memory_space<vmem>>, vector<16xf32>,
      %scan3A_311 = arith.constant 0 : i32
      scf.yield %scan3A_311 : i32
    }
    %scan3A_80 = arith.constant 40 : i32
    %add3A_81 = arith.constant 1920 : i32
    %add3A_82 = arith.addi %mul3A_2, %add3A_81 : i32
    "tpu.region"() ({
      %run_scoped3A = tpu.sem_alloc : memref<!tpu.dma_semaphore, #tpu.memory_space<semaphore_mem>>
      %dma_start3A = arith.constant 0 : i32
      %dma_start3A_152 = tpu.memref_slice %arg3[%dma_start3A, %add3A_82] : memref<16x102400xi32, #tpu.memory_space<hbm>> -> memref<16x640xi32, #tpu.memory_space<hbm>>
      %dma_start3A_153 = arith.constant 0 : i32
      %dma_start3A_154 = tpu.memref_slice %arg3[%dma_start3A_153, %add3A_82] : memref<16x102400xi32, #tpu.memory_space<hbm>> -> memref<16x640xi32, #tpu.memory_space<hbm>>
      tpu.enqueue_dma source(%dma_start3A_154 : memref<16x640xi32, #tpu.memory_space<hbm>>) target(%arg7 : memref<16x640xi32, #tpu.memory_space<vmem>>) target_semaphore(%run_scoped3A : memref<!tpu.dma_semaphore, #tpu.memory_space<semaphore_mem>>)
      %dma_wait3A = arith.constant 0 : i32
      %dma_wait3A_155 = tpu.memref_slice %arg3[%dma_wait3A, %add3A_82] : memref<16x102400xi32, #tpu.memory_space<hbm>> -> memref<16x640xi32, #tpu.memory_space<hbm>>
      %dma_wait3A_156 = arith.constant 0 : i32
      %dma_wait3A_157 = tpu.memref_slice %arg3[%dma_wait3A_156, %add3A_82] : memref<16x102400xi32, #tpu.memory_space<hbm>> -> memref<16x640xi32, #tpu.memory_space<hbm>>
      tpu.wait_dma2 semaphore(%run_scoped3A : memref<!tpu.dma_semaphore, #tpu.memory_space<semaphore_mem>>) src(%dma_wait3A_157 : memref<16x640xi32, #tpu.memory_space<hbm>>) dst(%arg7 : memref<16x640xi32, #tpu.memory_space<vmem>>)
      tpu.yield
    }) : () -> ()
    %scan3A_83 = arith.constant 0 : i32
    %scan3A_84 = arith.constant 0 : i32
    %scan3A_85 = arith.constant 40 : i32
    %scan3A_86 = arith.addi %scan3A_84, %scan3A_85 : i32
    %scan3A_87 = arith.constant 1 : i32
    %scan3A_88 = scf.for %scan3A_152 = %scan3A_84 to %scan3A_86 step %scan3A_87 iter_args(%scan3A_153 = %scan3A_83) -> (i32)  : i32 {
      %mul3A_154 = arith.constant 16 : i32
      %mul3A_155 = arith.muli %scan3A_152, %mul3A_154 : i32
      %add3A_156 = arith.constant 1920 : i32
      %add3A_157 = arith.addi %add3A_156, %mul3A_155 : i32
      %add3A_158 = arith.addi %mul3A_2, %add3A_157 : i32
      %get3A = arith.index_cast %add3A_158 : i32 to index
      %get3A_159 = tpu.vector_load %arg6[%get3A] {strides = array<i32>} : memref<102400xf32, #tpu.memory_space<vmem>>, vector<16xf32>,
      %get3A_160 = arith.index_cast %add3A_157 : i32 to index
      %get3A_161 = tpu.vector_load %arg8[%get3A_160] {strides = array<i32>} : memref<3200xf32, #tpu.memory_space<vmem>>, vector<16xf32>,
      %mul3A_162 = arith.constant 16 : i32
      %mul3A_163 = arith.muli %scan3A_152, %mul3A_162 : i32
      %get3A_164 = arith.constant 1 : i32
      %get3A_165 = arith.index_cast %get3A_164 : i32 to index
      %get3A_166 = arith.index_cast %mul3A_163 : i32 to index
      %get3A_167 = tpu.vector_load %arg7[%get3A_165, %get3A_166] {strides = array<i32>} : memref<16x640xi32, #tpu.memory_space<vmem>>, vector<16xi32>,
      %gather3A = tpu.vector_load_idx %arg6[%get3A_167] : memref<102400xf32, #tpu.memory_space<vmem>>[vector<16xi32>], vector<16xf32>,
      %sub3A = arith.subf %get3A_159, %gather3A : vector<16xf32>
      %abs3A = math.absf %sub3A : vector<16xf32>
      %add3A_168 = arith.addf %get3A_161, %abs3A : vector<16xf32>
      %mul3A_169 = arith.constant 16 : i32
      %mul3A_170 = arith.muli %scan3A_152, %mul3A_169 : i32
      %get3A_171 = arith.constant 2 : i32
      %get3A_172 = arith.index_cast %get3A_171 : i32 to index
      %get3A_173 = arith.index_cast %mul3A_170 : i32 to index
      %get3A_174 = tpu.vector_load %arg7[%get3A_172, %get3A_173] {strides = array<i32>} : memref<16x640xi32, #tpu.memory_space<vmem>>, vector<16xi32>,
      %gather3A_175 = tpu.vector_load_idx %arg6[%get3A_174] : memref<102400xf32, #tpu.memory_space<vmem>>[vector<16xi32>], vector<16xf32>,
      %sub3A_176 = arith.subf %get3A_159, %gather3A_175 : vector<16xf32>
      %abs3A_177 = math.absf %sub3A_176 : vector<16xf32>
      %add3A_178 = arith.addf %add3A_168, %abs3A_177 : vector<16xf32>
      %mul3A_179 = arith.constant 16 : i32
      %mul3A_180 = arith.muli %scan3A_152, %mul3A_179 : i32
      %get3A_181 = arith.constant 3 : i32
      %get3A_182 = arith.index_cast %get3A_181 : i32 to index
      %get3A_183 = arith.index_cast %mul3A_180 : i32 to index
      %get3A_184 = tpu.vector_load %arg7[%get3A_182, %get3A_183] {strides = array<i32>} : memref<16x640xi32, #tpu.memory_space<vmem>>, vector<16xi32>,
      %gather3A_185 = tpu.vector_load_idx %arg6[%get3A_184] : memref<102400xf32, #tpu.memory_space<vmem>>[vector<16xi32>], vector<16xf32>,
      %sub3A_186 = arith.subf %get3A_159, %gather3A_185 : vector<16xf32>
      %abs3A_187 = math.absf %sub3A_186 : vector<16xf32>
      %add3A_188 = arith.addf %add3A_178, %abs3A_187 : vector<16xf32>
      %mul3A_189 = arith.constant 16 : i32
      %mul3A_190 = arith.muli %scan3A_152, %mul3A_189 : i32
      %get3A_191 = arith.constant 4 : i32
      %get3A_192 = arith.index_cast %get3A_191 : i32 to index
      %get3A_193 = arith.index_cast %mul3A_190 : i32 to index
      %get3A_194 = tpu.vector_load %arg7[%get3A_192, %get3A_193] {strides = array<i32>} : memref<16x640xi32, #tpu.memory_space<vmem>>, vector<16xi32>,
      %gather3A_195 = tpu.vector_load_idx %arg6[%get3A_194] : memref<102400xf32, #tpu.memory_space<vmem>>[vector<16xi32>], vector<16xf32>,
      %sub3A_196 = arith.subf %get3A_159, %gather3A_195 : vector<16xf32>
      %abs3A_197 = math.absf %sub3A_196 : vector<16xf32>
      %add3A_198 = arith.addf %add3A_188, %abs3A_197 : vector<16xf32>
      %mul3A_199 = arith.constant 16 : i32
      %mul3A_200 = arith.muli %scan3A_152, %mul3A_199 : i32
      %get3A_201 = arith.constant 5 : i32
      %get3A_202 = arith.index_cast %get3A_201 : i32 to index
      %get3A_203 = arith.index_cast %mul3A_200 : i32 to index
      %get3A_204 = tpu.vector_load %arg7[%get3A_202, %get3A_203] {strides = array<i32>} : memref<16x640xi32, #tpu.memory_space<vmem>>, vector<16xi32>,
      %gather3A_205 = tpu.vector_load_idx %arg6[%get3A_204] : memref<102400xf32, #tpu.memory_space<vmem>>[vector<16xi32>], vector<16xf32>,
      %sub3A_206 = arith.subf %get3A_159, %gather3A_205 : vector<16xf32>
      %abs3A_207 = math.absf %sub3A_206 : vector<16xf32>
      %add3A_208 = arith.addf %add3A_198, %abs3A_207 : vector<16xf32>
      %mul3A_209 = arith.constant 16 : i32
      %mul3A_210 = arith.muli %scan3A_152, %mul3A_209 : i32
      %get3A_211 = arith.constant 6 : i32
      %get3A_212 = arith.index_cast %get3A_211 : i32 to index
      %get3A_213 = arith.index_cast %mul3A_210 : i32 to index
      %get3A_214 = tpu.vector_load %arg7[%get3A_212, %get3A_213] {strides = array<i32>} : memref<16x640xi32, #tpu.memory_space<vmem>>, vector<16xi32>,
      %gather3A_215 = tpu.vector_load_idx %arg6[%get3A_214] : memref<102400xf32, #tpu.memory_space<vmem>>[vector<16xi32>], vector<16xf32>,
      %sub3A_216 = arith.subf %get3A_159, %gather3A_215 : vector<16xf32>
      %abs3A_217 = math.absf %sub3A_216 : vector<16xf32>
      %add3A_218 = arith.addf %add3A_208, %abs3A_217 : vector<16xf32>
      %mul3A_219 = arith.constant 16 : i32
      %mul3A_220 = arith.muli %scan3A_152, %mul3A_219 : i32
      %get3A_221 = arith.constant 7 : i32
      %get3A_222 = arith.index_cast %get3A_221 : i32 to index
      %get3A_223 = arith.index_cast %mul3A_220 : i32 to index
      %get3A_224 = tpu.vector_load %arg7[%get3A_222, %get3A_223] {strides = array<i32>} : memref<16x640xi32, #tpu.memory_space<vmem>>, vector<16xi32>,
      %gather3A_225 = tpu.vector_load_idx %arg6[%get3A_224] : memref<102400xf32, #tpu.memory_space<vmem>>[vector<16xi32>], vector<16xf32>,
      %sub3A_226 = arith.subf %get3A_159, %gather3A_225 : vector<16xf32>
      %abs3A_227 = math.absf %sub3A_226 : vector<16xf32>
      %add3A_228 = arith.addf %add3A_218, %abs3A_227 : vector<16xf32>
      %mul3A_229 = arith.constant 16 : i32
      %mul3A_230 = arith.muli %scan3A_152, %mul3A_229 : i32
      %get3A_231 = arith.constant 8 : i32
      %get3A_232 = arith.index_cast %get3A_231 : i32 to index
      %get3A_233 = arith.index_cast %mul3A_230 : i32 to index
      %get3A_234 = tpu.vector_load %arg7[%get3A_232, %get3A_233] {strides = array<i32>} : memref<16x640xi32, #tpu.memory_space<vmem>>, vector<16xi32>,
      %gather3A_235 = tpu.vector_load_idx %arg6[%get3A_234] : memref<102400xf32, #tpu.memory_space<vmem>>[vector<16xi32>], vector<16xf32>,
      %sub3A_236 = arith.subf %get3A_159, %gather3A_235 : vector<16xf32>
      %abs3A_237 = math.absf %sub3A_236 : vector<16xf32>
      %add3A_238 = arith.addf %add3A_228, %abs3A_237 : vector<16xf32>
      %mul3A_239 = arith.constant 16 : i32
      %mul3A_240 = arith.muli %scan3A_152, %mul3A_239 : i32
      %get3A_241 = arith.constant 9 : i32
      %get3A_242 = arith.index_cast %get3A_241 : i32 to index
      %get3A_243 = arith.index_cast %mul3A_240 : i32 to index
      %get3A_244 = tpu.vector_load %arg7[%get3A_242, %get3A_243] {strides = array<i32>} : memref<16x640xi32, #tpu.memory_space<vmem>>, vector<16xi32>,
      %gather3A_245 = tpu.vector_load_idx %arg6[%get3A_244] : memref<102400xf32, #tpu.memory_space<vmem>>[vector<16xi32>], vector<16xf32>,
      %sub3A_246 = arith.subf %get3A_159, %gather3A_245 : vector<16xf32>
      %abs3A_247 = math.absf %sub3A_246 : vector<16xf32>
      %add3A_248 = arith.addf %add3A_238, %abs3A_247 : vector<16xf32>
      %mul3A_249 = arith.constant 16 : i32
      %mul3A_250 = arith.muli %scan3A_152, %mul3A_249 : i32
      %get3A_251 = arith.constant 10 : i32
      %get3A_252 = arith.index_cast %get3A_251 : i32 to index
      %get3A_253 = arith.index_cast %mul3A_250 : i32 to index
      %get3A_254 = tpu.vector_load %arg7[%get3A_252, %get3A_253] {strides = array<i32>} : memref<16x640xi32, #tpu.memory_space<vmem>>, vector<16xi32>,
      %gather3A_255 = tpu.vector_load_idx %arg6[%get3A_254] : memref<102400xf32, #tpu.memory_space<vmem>>[vector<16xi32>], vector<16xf32>,
      %sub3A_256 = arith.subf %get3A_159, %gather3A_255 : vector<16xf32>
      %abs3A_257 = math.absf %sub3A_256 : vector<16xf32>
      %add3A_258 = arith.addf %add3A_248, %abs3A_257 : vector<16xf32>
      %mul3A_259 = arith.constant 16 : i32
      %mul3A_260 = arith.muli %scan3A_152, %mul3A_259 : i32
      %get3A_261 = arith.constant 11 : i32
      %get3A_262 = arith.index_cast %get3A_261 : i32 to index
      %get3A_263 = arith.index_cast %mul3A_260 : i32 to index
      %get3A_264 = tpu.vector_load %arg7[%get3A_262, %get3A_263] {strides = array<i32>} : memref<16x640xi32, #tpu.memory_space<vmem>>, vector<16xi32>,
      %gather3A_265 = tpu.vector_load_idx %arg6[%get3A_264] : memref<102400xf32, #tpu.memory_space<vmem>>[vector<16xi32>], vector<16xf32>,
      %sub3A_266 = arith.subf %get3A_159, %gather3A_265 : vector<16xf32>
      %abs3A_267 = math.absf %sub3A_266 : vector<16xf32>
      %add3A_268 = arith.addf %add3A_258, %abs3A_267 : vector<16xf32>
      %mul3A_269 = arith.constant 16 : i32
      %mul3A_270 = arith.muli %scan3A_152, %mul3A_269 : i32
      %get3A_271 = arith.constant 12 : i32
      %get3A_272 = arith.index_cast %get3A_271 : i32 to index
      %get3A_273 = arith.index_cast %mul3A_270 : i32 to index
      %get3A_274 = tpu.vector_load %arg7[%get3A_272, %get3A_273] {strides = array<i32>} : memref<16x640xi32, #tpu.memory_space<vmem>>, vector<16xi32>,
      %gather3A_275 = tpu.vector_load_idx %arg6[%get3A_274] : memref<102400xf32, #tpu.memory_space<vmem>>[vector<16xi32>], vector<16xf32>,
      %sub3A_276 = arith.subf %get3A_159, %gather3A_275 : vector<16xf32>
      %abs3A_277 = math.absf %sub3A_276 : vector<16xf32>
      %add3A_278 = arith.addf %add3A_268, %abs3A_277 : vector<16xf32>
      %mul3A_279 = arith.constant 16 : i32
      %mul3A_280 = arith.muli %scan3A_152, %mul3A_279 : i32
      %get3A_281 = arith.constant 13 : i32
      %get3A_282 = arith.index_cast %get3A_281 : i32 to index
      %get3A_283 = arith.index_cast %mul3A_280 : i32 to index
      %get3A_284 = tpu.vector_load %arg7[%get3A_282, %get3A_283] {strides = array<i32>} : memref<16x640xi32, #tpu.memory_space<vmem>>, vector<16xi32>,
      %gather3A_285 = tpu.vector_load_idx %arg6[%get3A_284] : memref<102400xf32, #tpu.memory_space<vmem>>[vector<16xi32>], vector<16xf32>,
      %sub3A_286 = arith.subf %get3A_159, %gather3A_285 : vector<16xf32>
      %abs3A_287 = math.absf %sub3A_286 : vector<16xf32>
      %add3A_288 = arith.addf %add3A_278, %abs3A_287 : vector<16xf32>
      %mul3A_289 = arith.constant 16 : i32
      %mul3A_290 = arith.muli %scan3A_152, %mul3A_289 : i32
      %get3A_291 = arith.constant 14 : i32
      %get3A_292 = arith.index_cast %get3A_291 : i32 to index
      %get3A_293 = arith.index_cast %mul3A_290 : i32 to index
      %get3A_294 = tpu.vector_load %arg7[%get3A_292, %get3A_293] {strides = array<i32>} : memref<16x640xi32, #tpu.memory_space<vmem>>, vector<16xi32>,
      %gather3A_295 = tpu.vector_load_idx %arg6[%get3A_294] : memref<102400xf32, #tpu.memory_space<vmem>>[vector<16xi32>], vector<16xf32>,
      %sub3A_296 = arith.subf %get3A_159, %gather3A_295 : vector<16xf32>
      %abs3A_297 = math.absf %sub3A_296 : vector<16xf32>
      %add3A_298 = arith.addf %add3A_288, %abs3A_297 : vector<16xf32>
      %mul3A_299 = arith.constant 16 : i32
      %mul3A_300 = arith.muli %scan3A_152, %mul3A_299 : i32
      %get3A_301 = arith.constant 15 : i32
      %get3A_302 = arith.index_cast %get3A_301 : i32 to index
      %get3A_303 = arith.index_cast %mul3A_300 : i32 to index
      %get3A_304 = tpu.vector_load %arg7[%get3A_302, %get3A_303] {strides = array<i32>} : memref<16x640xi32, #tpu.memory_space<vmem>>, vector<16xi32>,
      %gather3A_305 = tpu.vector_load_idx %arg6[%get3A_304] : memref<102400xf32, #tpu.memory_space<vmem>>[vector<16xi32>], vector<16xf32>,
      %sub3A_306 = arith.subf %get3A_159, %gather3A_305 : vector<16xf32>
      %abs3A_307 = math.absf %sub3A_306 : vector<16xf32>
      %add3A_308 = arith.addf %add3A_298, %abs3A_307 : vector<16xf32>
      %swap3A_309 = arith.index_cast %add3A_157 : i32 to index
      %swap3A_310 = tpu.vector_load %arg8[%swap3A_309] {strides = array<i32>} : memref<3200xf32, #tpu.memory_space<vmem>>, vector<16xf32>,
      tpu.vector_store %arg8[%swap3A_309], %add3A_308 {strides = array<i32>} : memref<3200xf32, #tpu.memory_space<vmem>>, vector<16xf32>,
      %scan3A_311 = arith.constant 0 : i32
      scf.yield %scan3A_311 : i32
    }
    %scan3A_89 = arith.constant 40 : i32
    %add3A_90 = arith.constant 2560 : i32
    %add3A_91 = arith.addi %mul3A_2, %add3A_90 : i32
    "tpu.region"() ({
      %run_scoped3A = tpu.sem_alloc : memref<!tpu.dma_semaphore, #tpu.memory_space<semaphore_mem>>
      %dma_start3A = arith.constant 0 : i32
      %dma_start3A_152 = tpu.memref_slice %arg3[%dma_start3A, %add3A_91] : memref<16x102400xi32, #tpu.memory_space<hbm>> -> memref<16x640xi32, #tpu.memory_space<hbm>>
      %dma_start3A_153 = arith.constant 0 : i32
      %dma_start3A_154 = tpu.memref_slice %arg3[%dma_start3A_153, %add3A_91] : memref<16x102400xi32, #tpu.memory_space<hbm>> -> memref<16x640xi32, #tpu.memory_space<hbm>>
      tpu.enqueue_dma source(%dma_start3A_154 : memref<16x640xi32, #tpu.memory_space<hbm>>) target(%arg7 : memref<16x640xi32, #tpu.memory_space<vmem>>) target_semaphore(%run_scoped3A : memref<!tpu.dma_semaphore, #tpu.memory_space<semaphore_mem>>)
      %dma_wait3A = arith.constant 0 : i32
      %dma_wait3A_155 = tpu.memref_slice %arg3[%dma_wait3A, %add3A_91] : memref<16x102400xi32, #tpu.memory_space<hbm>> -> memref<16x640xi32, #tpu.memory_space<hbm>>
      %dma_wait3A_156 = arith.constant 0 : i32
      %dma_wait3A_157 = tpu.memref_slice %arg3[%dma_wait3A_156, %add3A_91] : memref<16x102400xi32, #tpu.memory_space<hbm>> -> memref<16x640xi32, #tpu.memory_space<hbm>>
      tpu.wait_dma2 semaphore(%run_scoped3A : memref<!tpu.dma_semaphore, #tpu.memory_space<semaphore_mem>>) src(%dma_wait3A_157 : memref<16x640xi32, #tpu.memory_space<hbm>>) dst(%arg7 : memref<16x640xi32, #tpu.memory_space<vmem>>)
      tpu.yield
    }) : () -> ()
    %scan3A_92 = arith.constant 0 : i32
    %scan3A_93 = arith.constant 0 : i32
    %scan3A_94 = arith.constant 40 : i32
    %scan3A_95 = arith.addi %scan3A_93, %scan3A_94 : i32
    %scan3A_96 = arith.constant 1 : i32
    %scan3A_97 = scf.for %scan3A_152 = %scan3A_93 to %scan3A_95 step %scan3A_96 iter_args(%scan3A_153 = %scan3A_92) -> (i32)  : i32 {
      %mul3A_154 = arith.constant 16 : i32
      %mul3A_155 = arith.muli %scan3A_152, %mul3A_154 : i32
      %add3A_156 = arith.constant 2560 : i32
      %add3A_157 = arith.addi %add3A_156, %mul3A_155 : i32
      %add3A_158 = arith.addi %mul3A_2, %add3A_157 : i32
      %get3A = arith.index_cast %add3A_158 : i32 to index
      %get3A_159 = tpu.vector_load %arg6[%get3A] {strides = array<i32>} : memref<102400xf32, #tpu.memory_space<vmem>>, vector<16xf32>,
      %get3A_160 = arith.index_cast %add3A_157 : i32 to index
      %get3A_161 = tpu.vector_load %arg8[%get3A_160] {strides = array<i32>} : memref<3200xf32, #tpu.memory_space<vmem>>, vector<16xf32>,
      %mul3A_162 = arith.constant 16 : i32
      %mul3A_163 = arith.muli %scan3A_152, %mul3A_162 : i32
      %get3A_164 = arith.constant 1 : i32
      %get3A_165 = arith.index_cast %get3A_164 : i32 to index
      %get3A_166 = arith.index_cast %mul3A_163 : i32 to index
      %get3A_167 = tpu.vector_load %arg7[%get3A_165, %get3A_166] {strides = array<i32>} : memref<16x640xi32, #tpu.memory_space<vmem>>, vector<16xi32>,
      %gather3A = tpu.vector_load_idx %arg6[%get3A_167] : memref<102400xf32, #tpu.memory_space<vmem>>[vector<16xi32>], vector<16xf32>,
      %sub3A = arith.subf %get3A_159, %gather3A : vector<16xf32>
      %abs3A = math.absf %sub3A : vector<16xf32>
      %add3A_168 = arith.addf %get3A_161, %abs3A : vector<16xf32>
      %mul3A_169 = arith.constant 16 : i32
      %mul3A_170 = arith.muli %scan3A_152, %mul3A_169 : i32
      %get3A_171 = arith.constant 2 : i32
      %get3A_172 = arith.index_cast %get3A_171 : i32 to index
      %get3A_173 = arith.index_cast %mul3A_170 : i32 to index
      %get3A_174 = tpu.vector_load %arg7[%get3A_172, %get3A_173] {strides = array<i32>} : memref<16x640xi32, #tpu.memory_space<vmem>>, vector<16xi32>,
      %gather3A_175 = tpu.vector_load_idx %arg6[%get3A_174] : memref<102400xf32, #tpu.memory_space<vmem>>[vector<16xi32>], vector<16xf32>,
      %sub3A_176 = arith.subf %get3A_159, %gather3A_175 : vector<16xf32>
      %abs3A_177 = math.absf %sub3A_176 : vector<16xf32>
      %add3A_178 = arith.addf %add3A_168, %abs3A_177 : vector<16xf32>
      %mul3A_179 = arith.constant 16 : i32
      %mul3A_180 = arith.muli %scan3A_152, %mul3A_179 : i32
      %get3A_181 = arith.constant 3 : i32
      %get3A_182 = arith.index_cast %get3A_181 : i32 to index
      %get3A_183 = arith.index_cast %mul3A_180 : i32 to index
      %get3A_184 = tpu.vector_load %arg7[%get3A_182, %get3A_183] {strides = array<i32>} : memref<16x640xi32, #tpu.memory_space<vmem>>, vector<16xi32>,
      %gather3A_185 = tpu.vector_load_idx %arg6[%get3A_184] : memref<102400xf32, #tpu.memory_space<vmem>>[vector<16xi32>], vector<16xf32>,
      %sub3A_186 = arith.subf %get3A_159, %gather3A_185 : vector<16xf32>
      %abs3A_187 = math.absf %sub3A_186 : vector<16xf32>
      %add3A_188 = arith.addf %add3A_178, %abs3A_187 : vector<16xf32>
      %mul3A_189 = arith.constant 16 : i32
      %mul3A_190 = arith.muli %scan3A_152, %mul3A_189 : i32
      %get3A_191 = arith.constant 4 : i32
      %get3A_192 = arith.index_cast %get3A_191 : i32 to index
      %get3A_193 = arith.index_cast %mul3A_190 : i32 to index
      %get3A_194 = tpu.vector_load %arg7[%get3A_192, %get3A_193] {strides = array<i32>} : memref<16x640xi32, #tpu.memory_space<vmem>>, vector<16xi32>,
      %gather3A_195 = tpu.vector_load_idx %arg6[%get3A_194] : memref<102400xf32, #tpu.memory_space<vmem>>[vector<16xi32>], vector<16xf32>,
      %sub3A_196 = arith.subf %get3A_159, %gather3A_195 : vector<16xf32>
      %abs3A_197 = math.absf %sub3A_196 : vector<16xf32>
      %add3A_198 = arith.addf %add3A_188, %abs3A_197 : vector<16xf32>
      %mul3A_199 = arith.constant 16 : i32
      %mul3A_200 = arith.muli %scan3A_152, %mul3A_199 : i32
      %get3A_201 = arith.constant 5 : i32
      %get3A_202 = arith.index_cast %get3A_201 : i32 to index
      %get3A_203 = arith.index_cast %mul3A_200 : i32 to index
      %get3A_204 = tpu.vector_load %arg7[%get3A_202, %get3A_203] {strides = array<i32>} : memref<16x640xi32, #tpu.memory_space<vmem>>, vector<16xi32>,
      %gather3A_205 = tpu.vector_load_idx %arg6[%get3A_204] : memref<102400xf32, #tpu.memory_space<vmem>>[vector<16xi32>], vector<16xf32>,
      %sub3A_206 = arith.subf %get3A_159, %gather3A_205 : vector<16xf32>
      %abs3A_207 = math.absf %sub3A_206 : vector<16xf32>
      %add3A_208 = arith.addf %add3A_198, %abs3A_207 : vector<16xf32>
      %mul3A_209 = arith.constant 16 : i32
      %mul3A_210 = arith.muli %scan3A_152, %mul3A_209 : i32
      %get3A_211 = arith.constant 6 : i32
      %get3A_212 = arith.index_cast %get3A_211 : i32 to index
      %get3A_213 = arith.index_cast %mul3A_210 : i32 to index
      %get3A_214 = tpu.vector_load %arg7[%get3A_212, %get3A_213] {strides = array<i32>} : memref<16x640xi32, #tpu.memory_space<vmem>>, vector<16xi32>,
      %gather3A_215 = tpu.vector_load_idx %arg6[%get3A_214] : memref<102400xf32, #tpu.memory_space<vmem>>[vector<16xi32>], vector<16xf32>,
      %sub3A_216 = arith.subf %get3A_159, %gather3A_215 : vector<16xf32>
      %abs3A_217 = math.absf %sub3A_216 : vector<16xf32>
      %add3A_218 = arith.addf %add3A_208, %abs3A_217 : vector<16xf32>
      %mul3A_219 = arith.constant 16 : i32
      %mul3A_220 = arith.muli %scan3A_152, %mul3A_219 : i32
      %get3A_221 = arith.constant 7 : i32
      %get3A_222 = arith.index_cast %get3A_221 : i32 to index
      %get3A_223 = arith.index_cast %mul3A_220 : i32 to index
      %get3A_224 = tpu.vector_load %arg7[%get3A_222, %get3A_223] {strides = array<i32>} : memref<16x640xi32, #tpu.memory_space<vmem>>, vector<16xi32>,
      %gather3A_225 = tpu.vector_load_idx %arg6[%get3A_224] : memref<102400xf32, #tpu.memory_space<vmem>>[vector<16xi32>], vector<16xf32>,
      %sub3A_226 = arith.subf %get3A_159, %gather3A_225 : vector<16xf32>
      %abs3A_227 = math.absf %sub3A_226 : vector<16xf32>
      %add3A_228 = arith.addf %add3A_218, %abs3A_227 : vector<16xf32>
      %mul3A_229 = arith.constant 16 : i32
      %mul3A_230 = arith.muli %scan3A_152, %mul3A_229 : i32
      %get3A_231 = arith.constant 8 : i32
      %get3A_232 = arith.index_cast %get3A_231 : i32 to index
      %get3A_233 = arith.index_cast %mul3A_230 : i32 to index
      %get3A_234 = tpu.vector_load %arg7[%get3A_232, %get3A_233] {strides = array<i32>} : memref<16x640xi32, #tpu.memory_space<vmem>>, vector<16xi32>,
      %gather3A_235 = tpu.vector_load_idx %arg6[%get3A_234] : memref<102400xf32, #tpu.memory_space<vmem>>[vector<16xi32>], vector<16xf32>,
      %sub3A_236 = arith.subf %get3A_159, %gather3A_235 : vector<16xf32>
      %abs3A_237 = math.absf %sub3A_236 : vector<16xf32>
      %add3A_238 = arith.addf %add3A_228, %abs3A_237 : vector<16xf32>
      %mul3A_239 = arith.constant 16 : i32
      %mul3A_240 = arith.muli %scan3A_152, %mul3A_239 : i32
      %get3A_241 = arith.constant 9 : i32
      %get3A_242 = arith.index_cast %get3A_241 : i32 to index
      %get3A_243 = arith.index_cast %mul3A_240 : i32 to index
      %get3A_244 = tpu.vector_load %arg7[%get3A_242, %get3A_243] {strides = array<i32>} : memref<16x640xi32, #tpu.memory_space<vmem>>, vector<16xi32>,
      %gather3A_245 = tpu.vector_load_idx %arg6[%get3A_244] : memref<102400xf32, #tpu.memory_space<vmem>>[vector<16xi32>], vector<16xf32>,
      %sub3A_246 = arith.subf %get3A_159, %gather3A_245 : vector<16xf32>
      %abs3A_247 = math.absf %sub3A_246 : vector<16xf32>
      %add3A_248 = arith.addf %add3A_238, %abs3A_247 : vector<16xf32>
      %mul3A_249 = arith.constant 16 : i32
      %mul3A_250 = arith.muli %scan3A_152, %mul3A_249 : i32
      %get3A_251 = arith.constant 10 : i32
      %get3A_252 = arith.index_cast %get3A_251 : i32 to index
      %get3A_253 = arith.index_cast %mul3A_250 : i32 to index
      %get3A_254 = tpu.vector_load %arg7[%get3A_252, %get3A_253] {strides = array<i32>} : memref<16x640xi32, #tpu.memory_space<vmem>>, vector<16xi32>,
      %gather3A_255 = tpu.vector_load_idx %arg6[%get3A_254] : memref<102400xf32, #tpu.memory_space<vmem>>[vector<16xi32>], vector<16xf32>,
      %sub3A_256 = arith.subf %get3A_159, %gather3A_255 : vector<16xf32>
      %abs3A_257 = math.absf %sub3A_256 : vector<16xf32>
      %add3A_258 = arith.addf %add3A_248, %abs3A_257 : vector<16xf32>
      %mul3A_259 = arith.constant 16 : i32
      %mul3A_260 = arith.muli %scan3A_152, %mul3A_259 : i32
      %get3A_261 = arith.constant 11 : i32
      %get3A_262 = arith.index_cast %get3A_261 : i32 to index
      %get3A_263 = arith.index_cast %mul3A_260 : i32 to index
      %get3A_264 = tpu.vector_load %arg7[%get3A_262, %get3A_263] {strides = array<i32>} : memref<16x640xi32, #tpu.memory_space<vmem>>, vector<16xi32>,
      %gather3A_265 = tpu.vector_load_idx %arg6[%get3A_264] : memref<102400xf32, #tpu.memory_space<vmem>>[vector<16xi32>], vector<16xf32>,
      %sub3A_266 = arith.subf %get3A_159, %gather3A_265 : vector<16xf32>
      %abs3A_267 = math.absf %sub3A_266 : vector<16xf32>
      %add3A_268 = arith.addf %add3A_258, %abs3A_267 : vector<16xf32>
      %mul3A_269 = arith.constant 16 : i32
      %mul3A_270 = arith.muli %scan3A_152, %mul3A_269 : i32
      %get3A_271 = arith.constant 12 : i32
      %get3A_272 = arith.index_cast %get3A_271 : i32 to index
      %get3A_273 = arith.index_cast %mul3A_270 : i32 to index
      %get3A_274 = tpu.vector_load %arg7[%get3A_272, %get3A_273] {strides = array<i32>} : memref<16x640xi32, #tpu.memory_space<vmem>>, vector<16xi32>,
      %gather3A_275 = tpu.vector_load_idx %arg6[%get3A_274] : memref<102400xf32, #tpu.memory_space<vmem>>[vector<16xi32>], vector<16xf32>,
      %sub3A_276 = arith.subf %get3A_159, %gather3A_275 : vector<16xf32>
      %abs3A_277 = math.absf %sub3A_276 : vector<16xf32>
      %add3A_278 = arith.addf %add3A_268, %abs3A_277 : vector<16xf32>
      %mul3A_279 = arith.constant 16 : i32
      %mul3A_280 = arith.muli %scan3A_152, %mul3A_279 : i32
      %get3A_281 = arith.constant 13 : i32
      %get3A_282 = arith.index_cast %get3A_281 : i32 to index
      %get3A_283 = arith.index_cast %mul3A_280 : i32 to index
      %get3A_284 = tpu.vector_load %arg7[%get3A_282, %get3A_283] {strides = array<i32>} : memref<16x640xi32, #tpu.memory_space<vmem>>, vector<16xi32>,
      %gather3A_285 = tpu.vector_load_idx %arg6[%get3A_284] : memref<102400xf32, #tpu.memory_space<vmem>>[vector<16xi32>], vector<16xf32>,
      %sub3A_286 = arith.subf %get3A_159, %gather3A_285 : vector<16xf32>
      %abs3A_287 = math.absf %sub3A_286 : vector<16xf32>
      %add3A_288 = arith.addf %add3A_278, %abs3A_287 : vector<16xf32>
      %mul3A_289 = arith.constant 16 : i32
      %mul3A_290 = arith.muli %scan3A_152, %mul3A_289 : i32
      %get3A_291 = arith.constant 14 : i32
      %get3A_292 = arith.index_cast %get3A_291 : i32 to index
      %get3A_293 = arith.index_cast %mul3A_290 : i32 to index
      %get3A_294 = tpu.vector_load %arg7[%get3A_292, %get3A_293] {strides = array<i32>} : memref<16x640xi32, #tpu.memory_space<vmem>>, vector<16xi32>,
      %gather3A_295 = tpu.vector_load_idx %arg6[%get3A_294] : memref<102400xf32, #tpu.memory_space<vmem>>[vector<16xi32>], vector<16xf32>,
      %sub3A_296 = arith.subf %get3A_159, %gather3A_295 : vector<16xf32>
      %abs3A_297 = math.absf %sub3A_296 : vector<16xf32>
      %add3A_298 = arith.addf %add3A_288, %abs3A_297 : vector<16xf32>
      %mul3A_299 = arith.constant 16 : i32
      %mul3A_300 = arith.muli %scan3A_152, %mul3A_299 : i32
      %get3A_301 = arith.constant 15 : i32
      %get3A_302 = arith.index_cast %get3A_301 : i32 to index
      %get3A_303 = arith.index_cast %mul3A_300 : i32 to index
      %get3A_304 = tpu.vector_load %arg7[%get3A_302, %get3A_303] {strides = array<i32>} : memref<16x640xi32, #tpu.memory_space<vmem>>, vector<16xi32>,
      %gather3A_305 = tpu.vector_load_idx %arg6[%get3A_304] : memref<102400xf32, #tpu.memory_space<vmem>>[vector<16xi32>], vector<16xf32>,
      %sub3A_306 = arith.subf %get3A_159, %gather3A_305 : vector<16xf32>
      %abs3A_307 = math.absf %sub3A_306 : vector<16xf32>
      %add3A_308 = arith.addf %add3A_298, %abs3A_307 : vector<16xf32>
      %swap3A_309 = arith.index_cast %add3A_157 : i32 to index
      %swap3A_310 = tpu.vector_load %arg8[%swap3A_309] {strides = array<i32>} : memref<3200xf32, #tpu.memory_space<vmem>>, vector<16xf32>,
      tpu.vector_store %arg8[%swap3A_309], %add3A_308 {strides = array<i32>} : memref<3200xf32, #tpu.memory_space<vmem>>, vector<16xf32>,
      %scan3A_311 = arith.constant 0 : i32
      scf.yield %scan3A_311 : i32
    }
    %scan3A_98 = arith.constant 40 : i32
    "tpu.region"() ({
      %run_scoped3A = tpu.sem_alloc : memref<!tpu.dma_semaphore, #tpu.memory_space<semaphore_mem>>
      %dma_start3A = arith.constant 204800 : i32
      %dma_start3A_152 = tpu.memref_slice %arg2[%dma_start3A] : memref<307200xf32, #tpu.memory_space<hbm>> -> memref<102400xf32, #tpu.memory_space<hbm>>
      %dma_start3A_153 = arith.constant 204800 : i32
      %dma_start3A_154 = tpu.memref_slice %arg2[%dma_start3A_153] : memref<307200xf32, #tpu.memory_space<hbm>> -> memref<102400xf32, #tpu.memory_space<hbm>>
      tpu.enqueue_dma source(%dma_start3A_154 : memref<102400xf32, #tpu.memory_space<hbm>>) target(%arg6 : memref<102400xf32, #tpu.memory_space<vmem>>) target_semaphore(%run_scoped3A : memref<!tpu.dma_semaphore, #tpu.memory_space<semaphore_mem>>)
      %dma_wait3A = arith.constant 204800 : i32
      %dma_wait3A_155 = tpu.memref_slice %arg2[%dma_wait3A] : memref<307200xf32, #tpu.memory_space<hbm>> -> memref<102400xf32, #tpu.memory_space<hbm>>
      %dma_wait3A_156 = arith.constant 204800 : i32
      %dma_wait3A_157 = tpu.memref_slice %arg2[%dma_wait3A_156] : memref<307200xf32, #tpu.memory_space<hbm>> -> memref<102400xf32, #tpu.memory_space<hbm>>
      tpu.wait_dma2 semaphore(%run_scoped3A : memref<!tpu.dma_semaphore, #tpu.memory_space<semaphore_mem>>) src(%dma_wait3A_157 : memref<102400xf32, #tpu.memory_space<hbm>>) dst(%arg6 : memref<102400xf32, #tpu.memory_space<vmem>>)
      tpu.yield
    }) : () -> ()
    %add3A_99 = arith.constant 0 : i32
    %add3A_100 = arith.addi %mul3A_2, %add3A_99 : i32
    "tpu.region"() ({
      %run_scoped3A = tpu.sem_alloc : memref<!tpu.dma_semaphore, #tpu.memory_space<semaphore_mem>>
      %dma_start3A = arith.constant 0 : i32
      %dma_start3A_152 = tpu.memref_slice %arg3[%dma_start3A, %add3A_100] : memref<16x102400xi32, #tpu.memory_space<hbm>> -> memref<16x640xi32, #tpu.memory_space<hbm>>
      %dma_start3A_153 = arith.constant 0 : i32
      %dma_start3A_154 = tpu.memref_slice %arg3[%dma_start3A_153, %add3A_100] : memref<16x102400xi32, #tpu.memory_space<hbm>> -> memref<16x640xi32, #tpu.memory_space<hbm>>
      tpu.enqueue_dma source(%dma_start3A_154 : memref<16x640xi32, #tpu.memory_space<hbm>>) target(%arg7 : memref<16x640xi32, #tpu.memory_space<vmem>>) target_semaphore(%run_scoped3A : memref<!tpu.dma_semaphore, #tpu.memory_space<semaphore_mem>>)
      %dma_wait3A = arith.constant 0 : i32
      %dma_wait3A_155 = tpu.memref_slice %arg3[%dma_wait3A, %add3A_100] : memref<16x102400xi32, #tpu.memory_space<hbm>> -> memref<16x640xi32, #tpu.memory_space<hbm>>
      %dma_wait3A_156 = arith.constant 0 : i32
      %dma_wait3A_157 = tpu.memref_slice %arg3[%dma_wait3A_156, %add3A_100] : memref<16x102400xi32, #tpu.memory_space<hbm>> -> memref<16x640xi32, #tpu.memory_space<hbm>>
      tpu.wait_dma2 semaphore(%run_scoped3A : memref<!tpu.dma_semaphore, #tpu.memory_space<semaphore_mem>>) src(%dma_wait3A_157 : memref<16x640xi32, #tpu.memory_space<hbm>>) dst(%arg7 : memref<16x640xi32, #tpu.memory_space<vmem>>)
      tpu.yield
    }) : () -> ()
    %scan3A_101 = arith.constant 0 : i32
    %scan3A_102 = arith.constant 0 : i32
    %scan3A_103 = arith.constant 40 : i32
    %scan3A_104 = arith.addi %scan3A_102, %scan3A_103 : i32
    %scan3A_105 = arith.constant 1 : i32
    %scan3A_106 = scf.for %scan3A_152 = %scan3A_102 to %scan3A_104 step %scan3A_105 iter_args(%scan3A_153 = %scan3A_101) -> (i32)  : i32 {
      %mul3A_154 = arith.constant 16 : i32
      %mul3A_155 = arith.muli %scan3A_152, %mul3A_154 : i32
      %add3A_156 = arith.constant 0 : i32
      %add3A_157 = arith.addi %add3A_156, %mul3A_155 : i32
      %add3A_158 = arith.addi %mul3A_2, %add3A_157 : i32
      %get3A = arith.index_cast %add3A_158 : i32 to index
      %get3A_159 = tpu.vector_load %arg6[%get3A] {strides = array<i32>} : memref<102400xf32, #tpu.memory_space<vmem>>, vector<16xf32>,
      %get3A_160 = arith.index_cast %add3A_157 : i32 to index
      %get3A_161 = tpu.vector_load %arg8[%get3A_160] {strides = array<i32>} : memref<3200xf32, #tpu.memory_space<vmem>>, vector<16xf32>,
      %mul3A_162 = arith.constant 16 : i32
      %mul3A_163 = arith.muli %scan3A_152, %mul3A_162 : i32
      %get3A_164 = arith.constant 1 : i32
      %get3A_165 = arith.index_cast %get3A_164 : i32 to index
      %get3A_166 = arith.index_cast %mul3A_163 : i32 to index
      %get3A_167 = tpu.vector_load %arg7[%get3A_165, %get3A_166] {strides = array<i32>} : memref<16x640xi32, #tpu.memory_space<vmem>>, vector<16xi32>,
      %gather3A = tpu.vector_load_idx %arg6[%get3A_167] : memref<102400xf32, #tpu.memory_space<vmem>>[vector<16xi32>], vector<16xf32>,
      %sub3A = arith.subf %get3A_159, %gather3A : vector<16xf32>
      %abs3A = math.absf %sub3A : vector<16xf32>
      %add3A_168 = arith.addf %get3A_161, %abs3A : vector<16xf32>
      %mul3A_169 = arith.constant 16 : i32
      %mul3A_170 = arith.muli %scan3A_152, %mul3A_169 : i32
      %get3A_171 = arith.constant 2 : i32
      %get3A_172 = arith.index_cast %get3A_171 : i32 to index
      %get3A_173 = arith.index_cast %mul3A_170 : i32 to index
      %get3A_174 = tpu.vector_load %arg7[%get3A_172, %get3A_173] {strides = array<i32>} : memref<16x640xi32, #tpu.memory_space<vmem>>, vector<16xi32>,
      %gather3A_175 = tpu.vector_load_idx %arg6[%get3A_174] : memref<102400xf32, #tpu.memory_space<vmem>>[vector<16xi32>], vector<16xf32>,
      %sub3A_176 = arith.subf %get3A_159, %gather3A_175 : vector<16xf32>
      %abs3A_177 = math.absf %sub3A_176 : vector<16xf32>
      %add3A_178 = arith.addf %add3A_168, %abs3A_177 : vector<16xf32>
      %mul3A_179 = arith.constant 16 : i32
      %mul3A_180 = arith.muli %scan3A_152, %mul3A_179 : i32
      %get3A_181 = arith.constant 3 : i32
      %get3A_182 = arith.index_cast %get3A_181 : i32 to index
      %get3A_183 = arith.index_cast %mul3A_180 : i32 to index
      %get3A_184 = tpu.vector_load %arg7[%get3A_182, %get3A_183] {strides = array<i32>} : memref<16x640xi32, #tpu.memory_space<vmem>>, vector<16xi32>,
      %gather3A_185 = tpu.vector_load_idx %arg6[%get3A_184] : memref<102400xf32, #tpu.memory_space<vmem>>[vector<16xi32>], vector<16xf32>,
      %sub3A_186 = arith.subf %get3A_159, %gather3A_185 : vector<16xf32>
      %abs3A_187 = math.absf %sub3A_186 : vector<16xf32>
      %add3A_188 = arith.addf %add3A_178, %abs3A_187 : vector<16xf32>
      %mul3A_189 = arith.constant 16 : i32
      %mul3A_190 = arith.muli %scan3A_152, %mul3A_189 : i32
      %get3A_191 = arith.constant 4 : i32
      %get3A_192 = arith.index_cast %get3A_191 : i32 to index
      %get3A_193 = arith.index_cast %mul3A_190 : i32 to index
      %get3A_194 = tpu.vector_load %arg7[%get3A_192, %get3A_193] {strides = array<i32>} : memref<16x640xi32, #tpu.memory_space<vmem>>, vector<16xi32>,
      %gather3A_195 = tpu.vector_load_idx %arg6[%get3A_194] : memref<102400xf32, #tpu.memory_space<vmem>>[vector<16xi32>], vector<16xf32>,
      %sub3A_196 = arith.subf %get3A_159, %gather3A_195 : vector<16xf32>
      %abs3A_197 = math.absf %sub3A_196 : vector<16xf32>
      %add3A_198 = arith.addf %add3A_188, %abs3A_197 : vector<16xf32>
      %mul3A_199 = arith.constant 16 : i32
      %mul3A_200 = arith.muli %scan3A_152, %mul3A_199 : i32
      %get3A_201 = arith.constant 5 : i32
      %get3A_202 = arith.index_cast %get3A_201 : i32 to index
      %get3A_203 = arith.index_cast %mul3A_200 : i32 to index
      %get3A_204 = tpu.vector_load %arg7[%get3A_202, %get3A_203] {strides = array<i32>} : memref<16x640xi32, #tpu.memory_space<vmem>>, vector<16xi32>,
      %gather3A_205 = tpu.vector_load_idx %arg6[%get3A_204] : memref<102400xf32, #tpu.memory_space<vmem>>[vector<16xi32>], vector<16xf32>,
      %sub3A_206 = arith.subf %get3A_159, %gather3A_205 : vector<16xf32>
      %abs3A_207 = math.absf %sub3A_206 : vector<16xf32>
      %add3A_208 = arith.addf %add3A_198, %abs3A_207 : vector<16xf32>
      %mul3A_209 = arith.constant 16 : i32
      %mul3A_210 = arith.muli %scan3A_152, %mul3A_209 : i32
      %get3A_211 = arith.constant 6 : i32
      %get3A_212 = arith.index_cast %get3A_211 : i32 to index
      %get3A_213 = arith.index_cast %mul3A_210 : i32 to index
      %get3A_214 = tpu.vector_load %arg7[%get3A_212, %get3A_213] {strides = array<i32>} : memref<16x640xi32, #tpu.memory_space<vmem>>, vector<16xi32>,
      %gather3A_215 = tpu.vector_load_idx %arg6[%get3A_214] : memref<102400xf32, #tpu.memory_space<vmem>>[vector<16xi32>], vector<16xf32>,
      %sub3A_216 = arith.subf %get3A_159, %gather3A_215 : vector<16xf32>
      %abs3A_217 = math.absf %sub3A_216 : vector<16xf32>
      %add3A_218 = arith.addf %add3A_208, %abs3A_217 : vector<16xf32>
      %mul3A_219 = arith.constant 16 : i32
      %mul3A_220 = arith.muli %scan3A_152, %mul3A_219 : i32
      %get3A_221 = arith.constant 7 : i32
      %get3A_222 = arith.index_cast %get3A_221 : i32 to index
      %get3A_223 = arith.index_cast %mul3A_220 : i32 to index
      %get3A_224 = tpu.vector_load %arg7[%get3A_222, %get3A_223] {strides = array<i32>} : memref<16x640xi32, #tpu.memory_space<vmem>>, vector<16xi32>,
      %gather3A_225 = tpu.vector_load_idx %arg6[%get3A_224] : memref<102400xf32, #tpu.memory_space<vmem>>[vector<16xi32>], vector<16xf32>,
      %sub3A_226 = arith.subf %get3A_159, %gather3A_225 : vector<16xf32>
      %abs3A_227 = math.absf %sub3A_226 : vector<16xf32>
      %add3A_228 = arith.addf %add3A_218, %abs3A_227 : vector<16xf32>
      %mul3A_229 = arith.constant 16 : i32
      %mul3A_230 = arith.muli %scan3A_152, %mul3A_229 : i32
      %get3A_231 = arith.constant 8 : i32
      %get3A_232 = arith.index_cast %get3A_231 : i32 to index
      %get3A_233 = arith.index_cast %mul3A_230 : i32 to index
      %get3A_234 = tpu.vector_load %arg7[%get3A_232, %get3A_233] {strides = array<i32>} : memref<16x640xi32, #tpu.memory_space<vmem>>, vector<16xi32>,
      %gather3A_235 = tpu.vector_load_idx %arg6[%get3A_234] : memref<102400xf32, #tpu.memory_space<vmem>>[vector<16xi32>], vector<16xf32>,
      %sub3A_236 = arith.subf %get3A_159, %gather3A_235 : vector<16xf32>
      %abs3A_237 = math.absf %sub3A_236 : vector<16xf32>
      %add3A_238 = arith.addf %add3A_228, %abs3A_237 : vector<16xf32>
      %mul3A_239 = arith.constant 16 : i32
      %mul3A_240 = arith.muli %scan3A_152, %mul3A_239 : i32
      %get3A_241 = arith.constant 9 : i32
      %get3A_242 = arith.index_cast %get3A_241 : i32 to index
      %get3A_243 = arith.index_cast %mul3A_240 : i32 to index
      %get3A_244 = tpu.vector_load %arg7[%get3A_242, %get3A_243] {strides = array<i32>} : memref<16x640xi32, #tpu.memory_space<vmem>>, vector<16xi32>,
      %gather3A_245 = tpu.vector_load_idx %arg6[%get3A_244] : memref<102400xf32, #tpu.memory_space<vmem>>[vector<16xi32>], vector<16xf32>,
      %sub3A_246 = arith.subf %get3A_159, %gather3A_245 : vector<16xf32>
      %abs3A_247 = math.absf %sub3A_246 : vector<16xf32>
      %add3A_248 = arith.addf %add3A_238, %abs3A_247 : vector<16xf32>
      %mul3A_249 = arith.constant 16 : i32
      %mul3A_250 = arith.muli %scan3A_152, %mul3A_249 : i32
      %get3A_251 = arith.constant 10 : i32
      %get3A_252 = arith.index_cast %get3A_251 : i32 to index
      %get3A_253 = arith.index_cast %mul3A_250 : i32 to index
      %get3A_254 = tpu.vector_load %arg7[%get3A_252, %get3A_253] {strides = array<i32>} : memref<16x640xi32, #tpu.memory_space<vmem>>, vector<16xi32>,
      %gather3A_255 = tpu.vector_load_idx %arg6[%get3A_254] : memref<102400xf32, #tpu.memory_space<vmem>>[vector<16xi32>], vector<16xf32>,
      %sub3A_256 = arith.subf %get3A_159, %gather3A_255 : vector<16xf32>
      %abs3A_257 = math.absf %sub3A_256 : vector<16xf32>
      %add3A_258 = arith.addf %add3A_248, %abs3A_257 : vector<16xf32>
      %mul3A_259 = arith.constant 16 : i32
      %mul3A_260 = arith.muli %scan3A_152, %mul3A_259 : i32
      %get3A_261 = arith.constant 11 : i32
      %get3A_262 = arith.index_cast %get3A_261 : i32 to index
      %get3A_263 = arith.index_cast %mul3A_260 : i32 to index
      %get3A_264 = tpu.vector_load %arg7[%get3A_262, %get3A_263] {strides = array<i32>} : memref<16x640xi32, #tpu.memory_space<vmem>>, vector<16xi32>,
      %gather3A_265 = tpu.vector_load_idx %arg6[%get3A_264] : memref<102400xf32, #tpu.memory_space<vmem>>[vector<16xi32>], vector<16xf32>,
      %sub3A_266 = arith.subf %get3A_159, %gather3A_265 : vector<16xf32>
      %abs3A_267 = math.absf %sub3A_266 : vector<16xf32>
      %add3A_268 = arith.addf %add3A_258, %abs3A_267 : vector<16xf32>
      %mul3A_269 = arith.constant 16 : i32
      %mul3A_270 = arith.muli %scan3A_152, %mul3A_269 : i32
      %get3A_271 = arith.constant 12 : i32
      %get3A_272 = arith.index_cast %get3A_271 : i32 to index
      %get3A_273 = arith.index_cast %mul3A_270 : i32 to index
      %get3A_274 = tpu.vector_load %arg7[%get3A_272, %get3A_273] {strides = array<i32>} : memref<16x640xi32, #tpu.memory_space<vmem>>, vector<16xi32>,
      %gather3A_275 = tpu.vector_load_idx %arg6[%get3A_274] : memref<102400xf32, #tpu.memory_space<vmem>>[vector<16xi32>], vector<16xf32>,
      %sub3A_276 = arith.subf %get3A_159, %gather3A_275 : vector<16xf32>
      %abs3A_277 = math.absf %sub3A_276 : vector<16xf32>
      %add3A_278 = arith.addf %add3A_268, %abs3A_277 : vector<16xf32>
      %mul3A_279 = arith.constant 16 : i32
      %mul3A_280 = arith.muli %scan3A_152, %mul3A_279 : i32
      %get3A_281 = arith.constant 13 : i32
      %get3A_282 = arith.index_cast %get3A_281 : i32 to index
      %get3A_283 = arith.index_cast %mul3A_280 : i32 to index
      %get3A_284 = tpu.vector_load %arg7[%get3A_282, %get3A_283] {strides = array<i32>} : memref<16x640xi32, #tpu.memory_space<vmem>>, vector<16xi32>,
      %gather3A_285 = tpu.vector_load_idx %arg6[%get3A_284] : memref<102400xf32, #tpu.memory_space<vmem>>[vector<16xi32>], vector<16xf32>,
      %sub3A_286 = arith.subf %get3A_159, %gather3A_285 : vector<16xf32>
      %abs3A_287 = math.absf %sub3A_286 : vector<16xf32>
      %add3A_288 = arith.addf %add3A_278, %abs3A_287 : vector<16xf32>
      %mul3A_289 = arith.constant 16 : i32
      %mul3A_290 = arith.muli %scan3A_152, %mul3A_289 : i32
      %get3A_291 = arith.constant 14 : i32
      %get3A_292 = arith.index_cast %get3A_291 : i32 to index
      %get3A_293 = arith.index_cast %mul3A_290 : i32 to index
      %get3A_294 = tpu.vector_load %arg7[%get3A_292, %get3A_293] {strides = array<i32>} : memref<16x640xi32, #tpu.memory_space<vmem>>, vector<16xi32>,
      %gather3A_295 = tpu.vector_load_idx %arg6[%get3A_294] : memref<102400xf32, #tpu.memory_space<vmem>>[vector<16xi32>], vector<16xf32>,
      %sub3A_296 = arith.subf %get3A_159, %gather3A_295 : vector<16xf32>
      %abs3A_297 = math.absf %sub3A_296 : vector<16xf32>
      %add3A_298 = arith.addf %add3A_288, %abs3A_297 : vector<16xf32>
      %mul3A_299 = arith.constant 16 : i32
      %mul3A_300 = arith.muli %scan3A_152, %mul3A_299 : i32
      %get3A_301 = arith.constant 15 : i32
      %get3A_302 = arith.index_cast %get3A_301 : i32 to index
      %get3A_303 = arith.index_cast %mul3A_300 : i32 to index
      %get3A_304 = tpu.vector_load %arg7[%get3A_302, %get3A_303] {strides = array<i32>} : memref<16x640xi32, #tpu.memory_space<vmem>>, vector<16xi32>,
      %gather3A_305 = tpu.vector_load_idx %arg6[%get3A_304] : memref<102400xf32, #tpu.memory_space<vmem>>[vector<16xi32>], vector<16xf32>,
      %sub3A_306 = arith.subf %get3A_159, %gather3A_305 : vector<16xf32>
      %abs3A_307 = math.absf %sub3A_306 : vector<16xf32>
      %add3A_308 = arith.addf %add3A_298, %abs3A_307 : vector<16xf32>
      %swap3A_309 = arith.index_cast %add3A_157 : i32 to index
      %swap3A_310 = tpu.vector_load %arg8[%swap3A_309] {strides = array<i32>} : memref<3200xf32, #tpu.memory_space<vmem>>, vector<16xf32>,
      tpu.vector_store %arg8[%swap3A_309], %add3A_308 {strides = array<i32>} : memref<3200xf32, #tpu.memory_space<vmem>>, vector<16xf32>,
      %scan3A_311 = arith.constant 0 : i32
      scf.yield %scan3A_311 : i32
    }
    %scan3A_107 = arith.constant 40 : i32
    %add3A_108 = arith.constant 640 : i32
    %add3A_109 = arith.addi %mul3A_2, %add3A_108 : i32
    "tpu.region"() ({
      %run_scoped3A = tpu.sem_alloc : memref<!tpu.dma_semaphore, #tpu.memory_space<semaphore_mem>>
      %dma_start3A = arith.constant 0 : i32
      %dma_start3A_152 = tpu.memref_slice %arg3[%dma_start3A, %add3A_109] : memref<16x102400xi32, #tpu.memory_space<hbm>> -> memref<16x640xi32, #tpu.memory_space<hbm>>
      %dma_start3A_153 = arith.constant 0 : i32
      %dma_start3A_154 = tpu.memref_slice %arg3[%dma_start3A_153, %add3A_109] : memref<16x102400xi32, #tpu.memory_space<hbm>> -> memref<16x640xi32, #tpu.memory_space<hbm>>
      tpu.enqueue_dma source(%dma_start3A_154 : memref<16x640xi32, #tpu.memory_space<hbm>>) target(%arg7 : memref<16x640xi32, #tpu.memory_space<vmem>>) target_semaphore(%run_scoped3A : memref<!tpu.dma_semaphore, #tpu.memory_space<semaphore_mem>>)
      %dma_wait3A = arith.constant 0 : i32
      %dma_wait3A_155 = tpu.memref_slice %arg3[%dma_wait3A, %add3A_109] : memref<16x102400xi32, #tpu.memory_space<hbm>> -> memref<16x640xi32, #tpu.memory_space<hbm>>
      %dma_wait3A_156 = arith.constant 0 : i32
      %dma_wait3A_157 = tpu.memref_slice %arg3[%dma_wait3A_156, %add3A_109] : memref<16x102400xi32, #tpu.memory_space<hbm>> -> memref<16x640xi32, #tpu.memory_space<hbm>>
      tpu.wait_dma2 semaphore(%run_scoped3A : memref<!tpu.dma_semaphore, #tpu.memory_space<semaphore_mem>>) src(%dma_wait3A_157 : memref<16x640xi32, #tpu.memory_space<hbm>>) dst(%arg7 : memref<16x640xi32, #tpu.memory_space<vmem>>)
      tpu.yield
    }) : () -> ()
    %scan3A_110 = arith.constant 0 : i32
    %scan3A_111 = arith.constant 0 : i32
    %scan3A_112 = arith.constant 40 : i32
    %scan3A_113 = arith.addi %scan3A_111, %scan3A_112 : i32
    %scan3A_114 = arith.constant 1 : i32
    %scan3A_115 = scf.for %scan3A_152 = %scan3A_111 to %scan3A_113 step %scan3A_114 iter_args(%scan3A_153 = %scan3A_110) -> (i32)  : i32 {
      %mul3A_154 = arith.constant 16 : i32
      %mul3A_155 = arith.muli %scan3A_152, %mul3A_154 : i32
      %add3A_156 = arith.constant 640 : i32
      %add3A_157 = arith.addi %add3A_156, %mul3A_155 : i32
      %add3A_158 = arith.addi %mul3A_2, %add3A_157 : i32
      %get3A = arith.index_cast %add3A_158 : i32 to index
      %get3A_159 = tpu.vector_load %arg6[%get3A] {strides = array<i32>} : memref<102400xf32, #tpu.memory_space<vmem>>, vector<16xf32>,
      %get3A_160 = arith.index_cast %add3A_157 : i32 to index
      %get3A_161 = tpu.vector_load %arg8[%get3A_160] {strides = array<i32>} : memref<3200xf32, #tpu.memory_space<vmem>>, vector<16xf32>,
      %mul3A_162 = arith.constant 16 : i32
      %mul3A_163 = arith.muli %scan3A_152, %mul3A_162 : i32
      %get3A_164 = arith.constant 1 : i32
      %get3A_165 = arith.index_cast %get3A_164 : i32 to index
      %get3A_166 = arith.index_cast %mul3A_163 : i32 to index
      %get3A_167 = tpu.vector_load %arg7[%get3A_165, %get3A_166] {strides = array<i32>} : memref<16x640xi32, #tpu.memory_space<vmem>>, vector<16xi32>,
      %gather3A = tpu.vector_load_idx %arg6[%get3A_167] : memref<102400xf32, #tpu.memory_space<vmem>>[vector<16xi32>], vector<16xf32>,
      %sub3A = arith.subf %get3A_159, %gather3A : vector<16xf32>
      %abs3A = math.absf %sub3A : vector<16xf32>
      %add3A_168 = arith.addf %get3A_161, %abs3A : vector<16xf32>
      %mul3A_169 = arith.constant 16 : i32
      %mul3A_170 = arith.muli %scan3A_152, %mul3A_169 : i32
      %get3A_171 = arith.constant 2 : i32
      %get3A_172 = arith.index_cast %get3A_171 : i32 to index
      %get3A_173 = arith.index_cast %mul3A_170 : i32 to index
      %get3A_174 = tpu.vector_load %arg7[%get3A_172, %get3A_173] {strides = array<i32>} : memref<16x640xi32, #tpu.memory_space<vmem>>, vector<16xi32>,
      %gather3A_175 = tpu.vector_load_idx %arg6[%get3A_174] : memref<102400xf32, #tpu.memory_space<vmem>>[vector<16xi32>], vector<16xf32>,
      %sub3A_176 = arith.subf %get3A_159, %gather3A_175 : vector<16xf32>
      %abs3A_177 = math.absf %sub3A_176 : vector<16xf32>
      %add3A_178 = arith.addf %add3A_168, %abs3A_177 : vector<16xf32>
      %mul3A_179 = arith.constant 16 : i32
      %mul3A_180 = arith.muli %scan3A_152, %mul3A_179 : i32
      %get3A_181 = arith.constant 3 : i32
      %get3A_182 = arith.index_cast %get3A_181 : i32 to index
      %get3A_183 = arith.index_cast %mul3A_180 : i32 to index
      %get3A_184 = tpu.vector_load %arg7[%get3A_182, %get3A_183] {strides = array<i32>} : memref<16x640xi32, #tpu.memory_space<vmem>>, vector<16xi32>,
      %gather3A_185 = tpu.vector_load_idx %arg6[%get3A_184] : memref<102400xf32, #tpu.memory_space<vmem>>[vector<16xi32>], vector<16xf32>,
      %sub3A_186 = arith.subf %get3A_159, %gather3A_185 : vector<16xf32>
      %abs3A_187 = math.absf %sub3A_186 : vector<16xf32>
      %add3A_188 = arith.addf %add3A_178, %abs3A_187 : vector<16xf32>
      %mul3A_189 = arith.constant 16 : i32
      %mul3A_190 = arith.muli %scan3A_152, %mul3A_189 : i32
      %get3A_191 = arith.constant 4 : i32
      %get3A_192 = arith.index_cast %get3A_191 : i32 to index
      %get3A_193 = arith.index_cast %mul3A_190 : i32 to index
      %get3A_194 = tpu.vector_load %arg7[%get3A_192, %get3A_193] {strides = array<i32>} : memref<16x640xi32, #tpu.memory_space<vmem>>, vector<16xi32>,
      %gather3A_195 = tpu.vector_load_idx %arg6[%get3A_194] : memref<102400xf32, #tpu.memory_space<vmem>>[vector<16xi32>], vector<16xf32>,
      %sub3A_196 = arith.subf %get3A_159, %gather3A_195 : vector<16xf32>
      %abs3A_197 = math.absf %sub3A_196 : vector<16xf32>
      %add3A_198 = arith.addf %add3A_188, %abs3A_197 : vector<16xf32>
      %mul3A_199 = arith.constant 16 : i32
      %mul3A_200 = arith.muli %scan3A_152, %mul3A_199 : i32
      %get3A_201 = arith.constant 5 : i32
      %get3A_202 = arith.index_cast %get3A_201 : i32 to index
      %get3A_203 = arith.index_cast %mul3A_200 : i32 to index
      %get3A_204 = tpu.vector_load %arg7[%get3A_202, %get3A_203] {strides = array<i32>} : memref<16x640xi32, #tpu.memory_space<vmem>>, vector<16xi32>,
      %gather3A_205 = tpu.vector_load_idx %arg6[%get3A_204] : memref<102400xf32, #tpu.memory_space<vmem>>[vector<16xi32>], vector<16xf32>,
      %sub3A_206 = arith.subf %get3A_159, %gather3A_205 : vector<16xf32>
      %abs3A_207 = math.absf %sub3A_206 : vector<16xf32>
      %add3A_208 = arith.addf %add3A_198, %abs3A_207 : vector<16xf32>
      %mul3A_209 = arith.constant 16 : i32
      %mul3A_210 = arith.muli %scan3A_152, %mul3A_209 : i32
      %get3A_211 = arith.constant 6 : i32
      %get3A_212 = arith.index_cast %get3A_211 : i32 to index
      %get3A_213 = arith.index_cast %mul3A_210 : i32 to index
      %get3A_214 = tpu.vector_load %arg7[%get3A_212, %get3A_213] {strides = array<i32>} : memref<16x640xi32, #tpu.memory_space<vmem>>, vector<16xi32>,
      %gather3A_215 = tpu.vector_load_idx %arg6[%get3A_214] : memref<102400xf32, #tpu.memory_space<vmem>>[vector<16xi32>], vector<16xf32>,
      %sub3A_216 = arith.subf %get3A_159, %gather3A_215 : vector<16xf32>
      %abs3A_217 = math.absf %sub3A_216 : vector<16xf32>
      %add3A_218 = arith.addf %add3A_208, %abs3A_217 : vector<16xf32>
      %mul3A_219 = arith.constant 16 : i32
      %mul3A_220 = arith.muli %scan3A_152, %mul3A_219 : i32
      %get3A_221 = arith.constant 7 : i32
      %get3A_222 = arith.index_cast %get3A_221 : i32 to index
      %get3A_223 = arith.index_cast %mul3A_220 : i32 to index
      %get3A_224 = tpu.vector_load %arg7[%get3A_222, %get3A_223] {strides = array<i32>} : memref<16x640xi32, #tpu.memory_space<vmem>>, vector<16xi32>,
      %gather3A_225 = tpu.vector_load_idx %arg6[%get3A_224] : memref<102400xf32, #tpu.memory_space<vmem>>[vector<16xi32>], vector<16xf32>,
      %sub3A_226 = arith.subf %get3A_159, %gather3A_225 : vector<16xf32>
      %abs3A_227 = math.absf %sub3A_226 : vector<16xf32>
      %add3A_228 = arith.addf %add3A_218, %abs3A_227 : vector<16xf32>
      %mul3A_229 = arith.constant 16 : i32
      %mul3A_230 = arith.muli %scan3A_152, %mul3A_229 : i32
      %get3A_231 = arith.constant 8 : i32
      %get3A_232 = arith.index_cast %get3A_231 : i32 to index
      %get3A_233 = arith.index_cast %mul3A_230 : i32 to index
      %get3A_234 = tpu.vector_load %arg7[%get3A_232, %get3A_233] {strides = array<i32>} : memref<16x640xi32, #tpu.memory_space<vmem>>, vector<16xi32>,
      %gather3A_235 = tpu.vector_load_idx %arg6[%get3A_234] : memref<102400xf32, #tpu.memory_space<vmem>>[vector<16xi32>], vector<16xf32>,
      %sub3A_236 = arith.subf %get3A_159, %gather3A_235 : vector<16xf32>
      %abs3A_237 = math.absf %sub3A_236 : vector<16xf32>
      %add3A_238 = arith.addf %add3A_228, %abs3A_237 : vector<16xf32>
      %mul3A_239 = arith.constant 16 : i32
      %mul3A_240 = arith.muli %scan3A_152, %mul3A_239 : i32
      %get3A_241 = arith.constant 9 : i32
      %get3A_242 = arith.index_cast %get3A_241 : i32 to index
      %get3A_243 = arith.index_cast %mul3A_240 : i32 to index
      %get3A_244 = tpu.vector_load %arg7[%get3A_242, %get3A_243] {strides = array<i32>} : memref<16x640xi32, #tpu.memory_space<vmem>>, vector<16xi32>,
      %gather3A_245 = tpu.vector_load_idx %arg6[%get3A_244] : memref<102400xf32, #tpu.memory_space<vmem>>[vector<16xi32>], vector<16xf32>,
      %sub3A_246 = arith.subf %get3A_159, %gather3A_245 : vector<16xf32>
      %abs3A_247 = math.absf %sub3A_246 : vector<16xf32>
      %add3A_248 = arith.addf %add3A_238, %abs3A_247 : vector<16xf32>
      %mul3A_249 = arith.constant 16 : i32
      %mul3A_250 = arith.muli %scan3A_152, %mul3A_249 : i32
      %get3A_251 = arith.constant 10 : i32
      %get3A_252 = arith.index_cast %get3A_251 : i32 to index
      %get3A_253 = arith.index_cast %mul3A_250 : i32 to index
      %get3A_254 = tpu.vector_load %arg7[%get3A_252, %get3A_253] {strides = array<i32>} : memref<16x640xi32, #tpu.memory_space<vmem>>, vector<16xi32>,
      %gather3A_255 = tpu.vector_load_idx %arg6[%get3A_254] : memref<102400xf32, #tpu.memory_space<vmem>>[vector<16xi32>], vector<16xf32>,
      %sub3A_256 = arith.subf %get3A_159, %gather3A_255 : vector<16xf32>
      %abs3A_257 = math.absf %sub3A_256 : vector<16xf32>
      %add3A_258 = arith.addf %add3A_248, %abs3A_257 : vector<16xf32>
      %mul3A_259 = arith.constant 16 : i32
      %mul3A_260 = arith.muli %scan3A_152, %mul3A_259 : i32
      %get3A_261 = arith.constant 11 : i32
      %get3A_262 = arith.index_cast %get3A_261 : i32 to index
      %get3A_263 = arith.index_cast %mul3A_260 : i32 to index
      %get3A_264 = tpu.vector_load %arg7[%get3A_262, %get3A_263] {strides = array<i32>} : memref<16x640xi32, #tpu.memory_space<vmem>>, vector<16xi32>,
      %gather3A_265 = tpu.vector_load_idx %arg6[%get3A_264] : memref<102400xf32, #tpu.memory_space<vmem>>[vector<16xi32>], vector<16xf32>,
      %sub3A_266 = arith.subf %get3A_159, %gather3A_265 : vector<16xf32>
      %abs3A_267 = math.absf %sub3A_266 : vector<16xf32>
      %add3A_268 = arith.addf %add3A_258, %abs3A_267 : vector<16xf32>
      %mul3A_269 = arith.constant 16 : i32
      %mul3A_270 = arith.muli %scan3A_152, %mul3A_269 : i32
      %get3A_271 = arith.constant 12 : i32
      %get3A_272 = arith.index_cast %get3A_271 : i32 to index
      %get3A_273 = arith.index_cast %mul3A_270 : i32 to index
      %get3A_274 = tpu.vector_load %arg7[%get3A_272, %get3A_273] {strides = array<i32>} : memref<16x640xi32, #tpu.memory_space<vmem>>, vector<16xi32>,
      %gather3A_275 = tpu.vector_load_idx %arg6[%get3A_274] : memref<102400xf32, #tpu.memory_space<vmem>>[vector<16xi32>], vector<16xf32>,
      %sub3A_276 = arith.subf %get3A_159, %gather3A_275 : vector<16xf32>
      %abs3A_277 = math.absf %sub3A_276 : vector<16xf32>
      %add3A_278 = arith.addf %add3A_268, %abs3A_277 : vector<16xf32>
      %mul3A_279 = arith.constant 16 : i32
      %mul3A_280 = arith.muli %scan3A_152, %mul3A_279 : i32
      %get3A_281 = arith.constant 13 : i32
      %get3A_282 = arith.index_cast %get3A_281 : i32 to index
      %get3A_283 = arith.index_cast %mul3A_280 : i32 to index
      %get3A_284 = tpu.vector_load %arg7[%get3A_282, %get3A_283] {strides = array<i32>} : memref<16x640xi32, #tpu.memory_space<vmem>>, vector<16xi32>,
      %gather3A_285 = tpu.vector_load_idx %arg6[%get3A_284] : memref<102400xf32, #tpu.memory_space<vmem>>[vector<16xi32>], vector<16xf32>,
      %sub3A_286 = arith.subf %get3A_159, %gather3A_285 : vector<16xf32>
      %abs3A_287 = math.absf %sub3A_286 : vector<16xf32>
      %add3A_288 = arith.addf %add3A_278, %abs3A_287 : vector<16xf32>
      %mul3A_289 = arith.constant 16 : i32
      %mul3A_290 = arith.muli %scan3A_152, %mul3A_289 : i32
      %get3A_291 = arith.constant 14 : i32
      %get3A_292 = arith.index_cast %get3A_291 : i32 to index
      %get3A_293 = arith.index_cast %mul3A_290 : i32 to index
      %get3A_294 = tpu.vector_load %arg7[%get3A_292, %get3A_293] {strides = array<i32>} : memref<16x640xi32, #tpu.memory_space<vmem>>, vector<16xi32>,
      %gather3A_295 = tpu.vector_load_idx %arg6[%get3A_294] : memref<102400xf32, #tpu.memory_space<vmem>>[vector<16xi32>], vector<16xf32>,
      %sub3A_296 = arith.subf %get3A_159, %gather3A_295 : vector<16xf32>
      %abs3A_297 = math.absf %sub3A_296 : vector<16xf32>
      %add3A_298 = arith.addf %add3A_288, %abs3A_297 : vector<16xf32>
      %mul3A_299 = arith.constant 16 : i32
      %mul3A_300 = arith.muli %scan3A_152, %mul3A_299 : i32
      %get3A_301 = arith.constant 15 : i32
      %get3A_302 = arith.index_cast %get3A_301 : i32 to index
      %get3A_303 = arith.index_cast %mul3A_300 : i32 to index
      %get3A_304 = tpu.vector_load %arg7[%get3A_302, %get3A_303] {strides = array<i32>} : memref<16x640xi32, #tpu.memory_space<vmem>>, vector<16xi32>,
      %gather3A_305 = tpu.vector_load_idx %arg6[%get3A_304] : memref<102400xf32, #tpu.memory_space<vmem>>[vector<16xi32>], vector<16xf32>,
      %sub3A_306 = arith.subf %get3A_159, %gather3A_305 : vector<16xf32>
      %abs3A_307 = math.absf %sub3A_306 : vector<16xf32>
      %add3A_308 = arith.addf %add3A_298, %abs3A_307 : vector<16xf32>
      %swap3A_309 = arith.index_cast %add3A_157 : i32 to index
      %swap3A_310 = tpu.vector_load %arg8[%swap3A_309] {strides = array<i32>} : memref<3200xf32, #tpu.memory_space<vmem>>, vector<16xf32>,
      tpu.vector_store %arg8[%swap3A_309], %add3A_308 {strides = array<i32>} : memref<3200xf32, #tpu.memory_space<vmem>>, vector<16xf32>,
      %scan3A_311 = arith.constant 0 : i32
      scf.yield %scan3A_311 : i32
    }
    %scan3A_116 = arith.constant 40 : i32
    %add3A_117 = arith.constant 1280 : i32
    %add3A_118 = arith.addi %mul3A_2, %add3A_117 : i32
    "tpu.region"() ({
      %run_scoped3A = tpu.sem_alloc : memref<!tpu.dma_semaphore, #tpu.memory_space<semaphore_mem>>
      %dma_start3A = arith.constant 0 : i32
      %dma_start3A_152 = tpu.memref_slice %arg3[%dma_start3A, %add3A_118] : memref<16x102400xi32, #tpu.memory_space<hbm>> -> memref<16x640xi32, #tpu.memory_space<hbm>>
      %dma_start3A_153 = arith.constant 0 : i32
      %dma_start3A_154 = tpu.memref_slice %arg3[%dma_start3A_153, %add3A_118] : memref<16x102400xi32, #tpu.memory_space<hbm>> -> memref<16x640xi32, #tpu.memory_space<hbm>>
      tpu.enqueue_dma source(%dma_start3A_154 : memref<16x640xi32, #tpu.memory_space<hbm>>) target(%arg7 : memref<16x640xi32, #tpu.memory_space<vmem>>) target_semaphore(%run_scoped3A : memref<!tpu.dma_semaphore, #tpu.memory_space<semaphore_mem>>)
      %dma_wait3A = arith.constant 0 : i32
      %dma_wait3A_155 = tpu.memref_slice %arg3[%dma_wait3A, %add3A_118] : memref<16x102400xi32, #tpu.memory_space<hbm>> -> memref<16x640xi32, #tpu.memory_space<hbm>>
      %dma_wait3A_156 = arith.constant 0 : i32
      %dma_wait3A_157 = tpu.memref_slice %arg3[%dma_wait3A_156, %add3A_118] : memref<16x102400xi32, #tpu.memory_space<hbm>> -> memref<16x640xi32, #tpu.memory_space<hbm>>
      tpu.wait_dma2 semaphore(%run_scoped3A : memref<!tpu.dma_semaphore, #tpu.memory_space<semaphore_mem>>) src(%dma_wait3A_157 : memref<16x640xi32, #tpu.memory_space<hbm>>) dst(%arg7 : memref<16x640xi32, #tpu.memory_space<vmem>>)
      tpu.yield
    }) : () -> ()
    %scan3A_119 = arith.constant 0 : i32
    %scan3A_120 = arith.constant 0 : i32
    %scan3A_121 = arith.constant 40 : i32
    %scan3A_122 = arith.addi %scan3A_120, %scan3A_121 : i32
    %scan3A_123 = arith.constant 1 : i32
    %scan3A_124 = scf.for %scan3A_152 = %scan3A_120 to %scan3A_122 step %scan3A_123 iter_args(%scan3A_153 = %scan3A_119) -> (i32)  : i32 {
      %mul3A_154 = arith.constant 16 : i32
      %mul3A_155 = arith.muli %scan3A_152, %mul3A_154 : i32
      %add3A_156 = arith.constant 1280 : i32
      %add3A_157 = arith.addi %add3A_156, %mul3A_155 : i32
      %add3A_158 = arith.addi %mul3A_2, %add3A_157 : i32
      %get3A = arith.index_cast %add3A_158 : i32 to index
      %get3A_159 = tpu.vector_load %arg6[%get3A] {strides = array<i32>} : memref<102400xf32, #tpu.memory_space<vmem>>, vector<16xf32>,
      %get3A_160 = arith.index_cast %add3A_157 : i32 to index
      %get3A_161 = tpu.vector_load %arg8[%get3A_160] {strides = array<i32>} : memref<3200xf32, #tpu.memory_space<vmem>>, vector<16xf32>,
      %mul3A_162 = arith.constant 16 : i32
      %mul3A_163 = arith.muli %scan3A_152, %mul3A_162 : i32
      %get3A_164 = arith.constant 1 : i32
      %get3A_165 = arith.index_cast %get3A_164 : i32 to index
      %get3A_166 = arith.index_cast %mul3A_163 : i32 to index
      %get3A_167 = tpu.vector_load %arg7[%get3A_165, %get3A_166] {strides = array<i32>} : memref<16x640xi32, #tpu.memory_space<vmem>>, vector<16xi32>,
      %gather3A = tpu.vector_load_idx %arg6[%get3A_167] : memref<102400xf32, #tpu.memory_space<vmem>>[vector<16xi32>], vector<16xf32>,
      %sub3A = arith.subf %get3A_159, %gather3A : vector<16xf32>
      %abs3A = math.absf %sub3A : vector<16xf32>
      %add3A_168 = arith.addf %get3A_161, %abs3A : vector<16xf32>
      %mul3A_169 = arith.constant 16 : i32
      %mul3A_170 = arith.muli %scan3A_152, %mul3A_169 : i32
      %get3A_171 = arith.constant 2 : i32
      %get3A_172 = arith.index_cast %get3A_171 : i32 to index
      %get3A_173 = arith.index_cast %mul3A_170 : i32 to index
      %get3A_174 = tpu.vector_load %arg7[%get3A_172, %get3A_173] {strides = array<i32>} : memref<16x640xi32, #tpu.memory_space<vmem>>, vector<16xi32>,
      %gather3A_175 = tpu.vector_load_idx %arg6[%get3A_174] : memref<102400xf32, #tpu.memory_space<vmem>>[vector<16xi32>], vector<16xf32>,
      %sub3A_176 = arith.subf %get3A_159, %gather3A_175 : vector<16xf32>
      %abs3A_177 = math.absf %sub3A_176 : vector<16xf32>
      %add3A_178 = arith.addf %add3A_168, %abs3A_177 : vector<16xf32>
      %mul3A_179 = arith.constant 16 : i32
      %mul3A_180 = arith.muli %scan3A_152, %mul3A_179 : i32
      %get3A_181 = arith.constant 3 : i32
      %get3A_182 = arith.index_cast %get3A_181 : i32 to index
      %get3A_183 = arith.index_cast %mul3A_180 : i32 to index
      %get3A_184 = tpu.vector_load %arg7[%get3A_182, %get3A_183] {strides = array<i32>} : memref<16x640xi32, #tpu.memory_space<vmem>>, vector<16xi32>,
      %gather3A_185 = tpu.vector_load_idx %arg6[%get3A_184] : memref<102400xf32, #tpu.memory_space<vmem>>[vector<16xi32>], vector<16xf32>,
      %sub3A_186 = arith.subf %get3A_159, %gather3A_185 : vector<16xf32>
      %abs3A_187 = math.absf %sub3A_186 : vector<16xf32>
      %add3A_188 = arith.addf %add3A_178, %abs3A_187 : vector<16xf32>
      %mul3A_189 = arith.constant 16 : i32
      %mul3A_190 = arith.muli %scan3A_152, %mul3A_189 : i32
      %get3A_191 = arith.constant 4 : i32
      %get3A_192 = arith.index_cast %get3A_191 : i32 to index
      %get3A_193 = arith.index_cast %mul3A_190 : i32 to index
      %get3A_194 = tpu.vector_load %arg7[%get3A_192, %get3A_193] {strides = array<i32>} : memref<16x640xi32, #tpu.memory_space<vmem>>, vector<16xi32>,
      %gather3A_195 = tpu.vector_load_idx %arg6[%get3A_194] : memref<102400xf32, #tpu.memory_space<vmem>>[vector<16xi32>], vector<16xf32>,
      %sub3A_196 = arith.subf %get3A_159, %gather3A_195 : vector<16xf32>
      %abs3A_197 = math.absf %sub3A_196 : vector<16xf32>
      %add3A_198 = arith.addf %add3A_188, %abs3A_197 : vector<16xf32>
      %mul3A_199 = arith.constant 16 : i32
      %mul3A_200 = arith.muli %scan3A_152, %mul3A_199 : i32
      %get3A_201 = arith.constant 5 : i32
      %get3A_202 = arith.index_cast %get3A_201 : i32 to index
      %get3A_203 = arith.index_cast %mul3A_200 : i32 to index
      %get3A_204 = tpu.vector_load %arg7[%get3A_202, %get3A_203] {strides = array<i32>} : memref<16x640xi32, #tpu.memory_space<vmem>>, vector<16xi32>,
      %gather3A_205 = tpu.vector_load_idx %arg6[%get3A_204] : memref<102400xf32, #tpu.memory_space<vmem>>[vector<16xi32>], vector<16xf32>,
      %sub3A_206 = arith.subf %get3A_159, %gather3A_205 : vector<16xf32>
      %abs3A_207 = math.absf %sub3A_206 : vector<16xf32>
      %add3A_208 = arith.addf %add3A_198, %abs3A_207 : vector<16xf32>
      %mul3A_209 = arith.constant 16 : i32
      %mul3A_210 = arith.muli %scan3A_152, %mul3A_209 : i32
      %get3A_211 = arith.constant 6 : i32
      %get3A_212 = arith.index_cast %get3A_211 : i32 to index
      %get3A_213 = arith.index_cast %mul3A_210 : i32 to index
      %get3A_214 = tpu.vector_load %arg7[%get3A_212, %get3A_213] {strides = array<i32>} : memref<16x640xi32, #tpu.memory_space<vmem>>, vector<16xi32>,
      %gather3A_215 = tpu.vector_load_idx %arg6[%get3A_214] : memref<102400xf32, #tpu.memory_space<vmem>>[vector<16xi32>], vector<16xf32>,
      %sub3A_216 = arith.subf %get3A_159, %gather3A_215 : vector<16xf32>
      %abs3A_217 = math.absf %sub3A_216 : vector<16xf32>
      %add3A_218 = arith.addf %add3A_208, %abs3A_217 : vector<16xf32>
      %mul3A_219 = arith.constant 16 : i32
      %mul3A_220 = arith.muli %scan3A_152, %mul3A_219 : i32
      %get3A_221 = arith.constant 7 : i32
      %get3A_222 = arith.index_cast %get3A_221 : i32 to index
      %get3A_223 = arith.index_cast %mul3A_220 : i32 to index
      %get3A_224 = tpu.vector_load %arg7[%get3A_222, %get3A_223] {strides = array<i32>} : memref<16x640xi32, #tpu.memory_space<vmem>>, vector<16xi32>,
      %gather3A_225 = tpu.vector_load_idx %arg6[%get3A_224] : memref<102400xf32, #tpu.memory_space<vmem>>[vector<16xi32>], vector<16xf32>,
      %sub3A_226 = arith.subf %get3A_159, %gather3A_225 : vector<16xf32>
      %abs3A_227 = math.absf %sub3A_226 : vector<16xf32>
      %add3A_228 = arith.addf %add3A_218, %abs3A_227 : vector<16xf32>
      %mul3A_229 = arith.constant 16 : i32
      %mul3A_230 = arith.muli %scan3A_152, %mul3A_229 : i32
      %get3A_231 = arith.constant 8 : i32
      %get3A_232 = arith.index_cast %get3A_231 : i32 to index
      %get3A_233 = arith.index_cast %mul3A_230 : i32 to index
      %get3A_234 = tpu.vector_load %arg7[%get3A_232, %get3A_233] {strides = array<i32>} : memref<16x640xi32, #tpu.memory_space<vmem>>, vector<16xi32>,
      %gather3A_235 = tpu.vector_load_idx %arg6[%get3A_234] : memref<102400xf32, #tpu.memory_space<vmem>>[vector<16xi32>], vector<16xf32>,
      %sub3A_236 = arith.subf %get3A_159, %gather3A_235 : vector<16xf32>
      %abs3A_237 = math.absf %sub3A_236 : vector<16xf32>
      %add3A_238 = arith.addf %add3A_228, %abs3A_237 : vector<16xf32>
      %mul3A_239 = arith.constant 16 : i32
      %mul3A_240 = arith.muli %scan3A_152, %mul3A_239 : i32
      %get3A_241 = arith.constant 9 : i32
      %get3A_242 = arith.index_cast %get3A_241 : i32 to index
      %get3A_243 = arith.index_cast %mul3A_240 : i32 to index
      %get3A_244 = tpu.vector_load %arg7[%get3A_242, %get3A_243] {strides = array<i32>} : memref<16x640xi32, #tpu.memory_space<vmem>>, vector<16xi32>,
      %gather3A_245 = tpu.vector_load_idx %arg6[%get3A_244] : memref<102400xf32, #tpu.memory_space<vmem>>[vector<16xi32>], vector<16xf32>,
      %sub3A_246 = arith.subf %get3A_159, %gather3A_245 : vector<16xf32>
      %abs3A_247 = math.absf %sub3A_246 : vector<16xf32>
      %add3A_248 = arith.addf %add3A_238, %abs3A_247 : vector<16xf32>
      %mul3A_249 = arith.constant 16 : i32
      %mul3A_250 = arith.muli %scan3A_152, %mul3A_249 : i32
      %get3A_251 = arith.constant 10 : i32
      %get3A_252 = arith.index_cast %get3A_251 : i32 to index
      %get3A_253 = arith.index_cast %mul3A_250 : i32 to index
      %get3A_254 = tpu.vector_load %arg7[%get3A_252, %get3A_253] {strides = array<i32>} : memref<16x640xi32, #tpu.memory_space<vmem>>, vector<16xi32>,
      %gather3A_255 = tpu.vector_load_idx %arg6[%get3A_254] : memref<102400xf32, #tpu.memory_space<vmem>>[vector<16xi32>], vector<16xf32>,
      %sub3A_256 = arith.subf %get3A_159, %gather3A_255 : vector<16xf32>
      %abs3A_257 = math.absf %sub3A_256 : vector<16xf32>
      %add3A_258 = arith.addf %add3A_248, %abs3A_257 : vector<16xf32>
      %mul3A_259 = arith.constant 16 : i32
      %mul3A_260 = arith.muli %scan3A_152, %mul3A_259 : i32
      %get3A_261 = arith.constant 11 : i32
      %get3A_262 = arith.index_cast %get3A_261 : i32 to index
      %get3A_263 = arith.index_cast %mul3A_260 : i32 to index
      %get3A_264 = tpu.vector_load %arg7[%get3A_262, %get3A_263] {strides = array<i32>} : memref<16x640xi32, #tpu.memory_space<vmem>>, vector<16xi32>,
      %gather3A_265 = tpu.vector_load_idx %arg6[%get3A_264] : memref<102400xf32, #tpu.memory_space<vmem>>[vector<16xi32>], vector<16xf32>,
      %sub3A_266 = arith.subf %get3A_159, %gather3A_265 : vector<16xf32>
      %abs3A_267 = math.absf %sub3A_266 : vector<16xf32>
      %add3A_268 = arith.addf %add3A_258, %abs3A_267 : vector<16xf32>
      %mul3A_269 = arith.constant 16 : i32
      %mul3A_270 = arith.muli %scan3A_152, %mul3A_269 : i32
      %get3A_271 = arith.constant 12 : i32
      %get3A_272 = arith.index_cast %get3A_271 : i32 to index
      %get3A_273 = arith.index_cast %mul3A_270 : i32 to index
      %get3A_274 = tpu.vector_load %arg7[%get3A_272, %get3A_273] {strides = array<i32>} : memref<16x640xi32, #tpu.memory_space<vmem>>, vector<16xi32>,
      %gather3A_275 = tpu.vector_load_idx %arg6[%get3A_274] : memref<102400xf32, #tpu.memory_space<vmem>>[vector<16xi32>], vector<16xf32>,
      %sub3A_276 = arith.subf %get3A_159, %gather3A_275 : vector<16xf32>
      %abs3A_277 = math.absf %sub3A_276 : vector<16xf32>
      %add3A_278 = arith.addf %add3A_268, %abs3A_277 : vector<16xf32>
      %mul3A_279 = arith.constant 16 : i32
      %mul3A_280 = arith.muli %scan3A_152, %mul3A_279 : i32
      %get3A_281 = arith.constant 13 : i32
      %get3A_282 = arith.index_cast %get3A_281 : i32 to index
      %get3A_283 = arith.index_cast %mul3A_280 : i32 to index
      %get3A_284 = tpu.vector_load %arg7[%get3A_282, %get3A_283] {strides = array<i32>} : memref<16x640xi32, #tpu.memory_space<vmem>>, vector<16xi32>,
      %gather3A_285 = tpu.vector_load_idx %arg6[%get3A_284] : memref<102400xf32, #tpu.memory_space<vmem>>[vector<16xi32>], vector<16xf32>,
      %sub3A_286 = arith.subf %get3A_159, %gather3A_285 : vector<16xf32>
      %abs3A_287 = math.absf %sub3A_286 : vector<16xf32>
      %add3A_288 = arith.addf %add3A_278, %abs3A_287 : vector<16xf32>
      %mul3A_289 = arith.constant 16 : i32
      %mul3A_290 = arith.muli %scan3A_152, %mul3A_289 : i32
      %get3A_291 = arith.constant 14 : i32
      %get3A_292 = arith.index_cast %get3A_291 : i32 to index
      %get3A_293 = arith.index_cast %mul3A_290 : i32 to index
      %get3A_294 = tpu.vector_load %arg7[%get3A_292, %get3A_293] {strides = array<i32>} : memref<16x640xi32, #tpu.memory_space<vmem>>, vector<16xi32>,
      %gather3A_295 = tpu.vector_load_idx %arg6[%get3A_294] : memref<102400xf32, #tpu.memory_space<vmem>>[vector<16xi32>], vector<16xf32>,
      %sub3A_296 = arith.subf %get3A_159, %gather3A_295 : vector<16xf32>
      %abs3A_297 = math.absf %sub3A_296 : vector<16xf32>
      %add3A_298 = arith.addf %add3A_288, %abs3A_297 : vector<16xf32>
      %mul3A_299 = arith.constant 16 : i32
      %mul3A_300 = arith.muli %scan3A_152, %mul3A_299 : i32
      %get3A_301 = arith.constant 15 : i32
      %get3A_302 = arith.index_cast %get3A_301 : i32 to index
      %get3A_303 = arith.index_cast %mul3A_300 : i32 to index
      %get3A_304 = tpu.vector_load %arg7[%get3A_302, %get3A_303] {strides = array<i32>} : memref<16x640xi32, #tpu.memory_space<vmem>>, vector<16xi32>,
      %gather3A_305 = tpu.vector_load_idx %arg6[%get3A_304] : memref<102400xf32, #tpu.memory_space<vmem>>[vector<16xi32>], vector<16xf32>,
      %sub3A_306 = arith.subf %get3A_159, %gather3A_305 : vector<16xf32>
      %abs3A_307 = math.absf %sub3A_306 : vector<16xf32>
      %add3A_308 = arith.addf %add3A_298, %abs3A_307 : vector<16xf32>
      %swap3A_309 = arith.index_cast %add3A_157 : i32 to index
      %swap3A_310 = tpu.vector_load %arg8[%swap3A_309] {strides = array<i32>} : memref<3200xf32, #tpu.memory_space<vmem>>, vector<16xf32>,
      tpu.vector_store %arg8[%swap3A_309], %add3A_308 {strides = array<i32>} : memref<3200xf32, #tpu.memory_space<vmem>>, vector<16xf32>,
      %scan3A_311 = arith.constant 0 : i32
      scf.yield %scan3A_311 : i32
    }
    %scan3A_125 = arith.constant 40 : i32
    %add3A_126 = arith.constant 1920 : i32
    %add3A_127 = arith.addi %mul3A_2, %add3A_126 : i32
    "tpu.region"() ({
      %run_scoped3A = tpu.sem_alloc : memref<!tpu.dma_semaphore, #tpu.memory_space<semaphore_mem>>
      %dma_start3A = arith.constant 0 : i32
      %dma_start3A_152 = tpu.memref_slice %arg3[%dma_start3A, %add3A_127] : memref<16x102400xi32, #tpu.memory_space<hbm>> -> memref<16x640xi32, #tpu.memory_space<hbm>>
      %dma_start3A_153 = arith.constant 0 : i32
      %dma_start3A_154 = tpu.memref_slice %arg3[%dma_start3A_153, %add3A_127] : memref<16x102400xi32, #tpu.memory_space<hbm>> -> memref<16x640xi32, #tpu.memory_space<hbm>>
      tpu.enqueue_dma source(%dma_start3A_154 : memref<16x640xi32, #tpu.memory_space<hbm>>) target(%arg7 : memref<16x640xi32, #tpu.memory_space<vmem>>) target_semaphore(%run_scoped3A : memref<!tpu.dma_semaphore, #tpu.memory_space<semaphore_mem>>)
      %dma_wait3A = arith.constant 0 : i32
      %dma_wait3A_155 = tpu.memref_slice %arg3[%dma_wait3A, %add3A_127] : memref<16x102400xi32, #tpu.memory_space<hbm>> -> memref<16x640xi32, #tpu.memory_space<hbm>>
      %dma_wait3A_156 = arith.constant 0 : i32
      %dma_wait3A_157 = tpu.memref_slice %arg3[%dma_wait3A_156, %add3A_127] : memref<16x102400xi32, #tpu.memory_space<hbm>> -> memref<16x640xi32, #tpu.memory_space<hbm>>
      tpu.wait_dma2 semaphore(%run_scoped3A : memref<!tpu.dma_semaphore, #tpu.memory_space<semaphore_mem>>) src(%dma_wait3A_157 : memref<16x640xi32, #tpu.memory_space<hbm>>) dst(%arg7 : memref<16x640xi32, #tpu.memory_space<vmem>>)
      tpu.yield
    }) : () -> ()
    %scan3A_128 = arith.constant 0 : i32
    %scan3A_129 = arith.constant 0 : i32
    %scan3A_130 = arith.constant 40 : i32
    %scan3A_131 = arith.addi %scan3A_129, %scan3A_130 : i32
    %scan3A_132 = arith.constant 1 : i32
    %scan3A_133 = scf.for %scan3A_152 = %scan3A_129 to %scan3A_131 step %scan3A_132 iter_args(%scan3A_153 = %scan3A_128) -> (i32)  : i32 {
      %mul3A_154 = arith.constant 16 : i32
      %mul3A_155 = arith.muli %scan3A_152, %mul3A_154 : i32
      %add3A_156 = arith.constant 1920 : i32
      %add3A_157 = arith.addi %add3A_156, %mul3A_155 : i32
      %add3A_158 = arith.addi %mul3A_2, %add3A_157 : i32
      %get3A = arith.index_cast %add3A_158 : i32 to index
      %get3A_159 = tpu.vector_load %arg6[%get3A] {strides = array<i32>} : memref<102400xf32, #tpu.memory_space<vmem>>, vector<16xf32>,
      %get3A_160 = arith.index_cast %add3A_157 : i32 to index
      %get3A_161 = tpu.vector_load %arg8[%get3A_160] {strides = array<i32>} : memref<3200xf32, #tpu.memory_space<vmem>>, vector<16xf32>,
      %mul3A_162 = arith.constant 16 : i32
      %mul3A_163 = arith.muli %scan3A_152, %mul3A_162 : i32
      %get3A_164 = arith.constant 1 : i32
      %get3A_165 = arith.index_cast %get3A_164 : i32 to index
      %get3A_166 = arith.index_cast %mul3A_163 : i32 to index
      %get3A_167 = tpu.vector_load %arg7[%get3A_165, %get3A_166] {strides = array<i32>} : memref<16x640xi32, #tpu.memory_space<vmem>>, vector<16xi32>,
      %gather3A = tpu.vector_load_idx %arg6[%get3A_167] : memref<102400xf32, #tpu.memory_space<vmem>>[vector<16xi32>], vector<16xf32>,
      %sub3A = arith.subf %get3A_159, %gather3A : vector<16xf32>
      %abs3A = math.absf %sub3A : vector<16xf32>
      %add3A_168 = arith.addf %get3A_161, %abs3A : vector<16xf32>
      %mul3A_169 = arith.constant 16 : i32
      %mul3A_170 = arith.muli %scan3A_152, %mul3A_169 : i32
      %get3A_171 = arith.constant 2 : i32
      %get3A_172 = arith.index_cast %get3A_171 : i32 to index
      %get3A_173 = arith.index_cast %mul3A_170 : i32 to index
      %get3A_174 = tpu.vector_load %arg7[%get3A_172, %get3A_173] {strides = array<i32>} : memref<16x640xi32, #tpu.memory_space<vmem>>, vector<16xi32>,
      %gather3A_175 = tpu.vector_load_idx %arg6[%get3A_174] : memref<102400xf32, #tpu.memory_space<vmem>>[vector<16xi32>], vector<16xf32>,
      %sub3A_176 = arith.subf %get3A_159, %gather3A_175 : vector<16xf32>
      %abs3A_177 = math.absf %sub3A_176 : vector<16xf32>
      %add3A_178 = arith.addf %add3A_168, %abs3A_177 : vector<16xf32>
      %mul3A_179 = arith.constant 16 : i32
      %mul3A_180 = arith.muli %scan3A_152, %mul3A_179 : i32
      %get3A_181 = arith.constant 3 : i32
      %get3A_182 = arith.index_cast %get3A_181 : i32 to index
      %get3A_183 = arith.index_cast %mul3A_180 : i32 to index
      %get3A_184 = tpu.vector_load %arg7[%get3A_182, %get3A_183] {strides = array<i32>} : memref<16x640xi32, #tpu.memory_space<vmem>>, vector<16xi32>,
      %gather3A_185 = tpu.vector_load_idx %arg6[%get3A_184] : memref<102400xf32, #tpu.memory_space<vmem>>[vector<16xi32>], vector<16xf32>,
      %sub3A_186 = arith.subf %get3A_159, %gather3A_185 : vector<16xf32>
      %abs3A_187 = math.absf %sub3A_186 : vector<16xf32>
      %add3A_188 = arith.addf %add3A_178, %abs3A_187 : vector<16xf32>
      %mul3A_189 = arith.constant 16 : i32
      %mul3A_190 = arith.muli %scan3A_152, %mul3A_189 : i32
      %get3A_191 = arith.constant 4 : i32
      %get3A_192 = arith.index_cast %get3A_191 : i32 to index
      %get3A_193 = arith.index_cast %mul3A_190 : i32 to index
      %get3A_194 = tpu.vector_load %arg7[%get3A_192, %get3A_193] {strides = array<i32>} : memref<16x640xi32, #tpu.memory_space<vmem>>, vector<16xi32>,
      %gather3A_195 = tpu.vector_load_idx %arg6[%get3A_194] : memref<102400xf32, #tpu.memory_space<vmem>>[vector<16xi32>], vector<16xf32>,
      %sub3A_196 = arith.subf %get3A_159, %gather3A_195 : vector<16xf32>
      %abs3A_197 = math.absf %sub3A_196 : vector<16xf32>
      %add3A_198 = arith.addf %add3A_188, %abs3A_197 : vector<16xf32>
      %mul3A_199 = arith.constant 16 : i32
      %mul3A_200 = arith.muli %scan3A_152, %mul3A_199 : i32
      %get3A_201 = arith.constant 5 : i32
      %get3A_202 = arith.index_cast %get3A_201 : i32 to index
      %get3A_203 = arith.index_cast %mul3A_200 : i32 to index
      %get3A_204 = tpu.vector_load %arg7[%get3A_202, %get3A_203] {strides = array<i32>} : memref<16x640xi32, #tpu.memory_space<vmem>>, vector<16xi32>,
      %gather3A_205 = tpu.vector_load_idx %arg6[%get3A_204] : memref<102400xf32, #tpu.memory_space<vmem>>[vector<16xi32>], vector<16xf32>,
      %sub3A_206 = arith.subf %get3A_159, %gather3A_205 : vector<16xf32>
      %abs3A_207 = math.absf %sub3A_206 : vector<16xf32>
      %add3A_208 = arith.addf %add3A_198, %abs3A_207 : vector<16xf32>
      %mul3A_209 = arith.constant 16 : i32
      %mul3A_210 = arith.muli %scan3A_152, %mul3A_209 : i32
      %get3A_211 = arith.constant 6 : i32
      %get3A_212 = arith.index_cast %get3A_211 : i32 to index
      %get3A_213 = arith.index_cast %mul3A_210 : i32 to index
      %get3A_214 = tpu.vector_load %arg7[%get3A_212, %get3A_213] {strides = array<i32>} : memref<16x640xi32, #tpu.memory_space<vmem>>, vector<16xi32>,
      %gather3A_215 = tpu.vector_load_idx %arg6[%get3A_214] : memref<102400xf32, #tpu.memory_space<vmem>>[vector<16xi32>], vector<16xf32>,
      %sub3A_216 = arith.subf %get3A_159, %gather3A_215 : vector<16xf32>
      %abs3A_217 = math.absf %sub3A_216 : vector<16xf32>
      %add3A_218 = arith.addf %add3A_208, %abs3A_217 : vector<16xf32>
      %mul3A_219 = arith.constant 16 : i32
      %mul3A_220 = arith.muli %scan3A_152, %mul3A_219 : i32
      %get3A_221 = arith.constant 7 : i32
      %get3A_222 = arith.index_cast %get3A_221 : i32 to index
      %get3A_223 = arith.index_cast %mul3A_220 : i32 to index
      %get3A_224 = tpu.vector_load %arg7[%get3A_222, %get3A_223] {strides = array<i32>} : memref<16x640xi32, #tpu.memory_space<vmem>>, vector<16xi32>,
      %gather3A_225 = tpu.vector_load_idx %arg6[%get3A_224] : memref<102400xf32, #tpu.memory_space<vmem>>[vector<16xi32>], vector<16xf32>,
      %sub3A_226 = arith.subf %get3A_159, %gather3A_225 : vector<16xf32>
      %abs3A_227 = math.absf %sub3A_226 : vector<16xf32>
      %add3A_228 = arith.addf %add3A_218, %abs3A_227 : vector<16xf32>
      %mul3A_229 = arith.constant 16 : i32
      %mul3A_230 = arith.muli %scan3A_152, %mul3A_229 : i32
      %get3A_231 = arith.constant 8 : i32
      %get3A_232 = arith.index_cast %get3A_231 : i32 to index
      %get3A_233 = arith.index_cast %mul3A_230 : i32 to index
      %get3A_234 = tpu.vector_load %arg7[%get3A_232, %get3A_233] {strides = array<i32>} : memref<16x640xi32, #tpu.memory_space<vmem>>, vector<16xi32>,
      %gather3A_235 = tpu.vector_load_idx %arg6[%get3A_234] : memref<102400xf32, #tpu.memory_space<vmem>>[vector<16xi32>], vector<16xf32>,
      %sub3A_236 = arith.subf %get3A_159, %gather3A_235 : vector<16xf32>
      %abs3A_237 = math.absf %sub3A_236 : vector<16xf32>
      %add3A_238 = arith.addf %add3A_228, %abs3A_237 : vector<16xf32>
      %mul3A_239 = arith.constant 16 : i32
      %mul3A_240 = arith.muli %scan3A_152, %mul3A_239 : i32
      %get3A_241 = arith.constant 9 : i32
      %get3A_242 = arith.index_cast %get3A_241 : i32 to index
      %get3A_243 = arith.index_cast %mul3A_240 : i32 to index
      %get3A_244 = tpu.vector_load %arg7[%get3A_242, %get3A_243] {strides = array<i32>} : memref<16x640xi32, #tpu.memory_space<vmem>>, vector<16xi32>,
      %gather3A_245 = tpu.vector_load_idx %arg6[%get3A_244] : memref<102400xf32, #tpu.memory_space<vmem>>[vector<16xi32>], vector<16xf32>,
      %sub3A_246 = arith.subf %get3A_159, %gather3A_245 : vector<16xf32>
      %abs3A_247 = math.absf %sub3A_246 : vector<16xf32>
      %add3A_248 = arith.addf %add3A_238, %abs3A_247 : vector<16xf32>
      %mul3A_249 = arith.constant 16 : i32
      %mul3A_250 = arith.muli %scan3A_152, %mul3A_249 : i32
      %get3A_251 = arith.constant 10 : i32
      %get3A_252 = arith.index_cast %get3A_251 : i32 to index
      %get3A_253 = arith.index_cast %mul3A_250 : i32 to index
      %get3A_254 = tpu.vector_load %arg7[%get3A_252, %get3A_253] {strides = array<i32>} : memref<16x640xi32, #tpu.memory_space<vmem>>, vector<16xi32>,
      %gather3A_255 = tpu.vector_load_idx %arg6[%get3A_254] : memref<102400xf32, #tpu.memory_space<vmem>>[vector<16xi32>], vector<16xf32>,
      %sub3A_256 = arith.subf %get3A_159, %gather3A_255 : vector<16xf32>
      %abs3A_257 = math.absf %sub3A_256 : vector<16xf32>
      %add3A_258 = arith.addf %add3A_248, %abs3A_257 : vector<16xf32>
      %mul3A_259 = arith.constant 16 : i32
      %mul3A_260 = arith.muli %scan3A_152, %mul3A_259 : i32
      %get3A_261 = arith.constant 11 : i32
      %get3A_262 = arith.index_cast %get3A_261 : i32 to index
      %get3A_263 = arith.index_cast %mul3A_260 : i32 to index
      %get3A_264 = tpu.vector_load %arg7[%get3A_262, %get3A_263] {strides = array<i32>} : memref<16x640xi32, #tpu.memory_space<vmem>>, vector<16xi32>,
      %gather3A_265 = tpu.vector_load_idx %arg6[%get3A_264] : memref<102400xf32, #tpu.memory_space<vmem>>[vector<16xi32>], vector<16xf32>,
      %sub3A_266 = arith.subf %get3A_159, %gather3A_265 : vector<16xf32>
      %abs3A_267 = math.absf %sub3A_266 : vector<16xf32>
      %add3A_268 = arith.addf %add3A_258, %abs3A_267 : vector<16xf32>
      %mul3A_269 = arith.constant 16 : i32
      %mul3A_270 = arith.muli %scan3A_152, %mul3A_269 : i32
      %get3A_271 = arith.constant 12 : i32
      %get3A_272 = arith.index_cast %get3A_271 : i32 to index
      %get3A_273 = arith.index_cast %mul3A_270 : i32 to index
      %get3A_274 = tpu.vector_load %arg7[%get3A_272, %get3A_273] {strides = array<i32>} : memref<16x640xi32, #tpu.memory_space<vmem>>, vector<16xi32>,
      %gather3A_275 = tpu.vector_load_idx %arg6[%get3A_274] : memref<102400xf32, #tpu.memory_space<vmem>>[vector<16xi32>], vector<16xf32>,
      %sub3A_276 = arith.subf %get3A_159, %gather3A_275 : vector<16xf32>
      %abs3A_277 = math.absf %sub3A_276 : vector<16xf32>
      %add3A_278 = arith.addf %add3A_268, %abs3A_277 : vector<16xf32>
      %mul3A_279 = arith.constant 16 : i32
      %mul3A_280 = arith.muli %scan3A_152, %mul3A_279 : i32
      %get3A_281 = arith.constant 13 : i32
      %get3A_282 = arith.index_cast %get3A_281 : i32 to index
      %get3A_283 = arith.index_cast %mul3A_280 : i32 to index
      %get3A_284 = tpu.vector_load %arg7[%get3A_282, %get3A_283] {strides = array<i32>} : memref<16x640xi32, #tpu.memory_space<vmem>>, vector<16xi32>,
      %gather3A_285 = tpu.vector_load_idx %arg6[%get3A_284] : memref<102400xf32, #tpu.memory_space<vmem>>[vector<16xi32>], vector<16xf32>,
      %sub3A_286 = arith.subf %get3A_159, %gather3A_285 : vector<16xf32>
      %abs3A_287 = math.absf %sub3A_286 : vector<16xf32>
      %add3A_288 = arith.addf %add3A_278, %abs3A_287 : vector<16xf32>
      %mul3A_289 = arith.constant 16 : i32
      %mul3A_290 = arith.muli %scan3A_152, %mul3A_289 : i32
      %get3A_291 = arith.constant 14 : i32
      %get3A_292 = arith.index_cast %get3A_291 : i32 to index
      %get3A_293 = arith.index_cast %mul3A_290 : i32 to index
      %get3A_294 = tpu.vector_load %arg7[%get3A_292, %get3A_293] {strides = array<i32>} : memref<16x640xi32, #tpu.memory_space<vmem>>, vector<16xi32>,
      %gather3A_295 = tpu.vector_load_idx %arg6[%get3A_294] : memref<102400xf32, #tpu.memory_space<vmem>>[vector<16xi32>], vector<16xf32>,
      %sub3A_296 = arith.subf %get3A_159, %gather3A_295 : vector<16xf32>
      %abs3A_297 = math.absf %sub3A_296 : vector<16xf32>
      %add3A_298 = arith.addf %add3A_288, %abs3A_297 : vector<16xf32>
      %mul3A_299 = arith.constant 16 : i32
      %mul3A_300 = arith.muli %scan3A_152, %mul3A_299 : i32
      %get3A_301 = arith.constant 15 : i32
      %get3A_302 = arith.index_cast %get3A_301 : i32 to index
      %get3A_303 = arith.index_cast %mul3A_300 : i32 to index
      %get3A_304 = tpu.vector_load %arg7[%get3A_302, %get3A_303] {strides = array<i32>} : memref<16x640xi32, #tpu.memory_space<vmem>>, vector<16xi32>,
      %gather3A_305 = tpu.vector_load_idx %arg6[%get3A_304] : memref<102400xf32, #tpu.memory_space<vmem>>[vector<16xi32>], vector<16xf32>,
      %sub3A_306 = arith.subf %get3A_159, %gather3A_305 : vector<16xf32>
      %abs3A_307 = math.absf %sub3A_306 : vector<16xf32>
      %add3A_308 = arith.addf %add3A_298, %abs3A_307 : vector<16xf32>
      %swap3A_309 = arith.index_cast %add3A_157 : i32 to index
      %swap3A_310 = tpu.vector_load %arg8[%swap3A_309] {strides = array<i32>} : memref<3200xf32, #tpu.memory_space<vmem>>, vector<16xf32>,
      tpu.vector_store %arg8[%swap3A_309], %add3A_308 {strides = array<i32>} : memref<3200xf32, #tpu.memory_space<vmem>>, vector<16xf32>,
      %scan3A_311 = arith.constant 0 : i32
      scf.yield %scan3A_311 : i32
    }
    %scan3A_134 = arith.constant 40 : i32
    %add3A_135 = arith.constant 2560 : i32
    %add3A_136 = arith.addi %mul3A_2, %add3A_135 : i32
    "tpu.region"() ({
      %run_scoped3A = tpu.sem_alloc : memref<!tpu.dma_semaphore, #tpu.memory_space<semaphore_mem>>
      %dma_start3A = arith.constant 0 : i32
      %dma_start3A_152 = tpu.memref_slice %arg3[%dma_start3A, %add3A_136] : memref<16x102400xi32, #tpu.memory_space<hbm>> -> memref<16x640xi32, #tpu.memory_space<hbm>>
      %dma_start3A_153 = arith.constant 0 : i32
      %dma_start3A_154 = tpu.memref_slice %arg3[%dma_start3A_153, %add3A_136] : memref<16x102400xi32, #tpu.memory_space<hbm>> -> memref<16x640xi32, #tpu.memory_space<hbm>>
      tpu.enqueue_dma source(%dma_start3A_154 : memref<16x640xi32, #tpu.memory_space<hbm>>) target(%arg7 : memref<16x640xi32, #tpu.memory_space<vmem>>) target_semaphore(%run_scoped3A : memref<!tpu.dma_semaphore, #tpu.memory_space<semaphore_mem>>)
      %dma_wait3A = arith.constant 0 : i32
      %dma_wait3A_155 = tpu.memref_slice %arg3[%dma_wait3A, %add3A_136] : memref<16x102400xi32, #tpu.memory_space<hbm>> -> memref<16x640xi32, #tpu.memory_space<hbm>>
      %dma_wait3A_156 = arith.constant 0 : i32
      %dma_wait3A_157 = tpu.memref_slice %arg3[%dma_wait3A_156, %add3A_136] : memref<16x102400xi32, #tpu.memory_space<hbm>> -> memref<16x640xi32, #tpu.memory_space<hbm>>
      tpu.wait_dma2 semaphore(%run_scoped3A : memref<!tpu.dma_semaphore, #tpu.memory_space<semaphore_mem>>) src(%dma_wait3A_157 : memref<16x640xi32, #tpu.memory_space<hbm>>) dst(%arg7 : memref<16x640xi32, #tpu.memory_space<vmem>>)
      tpu.yield
    }) : () -> ()
    %scan3A_137 = arith.constant 0 : i32
    %scan3A_138 = arith.constant 0 : i32
    %scan3A_139 = arith.constant 40 : i32
    %scan3A_140 = arith.addi %scan3A_138, %scan3A_139 : i32
    %scan3A_141 = arith.constant 1 : i32
    %scan3A_142 = scf.for %scan3A_152 = %scan3A_138 to %scan3A_140 step %scan3A_141 iter_args(%scan3A_153 = %scan3A_137) -> (i32)  : i32 {
      %mul3A_154 = arith.constant 16 : i32
      %mul3A_155 = arith.muli %scan3A_152, %mul3A_154 : i32
      %add3A_156 = arith.constant 2560 : i32
      %add3A_157 = arith.addi %add3A_156, %mul3A_155 : i32
      %add3A_158 = arith.addi %mul3A_2, %add3A_157 : i32
      %get3A = arith.index_cast %add3A_158 : i32 to index
      %get3A_159 = tpu.vector_load %arg6[%get3A] {strides = array<i32>} : memref<102400xf32, #tpu.memory_space<vmem>>, vector<16xf32>,
      %get3A_160 = arith.index_cast %add3A_157 : i32 to index
      %get3A_161 = tpu.vector_load %arg8[%get3A_160] {strides = array<i32>} : memref<3200xf32, #tpu.memory_space<vmem>>, vector<16xf32>,
      %mul3A_162 = arith.constant 16 : i32
      %mul3A_163 = arith.muli %scan3A_152, %mul3A_162 : i32
      %get3A_164 = arith.constant 1 : i32
      %get3A_165 = arith.index_cast %get3A_164 : i32 to index
      %get3A_166 = arith.index_cast %mul3A_163 : i32 to index
      %get3A_167 = tpu.vector_load %arg7[%get3A_165, %get3A_166] {strides = array<i32>} : memref<16x640xi32, #tpu.memory_space<vmem>>, vector<16xi32>,
      %gather3A = tpu.vector_load_idx %arg6[%get3A_167] : memref<102400xf32, #tpu.memory_space<vmem>>[vector<16xi32>], vector<16xf32>,
      %sub3A = arith.subf %get3A_159, %gather3A : vector<16xf32>
      %abs3A = math.absf %sub3A : vector<16xf32>
      %add3A_168 = arith.addf %get3A_161, %abs3A : vector<16xf32>
      %mul3A_169 = arith.constant 16 : i32
      %mul3A_170 = arith.muli %scan3A_152, %mul3A_169 : i32
      %get3A_171 = arith.constant 2 : i32
      %get3A_172 = arith.index_cast %get3A_171 : i32 to index
      %get3A_173 = arith.index_cast %mul3A_170 : i32 to index
      %get3A_174 = tpu.vector_load %arg7[%get3A_172, %get3A_173] {strides = array<i32>} : memref<16x640xi32, #tpu.memory_space<vmem>>, vector<16xi32>,
      %gather3A_175 = tpu.vector_load_idx %arg6[%get3A_174] : memref<102400xf32, #tpu.memory_space<vmem>>[vector<16xi32>], vector<16xf32>,
      %sub3A_176 = arith.subf %get3A_159, %gather3A_175 : vector<16xf32>
      %abs3A_177 = math.absf %sub3A_176 : vector<16xf32>
      %add3A_178 = arith.addf %add3A_168, %abs3A_177 : vector<16xf32>
      %mul3A_179 = arith.constant 16 : i32
      %mul3A_180 = arith.muli %scan3A_152, %mul3A_179 : i32
      %get3A_181 = arith.constant 3 : i32
      %get3A_182 = arith.index_cast %get3A_181 : i32 to index
      %get3A_183 = arith.index_cast %mul3A_180 : i32 to index
      %get3A_184 = tpu.vector_load %arg7[%get3A_182, %get3A_183] {strides = array<i32>} : memref<16x640xi32, #tpu.memory_space<vmem>>, vector<16xi32>,
      %gather3A_185 = tpu.vector_load_idx %arg6[%get3A_184] : memref<102400xf32, #tpu.memory_space<vmem>>[vector<16xi32>], vector<16xf32>,
      %sub3A_186 = arith.subf %get3A_159, %gather3A_185 : vector<16xf32>
      %abs3A_187 = math.absf %sub3A_186 : vector<16xf32>
      %add3A_188 = arith.addf %add3A_178, %abs3A_187 : vector<16xf32>
      %mul3A_189 = arith.constant 16 : i32
      %mul3A_190 = arith.muli %scan3A_152, %mul3A_189 : i32
      %get3A_191 = arith.constant 4 : i32
      %get3A_192 = arith.index_cast %get3A_191 : i32 to index
      %get3A_193 = arith.index_cast %mul3A_190 : i32 to index
      %get3A_194 = tpu.vector_load %arg7[%get3A_192, %get3A_193] {strides = array<i32>} : memref<16x640xi32, #tpu.memory_space<vmem>>, vector<16xi32>,
      %gather3A_195 = tpu.vector_load_idx %arg6[%get3A_194] : memref<102400xf32, #tpu.memory_space<vmem>>[vector<16xi32>], vector<16xf32>,
      %sub3A_196 = arith.subf %get3A_159, %gather3A_195 : vector<16xf32>
      %abs3A_197 = math.absf %sub3A_196 : vector<16xf32>
      %add3A_198 = arith.addf %add3A_188, %abs3A_197 : vector<16xf32>
      %mul3A_199 = arith.constant 16 : i32
      %mul3A_200 = arith.muli %scan3A_152, %mul3A_199 : i32
      %get3A_201 = arith.constant 5 : i32
      %get3A_202 = arith.index_cast %get3A_201 : i32 to index
      %get3A_203 = arith.index_cast %mul3A_200 : i32 to index
      %get3A_204 = tpu.vector_load %arg7[%get3A_202, %get3A_203] {strides = array<i32>} : memref<16x640xi32, #tpu.memory_space<vmem>>, vector<16xi32>,
      %gather3A_205 = tpu.vector_load_idx %arg6[%get3A_204] : memref<102400xf32, #tpu.memory_space<vmem>>[vector<16xi32>], vector<16xf32>,
      %sub3A_206 = arith.subf %get3A_159, %gather3A_205 : vector<16xf32>
      %abs3A_207 = math.absf %sub3A_206 : vector<16xf32>
      %add3A_208 = arith.addf %add3A_198, %abs3A_207 : vector<16xf32>
      %mul3A_209 = arith.constant 16 : i32
      %mul3A_210 = arith.muli %scan3A_152, %mul3A_209 : i32
      %get3A_211 = arith.constant 6 : i32
      %get3A_212 = arith.index_cast %get3A_211 : i32 to index
      %get3A_213 = arith.index_cast %mul3A_210 : i32 to index
      %get3A_214 = tpu.vector_load %arg7[%get3A_212, %get3A_213] {strides = array<i32>} : memref<16x640xi32, #tpu.memory_space<vmem>>, vector<16xi32>,
      %gather3A_215 = tpu.vector_load_idx %arg6[%get3A_214] : memref<102400xf32, #tpu.memory_space<vmem>>[vector<16xi32>], vector<16xf32>,
      %sub3A_216 = arith.subf %get3A_159, %gather3A_215 : vector<16xf32>
      %abs3A_217 = math.absf %sub3A_216 : vector<16xf32>
      %add3A_218 = arith.addf %add3A_208, %abs3A_217 : vector<16xf32>
      %mul3A_219 = arith.constant 16 : i32
      %mul3A_220 = arith.muli %scan3A_152, %mul3A_219 : i32
      %get3A_221 = arith.constant 7 : i32
      %get3A_222 = arith.index_cast %get3A_221 : i32 to index
      %get3A_223 = arith.index_cast %mul3A_220 : i32 to index
      %get3A_224 = tpu.vector_load %arg7[%get3A_222, %get3A_223] {strides = array<i32>} : memref<16x640xi32, #tpu.memory_space<vmem>>, vector<16xi32>,
      %gather3A_225 = tpu.vector_load_idx %arg6[%get3A_224] : memref<102400xf32, #tpu.memory_space<vmem>>[vector<16xi32>], vector<16xf32>,
      %sub3A_226 = arith.subf %get3A_159, %gather3A_225 : vector<16xf32>
      %abs3A_227 = math.absf %sub3A_226 : vector<16xf32>
      %add3A_228 = arith.addf %add3A_218, %abs3A_227 : vector<16xf32>
      %mul3A_229 = arith.constant 16 : i32
      %mul3A_230 = arith.muli %scan3A_152, %mul3A_229 : i32
      %get3A_231 = arith.constant 8 : i32
      %get3A_232 = arith.index_cast %get3A_231 : i32 to index
      %get3A_233 = arith.index_cast %mul3A_230 : i32 to index
      %get3A_234 = tpu.vector_load %arg7[%get3A_232, %get3A_233] {strides = array<i32>} : memref<16x640xi32, #tpu.memory_space<vmem>>, vector<16xi32>,
      %gather3A_235 = tpu.vector_load_idx %arg6[%get3A_234] : memref<102400xf32, #tpu.memory_space<vmem>>[vector<16xi32>], vector<16xf32>,
      %sub3A_236 = arith.subf %get3A_159, %gather3A_235 : vector<16xf32>
      %abs3A_237 = math.absf %sub3A_236 : vector<16xf32>
      %add3A_238 = arith.addf %add3A_228, %abs3A_237 : vector<16xf32>
      %mul3A_239 = arith.constant 16 : i32
      %mul3A_240 = arith.muli %scan3A_152, %mul3A_239 : i32
      %get3A_241 = arith.constant 9 : i32
      %get3A_242 = arith.index_cast %get3A_241 : i32 to index
      %get3A_243 = arith.index_cast %mul3A_240 : i32 to index
      %get3A_244 = tpu.vector_load %arg7[%get3A_242, %get3A_243] {strides = array<i32>} : memref<16x640xi32, #tpu.memory_space<vmem>>, vector<16xi32>,
      %gather3A_245 = tpu.vector_load_idx %arg6[%get3A_244] : memref<102400xf32, #tpu.memory_space<vmem>>[vector<16xi32>], vector<16xf32>,
      %sub3A_246 = arith.subf %get3A_159, %gather3A_245 : vector<16xf32>
      %abs3A_247 = math.absf %sub3A_246 : vector<16xf32>
      %add3A_248 = arith.addf %add3A_238, %abs3A_247 : vector<16xf32>
      %mul3A_249 = arith.constant 16 : i32
      %mul3A_250 = arith.muli %scan3A_152, %mul3A_249 : i32
      %get3A_251 = arith.constant 10 : i32
      %get3A_252 = arith.index_cast %get3A_251 : i32 to index
      %get3A_253 = arith.index_cast %mul3A_250 : i32 to index
      %get3A_254 = tpu.vector_load %arg7[%get3A_252, %get3A_253] {strides = array<i32>} : memref<16x640xi32, #tpu.memory_space<vmem>>, vector<16xi32>,
      %gather3A_255 = tpu.vector_load_idx %arg6[%get3A_254] : memref<102400xf32, #tpu.memory_space<vmem>>[vector<16xi32>], vector<16xf32>,
      %sub3A_256 = arith.subf %get3A_159, %gather3A_255 : vector<16xf32>
      %abs3A_257 = math.absf %sub3A_256 : vector<16xf32>
      %add3A_258 = arith.addf %add3A_248, %abs3A_257 : vector<16xf32>
      %mul3A_259 = arith.constant 16 : i32
      %mul3A_260 = arith.muli %scan3A_152, %mul3A_259 : i32
      %get3A_261 = arith.constant 11 : i32
      %get3A_262 = arith.index_cast %get3A_261 : i32 to index
      %get3A_263 = arith.index_cast %mul3A_260 : i32 to index
      %get3A_264 = tpu.vector_load %arg7[%get3A_262, %get3A_263] {strides = array<i32>} : memref<16x640xi32, #tpu.memory_space<vmem>>, vector<16xi32>,
      %gather3A_265 = tpu.vector_load_idx %arg6[%get3A_264] : memref<102400xf32, #tpu.memory_space<vmem>>[vector<16xi32>], vector<16xf32>,
      %sub3A_266 = arith.subf %get3A_159, %gather3A_265 : vector<16xf32>
      %abs3A_267 = math.absf %sub3A_266 : vector<16xf32>
      %add3A_268 = arith.addf %add3A_258, %abs3A_267 : vector<16xf32>
      %mul3A_269 = arith.constant 16 : i32
      %mul3A_270 = arith.muli %scan3A_152, %mul3A_269 : i32
      %get3A_271 = arith.constant 12 : i32
      %get3A_272 = arith.index_cast %get3A_271 : i32 to index
      %get3A_273 = arith.index_cast %mul3A_270 : i32 to index
      %get3A_274 = tpu.vector_load %arg7[%get3A_272, %get3A_273] {strides = array<i32>} : memref<16x640xi32, #tpu.memory_space<vmem>>, vector<16xi32>,
      %gather3A_275 = tpu.vector_load_idx %arg6[%get3A_274] : memref<102400xf32, #tpu.memory_space<vmem>>[vector<16xi32>], vector<16xf32>,
      %sub3A_276 = arith.subf %get3A_159, %gather3A_275 : vector<16xf32>
      %abs3A_277 = math.absf %sub3A_276 : vector<16xf32>
      %add3A_278 = arith.addf %add3A_268, %abs3A_277 : vector<16xf32>
      %mul3A_279 = arith.constant 16 : i32
      %mul3A_280 = arith.muli %scan3A_152, %mul3A_279 : i32
      %get3A_281 = arith.constant 13 : i32
      %get3A_282 = arith.index_cast %get3A_281 : i32 to index
      %get3A_283 = arith.index_cast %mul3A_280 : i32 to index
      %get3A_284 = tpu.vector_load %arg7[%get3A_282, %get3A_283] {strides = array<i32>} : memref<16x640xi32, #tpu.memory_space<vmem>>, vector<16xi32>,
      %gather3A_285 = tpu.vector_load_idx %arg6[%get3A_284] : memref<102400xf32, #tpu.memory_space<vmem>>[vector<16xi32>], vector<16xf32>,
      %sub3A_286 = arith.subf %get3A_159, %gather3A_285 : vector<16xf32>
      %abs3A_287 = math.absf %sub3A_286 : vector<16xf32>
      %add3A_288 = arith.addf %add3A_278, %abs3A_287 : vector<16xf32>
      %mul3A_289 = arith.constant 16 : i32
      %mul3A_290 = arith.muli %scan3A_152, %mul3A_289 : i32
      %get3A_291 = arith.constant 14 : i32
      %get3A_292 = arith.index_cast %get3A_291 : i32 to index
      %get3A_293 = arith.index_cast %mul3A_290 : i32 to index
      %get3A_294 = tpu.vector_load %arg7[%get3A_292, %get3A_293] {strides = array<i32>} : memref<16x640xi32, #tpu.memory_space<vmem>>, vector<16xi32>,
      %gather3A_295 = tpu.vector_load_idx %arg6[%get3A_294] : memref<102400xf32, #tpu.memory_space<vmem>>[vector<16xi32>], vector<16xf32>,
      %sub3A_296 = arith.subf %get3A_159, %gather3A_295 : vector<16xf32>
      %abs3A_297 = math.absf %sub3A_296 : vector<16xf32>
      %add3A_298 = arith.addf %add3A_288, %abs3A_297 : vector<16xf32>
      %mul3A_299 = arith.constant 16 : i32
      %mul3A_300 = arith.muli %scan3A_152, %mul3A_299 : i32
      %get3A_301 = arith.constant 15 : i32
      %get3A_302 = arith.index_cast %get3A_301 : i32 to index
      %get3A_303 = arith.index_cast %mul3A_300 : i32 to index
      %get3A_304 = tpu.vector_load %arg7[%get3A_302, %get3A_303] {strides = array<i32>} : memref<16x640xi32, #tpu.memory_space<vmem>>, vector<16xi32>,
      %gather3A_305 = tpu.vector_load_idx %arg6[%get3A_304] : memref<102400xf32, #tpu.memory_space<vmem>>[vector<16xi32>], vector<16xf32>,
      %sub3A_306 = arith.subf %get3A_159, %gather3A_305 : vector<16xf32>
      %abs3A_307 = math.absf %sub3A_306 : vector<16xf32>
      %add3A_308 = arith.addf %add3A_298, %abs3A_307 : vector<16xf32>
      %swap3A_309 = arith.index_cast %add3A_157 : i32 to index
      %swap3A_310 = tpu.vector_load %arg8[%swap3A_309] {strides = array<i32>} : memref<3200xf32, #tpu.memory_space<vmem>>, vector<16xf32>,
      tpu.vector_store %arg8[%swap3A_309], %add3A_308 {strides = array<i32>} : memref<3200xf32, #tpu.memory_space<vmem>>, vector<16xf32>,
      %scan3A_311 = arith.constant 0 : i32
      scf.yield %scan3A_311 : i32
    }
    %scan3A_143 = arith.constant 40 : i32
    %iota3A = tpu.iota {dimensions = array<i32: 0>} : vector<16xi32>
    %broadcast_in_dim3A = arith.constant 0.000000e+00 : f32
    %broadcast_in_dim3A_144 = vector.broadcast %broadcast_in_dim3A : f32 to vector<16xf32>
    %scan3A_145 = arith.constant 0 : i32
    %scan3A_146 = arith.constant 200 : i32
    %scan3A_147 = arith.addi %scan3A_145, %scan3A_146 : i32
    %scan3A_148 = arith.constant 1 : i32
    %scan3A_149 = scf.for %scan3A_152 = %scan3A_145 to %scan3A_147 step %scan3A_148 iter_args(%scan3A_153 = %broadcast_in_dim3A_144) -> (vector<16xf32>)  : i32 {
      %mul3A_154 = arith.constant 16 : i32
      %mul3A_155 = arith.muli %scan3A_152, %mul3A_154 : i32
      %get3A = arith.index_cast %mul3A_155 : i32 to index
      %get3A_156 = tpu.vector_load %arg8[%get3A] {strides = array<i32>} : memref<3200xf32, #tpu.memory_space<vmem>>, vector<16xf32>,
      %mul3A_157 = arith.constant 0.0666666701 : f32
      %mul3A_158 = vector.broadcast %mul3A_157 : f32 to vector<16xf32>
      %mul3A_159 = arith.mulf %get3A_156, %mul3A_158 : vector<16xf32>
      %mul3A_160 = arith.constant 16 : i32
      %mul3A_161 = arith.muli %scan3A_152, %mul3A_160 : i32
      %swap3A_162 = arith.index_cast %mul3A_161 : i32 to index
      %swap3A_163 = tpu.vector_load %arg8[%swap3A_162] {strides = array<i32>} : memref<3200xf32, #tpu.memory_space<vmem>>, vector<16xf32>,
      tpu.vector_store %arg8[%swap3A_162], %mul3A_159 {strides = array<i32>} : memref<3200xf32, #tpu.memory_space<vmem>>, vector<16xf32>,
      %mul3A_164 = arith.constant 16 : i32
      %mul3A_165 = arith.muli %scan3A_152, %mul3A_164 : i32
      %add3A_166 = arith.addi %mul3A_2, %mul3A_165 : i32
      %add3A_167 = vector.broadcast %add3A_166 : i32 to vector<16xi32>
      %add3A_168 = arith.addi %add3A_167, %iota3A : vector<16xi32>
      %lt3A = arith.constant 100000 : i32
      %lt3A_169 = vector.broadcast %lt3A : i32 to vector<16xi32>
      %lt3A_170 = arith.cmpi slt, %add3A_168, %lt3A_169 : vector<16xi32>
      %jit3A = arith.constant 0.000000e+00 : f32
      %broadcast_in_dim3A_171 = vector.broadcast %jit3A : f32 to vector<16xf32>
      %select_n3A = arith.select %lt3A_170, %mul3A_159, %broadcast_in_dim3A_171 : vector<16xi1>, vector<16xf32>
      %add3A_172 = arith.addf %scan3A_153, %select_n3A : vector<16xf32>
      scf.yield %add3A_172 : vector<16xf32>
    }
    %scan3A_150 = arith.constant 200 : i32
    %swap3A = arith.constant 0 : index
    %swap3A_151 = tpu.vector_load %arg9[%swap3A] {strides = array<i32>} : memref<16xf32, #tpu.memory_space<vmem>>, vector<16xf32>,
    tpu.vector_store %arg9[%swap3A], %scan3A_149 {strides = array<i32>} : memref<16xf32, #tpu.memory_space<vmem>>, vector<16xf32>,
    "tpu.region"() ({
      %run_scoped3A = tpu.sem_alloc : memref<!tpu.dma_semaphore, #tpu.memory_space<semaphore_mem>>
      %dma_start3A = arith.constant 0 : i32
      %dma_start3A_152 = tpu.memref_slice %arg5[%add3A, %dma_start3A] : memref<32x16xf32, #tpu.memory_space<hbm>> -> memref<1x16xf32, #tpu.memory_space<hbm>>
      %dma_start3A_153 = tpu.memref_squeeze %dma_start3A_152 : memref<1x16xf32, #tpu.memory_space<hbm>> -> memref<16xf32, #tpu.memory_space<hbm>>
      %dma_start3A_154 = arith.constant 0 : i32
      %dma_start3A_155 = tpu.memref_slice %arg5[%add3A, %dma_start3A_154] : memref<32x16xf32, #tpu.memory_space<hbm>> -> memref<1x16xf32, #tpu.memory_space<hbm>>
      %dma_start3A_156 = tpu.memref_squeeze %dma_start3A_155 : memref<1x16xf32, #tpu.memory_space<hbm>> -> memref<16xf32, #tpu.memory_space<hbm>>
      tpu.enqueue_dma source(%arg9 : memref<16xf32, #tpu.memory_space<vmem>>) target(%dma_start3A_156 : memref<16xf32, #tpu.memory_space<hbm>>) target_semaphore(%run_scoped3A : memref<!tpu.dma_semaphore, #tpu.memory_space<semaphore_mem>>)
      %dma_wait3A = arith.constant 0 : i32
      %dma_wait3A_157 = tpu.memref_slice %arg5[%add3A, %dma_wait3A] : memref<32x16xf32, #tpu.memory_space<hbm>> -> memref<1x16xf32, #tpu.memory_space<hbm>>
      %dma_wait3A_158 = tpu.memref_squeeze %dma_wait3A_157 : memref<1x16xf32, #tpu.memory_space<hbm>> -> memref<16xf32, #tpu.memory_space<hbm>>
      %dma_wait3A_159 = arith.constant 0 : i32
      %dma_wait3A_160 = tpu.memref_slice %arg5[%add3A, %dma_wait3A_159] : memref<32x16xf32, #tpu.memory_space<hbm>> -> memref<1x16xf32, #tpu.memory_space<hbm>>
      %dma_wait3A_161 = tpu.memref_squeeze %dma_wait3A_160 : memref<1x16xf32, #tpu.memory_space<hbm>> -> memref<16xf32, #tpu.memory_space<hbm>>
      tpu.wait_dma2 semaphore(%run_scoped3A : memref<!tpu.dma_semaphore, #tpu.memory_space<semaphore_mem>>) src(%arg9 : memref<16xf32, #tpu.memory_space<vmem>>) dst(%dma_wait3A_161 : memref<16xf32, #tpu.memory_space<hbm>>)
      tpu.yield
    }) : () -> ()
    "tpu.region"() ({
      %run_scoped3A = tpu.sem_alloc : memref<!tpu.dma_semaphore, #tpu.memory_space<semaphore_mem>>
      %dma_start3A = tpu.memref_slice %arg4[%mul3A_2] : memref<102400xf32, #tpu.memory_space<hbm>> -> memref<3200xf32, #tpu.memory_space<hbm>>
      %dma_start3A_152 = tpu.memref_slice %arg4[%mul3A_2] : memref<102400xf32, #tpu.memory_space<hbm>> -> memref<3200xf32, #tpu.memory_space<hbm>>
      tpu.enqueue_dma source(%arg8 : memref<3200xf32, #tpu.memory_space<vmem>>) target(%dma_start3A_152 : memref<3200xf32, #tpu.memory_space<hbm>>) target_semaphore(%run_scoped3A : memref<!tpu.dma_semaphore, #tpu.memory_space<semaphore_mem>>)
      %dma_wait3A = tpu.memref_slice %arg4[%mul3A_2] : memref<102400xf32, #tpu.memory_space<hbm>> -> memref<3200xf32, #tpu.memory_space<hbm>>
      %dma_wait3A_153 = tpu.memref_slice %arg4[%mul3A_2] : memref<102400xf32, #tpu.memory_space<hbm>> -> memref<3200xf32, #tpu.memory_space<hbm>>
      tpu.wait_dma2 semaphore(%run_scoped3A : memref<!tpu.dma_semaphore, #tpu.memory_space<semaphore_mem>>) src(%arg8 : memref<3200xf32, #tpu.memory_space<vmem>>) dst(%dma_wait3A_153 : memref<3200xf32, #tpu.memory_space<hbm>>)
      tpu.yield
    }) : () -> ()
    return
  }
}

</mosaic_0001>

<sc_bundles>
// kernel: kernel.3.cloned.1.call-start
scs
__scs_entry_jumppad:
0x0: {  	(pc) =	sbr.rel $0x88, $3  }
0x1: {  	(tag) =	ssettag $0x0;
	lr =	simm.s32 $0x1  }
0x2: {  	[smem:$0x3F9F] =	sst lr;
	_ =	strace $0xD0000000  }
0x3: {  	_ = 	snop  }
0x4: {  	_ = 	snop  }
0x5: {  	_ = 	snop  }
0x6: {  	_ = 	snop  }
0x7: {  	_ = 	snop  }
__scs_overlays_trampoline_lowered:
0x8: {  	[smem:$0x3FAE] =	sst s0  }
0x9: {  	[smem:$0x3FAF] =	sst s1  }
0xa: {  	[smem:$0x3FB0] =	sst s2  }
0xb: {  	[smem:$0x3FB1] =	sst s3  }
0xc: {  	[smem:$0x3FB2] =	sst s4  }
0xd: {  	[smem:$0x3FB3] =	sst s5  }
0xe: {  	[smem:$0x3FB4] =	sst s6  }
0xf: {  	[smem:$0x3FB5] =	sst s7  }
0x10: {  	[smem:$0x3FB6] =	sst s8  }
0x11: {  	[smem:$0x3FB7] =	sst s9;
	s0 =	simm.s32 @!p0 $0x0  }
0x12: {  	s1 =	sld [smem:$0x3F9D];
	s0 =	simm.s32 @p0 $0x1  }
0x13: {  	[smem:$0x3FB8] =	sst s0;
	s0 =	simm.s32 @!p1 $0x0  }
0x14: {  	s2 =	sld [smem:$0x3F9C];
	s0 =	simm.s32 @p1 $0x1  }
0x15: {  	[smem:$0x3FB9] =	sst s0;
	s0 =	simm.s32 @!p2 $0x0  }
0x16: {  	s3 =	sld [smem:$0x3FDB];
	s0 =	simm.s32 @p2 $0x1  }
0x17: {  	s4 =	simm.s32 $0x1BF5;
	[smem:$0x3FBB] =	sst s0  }
0x18: {  	s0 =	sld [smem:$0x3F9E];
	_ =	swait.ge [sflag:s4], $0x0  }
0x19: {  	s7 =	sld [smem:$0x3F9F]  }
0x1a: {  	s8 =	sadd.s32 $0xFFFFE003, lr  }
0x1b: {  	s9 =	sadd.s32 $0xFFFFFEF7, lr;
	s5 =	simm.s32 $0xFFFFFFFF;
	p2 =	slt.u32 s8, $0xFFFFF086  }
0x1c: {  	p1 =	slt.u32 s9, $0xF7A;
	s5 =	simm.s32 @!p2 $0x0  }
0x1d: {  	s5 =	simm.s32 @p1 $0x1;
	p0 =	seq.s32 s7, s2  }
0x1e: {  	s7 =	smul.u32 @!p0 $0xF7A, s2;
	p2 =	seq.s32 @!p0 s5, $0x0  }
0x1f: {  	s9 =	smul.u32 $0xF7A, s1;
	s8 =	simm.s32 @!p0 $0x1BF5;
	p2 =	por !p2, p0  }
0x20: {  	[sflag:s8] =	ssyncset.s32 @!p0 $0xFFFFF086;
	s6 =	sadd.s32 @!p0 s3, s7;
	s7 =	simm.s32 @!p0 $0x108  }
0x21: {  	s3 =	sadd.s32 s3, s9;
	s6 =	sadd.s32 @!p0 $0x88, s6;
	s7 =	simm.s32 @p2 $0x1082  }
0x22: {  	[simem:s7], [sflag:s8] =	dma.local @!p0 [hbm:s6], $0xF7A  }
0x23: {  	s9 =	sor.u32 $0xD0000000, s2;
	s6 =	simm.s32 $0x108;
	_ =	swait.ge @!p0 [sflag:s8], $0x0  }
0x24: {  	s3 =	sadd.s32 $0x88, s3;
	s6 =	simm.s32 @!p1 $0x1082;
	[sflag:s4] =	ssyncset.s32 $0xFFFFF086  }
0x25: {  	[simem:s6], [sflag:s4] =	dma.local [hbm:s3], $0xF7A  }
0x26: {  	[smem:$0x3F9F] =	sst s1;
	(tag) =	ssettag s2;
	_ =	strace s9  }
0x27: {  	s1 =	sld [smem:$0x3FAF]  }
0x28: {  	s2 =	sld [smem:$0x3FB0]  }
0x29: {  	s4 =	sld [smem:$0x3FB2]  }
0x2a: {  	p0 =	seq.s32 s5, $0x0;
	s5 =	sld [smem:$0x3FB3]  }
0x2b: {  	s6 =	sld [smem:$0x3FB4]  }
0x2c: {  	s7 =	sld [smem:$0x3FB5]  }
0x2d: {  	s3 =	simm.s32 $0x108;
	s8 =	sld [smem:$0x3FB6]  }
0x2e: {  	s3 =	simm.s32 @!p0 $0x1082;
	s9 =	sld [smem:$0x3FB7]  }
0x2f: {  	lr =	sadd.s32 s0, s3;
	s0 =	sld [smem:$0x3FAE]  }
0x30: {  	s3 =	sld [smem:$0x3FB1]  }
0x31: {  	[smem:$0x3FBA] =	sst s10  }
0x32: {  	s10 =	sld [smem:$0x3FB8];
	_ =	sdelay $0x3  }
0x33: {  	p0 =	seq.s32 s10, $0x1;
	s10 =	sld [smem:$0x3FBA];
	_ =	sdelay $0x3  }
0x34: {  	[smem:$0x3FBA] =	sst s10  }
0x35: {  	s10 =	sld [smem:$0x3FB9];
	_ =	sdelay $0x3  }
0x36: {  	p1 =	seq.s32 s10, $0x1;
	s10 =	sld [smem:$0x3FBA];
	_ =	sdelay $0x3  }
0x37: {  	[smem:$0x3FBA] =	sst s10  }
0x38: {  	s10 =	sld [smem:$0x3FBB]  }
0x39: {  	_ = 	snop;
	(pc) =	sbr.ind lr, $3  }
0x3a: {  	_ = 	snop  }
0x3b: {  	_ = 	snop  }
0x3c: {  	p2 =	seq.s32 s10, $0x1;
	s10 =	sld [smem:$0x3FBA]  }
0x3d: {  	_ =	shalt  }
0x3e: {  	_ =	shalt  }
0x3f: {  	_ =	shalt  }
0x40: {  	_ =	shalt  }
0x41: {  	_ =	shalt  }
0x42: {  	_ =	shalt  }
0x43: {  	_ =	shalt  }
0x44: {  	_ =	shalt  }
0x45: {  	_ =	shalt  }
0x46: {  	_ =	shalt  }
0x47: {  	_ =	shalt  }
0x48: {  	_ =	shalt  }
0x49: {  	_ =	shalt  }
0x4a: {  	_ =	shalt  }
0x4b: {  	_ =	shalt  }
0x4c: {  	_ =	shalt  }
0x4d: {  	_ =	shalt  }
0x4e: {  	_ =	shalt  }
0x4f: {  	_ =	shalt  }
0x50: {  	_ =	shalt  }
0x51: {  	_ =	shalt  }
0x52: {  	_ =	shalt  }
0x53: {  	_ =	shalt  }
0x54: {  	_ =	shalt  }
0x55: {  	_ =	shalt  }
0x56: {  	_ =	shalt  }
0x57: {  	_ =	shalt  }
0x58: {  	_ =	shalt  }
0x59: {  	_ =	shalt  }
0x5a: {  	_ =	shalt  }
0x5b: {  	_ =	shalt  }
0x5c: {  	_ =	shalt  }
0x5d: {  	_ =	shalt  }
0x5e: {  	_ =	shalt  }
0x5f: {  	_ =	shalt  }
0x60: {  	_ =	shalt  }
0x61: {  	_ =	shalt  }
0x62: {  	_ =	shalt  }
0x63: {  	_ =	shalt  }
0x64: {  	_ =	shalt  }
0x65: {  	_ =	shalt  }
0x66: {  	_ =	shalt  }
0x67: {  	_ =	shalt  }
0x68: {  	_ =	shalt  }
0x69: {  	_ =	shalt  }
0x6a: {  	_ =	shalt  }
0x6b: {  	_ =	shalt  }
0x6c: {  	_ =	shalt  }
0x6d: {  	_ =	shalt  }
0x6e: {  	_ =	shalt  }
0x6f: {  	_ =	shalt  }
0x70: {  	_ =	shalt  }
0x71: {  	_ =	shalt  }
0x72: {  	_ =	shalt  }
0x73: {  	_ =	shalt  }
0x74: {  	_ =	shalt  }
0x75: {  	_ =	shalt  }
0x76: {  	_ =	shalt  }
0x77: {  	_ =	shalt  }
0x78: {  	_ =	shalt  }
0x79: {  	_ =	shalt  }
0x7a: {  	_ =	shalt  }
0x7b: {  	_ =	shalt  }
0x7c: {  	_ =	shalt  }
0x7d: {  	_ =	shalt  }
0x7e: {  	_ =	shalt  }
0x7f: {  	_ =	shalt  }
0x80: {  	_ =	shalt  }
0x81: {  	_ =	shalt  }
0x82: {  	_ =	shalt  }
0x83: {  	_ =	shalt  }
0x84: {  	_ =	shalt  }
0x85: {  	_ =	shalt  }
0x86: {  	_ =	shalt  }
0x87: {  	_ =	shalt  }
.Lfunc_end0:
.L_simem_size_0:
called_computation_lowered:
.L_overlay_start_0:
0x88: {  	s2 =	sld [smem:$0x3FD9]  }
0x89: {  	s3 =	sld [smem:$0x3FFE];
	_ =	sdelay $0x1  }
0x8a: {  	s1 =	srdreg.scid  }
0x8b: {  	s0 =	sand.u32 $0x1, s1  }
0x8c: {  	s16 =	sshll.u32 s0, $0xA;
	s2 =	sadd.s32 s3, s2  }
0x8d: {  	s2 =	sadd.s32 s2, s16  }
0x8e: {  	[smem:$0x3FC6] =	sst s2  }
0x8f: {  	_ = 	snop  }
0x90: {  	(tm) =	ssettm $0x1  }
0x91: {  	s17 =	sld [smem:$0x3FFB];
	_ =	sdelay $0x3  }
0x92: {  	_ =	strace s17  }
0x93: {  	s2 =	sld [smem:$0x3FFC];
	_ =	sdelay $0x3  }
0x94: {  	_ =	strace s2  }
0x95: {  	s2 =	sld [smem:$0x3FFD];
	_ =	sdelay $0x3  }
0x96: {  	_ =	strace s2  }
0x97: {  	_ =	strace $0x8FFFFFFF  }
0x98: {  	s18 =	sld [smem:$0x3FDB];
	_ =	sdelay $0x1  }
0x99: {  	s19 =	simm.s32 $_scs_section_size  }
0x9a: {  	s4 =	simm.s32 $_size__tile_overlayer_lowered;
	s5 =	simm.s32 $_tile_overlayer_lowered  }
0x9b: {  	s22 =	simm.s32 $0x1BFF;
	s21 =	sshll.u32 s5, $0x1;
	s2 =	sadd.s32 s19, s18  }
0x9c: {  	s6 =	simm.s32 $0x0;
	s20 =	sshll.u32 s4, $0x1;
	s4 =	sadd.s32 s21, s2  }
0x9d: {  	[timem:s6], [sflag:s22] =	dma.local [hbm:s4], s20  }
0x9e: {  	_ =	swait.ge [sflag:s22], s20  }
0x9f: {  	s3 =	ssub.s32 $0x0, s20;
	[sflag:s22] =	ssyncset.done $0x0  }
0xa0: {  	[sflag:s22] =	ssyncadd.s32 s3;
	_ =	sdelay $0x1  }
0xa1: {  	s23 =	simm.s32 $0x1B8B  }
0xa2: {  	_ =	swait.ge [sflag:s23], $0x1  }
0xa3: {  	[sflag:s23] =	ssyncset.done $0x0  }
0xa4: {  	s25 =	simm.s32 $0x1B8E;
	s24 =	sld [smem:$0x3FFE];
	[sflag:s23] =	ssyncadd.s32 $0xFFFFFFFF  }
0xa5: {  	s26 =	simm.s32 $execute0_lowered;
	[smem:$0x3FD2] =	sst s25  }
0xa6: {  	s4 =	sshll.u32 s26, $0x1;
	_ =	strace $0x80000046;
	[dreg:$0x1] =	wrdreg $0xFFFFFFFF  }
0xa7: {  	s28 =	simm.s32 $_size_execute0_lowered;
	s2 =	sadd.s32 s2, s4;
	[dreg:$0x0] =	wrdreg $0x0  }
0xa8: {  	s4 =	sshll.u32 s28, $0x1;
	[dreg:$0x2] =	wrdreg s2  }
0xa9: {  	[dreg:$0x3] =	wrdreg s4  }
0xaa: {  	[dreg:$0x4] =	wrdreg $0xC0  }
0xab: {  	_ =	task [dreg:s6], $0x5FFFF  }
0xac: {  	[dreg:$0x1] =	wrdreg $0xFFFFFFFF  }
0xad: {  	[dreg:$0x0] =	wrdreg $0x60  }
0xae: {  	[dreg:$0x2] =	wrdreg s24  }
0xaf: {  	[dreg:$0x3] =	wrdreg $0x9  }
0xb0: {  	_ =	task.clear_ibuf [dreg:s6], $0x4FFFF;
	_ =	strace $0x90000046  }
0xb1: {  	s29 =	simm.s32 $0x9;
	_ =	strace $0x80000048  }
0xb2: {  	_ =	swait.ge [sflag:s29], $0x1  }
0xb3: {  	[sflag:s29] =	ssyncadd.s32 $0xFFFFFFFF  }
0xb4: {  	_ =	strace $0x90000048  }
0xb5: {  	_ =	sfence  }
0xb6: {  	s30 =	sld [smem:$0x0];
	_ =	sdelay $0x2  }
0xb7: {  	s31 =	sshll.u32 s1, $0xD;
	s1 =	sshrl.u32 s1, $0x2  }
0xb8: {  	s3 =	sand.u32 $0x4000, s31;
	s1 =	sadd.s32 s1, s30  }
0xb9: {  	s0 =	sor.u32 s3, s0;
	s1 =	sshll.u32 s1, $0x11  }
0xba: {  	s0 =	sor.u32 s1, s0  }
0xbb: {  	s0 =	sadd.s32 $0x8F2B, s0  }
0xbc: {  	[sflag:s0] =	ssyncadd.remote.s32 $0x1  }
0xbd: {  	_ =	sfence.sel $0xFFFF  }
0xbe: {  	[dreg:$0x0] =	wrdreg $0xFFFFFFFF;
	(pc) =	sbr.abs _section_cstart, $3  }
0xbf: {  	[dreg:$0x1] =	wrdreg $0xFFFFFFFF  }
0xc0: {  	_ =	task.clear_ibuf [dreg:s6], $0x2FFFF;
	_ =	strace $0x9FFFFFFF  }
0xc1: {  	(tm) =	ssettm $0x7FFFFFFF  }
tec
execute0_lowered:
.L_overlay_start_1:
0x0: {  	(tag) =	ssettag $0x1  }
0x1: {  	s0 =	srdreg.scid  }
0x2: {  	s10 =	stileid.u32;
	s1 =	rddreg [dreg:$0x0]  }
0x3: {  	s2 =	simm.s32 $0x0;
	s19 =	simm.s32 $0x1;
	s20 =	simm.s32 $0x1400  }
0x4: {  	s21 =	simm.s32 $0xC8000;
	s22 =	simm.s32 $0x19000;
	s24 =	simm.s32 $0x1B800  }
0x5: {  	s25 =	simm.s32 $0x0;
	s0 =	sand.u32 $0x1, s0;
	s3 =	sshll.u32 s10, $0x1  }
0x6: {  	[smem:$0x7FF] =	sst s2;
	s8 =	sadd.s32 $0x9800, s1;
	s13 =	smul.u32 $0x1900, s10  }
0x7: {  	s4 =	sor.u32 s0, s3;
	s30 =	ssub.s32 $0x2, s0;
	s0 =	smul.u32 $0xC80, s0  }
0x8: {  	s10 =	sadd.s32 $0x6600, s1;
	_ =	strace $0x80000047;
	s5 =	smul.u32 $0xC80, s4  }
0x9: {  	s7 =	smul.u32 $0x6400, s4;
	s4 =	sshll.u32 s4, $0x4;
	s9 =	sshrl.u32 s30, $0x1  }
0xa: {  	s3 =	sadd.s32 $0x200, s1;
	s11 =	sadd.s32 s4, s1;
	s14 =	ssub.s32 s30, s9  }
0xb: {  	s9 =	sadd.s32 $0x3400, s1;
	s13 =	sadd.s32 s0, s13;
	s6 =	sshrl.u32 s5, $0x3  }
0xc: {  	s7 =	sshrl.u32 s7, $0x3;
	s4 =	sadd.s32 s8, s5;
	s11 =	sadd.s32 $0x3EA00, s11  }
0xd: {  	s14 =	smax.u32 s14, $0x1;
	s15 =	sadd.s32 $0x280, s13;
	s16 =	sadd.s32 $0x500, s13  }
0xe: {  	s17 =	sadd.s32 $0x780, s13;
	s18 =	sadd.s32 $0xA00, s13;
	s31 =	sadd.s32 s8, s7  }
0xf: {  	s12 =	sadd.s32 s6, s1;
	s5 =	sadd.s32 $0x280, s31;
	s6 =	sadd.s32 $0x500, s31  }
0x10: {  	v0 =	vimm.f32 $0.0e+00;
	s7 =	sadd.s32 $0x780, s31;
	s8 =	sadd.s32 $0xA00, s31;
	s12 =	sadd.s32 $0x3B800, s12  }
.LBB2_1:
0x11: {  	s0 =	simm.s32 $0x40;
	s1 =	simm.s32 $0x0  }
.LBB2_2:
0x12: {  	p0 =	sne.s32 s0, $0x31C0;
	[tilespmem:s1+$0x1B800] =	vst v0;
	s1 =	smov.u32 s0;
	s0 =	sadd.s32 $0x40, s0  }
.Ltmp0:
0x13: {  	(pc) =	sbr.rel @p0 .LBB2_2-.Ltmp0, $2  }
0x14: {  	_ =	sdelay $0x2  }
0x15: {  	s1 =	sshra.s32 s1, $0x2  }
0x16: {  	[tilespmem:s1+$0x1B800] =	vst v0;
	s0 =	simm.s32 $0x0  }
0x17: {  	[tilespmem:s0], [sflag:$0x1] =	stream.linear.gather [hbm4b:s3+s0], $0x19000, $0x38;
	[tilespmem:$0x1C500] =	vst v63  }
0x18: {  	_ =	swait.ge [sflag:s19], $0x19000  }
0x19: {  	[sflag:s19] =	ssyncset.done $0x0  }
0x1a: {  	[sflag:s19] =	ssyncadd.s32 $0xFFFE7000  }
0x1b: {  	[tilespmem:s22], [sflag:$0x1] =	stream.strided.gather [hbm4b:s4+s20], $0x2800, s21, s20, $0x38;
	[tilespmem:$0x1C500] =	vst v63  }
0x1c: {  	s23 =	sand.u32 $0x70, s0;
	s26 =	sand.u32 $0x1C00, s0;
	_ =	swait.ge [sflag:s19], $0x2800  }
0x1d: {  	s28 =	sor.u32 s23, s26;
	[sflag:s19] =	ssyncset.done $0x0  }
0x1e: {  	s26 =	sadd.s32 $0x19000, s28;
	[sflag:s19] =	ssyncadd.s32 $0xFFFFD800  }
0x1f: {  	v1 =	vld [tilespmem:s26+$0x80]  }
0x20: {  	s0 =	sor.u32 s0, s0  }
0x21: {  	s0 =	sor.u32 $0x380, s0;
	v2 =	vld [tilespmem:s26+$0x100]  }
0x22: {  	v3 =	vld [tilespmem:s0+$0x19000]  }
0x23: {  	s31 =	sadd.s32 $0x0, s13;
	v4 =	vld [tilespmem:s26+$0x180]  }
0x24: {  	v5 =	vld [tilespmem:s26+$0x200];
	s0 =	sand.u32 $0x3FF80, s31  }
0x25: {  	v6 =	vld [tilespmem:s26+$0x280];
	s0 =	sor.u32 s23, s0  }
0x26: {  	v7 =	vld [tilespmem:s0+$0x0]  }
0x27: {  	v1 =	vld.idx.msk [tilespmem:v1+s2+$0x0], $0xffff  }
0x28: {  	v8 =	vld [tilespmem:s26+$0x300]  }
0x29: {  	s26 =	simm.s32 $0x1B800;
	v2 =	vld.idx.msk [tilespmem:v2+s2+$0x0], $0xffff  }
0x2a: {  	v9 =	vld [tilespmem:s26+$0x0]  }
0x2b: {  	v4 =	vld.idx.msk [tilespmem:v4+s2+$0x0], $0xffff  }
0x2c: {  	v10 =	vld [tilespmem:s28+$0x1A400];
	v1 =	vsub.f32 v7, v1  }
0x2d: {  	v5 =	vld.idx.msk [tilespmem:v5+s2+$0x0], $0xffff  }
0x2e: {  	v11 =	vld [tilespmem:s28+$0x1A480];
	v2 =	vsub.f32 v7, v2;
	v1 =	vand.u32 $0x7FFFFFFF, v1  }
0x2f: {  	v6 =	vld.idx.msk [tilespmem:v6+s2+$0x0], $0xffff;
	v1 =	vadd.f32 v1, v9  }
0x30: {  	v57 =	vld [tilespmem:s28+$0x1A500];
	v4 =	vsub.f32 v7, v4;
	v2 =	vand.u32 $0x7FFFFFFF, v2  }
0x31: {  	v8 =	vld.idx.msk [tilespmem:v8+s2+$0x0], $0xffff;
	v1 =	vadd.f32 v2, v1  }
0x32: {  	v3 =	vld.idx.msk [tilespmem:v3+s2+$0x0], $0xffff;
	v5 =	vsub.f32 v7, v5;
	v4 =	vand.u32 $0x7FFFFFFF, v4  }
0x33: {  	v2 =	vld [tilespmem:s28+$0x1A580];
	v1 =	vadd.f32 v4, v1  }
0x34: {  	v58 =	vld [tilespmem:s28+$0x1A600];
	v6 =	vsub.f32 v7, v6;
	v5 =	vand.u32 $0x7FFFFFFF, v5  }
0x35: {  	v10 =	vld.idx.msk [tilespmem:v10+s2+$0x0], $0xffff;
	v1 =	vadd.f32 v5, v1  }
0x36: {  	v59 =	vld [tilespmem:s28+$0x1A680];
	v8 =	vsub.f32 v7, v8;
	v6 =	vand.u32 $0x7FFFFFFF, v6  }
0x37: {  	v11 =	vld.idx.msk [tilespmem:v11+s2+$0x0], $0xffff;
	v1 =	vadd.f32 v6, v1  }
0x38: {  	v60 =	vld [tilespmem:s28+$0x1A700];
	v3 =	vsub.f32 v7, v3;
	v8 =	vand.u32 $0x7FFFFFFF, v8  }
0x39: {  	v9 =	vld.idx.msk [tilespmem:v57+s2+$0x0], $0xffff;
	v1 =	vadd.f32 v8, v1  }
0x3a: {  	v61 =	vld [tilespmem:s28+$0x1A780];
	v10 =	vsub.f32 v7, v10;
	v3 =	vand.u32 $0x7FFFFFFF, v3  }
0x3b: {  	v2 =	vld.idx.msk [tilespmem:v2+s2+$0x0], $0xffff;
	v1 =	vadd.f32 v3, v1  }
0x3c: {  	v62 =	vsub.f32 v7, v11;
	v3 =	vand.u32 $0x7FFFFFFF, v10  }
0x3d: {  	v4 =	vld.idx.msk [tilespmem:v58+s2+$0x0], $0xffff;
	v1 =	vadd.f32 v3, v1  }
0x3e: {  	v9 =	vsub.f32 v7, v9;
	v3 =	vand.u32 $0x7FFFFFFF, v62  }
0x3f: {  	v5 =	vld.idx.msk [tilespmem:v59+s2+$0x0], $0xffff;
	v1 =	vadd.f32 v3, v1  }
0x40: {  	v2 =	vsub.f32 v7, v2;
	v3 =	vand.u32 $0x7FFFFFFF, v9  }
0x41: {  	v6 =	vld.idx.msk [tilespmem:v60+s2+$0x0], $0xffff;
	v1 =	vadd.f32 v3, v1  }
0x42: {  	v2 =	vand.u32 $0x7FFFFFFF, v2;
	v3 =	vsub.f32 v7, v4  }
0x43: {  	v63 =	vld.idx.msk [tilespmem:v61+s2+$0x0], $0xffff;
	v1 =	vadd.f32 v2, v1  }
0x44: {  	v2 =	vand.u32 $0x7FFFFFFF, v3;
	v3 =	vsub.f32 v7, v5  }
0x45: {  	v1 =	vadd.f32 v2, v1  }
0x46: {  	v2 =	vand.u32 $0x7FFFFFFF, v3;
	v3 =	vsub.f32 v7, v6  }
0x47: {  	v1 =	vadd.f32 v2, v1  }
0x48: {  	v2 =	vand.u32 $0x7FFFFFFF, v3;
	v3 =	vsub.f32 v7, v63  }
0x49: {  	v1 =	vadd.f32 v2, v1  }
0x4a: {  	s29 =	simm.s32 $0x80;
	s28 =	simm.s32 $0x10;
	v2 =	vand.u32 $0x7FFFFFFF, v3  }
0x4b: {  	s30 =	simm.s32 $0x20;
	s1 =	sand.u32 $0x1C00, s29;
	s0 =	sand.u32 $0x70, s28;
	v1 =	vadd.f32 v2, v1  }
.LBB2_4:
0x4c: {  	p0 =	sne.s32 s30, $0x270;
	s1 =	sor.u32 s0, s1  }
0x4d: {  	s31 =	sadd.s32 $0x19000, s1;
	[tilespmem:s26+$0x0] =	vst v1  }
0x4e: {  	v1 =	vld [tilespmem:s31+$0x80]  }
0x4f: {  	s23 =	sor.u32 s29, s28  }
0x50: {  	s23 =	sor.u32 $0x380, s23;
	v2 =	vld [tilespmem:s31+$0x100]  }
0x51: {  	v3 =	vld [tilespmem:s23+$0x19000]  }
0x52: {  	v4 =	vld [tilespmem:s31+$0x180]  }
0x53: {  	v5 =	vld [tilespmem:s31+$0x300]  }
0x54: {  	s23 =	sadd.s32 s28, s13;
	s28 =	smov.u32 s30;
	v6 =	vld [tilespmem:s31+$0x200]  }
0x55: {  	s23 =	sand.u32 $0x3FF80, s23;
	v7 =	vld [tilespmem:s31+$0x280]  }
0x56: {  	s0 =	sor.u32 s0, s23;
	v1 =	vld.idx.msk [tilespmem:v1+s2+$0x0], $0xffff  }
0x57: {  	v8 =	vld [tilespmem:s0+$0x0]  }
0x58: {  	s26 =	sadd.s32 $0x10, s26;
	v2 =	vld.idx.msk [tilespmem:v2+s2+$0x0], $0xffff  }
0x59: {  	v9 =	vld [tilespmem:s26+$0x0]  }
0x5a: {  	v4 =	vld.idx.msk [tilespmem:v4+s2+$0x0], $0xffff  }
0x5b: {  	v10 =	vld [tilespmem:s1+$0x1A400]  }
0x5c: {  	v1 =	vsub.f32 v8, v1;
	v6 =	vld.idx.msk [tilespmem:v6+s2+$0x0], $0xffff  }
0x5d: {  	v11 =	vld [tilespmem:s1+$0x1A480]  }
0x5e: {  	v2 =	vsub.f32 v8, v2;
	v1 =	vand.u32 $0x7FFFFFFF, v1;
	v7 =	vld.idx.msk [tilespmem:v7+s2+$0x0], $0xffff  }
0x5f: {  	v1 =	vadd.f32 v1, v9;
	v9 =	vld [tilespmem:s1+$0x1A500]  }
0x60: {  	v2 =	vand.u32 $0x7FFFFFFF, v2;
	v4 =	vsub.f32 v8, v4;
	v5 =	vld.idx.msk [tilespmem:v5+s2+$0x0], $0xffff  }
0x61: {  	v1 =	vadd.f32 v2, v1;
	v2 =	vld [tilespmem:s1+$0x1A580]  }
0x62: {  	v4 =	vand.u32 $0x7FFFFFFF, v4;
	v6 =	vsub.f32 v8, v6;
	v3 =	vld.idx.msk [tilespmem:v3+s2+$0x0], $0xffff  }
0x63: {  	v1 =	vadd.f32 v4, v1;
	v4 =	vld [tilespmem:s1+$0x1A600]  }
0x64: {  	v6 =	vand.u32 $0x7FFFFFFF, v6;
	v7 =	vsub.f32 v8, v7;
	v10 =	vld.idx.msk [tilespmem:v10+s2+$0x0], $0xffff  }
0x65: {  	v1 =	vadd.f32 v6, v1;
	v6 =	vld [tilespmem:s1+$0x1A680]  }
0x66: {  	v7 =	vand.u32 $0x7FFFFFFF, v7;
	v5 =	vsub.f32 v8, v5;
	v11 =	vld.idx.msk [tilespmem:v11+s2+$0x0], $0xffff  }
0x67: {  	v1 =	vadd.f32 v7, v1;
	v7 =	vld [tilespmem:s1+$0x1A700]  }
0x68: {  	v5 =	vand.u32 $0x7FFFFFFF, v5;
	v3 =	vsub.f32 v8, v3;
	v9 =	vld.idx.msk [tilespmem:v9+s2+$0x0], $0xffff  }
0x69: {  	v1 =	vadd.f32 v5, v1;
	v5 =	vld [tilespmem:s1+$0x1A780]  }
0x6a: {  	v3 =	vand.u32 $0x7FFFFFFF, v3;
	v10 =	vsub.f32 v8, v10;
	v2 =	vld.idx.msk [tilespmem:v2+s2+$0x0], $0xffff  }
0x6b: {  	v1 =	vadd.f32 v3, v1  }
0x6c: {  	v3 =	vand.u32 $0x7FFFFFFF, v10;
	v10 =	vsub.f32 v8, v11;
	v4 =	vld.idx.msk [tilespmem:v4+s2+$0x0], $0xffff  }
0x6d: {  	v1 =	vadd.f32 v3, v1  }
0x6e: {  	v3 =	vand.u32 $0x7FFFFFFF, v10;
	v9 =	vsub.f32 v8, v9;
	v6 =	vld.idx.msk [tilespmem:v6+s2+$0x0], $0xffff  }
0x6f: {  	v1 =	vadd.f32 v3, v1  }
0x70: {  	v3 =	vand.u32 $0x7FFFFFFF, v9;
	v2 =	vsub.f32 v8, v2;
	v7 =	vld.idx.msk [tilespmem:v7+s2+$0x0], $0xffff  }
0x71: {  	v1 =	vadd.f32 v3, v1  }
0x72: {  	v2 =	vand.u32 $0x7FFFFFFF, v2;
	v3 =	vsub.f32 v8, v4;
	v4 =	vld.idx.msk [tilespmem:v5+s2+$0x0], $0xffff  }
0x73: {  	v1 =	vadd.f32 v2, v1  }
0x74: {  	v2 =	vand.u32 $0x7FFFFFFF, v3;
	v3 =	vsub.f32 v8, v6  }
0x75: {  	v1 =	vadd.f32 v2, v1  }
0x76: {  	v2 =	vand.u32 $0x7FFFFFFF, v3;
	v3 =	vsub.f32 v8, v7  }
.Ltmp1:
0x77: {  	v1 =	vadd.f32 v2, v1;
	(pc) =	sbr.rel @p0 .LBB2_4-.Ltmp1, $4  }
0x78: {  	v2 =	vand.u32 $0x7FFFFFFF, v3;
	v3 =	vsub.f32 v8, v4  }
0x79: {  	v1 =	vadd.f32 v2, v1  }
0x7a: {  	s29 =	sadd.s32 $0x80, s29;
	v2 =	vand.u32 $0x7FFFFFFF, v3  }
0x7b: {  	s30 =	sadd.s32 $0x10, s30;
	s0 =	sand.u32 $0x70, s28;
	s1 =	sand.u32 $0x1C00, s29;
	v1 =	vadd.f32 v2, v1  }
0x7c: {  	s23 =	sor.u32 s0, s1  }
0x7d: {  	s1 =	sadd.s32 $0x19000, s23;
	[tilespmem:s26+$0x0] =	vst v1  }
0x7e: {  	v1 =	vld [tilespmem:s1+$0x80]  }
0x7f: {  	s29 =	sor.u32 s29, s28  }
0x80: {  	s29 =	sor.u32 $0x380, s29;
	v2 =	vld [tilespmem:s1+$0x100]  }
0x81: {  	v3 =	vld [tilespmem:s29+$0x19000]  }
0x82: {  	s28 =	sadd.s32 s28, s13;
	v4 =	vld [tilespmem:s1+$0x180]  }
0x83: {  	s28 =	sand.u32 $0x3FF80, s28;
	v5 =	vld [tilespmem:s1+$0x200]  }
0x84: {  	v6 =	vld [tilespmem:s1+$0x280];
	s31 =	sor.u32 s0, s28  }
0x85: {  	v7 =	vld [tilespmem:s31+$0x0]  }
0x86: {  	v1 =	vld.idx.msk [tilespmem:v1+s2+$0x0], $0xffff  }
0x87: {  	v8 =	vld [tilespmem:s1+$0x300]  }
0x88: {  	s26 =	sadd.s32 $0x10, s26;
	v2 =	vld.idx.msk [tilespmem:v2+s2+$0x0], $0xffff  }
0x89: {  	v9 =	vld [tilespmem:s26+$0x0]  }
0x8a: {  	v4 =	vld.idx.msk [tilespmem:v4+s2+$0x0], $0xffff  }
0x8b: {  	v10 =	vld [tilespmem:s23+$0x1A400];
	v1 =	vsub.f32 v7, v1  }
0x8c: {  	v5 =	vld.idx.msk [tilespmem:v5+s2+$0x0], $0xffff  }
0x8d: {  	v11 =	vld [tilespmem:s23+$0x1A480];
	v2 =	vsub.f32 v7, v2;
	v1 =	vand.u32 $0x7FFFFFFF, v1  }
0x8e: {  	v6 =	vld.idx.msk [tilespmem:v6+s2+$0x0], $0xffff;
	v1 =	vadd.f32 v1, v9  }
0x8f: {  	v42 =	vld [tilespmem:s23+$0x1A500];
	v4 =	vsub.f32 v7, v4;
	v2 =	vand.u32 $0x7FFFFFFF, v2  }
0x90: {  	v8 =	vld.idx.msk [tilespmem:v8+s2+$0x0], $0xffff;
	v1 =	vadd.f32 v2, v1  }
0x91: {  	v3 =	vld.idx.msk [tilespmem:v3+s2+$0x0], $0xffff;
	v5 =	vsub.f32 v7, v5;
	v4 =	vand.u32 $0x7FFFFFFF, v4  }
0x92: {  	v2 =	vld [tilespmem:s23+$0x1A580];
	v1 =	vadd.f32 v4, v1  }
0x93: {  	v43 =	vld [tilespmem:s23+$0x1A600];
	v6 =	vsub.f32 v7, v6;
	v5 =	vand.u32 $0x7FFFFFFF, v5  }
0x94: {  	v10 =	vld.idx.msk [tilespmem:v10+s2+$0x0], $0xffff;
	v1 =	vadd.f32 v5, v1  }
0x95: {  	v44 =	vld [tilespmem:s23+$0x1A680];
	v8 =	vsub.f32 v7, v8;
	v6 =	vand.u32 $0x7FFFFFFF, v6  }
0x96: {  	v11 =	vld.idx.msk [tilespmem:v11+s2+$0x0], $0xffff;
	v1 =	vadd.f32 v6, v1  }
0x97: {  	v45 =	vld [tilespmem:s23+$0x1A700];
	v3 =	vsub.f32 v7, v3;
	v8 =	vand.u32 $0x7FFFFFFF, v8  }
0x98: {  	v9 =	vld.idx.msk [tilespmem:v42+s2+$0x0], $0xffff;
	v1 =	vadd.f32 v8, v1  }
0x99: {  	v46 =	vld [tilespmem:s23+$0x1A780];
	v10 =	vsub.f32 v7, v10;
	v3 =	vand.u32 $0x7FFFFFFF, v3  }
0x9a: {  	v2 =	vld.idx.msk [tilespmem:v2+s2+$0x0], $0xffff;
	v1 =	vadd.f32 v3, v1  }
0x9b: {  	v47 =	vsub.f32 v7, v11;
	v3 =	vand.u32 $0x7FFFFFFF, v10  }
0x9c: {  	v4 =	vld.idx.msk [tilespmem:v43+s2+$0x0], $0xffff;
	v1 =	vadd.f32 v3, v1  }
0x9d: {  	v9 =	vsub.f32 v7, v9;
	v3 =	vand.u32 $0x7FFFFFFF, v47  }
0x9e: {  	v5 =	vld.idx.msk [tilespmem:v44+s2+$0x0], $0xffff;
	v1 =	vadd.f32 v3, v1  }
0x9f: {  	v2 =	vsub.f32 v7, v2;
	v3 =	vand.u32 $0x7FFFFFFF, v9  }
0xa0: {  	v6 =	vld.idx.msk [tilespmem:v45+s2+$0x0], $0xffff;
	v1 =	vadd.f32 v3, v1  }
0xa1: {  	v2 =	vand.u32 $0x7FFFFFFF, v2;
	v3 =	vsub.f32 v7, v4  }
0xa2: {  	v48 =	vld.idx.msk [tilespmem:v46+s2+$0x0], $0xffff;
	v1 =	vadd.f32 v2, v1  }
0xa3: {  	v2 =	vand.u32 $0x7FFFFFFF, v3;
	v3 =	vsub.f32 v7, v5  }
0xa4: {  	v1 =	vadd.f32 v2, v1  }
0xa5: {  	v2 =	vand.u32 $0x7FFFFFFF, v3;
	v3 =	vsub.f32 v7, v6  }
0xa6: {  	v1 =	vadd.f32 v2, v1  }
0xa7: {  	v2 =	vand.u32 $0x7FFFFFFF, v3;
	v3 =	vsub.f32 v7, v48  }
0xa8: {  	v1 =	vadd.f32 v2, v1  }
0xa9: {  	v2 =	vand.u32 $0x7FFFFFFF, v3  }
0xaa: {  	v1 =	vadd.f32 v2, v1;
	_ =	sdelay $0x1  }
0xab: {  	s31 =	simm.s32 $0x0;
	[tilespmem:s26+$0x0] =	vst v1  }
0xac: {  	[tilespmem:s22], [sflag:$0x1] =	stream.strided.gather [hbm4b:s5+s20], $0x2800, s21, s20, $0x38;
	[tilespmem:$0x1C500] =	vst v63  }
0xad: {  	s1 =	sand.u32 $0x70, s31;
	s26 =	sand.u32 $0x1C00, s31;
	_ =	swait.ge [sflag:s19], $0x2800  }
0xae: {  	s23 =	sor.u32 s1, s26;
	[sflag:s19] =	ssyncset.done $0x0  }
0xaf: {  	s26 =	sadd.s32 $0x19000, s23;
	[sflag:s19] =	ssyncadd.s32 $0xFFFFD800  }
0xb0: {  	v1 =	vld [tilespmem:s26+$0x80]  }
0xb1: {  	s0 =	sor.u32 s31, s31  }
0xb2: {  	s0 =	sor.u32 $0x380, s0;
	v2 =	vld [tilespmem:s26+$0x100]  }
0xb3: {  	v3 =	vld [tilespmem:s0+$0x19000]  }
0xb4: {  	s31 =	sadd.s32 $0x0, s15;
	v49 =	vld [tilespmem:s26+$0x180]  }
0xb5: {  	v50 =	vld [tilespmem:s26+$0x200];
	s0 =	sand.u32 $0x3FF80, s31  }
0xb6: {  	v51 =	vld [tilespmem:s26+$0x280];
	s0 =	sor.u32 s1, s0  }
0xb7: {  	v52 =	vld [tilespmem:s0+$0x0]  }
0xb8: {  	s28 =	simm.s32 $0x280;
	v1 =	vld.idx.msk [tilespmem:v1+s2+$0x0], $0xffff  }
0xb9: {  	v53 =	vld [tilespmem:s26+$0x300];
	s31 =	sand.u32 $0x780, s28  }
0xba: {  	s26 =	sor.u32 s1, s31;
	v2 =	vld.idx.msk [tilespmem:v2+s2+$0x0], $0xffff  }
0xbb: {  	v54 =	vld [tilespmem:s26+$0x1B800]  }
0xbc: {  	v4 =	vld.idx.msk [tilespmem:v49+s2+$0x0], $0xffff  }
0xbd: {  	v55 =	vld [tilespmem:s23+$0x1A400];
	v1 =	vsub.f32 v52, v1  }
0xbe: {  	v5 =	vld.idx.msk [tilespmem:v50+s2+$0x0], $0xffff  }
0xbf: {  	v56 =	vld [tilespmem:s23+$0x1A480];
	v2 =	vsub.f32 v52, v2;
	v1 =	vand.u32 $0x7FFFFFFF, v1  }
0xc0: {  	v6 =	vld.idx.msk [tilespmem:v51+s2+$0x0], $0xffff;
	v1 =	vadd.f32 v1, v54  }
0xc1: {  	v57 =	vld [tilespmem:s23+$0x1A500];
	v4 =	vsub.f32 v52, v4;
	v2 =	vand.u32 $0x7FFFFFFF, v2  }
0xc2: {  	v8 =	vld.idx.msk [tilespmem:v53+s2+$0x0], $0xffff;
	v1 =	vadd.f32 v2, v1  }
0xc3: {  	v3 =	vld.idx.msk [tilespmem:v3+s2+$0x0], $0xffff;
	v5 =	vsub.f32 v52, v5;
	v4 =	vand.u32 $0x7FFFFFFF, v4  }
0xc4: {  	v2 =	vld [tilespmem:s23+$0x1A580];
	v1 =	vadd.f32 v4, v1  }
0xc5: {  	v58 =	vld [tilespmem:s23+$0x1A600];
	v6 =	vsub.f32 v52, v6;
	v5 =	vand.u32 $0x7FFFFFFF, v5  }
0xc6: {  	v10 =	vld.idx.msk [tilespmem:v55+s2+$0x0], $0xffff;
	v1 =	vadd.f32 v5, v1  }
0xc7: {  	v59 =	vld [tilespmem:s23+$0x1A680];
	v8 =	vsub.f32 v52, v8;
	v6 =	vand.u32 $0x7FFFFFFF, v6  }
0xc8: {  	v11 =	vld.idx.msk [tilespmem:v56+s2+$0x0], $0xffff;
	v1 =	vadd.f32 v6, v1  }
0xc9: {  	v60 =	vld [tilespmem:s23+$0x1A700];
	v3 =	vsub.f32 v52, v3;
	v8 =	vand.u32 $0x7FFFFFFF, v8  }
0xca: {  	v9 =	vld.idx.msk [tilespmem:v57+s2+$0x0], $0xffff;
	v1 =	vadd.f32 v8, v1  }
0xcb: {  	v61 =	vld [tilespmem:s23+$0x1A780];
	v10 =	vsub.f32 v52, v10;
	v3 =	vand.u32 $0x7FFFFFFF, v3  }
0xcc: {  	v2 =	vld.idx.msk [tilespmem:v2+s2+$0x0], $0xffff;
	v1 =	vadd.f32 v3, v1  }
0xcd: {  	v62 =	vsub.f32 v52, v11;
	v3 =	vand.u32 $0x7FFFFFFF, v10  }
0xce: {  	v4 =	vld.idx.msk [tilespmem:v58+s2+$0x0], $0xffff;
	v1 =	vadd.f32 v3, v1  }
0xcf: {  	v9 =	vsub.f32 v52, v9;
	v3 =	vand.u32 $0x7FFFFFFF, v62  }
0xd0: {  	v5 =	vld.idx.msk [tilespmem:v59+s2+$0x0], $0xffff;
	v1 =	vadd.f32 v3, v1  }
0xd1: {  	v2 =	vsub.f32 v52, v2;
	v3 =	vand.u32 $0x7FFFFFFF, v9  }
0xd2: {  	v6 =	vld.idx.msk [tilespmem:v60+s2+$0x0], $0xffff;
	v1 =	vadd.f32 v3, v1  }
0xd3: {  	v2 =	vand.u32 $0x7FFFFFFF, v2;
	v3 =	vsub.f32 v52, v4  }
0xd4: {  	v63 =	vld.idx.msk [tilespmem:v61+s2+$0x0], $0xffff;
	v1 =	vadd.f32 v2, v1  }
0xd5: {  	v2 =	vand.u32 $0x7FFFFFFF, v3;
	v3 =	vsub.f32 v52, v5  }
0xd6: {  	v1 =	vadd.f32 v2, v1  }
0xd7: {  	v2 =	vand.u32 $0x7FFFFFFF, v3;
	v3 =	vsub.f32 v52, v6  }
0xd8: {  	v1 =	vadd.f32 v2, v1  }
0xd9: {  	v2 =	vand.u32 $0x7FFFFFFF, v3;
	v3 =	vsub.f32 v52, v63  }
0xda: {  	v1 =	vadd.f32 v2, v1  }
0xdb: {  	s29 =	simm.s32 $0x80;
	s28 =	simm.s32 $0x10;
	v2 =	vand.u32 $0x7FFFFFFF, v3  }
0xdc: {  	s30 =	simm.s32 $0x20;
	s1 =	sand.u32 $0x70, s28;
	s0 =	sand.u32 $0x1C00, s29;
	v1 =	vadd.f32 v2, v1  }
.LBB2_6:
0xdd: {  	p0 =	sne.s32 s30, $0x270;
	s31 =	sor.u32 s1, s0  }
0xde: {  	s0 =	sadd.s32 $0x19000, s31;
	[tilespmem:s26+$0x1B800] =	vst v1  }
0xdf: {  	v1 =	vld [tilespmem:s0+$0x80]  }
0xe0: {  	s23 =	sor.u32 s29, s28  }
0xe1: {  	s23 =	sor.u32 $0x380, s23;
	v2 =	vld [tilespmem:s0+$0x100]  }
0xe2: {  	v3 =	vld [tilespmem:s23+$0x19000]  }
0xe3: {  	v4 =	vld [tilespmem:s0+$0x180]  }
0xe4: {  	v5 =	vld [tilespmem:s0+$0x300]  }
0xe5: {  	s23 =	sadd.s32 s28, s15;
	v6 =	vld [tilespmem:s0+$0x200]  }
0xe6: {  	s23 =	sand.u32 $0x3FF80, s23;
	v7 =	vld [tilespmem:s0+$0x280]  }
0xe7: {  	s23 =	sor.u32 s1, s23;
	s0 =	sadd.s32 $0x280, s28;
	s28 =	smov.u32 s30;
	v1 =	vld.idx.msk [tilespmem:v1+s2+$0x0], $0xffff  }
0xe8: {  	s0 =	sand.u32 $0x780, s0;
	v8 =	vld [tilespmem:s23+$0x0]  }
0xe9: {  	s26 =	sor.u32 s1, s0;
	v2 =	vld.idx.msk [tilespmem:v2+s2+$0x0], $0xffff  }
0xea: {  	v9 =	vld [tilespmem:s26+$0x1B800]  }
0xeb: {  	v4 =	vld.idx.msk [tilespmem:v4+s2+$0x0], $0xffff  }
0xec: {  	v10 =	vld [tilespmem:s31+$0x1A400]  }
0xed: {  	v1 =	vsub.f32 v8, v1;
	v6 =	vld.idx.msk [tilespmem:v6+s2+$0x0], $0xffff  }
0xee: {  	v11 =	vld [tilespmem:s31+$0x1A480]  }
0xef: {  	v2 =	vsub.f32 v8, v2;
	v1 =	vand.u32 $0x7FFFFFFF, v1;
	v7 =	vld.idx.msk [tilespmem:v7+s2+$0x0], $0xffff  }
0xf0: {  	v1 =	vadd.f32 v1, v9;
	v9 =	vld [tilespmem:s31+$0x1A500]  }
0xf1: {  	v2 =	vand.u32 $0x7FFFFFFF, v2;
	v4 =	vsub.f32 v8, v4;
	v5 =	vld.idx.msk [tilespmem:v5+s2+$0x0], $0xffff  }
0xf2: {  	v1 =	vadd.f32 v2, v1;
	v2 =	vld [tilespmem:s31+$0x1A580]  }
0xf3: {  	v4 =	vand.u32 $0x7FFFFFFF, v4;
	v6 =	vsub.f32 v8, v6;
	v3 =	vld.idx.msk [tilespmem:v3+s2+$0x0], $0xffff  }
0xf4: {  	v1 =	vadd.f32 v4, v1;
	v4 =	vld [tilespmem:s31+$0x1A600]  }
0xf5: {  	v6 =	vand.u32 $0x7FFFFFFF, v6;
	v7 =	vsub.f32 v8, v7;
	v10 =	vld.idx.msk [tilespmem:v10+s2+$0x0], $0xffff  }
0xf6: {  	v1 =	vadd.f32 v6, v1;
	v6 =	vld [tilespmem:s31+$0x1A680]  }
0xf7: {  	v7 =	vand.u32 $0x7FFFFFFF, v7;
	v5 =	vsub.f32 v8, v5;
	v11 =	vld.idx.msk [tilespmem:v11+s2+$0x0], $0xffff  }
0xf8: {  	v1 =	vadd.f32 v7, v1;
	v7 =	vld [tilespmem:s31+$0x1A700]  }
0xf9: {  	v5 =	vand.u32 $0x7FFFFFFF, v5;
	v3 =	vsub.f32 v8, v3;
	v9 =	vld.idx.msk [tilespmem:v9+s2+$0x0], $0xffff  }
0xfa: {  	v1 =	vadd.f32 v5, v1;
	v5 =	vld [tilespmem:s31+$0x1A780]  }
0xfb: {  	v3 =	vand.u32 $0x7FFFFFFF, v3;
	v10 =	vsub.f32 v8, v10;
	v2 =	vld.idx.msk [tilespmem:v2+s2+$0x0], $0xffff  }
0xfc: {  	v1 =	vadd.f32 v3, v1  }
0xfd: {  	v3 =	vand.u32 $0x7FFFFFFF, v10;
	v10 =	vsub.f32 v8, v11;
	v4 =	vld.idx.msk [tilespmem:v4+s2+$0x0], $0xffff  }
0xfe: {  	v1 =	vadd.f32 v3, v1  }
0xff: {  	v3 =	vand.u32 $0x7FFFFFFF, v10;
	v9 =	vsub.f32 v8, v9;
	v6 =	vld.idx.msk [tilespmem:v6+s2+$0x0], $0xffff  }
0x100: {  	v1 =	vadd.f32 v3, v1  }
0x101: {  	v3 =	vand.u32 $0x7FFFFFFF, v9;
	v2 =	vsub.f32 v8, v2;
	v7 =	vld.idx.msk [tilespmem:v7+s2+$0x0], $0xffff  }
0x102: {  	v1 =	vadd.f32 v3, v1  }
0x103: {  	v2 =	vand.u32 $0x7FFFFFFF, v2;
	v3 =	vsub.f32 v8, v4;
	v4 =	vld.idx.msk [tilespmem:v5+s2+$0x0], $0xffff  }
0x104: {  	v1 =	vadd.f32 v2, v1  }
0x105: {  	v2 =	vand.u32 $0x7FFFFFFF, v3;
	v3 =	vsub.f32 v8, v6  }
0x106: {  	v1 =	vadd.f32 v2, v1  }
0x107: {  	v2 =	vand.u32 $0x7FFFFFFF, v3;
	v3 =	vsub.f32 v8, v7  }
.Ltmp2:
0x108: {  	v1 =	vadd.f32 v2, v1;
	(pc) =	sbr.rel @p0 .LBB2_6-.Ltmp2, $4  }
0x109: {  	v2 =	vand.u32 $0x7FFFFFFF, v3;
	v3 =	vsub.f32 v8, v4  }
0x10a: {  	v1 =	vadd.f32 v2, v1  }
0x10b: {  	s29 =	sadd.s32 $0x80, s29;
	v2 =	vand.u32 $0x7FFFFFFF, v3  }
0x10c: {  	s30 =	sadd.s32 $0x10, s30;
	s1 =	sand.u32 $0x70, s28;
	s0 =	sand.u32 $0x1C00, s29;
	v1 =	vadd.f32 v2, v1  }
0x10d: {  	s0 =	sor.u32 s1, s0  }
0x10e: {  	s23 =	sadd.s32 $0x19000, s0;
	[tilespmem:s26+$0x1B800] =	vst v1  }
0x10f: {  	v1 =	vld [tilespmem:s23+$0x80]  }
0x110: {  	s31 =	sor.u32 s29, s28  }
0x111: {  	s26 =	sor.u32 $0x380, s31;
	v2 =	vld [tilespmem:s23+$0x100]  }
0x112: {  	v3 =	vld [tilespmem:s26+$0x19000]  }
0x113: {  	s31 =	sadd.s32 s28, s15;
	v4 =	vld [tilespmem:s23+$0x180]  }
0x114: {  	v5 =	vld [tilespmem:s23+$0x200];
	s26 =	sand.u32 $0x3FF80, s31  }
0x115: {  	v6 =	vld [tilespmem:s23+$0x280];
	s26 =	sor.u32 s1, s26  }
0x116: {  	v7 =	vld [tilespmem:s26+$0x0]  }
0x117: {  	s28 =	sadd.s32 $0x280, s28;
	v1 =	vld.idx.msk [tilespmem:v1+s2+$0x0], $0xffff  }
0x118: {  	v8 =	vld [tilespmem:s23+$0x300];
	s31 =	sand.u32 $0x780, s28  }
0x119: {  	s26 =	sor.u32 s1, s31;
	v2 =	vld.idx.msk [tilespmem:v2+s2+$0x0], $0xffff  }
0x11a: {  	v9 =	vld [tilespmem:s26+$0x1B800]  }
0x11b: {  	v4 =	vld.idx.msk [tilespmem:v4+s2+$0x0], $0xffff  }
0x11c: {  	v10 =	vld [tilespmem:s0+$0x1A400];
	v1 =	vsub.f32 v7, v1  }
0x11d: {  	v5 =	vld.idx.msk [tilespmem:v5+s2+$0x0], $0xffff  }
0x11e: {  	v11 =	vld [tilespmem:s0+$0x1A480];
	v2 =	vsub.f32 v7, v2;
	v1 =	vand.u32 $0x7FFFFFFF, v1  }
0x11f: {  	v6 =	vld.idx.msk [tilespmem:v6+s2+$0x0], $0xffff;
	v1 =	vadd.f32 v1, v9  }
0x120: {  	v42 =	vld [tilespmem:s0+$0x1A500];
	v4 =	vsub.f32 v7, v4;
	v2 =	vand.u32 $0x7FFFFFFF, v2  }
0x121: {  	v8 =	vld.idx.msk [tilespmem:v8+s2+$0x0], $0xffff;
	v1 =	vadd.f32 v2, v1  }
0x122: {  	v3 =	vld.idx.msk [tilespmem:v3+s2+$0x0], $0xffff;
	v5 =	vsub.f32 v7, v5;
	v4 =	vand.u32 $0x7FFFFFFF, v4  }
0x123: {  	v2 =	vld [tilespmem:s0+$0x1A580];
	v1 =	vadd.f32 v4, v1  }
0x124: {  	v43 =	vld [tilespmem:s0+$0x1A600];
	v6 =	vsub.f32 v7, v6;
	v5 =	vand.u32 $0x7FFFFFFF, v5  }
0x125: {  	v10 =	vld.idx.msk [tilespmem:v10+s2+$0x0], $0xffff;
	v1 =	vadd.f32 v5, v1  }
0x126: {  	v44 =	vld [tilespmem:s0+$0x1A680];
	v8 =	vsub.f32 v7, v8;
	v6 =	vand.u32 $0x7FFFFFFF, v6  }
0x127: {  	v11 =	vld.idx.msk [tilespmem:v11+s2+$0x0], $0xffff;
	v1 =	vadd.f32 v6, v1  }
0x128: {  	v45 =	vld [tilespmem:s0+$0x1A700];
	v3 =	vsub.f32 v7, v3;
	v8 =	vand.u32 $0x7FFFFFFF, v8  }
0x129: {  	v9 =	vld.idx.msk [tilespmem:v42+s2+$0x0], $0xffff;
	v1 =	vadd.f32 v8, v1  }
0x12a: {  	v46 =	vld [tilespmem:s0+$0x1A780];
	v10 =	vsub.f32 v7, v10;
	v3 =	vand.u32 $0x7FFFFFFF, v3  }
0x12b: {  	v2 =	vld.idx.msk [tilespmem:v2+s2+$0x0], $0xffff;
	v1 =	vadd.f32 v3, v1  }
0x12c: {  	v47 =	vsub.f32 v7, v11;
	v3 =	vand.u32 $0x7FFFFFFF, v10  }
0x12d: {  	v4 =	vld.idx.msk [tilespmem:v43+s2+$0x0], $0xffff;
	v1 =	vadd.f32 v3, v1  }
0x12e: {  	v9 =	vsub.f32 v7, v9;
	v3 =	vand.u32 $0x7FFFFFFF, v47  }
0x12f: {  	v5 =	vld.idx.msk [tilespmem:v44+s2+$0x0], $0xffff;
	v1 =	vadd.f32 v3, v1  }
0x130: {  	v2 =	vsub.f32 v7, v2;
	v3 =	vand.u32 $0x7FFFFFFF, v9  }
0x131: {  	v6 =	vld.idx.msk [tilespmem:v45+s2+$0x0], $0xffff;
	v1 =	vadd.f32 v3, v1  }
0x132: {  	v2 =	vand.u32 $0x7FFFFFFF, v2;
	v3 =	vsub.f32 v7, v4  }
0x133: {  	v48 =	vld.idx.msk [tilespmem:v46+s2+$0x0], $0xffff;
	v1 =	vadd.f32 v2, v1  }
0x134: {  	v2 =	vand.u32 $0x7FFFFFFF, v3;
	v3 =	vsub.f32 v7, v5  }
0x135: {  	v1 =	vadd.f32 v2, v1  }
0x136: {  	v2 =	vand.u32 $0x7FFFFFFF, v3;
	v3 =	vsub.f32 v7, v6  }
0x137: {  	v1 =	vadd.f32 v2, v1  }
0x138: {  	v2 =	vand.u32 $0x7FFFFFFF, v3;
	v3 =	vsub.f32 v7, v48  }
0x139: {  	v1 =	vadd.f32 v2, v1  }
0x13a: {  	v2 =	vand.u32 $0x7FFFFFFF, v3  }
0x13b: {  	v1 =	vadd.f32 v2, v1;
	_ =	sdelay $0x1  }
0x13c: {  	s31 =	simm.s32 $0x0;
	[tilespmem:s26+$0x1B800] =	vst v1  }
0x13d: {  	[tilespmem:s22], [sflag:$0x1] =	stream.strided.gather [hbm4b:s6+s20], $0x2800, s21, s20, $0x38;
	[tilespmem:$0x1C500] =	vst v63  }
0x13e: {  	s1 =	sand.u32 $0x70, s31;
	s26 =	sand.u32 $0x1C00, s31;
	_ =	swait.ge [sflag:s19], $0x2800  }
0x13f: {  	s23 =	sor.u32 s1, s26;
	[sflag:s19] =	ssyncset.done $0x0  }
0x140: {  	s26 =	sadd.s32 $0x19000, s23;
	[sflag:s19] =	ssyncadd.s32 $0xFFFFD800  }
0x141: {  	v1 =	vld [tilespmem:s26+$0x80]  }
0x142: {  	s0 =	sor.u32 s31, s31  }
0x143: {  	s0 =	sor.u32 $0x380, s0;
	v2 =	vld [tilespmem:s26+$0x100]  }
0x144: {  	v3 =	vld [tilespmem:s0+$0x19000]  }
0x145: {  	s31 =	sadd.s32 $0x0, s16;
	v49 =	vld [tilespmem:s26+$0x180]  }
0x146: {  	v50 =	vld [tilespmem:s26+$0x200];
	s0 =	sand.u32 $0x3FF80, s31  }
0x147: {  	v51 =	vld [tilespmem:s26+$0x280];
	s0 =	sor.u32 s1, s0  }
0x148: {  	v52 =	vld [tilespmem:s0+$0x0]  }
0x149: {  	s28 =	simm.s32 $0x500;
	v1 =	vld.idx.msk [tilespmem:v1+s2+$0x0], $0xffff  }
0x14a: {  	v53 =	vld [tilespmem:s26+$0x300];
	s31 =	sand.u32 $0xF80, s28  }
0x14b: {  	s26 =	sor.u32 s1, s31;
	v2 =	vld.idx.msk [tilespmem:v2+s2+$0x0], $0xffff  }
0x14c: {  	v54 =	vld [tilespmem:s26+$0x1B800]  }
0x14d: {  	v4 =	vld.idx.msk [tilespmem:v49+s2+$0x0], $0xffff  }
0x14e: {  	v55 =	vld [tilespmem:s23+$0x1A400];
	v1 =	vsub.f32 v52, v1  }
0x14f: {  	v5 =	vld.idx.msk [tilespmem:v50+s2+$0x0], $0xffff  }
0x150: {  	v56 =	vld [tilespmem:s23+$0x1A480];
	v2 =	vsub.f32 v52, v2;
	v1 =	vand.u32 $0x7FFFFFFF, v1  }
0x151: {  	v6 =	vld.idx.msk [tilespmem:v51+s2+$0x0], $0xffff;
	v1 =	vadd.f32 v1, v54  }
0x152: {  	v57 =	vld [tilespmem:s23+$0x1A500];
	v4 =	vsub.f32 v52, v4;
	v2 =	vand.u32 $0x7FFFFFFF, v2  }
0x153: {  	v8 =	vld.idx.msk [tilespmem:v53+s2+$0x0], $0xffff;
	v1 =	vadd.f32 v2, v1  }
0x154: {  	v3 =	vld.idx.msk [tilespmem:v3+s2+$0x0], $0xffff;
	v5 =	vsub.f32 v52, v5;
	v4 =	vand.u32 $0x7FFFFFFF, v4  }
0x155: {  	v2 =	vld [tilespmem:s23+$0x1A580];
	v1 =	vadd.f32 v4, v1  }
0x156: {  	v58 =	vld [tilespmem:s23+$0x1A600];
	v6 =	vsub.f32 v52, v6;
	v5 =	vand.u32 $0x7FFFFFFF, v5  }
0x157: {  	v10 =	vld.idx.msk [tilespmem:v55+s2+$0x0], $0xffff;
	v1 =	vadd.f32 v5, v1  }
0x158: {  	v59 =	vld [tilespmem:s23+$0x1A680];
	v8 =	vsub.f32 v52, v8;
	v6 =	vand.u32 $0x7FFFFFFF, v6  }
0x159: {  	v11 =	vld.idx.msk [tilespmem:v56+s2+$0x0], $0xffff;
	v1 =	vadd.f32 v6, v1  }
0x15a: {  	v60 =	vld [tilespmem:s23+$0x1A700];
	v3 =	vsub.f32 v52, v3;
	v8 =	vand.u32 $0x7FFFFFFF, v8  }
0x15b: {  	v9 =	vld.idx.msk [tilespmem:v57+s2+$0x0], $0xffff;
	v1 =	vadd.f32 v8, v1  }
0x15c: {  	v61 =	vld [tilespmem:s23+$0x1A780];
	v10 =	vsub.f32 v52, v10;
	v3 =	vand.u32 $0x7FFFFFFF, v3  }
0x15d: {  	v2 =	vld.idx.msk [tilespmem:v2+s2+$0x0], $0xffff;
	v1 =	vadd.f32 v3, v1  }
0x15e: {  	v62 =	vsub.f32 v52, v11;
	v3 =	vand.u32 $0x7FFFFFFF, v10  }
0x15f: {  	v4 =	vld.idx.msk [tilespmem:v58+s2+$0x0], $0xffff;
	v1 =	vadd.f32 v3, v1  }
0x160: {  	v9 =	vsub.f32 v52, v9;
	v3 =	vand.u32 $0x7FFFFFFF, v62  }
0x161: {  	v5 =	vld.idx.msk [tilespmem:v59+s2+$0x0], $0xffff;
	v1 =	vadd.f32 v3, v1  }
0x162: {  	v2 =	vsub.f32 v52, v2;
	v3 =	vand.u32 $0x7FFFFFFF, v9  }
0x163: {  	v6 =	vld.idx.msk [tilespmem:v60+s2+$0x0], $0xffff;
	v1 =	vadd.f32 v3, v1  }
0x164: {  	v2 =	vand.u32 $0x7FFFFFFF, v2;
	v3 =	vsub.f32 v52, v4  }
0x165: {  	v63 =	vld.idx.msk [tilespmem:v61+s2+$0x0], $0xffff;
	v1 =	vadd.f32 v2, v1  }
0x166: {  	v2 =	vand.u32 $0x7FFFFFFF, v3;
	v3 =	vsub.f32 v52, v5  }
0x167: {  	v1 =	vadd.f32 v2, v1  }
0x168: {  	v2 =	vand.u32 $0x7FFFFFFF, v3;
	v3 =	vsub.f32 v52, v6  }
0x169: {  	v1 =	vadd.f32 v2, v1  }
0x16a: {  	v2 =	vand.u32 $0x7FFFFFFF, v3;
	v3 =	vsub.f32 v52, v63  }
0x16b: {  	v1 =	vadd.f32 v2, v1  }
0x16c: {  	s29 =	simm.s32 $0x80;
	s28 =	simm.s32 $0x10;
	v2 =	vand.u32 $0x7FFFFFFF, v3  }
0x16d: {  	s30 =	simm.s32 $0x20;
	s1 =	sand.u32 $0x70, s28;
	s0 =	sand.u32 $0x1C00, s29;
	v1 =	vadd.f32 v2, v1  }
.LBB2_8:
0x16e: {  	p0 =	sne.s32 s30, $0x270;
	s31 =	sor.u32 s1, s0  }
0x16f: {  	s0 =	sadd.s32 $0x19000, s31;
	[tilespmem:s26+$0x1B800] =	vst v1  }
0x170: {  	v1 =	vld [tilespmem:s0+$0x80]  }
0x171: {  	s23 =	sor.u32 s29, s28  }
0x172: {  	s23 =	sor.u32 $0x380, s23;
	v2 =	vld [tilespmem:s0+$0x100]  }
0x173: {  	v3 =	vld [tilespmem:s23+$0x19000]  }
0x174: {  	v4 =	vld [tilespmem:s0+$0x180]  }
0x175: {  	v5 =	vld [tilespmem:s0+$0x300]  }
0x176: {  	s23 =	sadd.s32 s28, s16;
	v6 =	vld [tilespmem:s0+$0x200]  }
0x177: {  	s23 =	sand.u32 $0x3FF80, s23;
	v7 =	vld [tilespmem:s0+$0x280]  }
0x178: {  	s23 =	sor.u32 s1, s23;
	s0 =	sadd.s32 $0x500, s28;
	s28 =	smov.u32 s30;
	v1 =	vld.idx.msk [tilespmem:v1+s2+$0x0], $0xffff  }
0x179: {  	s0 =	sand.u32 $0xF80, s0;
	v8 =	vld [tilespmem:s23+$0x0]  }
0x17a: {  	s26 =	sor.u32 s1, s0;
	v2 =	vld.idx.msk [tilespmem:v2+s2+$0x0], $0xffff  }
0x17b: {  	v9 =	vld [tilespmem:s26+$0x1B800]  }
0x17c: {  	v4 =	vld.idx.msk [tilespmem:v4+s2+$0x0], $0xffff  }
0x17d: {  	v10 =	vld [tilespmem:s31+$0x1A400]  }
0x17e: {  	v1 =	vsub.f32 v8, v1;
	v6 =	vld.idx.msk [tilespmem:v6+s2+$0x0], $0xffff  }
0x17f: {  	v11 =	vld [tilespmem:s31+$0x1A480]  }
0x180: {  	v2 =	vsub.f32 v8, v2;
	v1 =	vand.u32 $0x7FFFFFFF, v1;
	v7 =	vld.idx.msk [tilespmem:v7+s2+$0x0], $0xffff  }
0x181: {  	v1 =	vadd.f32 v1, v9;
	v9 =	vld [tilespmem:s31+$0x1A500]  }
0x182: {  	v2 =	vand.u32 $0x7FFFFFFF, v2;
	v4 =	vsub.f32 v8, v4;
	v5 =	vld.idx.msk [tilespmem:v5+s2+$0x0], $0xffff  }
0x183: {  	v1 =	vadd.f32 v2, v1;
	v2 =	vld [tilespmem:s31+$0x1A580]  }
0x184: {  	v4 =	vand.u32 $0x7FFFFFFF, v4;
	v6 =	vsub.f32 v8, v6;
	v3 =	vld.idx.msk [tilespmem:v3+s2+$0x0], $0xffff  }
0x185: {  	v1 =	vadd.f32 v4, v1;
	v4 =	vld [tilespmem:s31+$0x1A600]  }
0x186: {  	v6 =	vand.u32 $0x7FFFFFFF, v6;
	v7 =	vsub.f32 v8, v7;
	v10 =	vld.idx.msk [tilespmem:v10+s2+$0x0], $0xffff  }
0x187: {  	v1 =	vadd.f32 v6, v1;
	v6 =	vld [tilespmem:s31+$0x1A680]  }
0x188: {  	v7 =	vand.u32 $0x7FFFFFFF, v7;
	v5 =	vsub.f32 v8, v5;
	v11 =	vld.idx.msk [tilespmem:v11+s2+$0x0], $0xffff  }
0x189: {  	v1 =	vadd.f32 v7, v1;
	v7 =	vld [tilespmem:s31+$0x1A700]  }
0x18a: {  	v5 =	vand.u32 $0x7FFFFFFF, v5;
	v3 =	vsub.f32 v8, v3;
	v9 =	vld.idx.msk [tilespmem:v9+s2+$0x0], $0xffff  }
0x18b: {  	v1 =	vadd.f32 v5, v1;
	v5 =	vld [tilespmem:s31+$0x1A780]  }
0x18c: {  	v3 =	vand.u32 $0x7FFFFFFF, v3;
	v10 =	vsub.f32 v8, v10;
	v2 =	vld.idx.msk [tilespmem:v2+s2+$0x0], $0xffff  }
0x18d: {  	v1 =	vadd.f32 v3, v1  }
0x18e: {  	v3 =	vand.u32 $0x7FFFFFFF, v10;
	v10 =	vsub.f32 v8, v11;
	v4 =	vld.idx.msk [tilespmem:v4+s2+$0x0], $0xffff  }
0x18f: {  	v1 =	vadd.f32 v3, v1  }
0x190: {  	v3 =	vand.u32 $0x7FFFFFFF, v10;
	v9 =	vsub.f32 v8, v9;
	v6 =	vld.idx.msk [tilespmem:v6+s2+$0x0], $0xffff  }
0x191: {  	v1 =	vadd.f32 v3, v1  }
0x192: {  	v3 =	vand.u32 $0x7FFFFFFF, v9;
	v2 =	vsub.f32 v8, v2;
	v7 =	vld.idx.msk [tilespmem:v7+s2+$0x0], $0xffff  }
0x193: {  	v1 =	vadd.f32 v3, v1  }
0x194: {  	v2 =	vand.u32 $0x7FFFFFFF, v2;
	v3 =	vsub.f32 v8, v4;
	v4 =	vld.idx.msk [tilespmem:v5+s2+$0x0], $0xffff  }
0x195: {  	v1 =	vadd.f32 v2, v1  }
0x196: {  	v2 =	vand.u32 $0x7FFFFFFF, v3;
	v3 =	vsub.f32 v8, v6  }
0x197: {  	v1 =	vadd.f32 v2, v1  }
0x198: {  	v2 =	vand.u32 $0x7FFFFFFF, v3;
	v3 =	vsub.f32 v8, v7  }
.Ltmp3:
0x199: {  	v1 =	vadd.f32 v2, v1;
	(pc) =	sbr.rel @p0 .LBB2_8-.Ltmp3, $4  }
0x19a: {  	v2 =	vand.u32 $0x7FFFFFFF, v3;
	v3 =	vsub.f32 v8, v4  }
0x19b: {  	v1 =	vadd.f32 v2, v1  }
0x19c: {  	s29 =	sadd.s32 $0x80, s29;
	v2 =	vand.u32 $0x7FFFFFFF, v3  }
0x19d: {  	s30 =	sadd.s32 $0x10, s30;
	s1 =	sand.u32 $0x70, s28;
	s0 =	sand.u32 $0x1C00, s29;
	v1 =	vadd.f32 v2, v1  }
0x19e: {  	s0 =	sor.u32 s1, s0  }
0x19f: {  	s23 =	sadd.s32 $0x19000, s0;
	[tilespmem:s26+$0x1B800] =	vst v1  }
0x1a0: {  	v1 =	vld [tilespmem:s23+$0x80]  }
0x1a1: {  	s31 =	sor.u32 s29, s28  }
0x1a2: {  	s26 =	sor.u32 $0x380, s31;
	v2 =	vld [tilespmem:s23+$0x100]  }
0x1a3: {  	v3 =	vld [tilespmem:s26+$0x19000]  }
0x1a4: {  	s31 =	sadd.s32 s28, s16;
	v4 =	vld [tilespmem:s23+$0x180]  }
0x1a5: {  	v5 =	vld [tilespmem:s23+$0x200];
	s26 =	sand.u32 $0x3FF80, s31  }
0x1a6: {  	v6 =	vld [tilespmem:s23+$0x280];
	s26 =	sor.u32 s1, s26  }
0x1a7: {  	v7 =	vld [tilespmem:s26+$0x0]  }
0x1a8: {  	s28 =	sadd.s32 $0x500, s28;
	v1 =	vld.idx.msk [tilespmem:v1+s2+$0x0], $0xffff  }
0x1a9: {  	v8 =	vld [tilespmem:s23+$0x300];
	s31 =	sand.u32 $0xF80, s28  }
0x1aa: {  	s26 =	sor.u32 s1, s31;
	v2 =	vld.idx.msk [tilespmem:v2+s2+$0x0], $0xffff  }
0x1ab: {  	v9 =	vld [tilespmem:s26+$0x1B800]  }
0x1ac: {  	v4 =	vld.idx.msk [tilespmem:v4+s2+$0x0], $0xffff  }
0x1ad: {  	v10 =	vld [tilespmem:s0+$0x1A400];
	v1 =	vsub.f32 v7, v1  }
0x1ae: {  	v5 =	vld.idx.msk [tilespmem:v5+s2+$0x0], $0xffff  }
0x1af: {  	v11 =	vld [tilespmem:s0+$0x1A480];
	v2 =	vsub.f32 v7, v2;
	v1 =	vand.u32 $0x7FFFFFFF, v1  }
0x1b0: {  	v6 =	vld.idx.msk [tilespmem:v6+s2+$0x0], $0xffff;
	v1 =	vadd.f32 v1, v9  }
0x1b1: {  	v42 =	vld [tilespmem:s0+$0x1A500];
	v4 =	vsub.f32 v7, v4;
	v2 =	vand.u32 $0x7FFFFFFF, v2  }
0x1b2: {  	v8 =	vld.idx.msk [tilespmem:v8+s2+$0x0], $0xffff;
	v1 =	vadd.f32 v2, v1  }
0x1b3: {  	v3 =	vld.idx.msk [tilespmem:v3+s2+$0x0], $0xffff;
	v5 =	vsub.f32 v7, v5;
	v4 =	vand.u32 $0x7FFFFFFF, v4  }
0x1b4: {  	v2 =	vld [tilespmem:s0+$0x1A580];
	v1 =	vadd.f32 v4, v1  }
0x1b5: {  	v43 =	vld [tilespmem:s0+$0x1A600];
	v6 =	vsub.f32 v7, v6;
	v5 =	vand.u32 $0x7FFFFFFF, v5  }
0x1b6: {  	v10 =	vld.idx.msk [tilespmem:v10+s2+$0x0], $0xffff;
	v1 =	vadd.f32 v5, v1  }
0x1b7: {  	v44 =	vld [tilespmem:s0+$0x1A680];
	v8 =	vsub.f32 v7, v8;
	v6 =	vand.u32 $0x7FFFFFFF, v6  }
0x1b8: {  	v11 =	vld.idx.msk [tilespmem:v11+s2+$0x0], $0xffff;
	v1 =	vadd.f32 v6, v1  }
0x1b9: {  	v45 =	vld [tilespmem:s0+$0x1A700];
	v3 =	vsub.f32 v7, v3;
	v8 =	vand.u32 $0x7FFFFFFF, v8  }
0x1ba: {  	v9 =	vld.idx.msk [tilespmem:v42+s2+$0x0], $0xffff;
	v1 =	vadd.f32 v8, v1  }
0x1bb: {  	v46 =	vld [tilespmem:s0+$0x1A780];
	v10 =	vsub.f32 v7, v10;
	v3 =	vand.u32 $0x7FFFFFFF, v3  }
0x1bc: {  	v2 =	vld.idx.msk [tilespmem:v2+s2+$0x0], $0xffff;
	v1 =	vadd.f32 v3, v1  }
0x1bd: {  	v47 =	vsub.f32 v7, v11;
	v3 =	vand.u32 $0x7FFFFFFF, v10  }
0x1be: {  	v4 =	vld.idx.msk [tilespmem:v43+s2+$0x0], $0xffff;
	v1 =	vadd.f32 v3, v1  }
0x1bf: {  	v9 =	vsub.f32 v7, v9;
	v3 =	vand.u32 $0x7FFFFFFF, v47  }
0x1c0: {  	v5 =	vld.idx.msk [tilespmem:v44+s2+$0x0], $0xffff;
	v1 =	vadd.f32 v3, v1  }
0x1c1: {  	v2 =	vsub.f32 v7, v2;
	v3 =	vand.u32 $0x7FFFFFFF, v9  }
0x1c2: {  	v6 =	vld.idx.msk [tilespmem:v45+s2+$0x0], $0xffff;
	v1 =	vadd.f32 v3, v1  }
0x1c3: {  	v2 =	vand.u32 $0x7FFFFFFF, v2;
	v3 =	vsub.f32 v7, v4  }
0x1c4: {  	v48 =	vld.idx.msk [tilespmem:v46+s2+$0x0], $0xffff;
	v1 =	vadd.f32 v2, v1  }
0x1c5: {  	v2 =	vand.u32 $0x7FFFFFFF, v3;
	v3 =	vsub.f32 v7, v5  }
0x1c6: {  	v1 =	vadd.f32 v2, v1  }
0x1c7: {  	v2 =	vand.u32 $0x7FFFFFFF, v3;
	v3 =	vsub.f32 v7, v6  }
0x1c8: {  	v1 =	vadd.f32 v2, v1  }
0x1c9: {  	v2 =	vand.u32 $0x7FFFFFFF, v3;
	v3 =	vsub.f32 v7, v48  }
0x1ca: {  	v1 =	vadd.f32 v2, v1  }
0x1cb: {  	v2 =	vand.u32 $0x7FFFFFFF, v3  }
0x1cc: {  	v1 =	vadd.f32 v2, v1;
	_ =	sdelay $0x1  }
0x1cd: {  	s31 =	simm.s32 $0x0;
	[tilespmem:s26+$0x1B800] =	vst v1  }
0x1ce: {  	[tilespmem:s22], [sflag:$0x1] =	stream.strided.gather [hbm4b:s7+s20], $0x2800, s21, s20, $0x38;
	[tilespmem:$0x1C500] =	vst v63  }
0x1cf: {  	s1 =	sand.u32 $0x70, s31;
	s26 =	sand.u32 $0x1C00, s31;
	_ =	swait.ge [sflag:s19], $0x2800  }
0x1d0: {  	s23 =	sor.u32 s1, s26;
	[sflag:s19] =	ssyncset.done $0x0  }
0x1d1: {  	s26 =	sadd.s32 $0x19000, s23;
	[sflag:s19] =	ssyncadd.s32 $0xFFFFD800  }
0x1d2: {  	v1 =	vld [tilespmem:s26+$0x80]  }
0x1d3: {  	s0 =	sor.u32 s31, s31  }
0x1d4: {  	s0 =	sor.u32 $0x380, s0;
	v2 =	vld [tilespmem:s26+$0x100]  }
0x1d5: {  	v3 =	vld [tilespmem:s0+$0x19000]  }
0x1d6: {  	s31 =	sadd.s32 $0x0, s17;
	v49 =	vld [tilespmem:s26+$0x180]  }
0x1d7: {  	v50 =	vld [tilespmem:s26+$0x200];
	s0 =	sand.u32 $0x3FF80, s31  }
0x1d8: {  	v51 =	vld [tilespmem:s26+$0x280];
	s0 =	sor.u32 s1, s0  }
0x1d9: {  	v52 =	vld [tilespmem:s0+$0x0]  }
0x1da: {  	s28 =	simm.s32 $0x780;
	v1 =	vld.idx.msk [tilespmem:v1+s2+$0x0], $0xffff  }
0x1db: {  	v53 =	vld [tilespmem:s26+$0x300];
	s31 =	sand.u32 $0xF80, s28  }
0x1dc: {  	s26 =	sor.u32 s1, s31;
	v2 =	vld.idx.msk [tilespmem:v2+s2+$0x0], $0xffff  }
0x1dd: {  	v54 =	vld [tilespmem:s26+$0x1B800]  }
0x1de: {  	v4 =	vld.idx.msk [tilespmem:v49+s2+$0x0], $0xffff  }
0x1df: {  	v55 =	vld [tilespmem:s23+$0x1A400];
	v1 =	vsub.f32 v52, v1  }
0x1e0: {  	v5 =	vld.idx.msk [tilespmem:v50+s2+$0x0], $0xffff  }
0x1e1: {  	v56 =	vld [tilespmem:s23+$0x1A480];
	v2 =	vsub.f32 v52, v2;
	v1 =	vand.u32 $0x7FFFFFFF, v1  }
0x1e2: {  	v6 =	vld.idx.msk [tilespmem:v51+s2+$0x0], $0xffff;
	v1 =	vadd.f32 v1, v54  }
0x1e3: {  	v57 =	vld [tilespmem:s23+$0x1A500];
	v4 =	vsub.f32 v52, v4;
	v2 =	vand.u32 $0x7FFFFFFF, v2  }
0x1e4: {  	v8 =	vld.idx.msk [tilespmem:v53+s2+$0x0], $0xffff;
	v1 =	vadd.f32 v2, v1  }
0x1e5: {  	v3 =	vld.idx.msk [tilespmem:v3+s2+$0x0], $0xffff;
	v5 =	vsub.f32 v52, v5;
	v4 =	vand.u32 $0x7FFFFFFF, v4  }
0x1e6: {  	v2 =	vld [tilespmem:s23+$0x1A580];
	v1 =	vadd.f32 v4, v1  }
0x1e7: {  	v58 =	vld [tilespmem:s23+$0x1A600];
	v6 =	vsub.f32 v52, v6;
	v5 =	vand.u32 $0x7FFFFFFF, v5  }
0x1e8: {  	v10 =	vld.idx.msk [tilespmem:v55+s2+$0x0], $0xffff;
	v1 =	vadd.f32 v5, v1  }
0x1e9: {  	v59 =	vld [tilespmem:s23+$0x1A680];
	v8 =	vsub.f32 v52, v8;
	v6 =	vand.u32 $0x7FFFFFFF, v6  }
0x1ea: {  	v11 =	vld.idx.msk [tilespmem:v56+s2+$0x0], $0xffff;
	v1 =	vadd.f32 v6, v1  }
0x1eb: {  	v60 =	vld [tilespmem:s23+$0x1A700];
	v3 =	vsub.f32 v52, v3;
	v8 =	vand.u32 $0x7FFFFFFF, v8  }
0x1ec: {  	v9 =	vld.idx.msk [tilespmem:v57+s2+$0x0], $0xffff;
	v1 =	vadd.f32 v8, v1  }
0x1ed: {  	v61 =	vld [tilespmem:s23+$0x1A780];
	v10 =	vsub.f32 v52, v10;
	v3 =	vand.u32 $0x7FFFFFFF, v3  }
0x1ee: {  	v2 =	vld.idx.msk [tilespmem:v2+s2+$0x0], $0xffff;
	v1 =	vadd.f32 v3, v1  }
0x1ef: {  	v62 =	vsub.f32 v52, v11;
	v3 =	vand.u32 $0x7FFFFFFF, v10  }
0x1f0: {  	v4 =	vld.idx.msk [tilespmem:v58+s2+$0x0], $0xffff;
	v1 =	vadd.f32 v3, v1  }
0x1f1: {  	v9 =	vsub.f32 v52, v9;
	v3 =	vand.u32 $0x7FFFFFFF, v62  }
0x1f2: {  	v5 =	vld.idx.msk [tilespmem:v59+s2+$0x0], $0xffff;
	v1 =	vadd.f32 v3, v1  }
0x1f3: {  	v2 =	vsub.f32 v52, v2;
	v3 =	vand.u32 $0x7FFFFFFF, v9  }
0x1f4: {  	v6 =	vld.idx.msk [tilespmem:v60+s2+$0x0], $0xffff;
	v1 =	vadd.f32 v3, v1  }
0x1f5: {  	v2 =	vand.u32 $0x7FFFFFFF, v2;
	v3 =	vsub.f32 v52, v4  }
0x1f6: {  	v63 =	vld.idx.msk [tilespmem:v61+s2+$0x0], $0xffff;
	v1 =	vadd.f32 v2, v1  }
0x1f7: {  	v2 =	vand.u32 $0x7FFFFFFF, v3;
	v3 =	vsub.f32 v52, v5  }
0x1f8: {  	v1 =	vadd.f32 v2, v1  }
0x1f9: {  	v2 =	vand.u32 $0x7FFFFFFF, v3;
	v3 =	vsub.f32 v52, v6  }
0x1fa: {  	v1 =	vadd.f32 v2, v1  }
0x1fb: {  	v2 =	vand.u32 $0x7FFFFFFF, v3;
	v3 =	vsub.f32 v52, v63  }
0x1fc: {  	v1 =	vadd.f32 v2, v1  }
0x1fd: {  	s29 =	simm.s32 $0x80;
	s28 =	simm.s32 $0x10;
	v2 =	vand.u32 $0x7FFFFFFF, v3  }
0x1fe: {  	s30 =	simm.s32 $0x20;
	s1 =	sand.u32 $0x70, s28;
	s0 =	sand.u32 $0x1C00, s29;
	v1 =	vadd.f32 v2, v1  }
.LBB2_10:
0x1ff: {  	p0 =	sne.s32 s30, $0x270;
	s31 =	sor.u32 s1, s0  }
0x200: {  	s0 =	sadd.s32 $0x19000, s31;
	[tilespmem:s26+$0x1B800] =	vst v1  }
0x201: {  	v1 =	vld [tilespmem:s0+$0x80]  }
0x202: {  	s23 =	sor.u32 s29, s28  }
0x203: {  	s23 =	sor.u32 $0x380, s23;
	v2 =	vld [tilespmem:s0+$0x100]  }
0x204: {  	v3 =	vld [tilespmem:s23+$0x19000]  }
0x205: {  	v4 =	vld [tilespmem:s0+$0x180]  }
0x206: {  	v5 =	vld [tilespmem:s0+$0x300]  }
0x207: {  	s23 =	sadd.s32 s28, s17;
	v6 =	vld [tilespmem:s0+$0x200]  }
0x208: {  	s23 =	sand.u32 $0x3FF80, s23;
	v7 =	vld [tilespmem:s0+$0x280]  }
0x209: {  	s23 =	sor.u32 s1, s23;
	s0 =	sadd.s32 $0x780, s28;
	s28 =	smov.u32 s30;
	v1 =	vld.idx.msk [tilespmem:v1+s2+$0x0], $0xffff  }
0x20a: {  	s0 =	sand.u32 $0xF80, s0;
	v8 =	vld [tilespmem:s23+$0x0]  }
0x20b: {  	s26 =	sor.u32 s1, s0;
	v2 =	vld.idx.msk [tilespmem:v2+s2+$0x0], $0xffff  }
0x20c: {  	v9 =	vld [tilespmem:s26+$0x1B800]  }
0x20d: {  	v4 =	vld.idx.msk [tilespmem:v4+s2+$0x0], $0xffff  }
0x20e: {  	v10 =	vld [tilespmem:s31+$0x1A400]  }
0x20f: {  	v1 =	vsub.f32 v8, v1;
	v6 =	vld.idx.msk [tilespmem:v6+s2+$0x0], $0xffff  }
0x210: {  	v11 =	vld [tilespmem:s31+$0x1A480]  }
0x211: {  	v2 =	vsub.f32 v8, v2;
	v1 =	vand.u32 $0x7FFFFFFF, v1;
	v7 =	vld.idx.msk [tilespmem:v7+s2+$0x0], $0xffff  }
0x212: {  	v1 =	vadd.f32 v1, v9;
	v9 =	vld [tilespmem:s31+$0x1A500]  }
0x213: {  	v2 =	vand.u32 $0x7FFFFFFF, v2;
	v4 =	vsub.f32 v8, v4;
	v5 =	vld.idx.msk [tilespmem:v5+s2+$0x0], $0xffff  }
0x214: {  	v1 =	vadd.f32 v2, v1;
	v2 =	vld [tilespmem:s31+$0x1A580]  }
0x215: {  	v4 =	vand.u32 $0x7FFFFFFF, v4;
	v6 =	vsub.f32 v8, v6;
	v3 =	vld.idx.msk [tilespmem:v3+s2+$0x0], $0xffff  }
0x216: {  	v1 =	vadd.f32 v4, v1;
	v4 =	vld [tilespmem:s31+$0x1A600]  }
0x217: {  	v6 =	vand.u32 $0x7FFFFFFF, v6;
	v7 =	vsub.f32 v8, v7;
	v10 =	vld.idx.msk [tilespmem:v10+s2+$0x0], $0xffff  }
0x218: {  	v1 =	vadd.f32 v6, v1;
	v6 =	vld [tilespmem:s31+$0x1A680]  }
0x219: {  	v7 =	vand.u32 $0x7FFFFFFF, v7;
	v5 =	vsub.f32 v8, v5;
	v11 =	vld.idx.msk [tilespmem:v11+s2+$0x0], $0xffff  }
0x21a: {  	v1 =	vadd.f32 v7, v1;
	v7 =	vld [tilespmem:s31+$0x1A700]  }
0x21b: {  	v5 =	vand.u32 $0x7FFFFFFF, v5;
	v3 =	vsub.f32 v8, v3;
	v9 =	vld.idx.msk [tilespmem:v9+s2+$0x0], $0xffff  }
0x21c: {  	v1 =	vadd.f32 v5, v1;
	v5 =	vld [tilespmem:s31+$0x1A780]  }
0x21d: {  	v3 =	vand.u32 $0x7FFFFFFF, v3;
	v10 =	vsub.f32 v8, v10;
	v2 =	vld.idx.msk [tilespmem:v2+s2+$0x0], $0xffff  }
0x21e: {  	v1 =	vadd.f32 v3, v1  }
0x21f: {  	v3 =	vand.u32 $0x7FFFFFFF, v10;
	v10 =	vsub.f32 v8, v11;
	v4 =	vld.idx.msk [tilespmem:v4+s2+$0x0], $0xffff  }
0x220: {  	v1 =	vadd.f32 v3, v1  }
0x221: {  	v3 =	vand.u32 $0x7FFFFFFF, v10;
	v9 =	vsub.f32 v8, v9;
	v6 =	vld.idx.msk [tilespmem:v6+s2+$0x0], $0xffff  }
0x222: {  	v1 =	vadd.f32 v3, v1  }
0x223: {  	v3 =	vand.u32 $0x7FFFFFFF, v9;
	v2 =	vsub.f32 v8, v2;
	v7 =	vld.idx.msk [tilespmem:v7+s2+$0x0], $0xffff  }
0x224: {  	v1 =	vadd.f32 v3, v1  }
0x225: {  	v2 =	vand.u32 $0x7FFFFFFF, v2;
	v3 =	vsub.f32 v8, v4;
	v4 =	vld.idx.msk [tilespmem:v5+s2+$0x0], $0xffff  }
0x226: {  	v1 =	vadd.f32 v2, v1  }
0x227: {  	v2 =	vand.u32 $0x7FFFFFFF, v3;
	v3 =	vsub.f32 v8, v6  }
0x228: {  	v1 =	vadd.f32 v2, v1  }
0x229: {  	v2 =	vand.u32 $0x7FFFFFFF, v3;
	v3 =	vsub.f32 v8, v7  }
.Ltmp4:
0x22a: {  	v1 =	vadd.f32 v2, v1;
	(pc) =	sbr.rel @p0 .LBB2_10-.Ltmp4, $4  }
0x22b: {  	v2 =	vand.u32 $0x7FFFFFFF, v3;
	v3 =	vsub.f32 v8, v4  }
0x22c: {  	v1 =	vadd.f32 v2, v1  }
0x22d: {  	s29 =	sadd.s32 $0x80, s29;
	v2 =	vand.u32 $0x7FFFFFFF, v3  }
0x22e: {  	s30 =	sadd.s32 $0x10, s30;
	s1 =	sand.u32 $0x70, s28;
	s0 =	sand.u32 $0x1C00, s29;
	v1 =	vadd.f32 v2, v1  }
0x22f: {  	s0 =	sor.u32 s1, s0  }
0x230: {  	s23 =	sadd.s32 $0x19000, s0;
	[tilespmem:s26+$0x1B800] =	vst v1  }
0x231: {  	v1 =	vld [tilespmem:s23+$0x80]  }
0x232: {  	s31 =	sor.u32 s29, s28  }
0x233: {  	s26 =	sor.u32 $0x380, s31;
	v2 =	vld [tilespmem:s23+$0x100]  }
0x234: {  	v3 =	vld [tilespmem:s26+$0x19000]  }
0x235: {  	s31 =	sadd.s32 s28, s17;
	v4 =	vld [tilespmem:s23+$0x180]  }
0x236: {  	v5 =	vld [tilespmem:s23+$0x200];
	s26 =	sand.u32 $0x3FF80, s31  }
0x237: {  	v6 =	vld [tilespmem:s23+$0x280];
	s26 =	sor.u32 s1, s26  }
0x238: {  	v7 =	vld [tilespmem:s26+$0x0]  }
0x239: {  	s28 =	sadd.s32 $0x780, s28;
	v1 =	vld.idx.msk [tilespmem:v1+s2+$0x0], $0xffff  }
0x23a: {  	v8 =	vld [tilespmem:s23+$0x300];
	s31 =	sand.u32 $0xF80, s28  }
0x23b: {  	s26 =	sor.u32 s1, s31;
	v2 =	vld.idx.msk [tilespmem:v2+s2+$0x0], $0xffff  }
0x23c: {  	v9 =	vld [tilespmem:s26+$0x1B800]  }
0x23d: {  	v4 =	vld.idx.msk [tilespmem:v4+s2+$0x0], $0xffff  }
0x23e: {  	v10 =	vld [tilespmem:s0+$0x1A400];
	v1 =	vsub.f32 v7, v1  }
0x23f: {  	v5 =	vld.idx.msk [tilespmem:v5+s2+$0x0], $0xffff  }
0x240: {  	v11 =	vld [tilespmem:s0+$0x1A480];
	v2 =	vsub.f32 v7, v2;
	v1 =	vand.u32 $0x7FFFFFFF, v1  }
0x241: {  	v6 =	vld.idx.msk [tilespmem:v6+s2+$0x0], $0xffff;
	v1 =	vadd.f32 v1, v9  }
0x242: {  	v42 =	vld [tilespmem:s0+$0x1A500];
	v4 =	vsub.f32 v7, v4;
	v2 =	vand.u32 $0x7FFFFFFF, v2  }
0x243: {  	v8 =	vld.idx.msk [tilespmem:v8+s2+$0x0], $0xffff;
	v1 =	vadd.f32 v2, v1  }
0x244: {  	v3 =	vld.idx.msk [tilespmem:v3+s2+$0x0], $0xffff;
	v5 =	vsub.f32 v7, v5;
	v4 =	vand.u32 $0x7FFFFFFF, v4  }
0x245: {  	v2 =	vld [tilespmem:s0+$0x1A580];
	v1 =	vadd.f32 v4, v1  }
0x246: {  	v43 =	vld [tilespmem:s0+$0x1A600];
	v6 =	vsub.f32 v7, v6;
	v5 =	vand.u32 $0x7FFFFFFF, v5  }
0x247: {  	v10 =	vld.idx.msk [tilespmem:v10+s2+$0x0], $0xffff;
	v1 =	vadd.f32 v5, v1  }
0x248: {  	v44 =	vld [tilespmem:s0+$0x1A680];
	v8 =	vsub.f32 v7, v8;
	v6 =	vand.u32 $0x7FFFFFFF, v6  }
0x249: {  	v11 =	vld.idx.msk [tilespmem:v11+s2+$0x0], $0xffff;
	v1 =	vadd.f32 v6, v1  }
0x24a: {  	v45 =	vld [tilespmem:s0+$0x1A700];
	v3 =	vsub.f32 v7, v3;
	v8 =	vand.u32 $0x7FFFFFFF, v8  }
0x24b: {  	v9 =	vld.idx.msk [tilespmem:v42+s2+$0x0], $0xffff;
	v1 =	vadd.f32 v8, v1  }
0x24c: {  	v46 =	vld [tilespmem:s0+$0x1A780];
	v10 =	vsub.f32 v7, v10;
	v3 =	vand.u32 $0x7FFFFFFF, v3  }
0x24d: {  	v2 =	vld.idx.msk [tilespmem:v2+s2+$0x0], $0xffff;
	v1 =	vadd.f32 v3, v1  }
0x24e: {  	v47 =	vsub.f32 v7, v11;
	v3 =	vand.u32 $0x7FFFFFFF, v10  }
0x24f: {  	v4 =	vld.idx.msk [tilespmem:v43+s2+$0x0], $0xffff;
	v1 =	vadd.f32 v3, v1  }
0x250: {  	v9 =	vsub.f32 v7, v9;
	v3 =	vand.u32 $0x7FFFFFFF, v47  }
0x251: {  	v5 =	vld.idx.msk [tilespmem:v44+s2+$0x0], $0xffff;
	v1 =	vadd.f32 v3, v1  }
0x252: {  	v2 =	vsub.f32 v7, v2;
	v3 =	vand.u32 $0x7FFFFFFF, v9  }
0x253: {  	v6 =	vld.idx.msk [tilespmem:v45+s2+$0x0], $0xffff;
	v1 =	vadd.f32 v3, v1  }
0x254: {  	v2 =	vand.u32 $0x7FFFFFFF, v2;
	v3 =	vsub.f32 v7, v4  }
0x255: {  	v48 =	vld.idx.msk [tilespmem:v46+s2+$0x0], $0xffff;
	v1 =	vadd.f32 v2, v1  }
0x256: {  	v2 =	vand.u32 $0x7FFFFFFF, v3;
	v3 =	vsub.f32 v7, v5  }
0x257: {  	v1 =	vadd.f32 v2, v1  }
0x258: {  	v2 =	vand.u32 $0x7FFFFFFF, v3;
	v3 =	vsub.f32 v7, v6  }
0x259: {  	v1 =	vadd.f32 v2, v1  }
0x25a: {  	v2 =	vand.u32 $0x7FFFFFFF, v3;
	v3 =	vsub.f32 v7, v48  }
0x25b: {  	v1 =	vadd.f32 v2, v1  }
0x25c: {  	v2 =	vand.u32 $0x7FFFFFFF, v3  }
0x25d: {  	v1 =	vadd.f32 v2, v1;
	_ =	sdelay $0x1  }
0x25e: {  	s31 =	simm.s32 $0x0;
	[tilespmem:s26+$0x1B800] =	vst v1  }
0x25f: {  	[tilespmem:s22], [sflag:$0x1] =	stream.strided.gather [hbm4b:s8+s20], $0x2800, s21, s20, $0x38;
	[tilespmem:$0x1C500] =	vst v63  }
0x260: {  	s1 =	sand.u32 $0x70, s31;
	s26 =	sand.u32 $0x1C00, s31;
	_ =	swait.ge [sflag:s19], $0x2800  }
0x261: {  	s23 =	sor.u32 s1, s26;
	[sflag:s19] =	ssyncset.done $0x0  }
0x262: {  	s26 =	sadd.s32 $0x19000, s23;
	[sflag:s19] =	ssyncadd.s32 $0xFFFFD800  }
0x263: {  	v1 =	vld [tilespmem:s26+$0x80]  }
0x264: {  	s0 =	sor.u32 s31, s31  }
0x265: {  	s0 =	sor.u32 $0x380, s0;
	v2 =	vld [tilespmem:s26+$0x100]  }
0x266: {  	v3 =	vld [tilespmem:s0+$0x19000]  }
0x267: {  	s31 =	sadd.s32 $0x0, s18;
	v49 =	vld [tilespmem:s26+$0x180]  }
0x268: {  	v50 =	vld [tilespmem:s26+$0x200];
	s0 =	sand.u32 $0x3FF80, s31  }
0x269: {  	v51 =	vld [tilespmem:s26+$0x280];
	s0 =	sor.u32 s1, s0  }
0x26a: {  	v52 =	vld [tilespmem:s0+$0x0]  }
0x26b: {  	s28 =	simm.s32 $0xA00;
	v1 =	vld.idx.msk [tilespmem:v1+s2+$0x0], $0xffff  }
0x26c: {  	v53 =	vld [tilespmem:s26+$0x300];
	s31 =	sand.u32 $0xF80, s28  }
0x26d: {  	s26 =	sor.u32 s1, s31;
	v2 =	vld.idx.msk [tilespmem:v2+s2+$0x0], $0xffff  }
0x26e: {  	v54 =	vld [tilespmem:s26+$0x1B800]  }
0x26f: {  	v4 =	vld.idx.msk [tilespmem:v49+s2+$0x0], $0xffff  }
0x270: {  	v55 =	vld [tilespmem:s23+$0x1A400];
	v1 =	vsub.f32 v52, v1  }
0x271: {  	v5 =	vld.idx.msk [tilespmem:v50+s2+$0x0], $0xffff  }
0x272: {  	v56 =	vld [tilespmem:s23+$0x1A480];
	v2 =	vsub.f32 v52, v2;
	v1 =	vand.u32 $0x7FFFFFFF, v1  }
0x273: {  	v6 =	vld.idx.msk [tilespmem:v51+s2+$0x0], $0xffff;
	v1 =	vadd.f32 v1, v54  }
0x274: {  	v57 =	vld [tilespmem:s23+$0x1A500];
	v4 =	vsub.f32 v52, v4;
	v2 =	vand.u32 $0x7FFFFFFF, v2  }
0x275: {  	v8 =	vld.idx.msk [tilespmem:v53+s2+$0x0], $0xffff;
	v1 =	vadd.f32 v2, v1  }
0x276: {  	v3 =	vld.idx.msk [tilespmem:v3+s2+$0x0], $0xffff;
	v5 =	vsub.f32 v52, v5;
	v4 =	vand.u32 $0x7FFFFFFF, v4  }
0x277: {  	v2 =	vld [tilespmem:s23+$0x1A580];
	v1 =	vadd.f32 v4, v1  }
0x278: {  	v58 =	vld [tilespmem:s23+$0x1A600];
	v6 =	vsub.f32 v52, v6;
	v5 =	vand.u32 $0x7FFFFFFF, v5  }
0x279: {  	v10 =	vld.idx.msk [tilespmem:v55+s2+$0x0], $0xffff;
	v1 =	vadd.f32 v5, v1  }
0x27a: {  	v59 =	vld [tilespmem:s23+$0x1A680];
	v8 =	vsub.f32 v52, v8;
	v6 =	vand.u32 $0x7FFFFFFF, v6  }
0x27b: {  	v11 =	vld.idx.msk [tilespmem:v56+s2+$0x0], $0xffff;
	v1 =	vadd.f32 v6, v1  }
0x27c: {  	v60 =	vld [tilespmem:s23+$0x1A700];
	v3 =	vsub.f32 v52, v3;
	v8 =	vand.u32 $0x7FFFFFFF, v8  }
0x27d: {  	v9 =	vld.idx.msk [tilespmem:v57+s2+$0x0], $0xffff;
	v1 =	vadd.f32 v8, v1  }
0x27e: {  	v61 =	vld [tilespmem:s23+$0x1A780];
	v10 =	vsub.f32 v52, v10;
	v3 =	vand.u32 $0x7FFFFFFF, v3  }
0x27f: {  	v2 =	vld.idx.msk [tilespmem:v2+s2+$0x0], $0xffff;
	v1 =	vadd.f32 v3, v1  }
0x280: {  	v62 =	vsub.f32 v52, v11;
	v3 =	vand.u32 $0x7FFFFFFF, v10  }
0x281: {  	v4 =	vld.idx.msk [tilespmem:v58+s2+$0x0], $0xffff;
	v1 =	vadd.f32 v3, v1  }
0x282: {  	v9 =	vsub.f32 v52, v9;
	v3 =	vand.u32 $0x7FFFFFFF, v62  }
0x283: {  	v5 =	vld.idx.msk [tilespmem:v59+s2+$0x0], $0xffff;
	v1 =	vadd.f32 v3, v1  }
0x284: {  	v2 =	vsub.f32 v52, v2;
	v3 =	vand.u32 $0x7FFFFFFF, v9  }
0x285: {  	v6 =	vld.idx.msk [tilespmem:v60+s2+$0x0], $0xffff;
	v1 =	vadd.f32 v3, v1  }
0x286: {  	v2 =	vand.u32 $0x7FFFFFFF, v2;
	v3 =	vsub.f32 v52, v4  }
0x287: {  	v63 =	vld.idx.msk [tilespmem:v61+s2+$0x0], $0xffff;
	v1 =	vadd.f32 v2, v1  }
0x288: {  	v2 =	vand.u32 $0x7FFFFFFF, v3;
	v3 =	vsub.f32 v52, v5  }
0x289: {  	v1 =	vadd.f32 v2, v1  }
0x28a: {  	v2 =	vand.u32 $0x7FFFFFFF, v3;
	v3 =	vsub.f32 v52, v6  }
0x28b: {  	v1 =	vadd.f32 v2, v1  }
0x28c: {  	v2 =	vand.u32 $0x7FFFFFFF, v3;
	v3 =	vsub.f32 v52, v63  }
0x28d: {  	v1 =	vadd.f32 v2, v1  }
0x28e: {  	s29 =	simm.s32 $0x80;
	s28 =	simm.s32 $0x10;
	v2 =	vand.u32 $0x7FFFFFFF, v3  }
0x28f: {  	s30 =	simm.s32 $0x20;
	s1 =	sand.u32 $0x70, s28;
	s0 =	sand.u32 $0x1C00, s29;
	v1 =	vadd.f32 v2, v1  }
.LBB2_12:
0x290: {  	p0 =	sne.s32 s30, $0x270;
	s31 =	sor.u32 s1, s0  }
0x291: {  	s0 =	sadd.s32 $0x19000, s31;
	[tilespmem:s26+$0x1B800] =	vst v1  }
0x292: {  	v1 =	vld [tilespmem:s0+$0x80]  }
0x293: {  	s23 =	sor.u32 s29, s28  }
0x294: {  	s23 =	sor.u32 $0x380, s23;
	v2 =	vld [tilespmem:s0+$0x100]  }
0x295: {  	v3 =	vld [tilespmem:s23+$0x19000]  }
0x296: {  	v4 =	vld [tilespmem:s0+$0x180]  }
0x297: {  	v5 =	vld [tilespmem:s0+$0x300]  }
0x298: {  	s23 =	sadd.s32 s28, s18;
	v6 =	vld [tilespmem:s0+$0x200]  }
0x299: {  	s23 =	sand.u32 $0x3FF80, s23;
	v7 =	vld [tilespmem:s0+$0x280]  }
0x29a: {  	s23 =	sor.u32 s1, s23;
	s0 =	sadd.s32 $0xA00, s28;
	s28 =	smov.u32 s30;
	v1 =	vld.idx.msk [tilespmem:v1+s2+$0x0], $0xffff  }
0x29b: {  	s0 =	sand.u32 $0xF80, s0;
	v8 =	vld [tilespmem:s23+$0x0]  }
0x29c: {  	s26 =	sor.u32 s1, s0;
	v2 =	vld.idx.msk [tilespmem:v2+s2+$0x0], $0xffff  }
0x29d: {  	v9 =	vld [tilespmem:s26+$0x1B800]  }
0x29e: {  	v4 =	vld.idx.msk [tilespmem:v4+s2+$0x0], $0xffff  }
0x29f: {  	v10 =	vld [tilespmem:s31+$0x1A400]  }
0x2a0: {  	v1 =	vsub.f32 v8, v1;
	v6 =	vld.idx.msk [tilespmem:v6+s2+$0x0], $0xffff  }
0x2a1: {  	v11 =	vld [tilespmem:s31+$0x1A480]  }
0x2a2: {  	v2 =	vsub.f32 v8, v2;
	v1 =	vand.u32 $0x7FFFFFFF, v1;
	v7 =	vld.idx.msk [tilespmem:v7+s2+$0x0], $0xffff  }
0x2a3: {  	v1 =	vadd.f32 v1, v9;
	v9 =	vld [tilespmem:s31+$0x1A500]  }
0x2a4: {  	v2 =	vand.u32 $0x7FFFFFFF, v2;
	v4 =	vsub.f32 v8, v4;
	v5 =	vld.idx.msk [tilespmem:v5+s2+$0x0], $0xffff  }
0x2a5: {  	v1 =	vadd.f32 v2, v1;
	v2 =	vld [tilespmem:s31+$0x1A580]  }
0x2a6: {  	v4 =	vand.u32 $0x7FFFFFFF, v4;
	v6 =	vsub.f32 v8, v6;
	v3 =	vld.idx.msk [tilespmem:v3+s2+$0x0], $0xffff  }
0x2a7: {  	v1 =	vadd.f32 v4, v1;
	v4 =	vld [tilespmem:s31+$0x1A600]  }
0x2a8: {  	v6 =	vand.u32 $0x7FFFFFFF, v6;
	v7 =	vsub.f32 v8, v7;
	v10 =	vld.idx.msk [tilespmem:v10+s2+$0x0], $0xffff  }
0x2a9: {  	v1 =	vadd.f32 v6, v1;
	v6 =	vld [tilespmem:s31+$0x1A680]  }
0x2aa: {  	v7 =	vand.u32 $0x7FFFFFFF, v7;
	v5 =	vsub.f32 v8, v5;
	v11 =	vld.idx.msk [tilespmem:v11+s2+$0x0], $0xffff  }
0x2ab: {  	v1 =	vadd.f32 v7, v1;
	v7 =	vld [tilespmem:s31+$0x1A700]  }
0x2ac: {  	v5 =	vand.u32 $0x7FFFFFFF, v5;
	v3 =	vsub.f32 v8, v3;
	v9 =	vld.idx.msk [tilespmem:v9+s2+$0x0], $0xffff  }
0x2ad: {  	v1 =	vadd.f32 v5, v1;
	v5 =	vld [tilespmem:s31+$0x1A780]  }
0x2ae: {  	v3 =	vand.u32 $0x7FFFFFFF, v3;
	v10 =	vsub.f32 v8, v10;
	v2 =	vld.idx.msk [tilespmem:v2+s2+$0x0], $0xffff  }
0x2af: {  	v1 =	vadd.f32 v3, v1  }
0x2b0: {  	v3 =	vand.u32 $0x7FFFFFFF, v10;
	v10 =	vsub.f32 v8, v11;
	v4 =	vld.idx.msk [tilespmem:v4+s2+$0x0], $0xffff  }
0x2b1: {  	v1 =	vadd.f32 v3, v1  }
0x2b2: {  	v3 =	vand.u32 $0x7FFFFFFF, v10;
	v9 =	vsub.f32 v8, v9;
	v6 =	vld.idx.msk [tilespmem:v6+s2+$0x0], $0xffff  }
0x2b3: {  	v1 =	vadd.f32 v3, v1  }
0x2b4: {  	v3 =	vand.u32 $0x7FFFFFFF, v9;
	v2 =	vsub.f32 v8, v2;
	v7 =	vld.idx.msk [tilespmem:v7+s2+$0x0], $0xffff  }
0x2b5: {  	v1 =	vadd.f32 v3, v1  }
0x2b6: {  	v2 =	vand.u32 $0x7FFFFFFF, v2;
	v3 =	vsub.f32 v8, v4;
	v4 =	vld.idx.msk [tilespmem:v5+s2+$0x0], $0xffff  }
0x2b7: {  	v1 =	vadd.f32 v2, v1  }
0x2b8: {  	v2 =	vand.u32 $0x7FFFFFFF, v3;
	v3 =	vsub.f32 v8, v6  }
0x2b9: {  	v1 =	vadd.f32 v2, v1  }
0x2ba: {  	v2 =	vand.u32 $0x7FFFFFFF, v3;
	v3 =	vsub.f32 v8, v7  }
.Ltmp5:
0x2bb: {  	v1 =	vadd.f32 v2, v1;
	(pc) =	sbr.rel @p0 .LBB2_12-.Ltmp5, $4  }
0x2bc: {  	v2 =	vand.u32 $0x7FFFFFFF, v3;
	v3 =	vsub.f32 v8, v4  }
0x2bd: {  	v1 =	vadd.f32 v2, v1  }
0x2be: {  	s29 =	sadd.s32 $0x80, s29;
	v2 =	vand.u32 $0x7FFFFFFF, v3  }
0x2bf: {  	s30 =	sadd.s32 $0x10, s30;
	s1 =	sand.u32 $0x70, s28;
	s0 =	sand.u32 $0x1C00, s29;
	v1 =	vadd.f32 v2, v1  }
0x2c0: {  	s0 =	sor.u32 s1, s0  }
0x2c1: {  	s23 =	sadd.s32 $0x19000, s0;
	[tilespmem:s26+$0x1B800] =	vst v1  }
0x2c2: {  	v1 =	vld [tilespmem:s23+$0x80]  }
0x2c3: {  	s31 =	sor.u32 s29, s28  }
0x2c4: {  	s26 =	sor.u32 $0x380, s31;
	v2 =	vld [tilespmem:s23+$0x100]  }
0x2c5: {  	v3 =	vld [tilespmem:s26+$0x19000]  }
0x2c6: {  	s31 =	sadd.s32 s28, s18;
	v4 =	vld [tilespmem:s23+$0x180]  }
0x2c7: {  	v5 =	vld [tilespmem:s23+$0x200];
	s26 =	sand.u32 $0x3FF80, s31  }
0x2c8: {  	v6 =	vld [tilespmem:s23+$0x280];
	s26 =	sor.u32 s1, s26  }
0x2c9: {  	v7 =	vld [tilespmem:s26+$0x0]  }
0x2ca: {  	s28 =	sadd.s32 $0xA00, s28;
	v1 =	vld.idx.msk [tilespmem:v1+s2+$0x0], $0xffff  }
0x2cb: {  	v8 =	vld [tilespmem:s23+$0x300];
	s31 =	sand.u32 $0xF80, s28  }
0x2cc: {  	s26 =	sor.u32 s1, s31;
	v2 =	vld.idx.msk [tilespmem:v2+s2+$0x0], $0xffff  }
0x2cd: {  	v9 =	vld [tilespmem:s26+$0x1B800]  }
0x2ce: {  	v4 =	vld.idx.msk [tilespmem:v4+s2+$0x0], $0xffff  }
0x2cf: {  	v10 =	vld [tilespmem:s0+$0x1A400];
	v1 =	vsub.f32 v7, v1  }
0x2d0: {  	v5 =	vld.idx.msk [tilespmem:v5+s2+$0x0], $0xffff  }
0x2d1: {  	v11 =	vld [tilespmem:s0+$0x1A480];
	v2 =	vsub.f32 v7, v2;
	v1 =	vand.u32 $0x7FFFFFFF, v1  }
0x2d2: {  	v6 =	vld.idx.msk [tilespmem:v6+s2+$0x0], $0xffff;
	v1 =	vadd.f32 v1, v9  }
0x2d3: {  	v42 =	vld [tilespmem:s0+$0x1A500];
	v4 =	vsub.f32 v7, v4;
	v2 =	vand.u32 $0x7FFFFFFF, v2  }
0x2d4: {  	v8 =	vld.idx.msk [tilespmem:v8+s2+$0x0], $0xffff;
	v1 =	vadd.f32 v2, v1  }
0x2d5: {  	v3 =	vld.idx.msk [tilespmem:v3+s2+$0x0], $0xffff;
	v5 =	vsub.f32 v7, v5;
	v4 =	vand.u32 $0x7FFFFFFF, v4  }
0x2d6: {  	v2 =	vld [tilespmem:s0+$0x1A580];
	v1 =	vadd.f32 v4, v1  }
0x2d7: {  	v43 =	vld [tilespmem:s0+$0x1A600];
	v6 =	vsub.f32 v7, v6;
	v5 =	vand.u32 $0x7FFFFFFF, v5  }
0x2d8: {  	v10 =	vld.idx.msk [tilespmem:v10+s2+$0x0], $0xffff;
	v1 =	vadd.f32 v5, v1  }
0x2d9: {  	v44 =	vld [tilespmem:s0+$0x1A680];
	v8 =	vsub.f32 v7, v8;
	v6 =	vand.u32 $0x7FFFFFFF, v6  }
0x2da: {  	v11 =	vld.idx.msk [tilespmem:v11+s2+$0x0], $0xffff;
	v1 =	vadd.f32 v6, v1  }
0x2db: {  	v45 =	vld [tilespmem:s0+$0x1A700];
	v3 =	vsub.f32 v7, v3;
	v8 =	vand.u32 $0x7FFFFFFF, v8  }
0x2dc: {  	v9 =	vld.idx.msk [tilespmem:v42+s2+$0x0], $0xffff;
	v1 =	vadd.f32 v8, v1  }
0x2dd: {  	v46 =	vld [tilespmem:s0+$0x1A780];
	v10 =	vsub.f32 v7, v10;
	v3 =	vand.u32 $0x7FFFFFFF, v3  }
0x2de: {  	v2 =	vld.idx.msk [tilespmem:v2+s2+$0x0], $0xffff;
	v1 =	vadd.f32 v3, v1  }
0x2df: {  	v47 =	vsub.f32 v7, v11;
	v3 =	vand.u32 $0x7FFFFFFF, v10  }
0x2e0: {  	v4 =	vld.idx.msk [tilespmem:v43+s2+$0x0], $0xffff;
	v1 =	vadd.f32 v3, v1  }
0x2e1: {  	v9 =	vsub.f32 v7, v9;
	v3 =	vand.u32 $0x7FFFFFFF, v47  }
0x2e2: {  	v5 =	vld.idx.msk [tilespmem:v44+s2+$0x0], $0xffff;
	v1 =	vadd.f32 v3, v1  }
0x2e3: {  	v2 =	vsub.f32 v7, v2;
	v3 =	vand.u32 $0x7FFFFFFF, v9  }
0x2e4: {  	v6 =	vld.idx.msk [tilespmem:v45+s2+$0x0], $0xffff;
	v1 =	vadd.f32 v3, v1  }
0x2e5: {  	v2 =	vand.u32 $0x7FFFFFFF, v2;
	v3 =	vsub.f32 v7, v4  }
0x2e6: {  	v48 =	vld.idx.msk [tilespmem:v46+s2+$0x0], $0xffff;
	v1 =	vadd.f32 v2, v1  }
0x2e7: {  	v2 =	vand.u32 $0x7FFFFFFF, v3;
	v3 =	vsub.f32 v7, v5  }
0x2e8: {  	v1 =	vadd.f32 v2, v1  }
0x2e9: {  	v2 =	vand.u32 $0x7FFFFFFF, v3;
	v3 =	vsub.f32 v7, v6  }
0x2ea: {  	v1 =	vadd.f32 v2, v1  }
0x2eb: {  	v2 =	vand.u32 $0x7FFFFFFF, v3;
	v3 =	vsub.f32 v7, v48  }
0x2ec: {  	v1 =	vadd.f32 v2, v1  }
0x2ed: {  	v2 =	vand.u32 $0x7FFFFFFF, v3  }
0x2ee: {  	v1 =	vadd.f32 v2, v1;
	_ =	sdelay $0x1  }
0x2ef: {  	s31 =	simm.s32 $0x0;
	[tilespmem:s26+$0x1B800] =	vst v1  }
0x2f0: {  	[tilespmem:s31], [sflag:$0x1] =	stream.linear.gather [hbm4b:s9+s31], $0x19000, $0x38;
	[tilespmem:$0x1C500] =	vst v63  }
0x2f1: {  	_ =	swait.ge [sflag:s19], $0x19000  }
0x2f2: {  	[sflag:s19] =	ssyncset.done $0x0  }
0x2f3: {  	[sflag:s19] =	ssyncadd.s32 $0xFFFE7000  }
0x2f4: {  	[tilespmem:s22], [sflag:$0x1] =	stream.strided.gather [hbm4b:s4+s20], $0x2800, s21, s20, $0x38;
	[tilespmem:$0x1C500] =	vst v63  }
0x2f5: {  	s1 =	sand.u32 $0x70, s31;
	s26 =	sand.u32 $0x1C00, s31;
	_ =	swait.ge [sflag:s19], $0x2800  }
0x2f6: {  	s23 =	sor.u32 s1, s26;
	[sflag:s19] =	ssyncset.done $0x0  }
0x2f7: {  	s26 =	sadd.s32 $0x19000, s23;
	[sflag:s19] =	ssyncadd.s32 $0xFFFFD800  }
0x2f8: {  	v1 =	vld [tilespmem:s26+$0x80]  }
0x2f9: {  	s0 =	sor.u32 s31, s31  }
0x2fa: {  	s0 =	sor.u32 $0x380, s0;
	v2 =	vld [tilespmem:s26+$0x100]  }
0x2fb: {  	v3 =	vld [tilespmem:s0+$0x19000]  }
0x2fc: {  	s31 =	sadd.s32 $0x0, s13;
	v49 =	vld [tilespmem:s26+$0x180]  }
0x2fd: {  	v50 =	vld [tilespmem:s26+$0x200];
	s0 =	sand.u32 $0x3FF80, s31  }
0x2fe: {  	v51 =	vld [tilespmem:s26+$0x280];
	s0 =	sor.u32 s1, s0  }
0x2ff: {  	v52 =	vld [tilespmem:s0+$0x0]  }
0x300: {  	v1 =	vld.idx.msk [tilespmem:v1+s2+$0x0], $0xffff  }
0x301: {  	v53 =	vld [tilespmem:s26+$0x300]  }
0x302: {  	s26 =	simm.s32 $0x1B800;
	v2 =	vld.idx.msk [tilespmem:v2+s2+$0x0], $0xffff  }
0x303: {  	v54 =	vld [tilespmem:s26+$0x0]  }
0x304: {  	v4 =	vld.idx.msk [tilespmem:v49+s2+$0x0], $0xffff  }
0x305: {  	v55 =	vld [tilespmem:s23+$0x1A400];
	v1 =	vsub.f32 v52, v1  }
0x306: {  	v5 =	vld.idx.msk [tilespmem:v50+s2+$0x0], $0xffff  }
0x307: {  	v56 =	vld [tilespmem:s23+$0x1A480];
	v2 =	vsub.f32 v52, v2;
	v1 =	vand.u32 $0x7FFFFFFF, v1  }
0x308: {  	v6 =	vld.idx.msk [tilespmem:v51+s2+$0x0], $0xffff;
	v1 =	vadd.f32 v1, v54  }
0x309: {  	v57 =	vld [tilespmem:s23+$0x1A500];
	v4 =	vsub.f32 v52, v4;
	v2 =	vand.u32 $0x7FFFFFFF, v2  }
0x30a: {  	v8 =	vld.idx.msk [tilespmem:v53+s2+$0x0], $0xffff;
	v1 =	vadd.f32 v2, v1  }
0x30b: {  	v3 =	vld.idx.msk [tilespmem:v3+s2+$0x0], $0xffff;
	v5 =	vsub.f32 v52, v5;
	v4 =	vand.u32 $0x7FFFFFFF, v4  }
0x30c: {  	v2 =	vld [tilespmem:s23+$0x1A580];
	v1 =	vadd.f32 v4, v1  }
0x30d: {  	v58 =	vld [tilespmem:s23+$0x1A600];
	v6 =	vsub.f32 v52, v6;
	v5 =	vand.u32 $0x7FFFFFFF, v5  }
0x30e: {  	v10 =	vld.idx.msk [tilespmem:v55+s2+$0x0], $0xffff;
	v1 =	vadd.f32 v5, v1  }
0x30f: {  	v59 =	vld [tilespmem:s23+$0x1A680];
	v8 =	vsub.f32 v52, v8;
	v6 =	vand.u32 $0x7FFFFFFF, v6  }
0x310: {  	v11 =	vld.idx.msk [tilespmem:v56+s2+$0x0], $0xffff;
	v1 =	vadd.f32 v6, v1  }
0x311: {  	v60 =	vld [tilespmem:s23+$0x1A700];
	v3 =	vsub.f32 v52, v3;
	v8 =	vand.u32 $0x7FFFFFFF, v8  }
0x312: {  	v9 =	vld.idx.msk [tilespmem:v57+s2+$0x0], $0xffff;
	v1 =	vadd.f32 v8, v1  }
0x313: {  	v61 =	vld [tilespmem:s23+$0x1A780];
	v10 =	vsub.f32 v52, v10;
	v3 =	vand.u32 $0x7FFFFFFF, v3  }
0x314: {  	v2 =	vld.idx.msk [tilespmem:v2+s2+$0x0], $0xffff;
	v1 =	vadd.f32 v3, v1  }
0x315: {  	v62 =	vsub.f32 v52, v11;
	v3 =	vand.u32 $0x7FFFFFFF, v10  }
0x316: {  	v4 =	vld.idx.msk [tilespmem:v58+s2+$0x0], $0xffff;
	v1 =	vadd.f32 v3, v1  }
0x317: {  	v9 =	vsub.f32 v52, v9;
	v3 =	vand.u32 $0x7FFFFFFF, v62  }
0x318: {  	v5 =	vld.idx.msk [tilespmem:v59+s2+$0x0], $0xffff;
	v1 =	vadd.f32 v3, v1  }
0x319: {  	v2 =	vsub.f32 v52, v2;
	v3 =	vand.u32 $0x7FFFFFFF, v9  }
0x31a: {  	v6 =	vld.idx.msk [tilespmem:v60+s2+$0x0], $0xffff;
	v1 =	vadd.f32 v3, v1  }
0x31b: {  	v2 =	vand.u32 $0x7FFFFFFF, v2;
	v3 =	vsub.f32 v52, v4  }
0x31c: {  	v63 =	vld.idx.msk [tilespmem:v61+s2+$0x0], $0xffff;
	v1 =	vadd.f32 v2, v1  }
0x31d: {  	v2 =	vand.u32 $0x7FFFFFFF, v3;
	v3 =	vsub.f32 v52, v5  }
0x31e: {  	v1 =	vadd.f32 v2, v1  }
0x31f: {  	v2 =	vand.u32 $0x7FFFFFFF, v3;
	v3 =	vsub.f32 v52, v6  }
0x320: {  	v1 =	vadd.f32 v2, v1  }
0x321: {  	v2 =	vand.u32 $0x7FFFFFFF, v3;
	v3 =	vsub.f32 v52, v63  }
0x322: {  	v1 =	vadd.f32 v2, v1  }
0x323: {  	s29 =	simm.s32 $0x80;
	s28 =	simm.s32 $0x10;
	v2 =	vand.u32 $0x7FFFFFFF, v3  }
0x324: {  	s30 =	simm.s32 $0x20;
	s1 =	sand.u32 $0x1C00, s29;
	s0 =	sand.u32 $0x70, s28;
	v1 =	vadd.f32 v2, v1  }
.LBB2_14:
0x325: {  	p0 =	sne.s32 s30, $0x270;
	s1 =	sor.u32 s0, s1  }
0x326: {  	s23 =	sadd.s32 $0x19000, s1;
	[tilespmem:s26+$0x0] =	vst v1  }
0x327: {  	v1 =	vld [tilespmem:s23+$0x80]  }
0x328: {  	s31 =	sor.u32 s29, s28  }
0x329: {  	s31 =	sor.u32 $0x380, s31;
	v2 =	vld [tilespmem:s23+$0x100]  }
0x32a: {  	v3 =	vld [tilespmem:s31+$0x19000]  }
0x32b: {  	v4 =	vld [tilespmem:s23+$0x180]  }
0x32c: {  	v5 =	vld [tilespmem:s23+$0x300]  }
0x32d: {  	s31 =	sadd.s32 s28, s13;
	s28 =	smov.u32 s30;
	v6 =	vld [tilespmem:s23+$0x200]  }
0x32e: {  	s31 =	sand.u32 $0x3FF80, s31;
	v7 =	vld [tilespmem:s23+$0x280]  }
0x32f: {  	s0 =	sor.u32 s0, s31;
	v1 =	vld.idx.msk [tilespmem:v1+s2+$0x0], $0xffff  }
0x330: {  	v8 =	vld [tilespmem:s0+$0x0]  }
0x331: {  	s26 =	sadd.s32 $0x10, s26;
	v2 =	vld.idx.msk [tilespmem:v2+s2+$0x0], $0xffff  }
0x332: {  	v9 =	vld [tilespmem:s26+$0x0]  }
0x333: {  	v4 =	vld.idx.msk [tilespmem:v4+s2+$0x0], $0xffff  }
0x334: {  	v10 =	vld [tilespmem:s1+$0x1A400]  }
0x335: {  	v1 =	vsub.f32 v8, v1;
	v6 =	vld.idx.msk [tilespmem:v6+s2+$0x0], $0xffff  }
0x336: {  	v11 =	vld [tilespmem:s1+$0x1A480]  }
0x337: {  	v2 =	vsub.f32 v8, v2;
	v1 =	vand.u32 $0x7FFFFFFF, v1;
	v7 =	vld.idx.msk [tilespmem:v7+s2+$0x0], $0xffff  }
0x338: {  	v1 =	vadd.f32 v1, v9;
	v9 =	vld [tilespmem:s1+$0x1A500]  }
0x339: {  	v2 =	vand.u32 $0x7FFFFFFF, v2;
	v4 =	vsub.f32 v8, v4;
	v5 =	vld.idx.msk [tilespmem:v5+s2+$0x0], $0xffff  }
0x33a: {  	v1 =	vadd.f32 v2, v1;
	v2 =	vld [tilespmem:s1+$0x1A580]  }
0x33b: {  	v4 =	vand.u32 $0x7FFFFFFF, v4;
	v6 =	vsub.f32 v8, v6;
	v3 =	vld.idx.msk [tilespmem:v3+s2+$0x0], $0xffff  }
0x33c: {  	v1 =	vadd.f32 v4, v1;
	v4 =	vld [tilespmem:s1+$0x1A600]  }
0x33d: {  	v6 =	vand.u32 $0x7FFFFFFF, v6;
	v7 =	vsub.f32 v8, v7;
	v10 =	vld.idx.msk [tilespmem:v10+s2+$0x0], $0xffff  }
0x33e: {  	v1 =	vadd.f32 v6, v1;
	v6 =	vld [tilespmem:s1+$0x1A680]  }
0x33f: {  	v7 =	vand.u32 $0x7FFFFFFF, v7;
	v5 =	vsub.f32 v8, v5;
	v11 =	vld.idx.msk [tilespmem:v11+s2+$0x0], $0xffff  }
0x340: {  	v1 =	vadd.f32 v7, v1;
	v7 =	vld [tilespmem:s1+$0x1A700]  }
0x341: {  	v5 =	vand.u32 $0x7FFFFFFF, v5;
	v3 =	vsub.f32 v8, v3;
	v9 =	vld.idx.msk [tilespmem:v9+s2+$0x0], $0xffff  }
0x342: {  	v1 =	vadd.f32 v5, v1;
	v5 =	vld [tilespmem:s1+$0x1A780]  }
0x343: {  	v3 =	vand.u32 $0x7FFFFFFF, v3;
	v10 =	vsub.f32 v8, v10;
	v2 =	vld.idx.msk [tilespmem:v2+s2+$0x0], $0xffff  }
0x344: {  	v1 =	vadd.f32 v3, v1  }
0x345: {  	v3 =	vand.u32 $0x7FFFFFFF, v10;
	v10 =	vsub.f32 v8, v11;
	v4 =	vld.idx.msk [tilespmem:v4+s2+$0x0], $0xffff  }
0x346: {  	v1 =	vadd.f32 v3, v1  }
0x347: {  	v3 =	vand.u32 $0x7FFFFFFF, v10;
	v9 =	vsub.f32 v8, v9;
	v6 =	vld.idx.msk [tilespmem:v6+s2+$0x0], $0xffff  }
0x348: {  	v1 =	vadd.f32 v3, v1  }
0x349: {  	v3 =	vand.u32 $0x7FFFFFFF, v9;
	v2 =	vsub.f32 v8, v2;
	v7 =	vld.idx.msk [tilespmem:v7+s2+$0x0], $0xffff  }
0x34a: {  	v1 =	vadd.f32 v3, v1  }
0x34b: {  	v2 =	vand.u32 $0x7FFFFFFF, v2;
	v3 =	vsub.f32 v8, v4;
	v4 =	vld.idx.msk [tilespmem:v5+s2+$0x0], $0xffff  }
0x34c: {  	v1 =	vadd.f32 v2, v1  }
0x34d: {  	v2 =	vand.u32 $0x7FFFFFFF, v3;
	v3 =	vsub.f32 v8, v6  }
0x34e: {  	v1 =	vadd.f32 v2, v1  }
0x34f: {  	v2 =	vand.u32 $0x7FFFFFFF, v3;
	v3 =	vsub.f32 v8, v7  }
.Ltmp6:
0x350: {  	v1 =	vadd.f32 v2, v1;
	(pc) =	sbr.rel @p0 .LBB2_14-.Ltmp6, $4  }
0x351: {  	v2 =	vand.u32 $0x7FFFFFFF, v3;
	v3 =	vsub.f32 v8, v4  }
0x352: {  	v1 =	vadd.f32 v2, v1  }
0x353: {  	s29 =	sadd.s32 $0x80, s29;
	v2 =	vand.u32 $0x7FFFFFFF, v3  }
0x354: {  	s30 =	sadd.s32 $0x10, s30;
	s0 =	sand.u32 $0x70, s28;
	s1 =	sand.u32 $0x1C00, s29;
	v1 =	vadd.f32 v2, v1  }
0x355: {  	s23 =	sor.u32 s0, s1  }
0x356: {  	s1 =	sadd.s32 $0x19000, s23;
	[tilespmem:s26+$0x0] =	vst v1  }
0x357: {  	v1 =	vld [tilespmem:s1+$0x80]  }
0x358: {  	s29 =	sor.u32 s29, s28  }
0x359: {  	s29 =	sor.u32 $0x380, s29;
	v2 =	vld [tilespmem:s1+$0x100]  }
0x35a: {  	v3 =	vld [tilespmem:s29+$0x19000]  }
0x35b: {  	s28 =	sadd.s32 s28, s13;
	v4 =	vld [tilespmem:s1+$0x180]  }
0x35c: {  	s28 =	sand.u32 $0x3FF80, s28;
	v5 =	vld [tilespmem:s1+$0x200]  }
0x35d: {  	v6 =	vld [tilespmem:s1+$0x280];
	s31 =	sor.u32 s0, s28  }
0x35e: {  	v7 =	vld [tilespmem:s31+$0x0]  }
0x35f: {  	v1 =	vld.idx.msk [tilespmem:v1+s2+$0x0], $0xffff  }
0x360: {  	v8 =	vld [tilespmem:s1+$0x300]  }
0x361: {  	s26 =	sadd.s32 $0x10, s26;
	v2 =	vld.idx.msk [tilespmem:v2+s2+$0x0], $0xffff  }
0x362: {  	v9 =	vld [tilespmem:s26+$0x0]  }
0x363: {  	v4 =	vld.idx.msk [tilespmem:v4+s2+$0x0], $0xffff  }
0x364: {  	v10 =	vld [tilespmem:s23+$0x1A400];
	v1 =	vsub.f32 v7, v1  }
0x365: {  	v5 =	vld.idx.msk [tilespmem:v5+s2+$0x0], $0xffff  }
0x366: {  	v11 =	vld [tilespmem:s23+$0x1A480];
	v2 =	vsub.f32 v7, v2;
	v1 =	vand.u32 $0x7FFFFFFF, v1  }
0x367: {  	v6 =	vld.idx.msk [tilespmem:v6+s2+$0x0], $0xffff;
	v1 =	vadd.f32 v1, v9  }
0x368: {  	v42 =	vld [tilespmem:s23+$0x1A500];
	v4 =	vsub.f32 v7, v4;
	v2 =	vand.u32 $0x7FFFFFFF, v2  }
0x369: {  	v8 =	vld.idx.msk [tilespmem:v8+s2+$0x0], $0xffff;
	v1 =	vadd.f32 v2, v1  }
0x36a: {  	v3 =	vld.idx.msk [tilespmem:v3+s2+$0x0], $0xffff;
	v5 =	vsub.f32 v7, v5;
	v4 =	vand.u32 $0x7FFFFFFF, v4  }
0x36b: {  	v2 =	vld [tilespmem:s23+$0x1A580];
	v1 =	vadd.f32 v4, v1  }
0x36c: {  	v43 =	vld [tilespmem:s23+$0x1A600];
	v6 =	vsub.f32 v7, v6;
	v5 =	vand.u32 $0x7FFFFFFF, v5  }
0x36d: {  	v10 =	vld.idx.msk [tilespmem:v10+s2+$0x0], $0xffff;
	v1 =	vadd.f32 v5, v1  }
0x36e: {  	v44 =	vld [tilespmem:s23+$0x1A680];
	v8 =	vsub.f32 v7, v8;
	v6 =	vand.u32 $0x7FFFFFFF, v6  }
0x36f: {  	v11 =	vld.idx.msk [tilespmem:v11+s2+$0x0], $0xffff;
	v1 =	vadd.f32 v6, v1  }
0x370: {  	v45 =	vld [tilespmem:s23+$0x1A700];
	v3 =	vsub.f32 v7, v3;
	v8 =	vand.u32 $0x7FFFFFFF, v8  }
0x371: {  	v9 =	vld.idx.msk [tilespmem:v42+s2+$0x0], $0xffff;
	v1 =	vadd.f32 v8, v1  }
0x372: {  	v46 =	vld [tilespmem:s23+$0x1A780];
	v10 =	vsub.f32 v7, v10;
	v3 =	vand.u32 $0x7FFFFFFF, v3  }
0x373: {  	v2 =	vld.idx.msk [tilespmem:v2+s2+$0x0], $0xffff;
	v1 =	vadd.f32 v3, v1  }
0x374: {  	v47 =	vsub.f32 v7, v11;
	v3 =	vand.u32 $0x7FFFFFFF, v10  }
0x375: {  	v4 =	vld.idx.msk [tilespmem:v43+s2+$0x0], $0xffff;
	v1 =	vadd.f32 v3, v1  }
0x376: {  	v9 =	vsub.f32 v7, v9;
	v3 =	vand.u32 $0x7FFFFFFF, v47  }
0x377: {  	v5 =	vld.idx.msk [tilespmem:v44+s2+$0x0], $0xffff;
	v1 =	vadd.f32 v3, v1  }
0x378: {  	v2 =	vsub.f32 v7, v2;
	v3 =	vand.u32 $0x7FFFFFFF, v9  }
0x379: {  	v6 =	vld.idx.msk [tilespmem:v45+s2+$0x0], $0xffff;
	v1 =	vadd.f32 v3, v1  }
0x37a: {  	v2 =	vand.u32 $0x7FFFFFFF, v2;
	v3 =	vsub.f32 v7, v4  }
0x37b: {  	v48 =	vld.idx.msk [tilespmem:v46+s2+$0x0], $0xffff;
	v1 =	vadd.f32 v2, v1  }
0x37c: {  	v2 =	vand.u32 $0x7FFFFFFF, v3;
	v3 =	vsub.f32 v7, v5  }
0x37d: {  	v1 =	vadd.f32 v2, v1  }
0x37e: {  	v2 =	vand.u32 $0x7FFFFFFF, v3;
	v3 =	vsub.f32 v7, v6  }
0x37f: {  	v1 =	vadd.f32 v2, v1  }
0x380: {  	v2 =	vand.u32 $0x7FFFFFFF, v3;
	v3 =	vsub.f32 v7, v48  }
0x381: {  	v1 =	vadd.f32 v2, v1  }
0x382: {  	v2 =	vand.u32 $0x7FFFFFFF, v3  }
0x383: {  	v1 =	vadd.f32 v2, v1;
	_ =	sdelay $0x1  }
0x384: {  	s31 =	simm.s32 $0x0;
	[tilespmem:s26+$0x0] =	vst v1  }
0x385: {  	[tilespmem:s22], [sflag:$0x1] =	stream.strided.gather [hbm4b:s5+s20], $0x2800, s21, s20, $0x38;
	[tilespmem:$0x1C500] =	vst v63  }
0x386: {  	s1 =	sand.u32 $0x70, s31;
	s26 =	sand.u32 $0x1C00, s31;
	_ =	swait.ge [sflag:s19], $0x2800  }
0x387: {  	s23 =	sor.u32 s1, s26;
	[sflag:s19] =	ssyncset.done $0x0  }
0x388: {  	s26 =	sadd.s32 $0x19000, s23;
	[sflag:s19] =	ssyncadd.s32 $0xFFFFD800  }
0x389: {  	v1 =	vld [tilespmem:s26+$0x80]  }
0x38a: {  	s0 =	sor.u32 s31, s31  }
0x38b: {  	s0 =	sor.u32 $0x380, s0;
	v2 =	vld [tilespmem:s26+$0x100]  }
0x38c: {  	v3 =	vld [tilespmem:s0+$0x19000]  }
0x38d: {  	s31 =	sadd.s32 $0x0, s15;
	v49 =	vld [tilespmem:s26+$0x180]  }
0x38e: {  	v50 =	vld [tilespmem:s26+$0x200];
	s0 =	sand.u32 $0x3FF80, s31  }
0x38f: {  	v51 =	vld [tilespmem:s26+$0x280];
	s0 =	sor.u32 s1, s0  }
0x390: {  	v52 =	vld [tilespmem:s0+$0x0]  }
0x391: {  	s28 =	simm.s32 $0x280;
	v1 =	vld.idx.msk [tilespmem:v1+s2+$0x0], $0xffff  }
0x392: {  	v53 =	vld [tilespmem:s26+$0x300];
	s31 =	sand.u32 $0x780, s28  }
0x393: {  	s26 =	sor.u32 s1, s31;
	v2 =	vld.idx.msk [tilespmem:v2+s2+$0x0], $0xffff  }
0x394: {  	v54 =	vld [tilespmem:s26+$0x1B800]  }
0x395: {  	v4 =	vld.idx.msk [tilespmem:v49+s2+$0x0], $0xffff  }
0x396: {  	v55 =	vld [tilespmem:s23+$0x1A400];
	v1 =	vsub.f32 v52, v1  }
0x397: {  	v5 =	vld.idx.msk [tilespmem:v50+s2+$0x0], $0xffff  }
0x398: {  	v56 =	vld [tilespmem:s23+$0x1A480];
	v2 =	vsub.f32 v52, v2;
	v1 =	vand.u32 $0x7FFFFFFF, v1  }
0x399: {  	v6 =	vld.idx.msk [tilespmem:v51+s2+$0x0], $0xffff;
	v1 =	vadd.f32 v1, v54  }
0x39a: {  	v57 =	vld [tilespmem:s23+$0x1A500];
	v4 =	vsub.f32 v52, v4;
	v2 =	vand.u32 $0x7FFFFFFF, v2  }
0x39b: {  	v8 =	vld.idx.msk [tilespmem:v53+s2+$0x0], $0xffff;
	v1 =	vadd.f32 v2, v1  }
0x39c: {  	v3 =	vld.idx.msk [tilespmem:v3+s2+$0x0], $0xffff;
	v5 =	vsub.f32 v52, v5;
	v4 =	vand.u32 $0x7FFFFFFF, v4  }
0x39d: {  	v2 =	vld [tilespmem:s23+$0x1A580];
	v1 =	vadd.f32 v4, v1  }
0x39e: {  	v58 =	vld [tilespmem:s23+$0x1A600];
	v6 =	vsub.f32 v52, v6;
	v5 =	vand.u32 $0x7FFFFFFF, v5  }
0x39f: {  	v10 =	vld.idx.msk [tilespmem:v55+s2+$0x0], $0xffff;
	v1 =	vadd.f32 v5, v1  }
0x3a0: {  	v59 =	vld [tilespmem:s23+$0x1A680];
	v8 =	vsub.f32 v52, v8;
	v6 =	vand.u32 $0x7FFFFFFF, v6  }
0x3a1: {  	v11 =	vld.idx.msk [tilespmem:v56+s2+$0x0], $0xffff;
	v1 =	vadd.f32 v6, v1  }
0x3a2: {  	v60 =	vld [tilespmem:s23+$0x1A700];
	v3 =	vsub.f32 v52, v3;
	v8 =	vand.u32 $0x7FFFFFFF, v8  }
0x3a3: {  	v9 =	vld.idx.msk [tilespmem:v57+s2+$0x0], $0xffff;
	v1 =	vadd.f32 v8, v1  }
0x3a4: {  	v61 =	vld [tilespmem:s23+$0x1A780];
	v10 =	vsub.f32 v52, v10;
	v3 =	vand.u32 $0x7FFFFFFF, v3  }
0x3a5: {  	v2 =	vld.idx.msk [tilespmem:v2+s2+$0x0], $0xffff;
	v1 =	vadd.f32 v3, v1  }
0x3a6: {  	v62 =	vsub.f32 v52, v11;
	v3 =	vand.u32 $0x7FFFFFFF, v10  }
0x3a7: {  	v4 =	vld.idx.msk [tilespmem:v58+s2+$0x0], $0xffff;
	v1 =	vadd.f32 v3, v1  }
0x3a8: {  	v9 =	vsub.f32 v52, v9;
	v3 =	vand.u32 $0x7FFFFFFF, v62  }
0x3a9: {  	v5 =	vld.idx.msk [tilespmem:v59+s2+$0x0], $0xffff;
	v1 =	vadd.f32 v3, v1  }
0x3aa: {  	v2 =	vsub.f32 v52, v2;
	v3 =	vand.u32 $0x7FFFFFFF, v9  }
0x3ab: {  	v6 =	vld.idx.msk [tilespmem:v60+s2+$0x0], $0xffff;
	v1 =	vadd.f32 v3, v1  }
0x3ac: {  	v2 =	vand.u32 $0x7FFFFFFF, v2;
	v3 =	vsub.f32 v52, v4  }
0x3ad: {  	v63 =	vld.idx.msk [tilespmem:v61+s2+$0x0], $0xffff;
	v1 =	vadd.f32 v2, v1  }
0x3ae: {  	v2 =	vand.u32 $0x7FFFFFFF, v3;
	v3 =	vsub.f32 v52, v5  }
0x3af: {  	v1 =	vadd.f32 v2, v1  }
0x3b0: {  	v2 =	vand.u32 $0x7FFFFFFF, v3;
	v3 =	vsub.f32 v52, v6  }
0x3b1: {  	v1 =	vadd.f32 v2, v1  }
0x3b2: {  	v2 =	vand.u32 $0x7FFFFFFF, v3;
	v3 =	vsub.f32 v52, v63  }
0x3b3: {  	v1 =	vadd.f32 v2, v1  }
0x3b4: {  	s29 =	simm.s32 $0x80;
	s28 =	simm.s32 $0x10;
	v2 =	vand.u32 $0x7FFFFFFF, v3  }
0x3b5: {  	s30 =	simm.s32 $0x20;
	s1 =	sand.u32 $0x70, s28;
	s0 =	sand.u32 $0x1C00, s29;
	v1 =	vadd.f32 v2, v1  }
.LBB2_16:
0x3b6: {  	p0 =	sne.s32 s30, $0x270;
	s31 =	sor.u32 s1, s0  }
0x3b7: {  	s0 =	sadd.s32 $0x19000, s31;
	[tilespmem:s26+$0x1B800] =	vst v1  }
0x3b8: {  	v1 =	vld [tilespmem:s0+$0x80]  }
0x3b9: {  	s23 =	sor.u32 s29, s28  }
0x3ba: {  	s23 =	sor.u32 $0x380, s23;
	v2 =	vld [tilespmem:s0+$0x100]  }
0x3bb: {  	v3 =	vld [tilespmem:s23+$0x19000]  }
0x3bc: {  	v4 =	vld [tilespmem:s0+$0x180]  }
0x3bd: {  	v5 =	vld [tilespmem:s0+$0x300]  }
0x3be: {  	s23 =	sadd.s32 s28, s15;
	v6 =	vld [tilespmem:s0+$0x200]  }
0x3bf: {  	s23 =	sand.u32 $0x3FF80, s23;
	v7 =	vld [tilespmem:s0+$0x280]  }
0x3c0: {  	s23 =	sor.u32 s1, s23;
	s0 =	sadd.s32 $0x280, s28;
	s28 =	smov.u32 s30;
	v1 =	vld.idx.msk [tilespmem:v1+s2+$0x0], $0xffff  }
0x3c1: {  	s0 =	sand.u32 $0x780, s0;
	v8 =	vld [tilespmem:s23+$0x0]  }
0x3c2: {  	s26 =	sor.u32 s1, s0;
	v2 =	vld.idx.msk [tilespmem:v2+s2+$0x0], $0xffff  }
0x3c3: {  	v9 =	vld [tilespmem:s26+$0x1B800]  }
0x3c4: {  	v4 =	vld.idx.msk [tilespmem:v4+s2+$0x0], $0xffff  }
0x3c5: {  	v10 =	vld [tilespmem:s31+$0x1A400]  }
0x3c6: {  	v1 =	vsub.f32 v8, v1;
	v6 =	vld.idx.msk [tilespmem:v6+s2+$0x0], $0xffff  }
0x3c7: {  	v11 =	vld [tilespmem:s31+$0x1A480]  }
0x3c8: {  	v2 =	vsub.f32 v8, v2;
	v1 =	vand.u32 $0x7FFFFFFF, v1;
	v7 =	vld.idx.msk [tilespmem:v7+s2+$0x0], $0xffff  }
0x3c9: {  	v1 =	vadd.f32 v1, v9;
	v9 =	vld [tilespmem:s31+$0x1A500]  }
0x3ca: {  	v2 =	vand.u32 $0x7FFFFFFF, v2;
	v4 =	vsub.f32 v8, v4;
	v5 =	vld.idx.msk [tilespmem:v5+s2+$0x0], $0xffff  }
0x3cb: {  	v1 =	vadd.f32 v2, v1;
	v2 =	vld [tilespmem:s31+$0x1A580]  }
0x3cc: {  	v4 =	vand.u32 $0x7FFFFFFF, v4;
	v6 =	vsub.f32 v8, v6;
	v3 =	vld.idx.msk [tilespmem:v3+s2+$0x0], $0xffff  }
0x3cd: {  	v1 =	vadd.f32 v4, v1;
	v4 =	vld [tilespmem:s31+$0x1A600]  }
0x3ce: {  	v6 =	vand.u32 $0x7FFFFFFF, v6;
	v7 =	vsub.f32 v8, v7;
	v10 =	vld.idx.msk [tilespmem:v10+s2+$0x0], $0xffff  }
0x3cf: {  	v1 =	vadd.f32 v6, v1;
	v6 =	vld [tilespmem:s31+$0x1A680]  }
0x3d0: {  	v7 =	vand.u32 $0x7FFFFFFF, v7;
	v5 =	vsub.f32 v8, v5;
	v11 =	vld.idx.msk [tilespmem:v11+s2+$0x0], $0xffff  }
0x3d1: {  	v1 =	vadd.f32 v7, v1;
	v7 =	vld [tilespmem:s31+$0x1A700]  }
0x3d2: {  	v5 =	vand.u32 $0x7FFFFFFF, v5;
	v3 =	vsub.f32 v8, v3;
	v9 =	vld.idx.msk [tilespmem:v9+s2+$0x0], $0xffff  }
0x3d3: {  	v1 =	vadd.f32 v5, v1;
	v5 =	vld [tilespmem:s31+$0x1A780]  }
0x3d4: {  	v3 =	vand.u32 $0x7FFFFFFF, v3;
	v10 =	vsub.f32 v8, v10;
	v2 =	vld.idx.msk [tilespmem:v2+s2+$0x0], $0xffff  }
0x3d5: {  	v1 =	vadd.f32 v3, v1  }
0x3d6: {  	v3 =	vand.u32 $0x7FFFFFFF, v10;
	v10 =	vsub.f32 v8, v11;
	v4 =	vld.idx.msk [tilespmem:v4+s2+$0x0], $0xffff  }
0x3d7: {  	v1 =	vadd.f32 v3, v1  }
0x3d8: {  	v3 =	vand.u32 $0x7FFFFFFF, v10;
	v9 =	vsub.f32 v8, v9;
	v6 =	vld.idx.msk [tilespmem:v6+s2+$0x0], $0xffff  }
0x3d9: {  	v1 =	vadd.f32 v3, v1  }
0x3da: {  	v3 =	vand.u32 $0x7FFFFFFF, v9;
	v2 =	vsub.f32 v8, v2;
	v7 =	vld.idx.msk [tilespmem:v7+s2+$0x0], $0xffff  }
0x3db: {  	v1 =	vadd.f32 v3, v1  }
0x3dc: {  	v2 =	vand.u32 $0x7FFFFFFF, v2;
	v3 =	vsub.f32 v8, v4;
	v4 =	vld.idx.msk [tilespmem:v5+s2+$0x0], $0xffff  }
0x3dd: {  	v1 =	vadd.f32 v2, v1  }
0x3de: {  	v2 =	vand.u32 $0x7FFFFFFF, v3;
	v3 =	vsub.f32 v8, v6  }
0x3df: {  	v1 =	vadd.f32 v2, v1  }
0x3e0: {  	v2 =	vand.u32 $0x7FFFFFFF, v3;
	v3 =	vsub.f32 v8, v7  }
.Ltmp7:
0x3e1: {  	v1 =	vadd.f32 v2, v1;
	(pc) =	sbr.rel @p0 .LBB2_16-.Ltmp7, $4  }
0x3e2: {  	v2 =	vand.u32 $0x7FFFFFFF, v3;
	v3 =	vsub.f32 v8, v4  }
0x3e3: {  	v1 =	vadd.f32 v2, v1  }
0x3e4: {  	s29 =	sadd.s32 $0x80, s29;
	v2 =	vand.u32 $0x7FFFFFFF, v3  }
0x3e5: {  	s30 =	sadd.s32 $0x10, s30;
	s1 =	sand.u32 $0x70, s28;
	s0 =	sand.u32 $0x1C00, s29;
	v1 =	vadd.f32 v2, v1  }
0x3e6: {  	s0 =	sor.u32 s1, s0  }
0x3e7: {  	s23 =	sadd.s32 $0x19000, s0;
	[tilespmem:s26+$0x1B800] =	vst v1  }
0x3e8: {  	v1 =	vld [tilespmem:s23+$0x80]  }
0x3e9: {  	s31 =	sor.u32 s29, s28  }
0x3ea: {  	s26 =	sor.u32 $0x380, s31;
	v2 =	vld [tilespmem:s23+$0x100]  }
0x3eb: {  	v3 =	vld [tilespmem:s26+$0x19000]  }
0x3ec: {  	s31 =	sadd.s32 s28, s15;
	v4 =	vld [tilespmem:s23+$0x180]  }
0x3ed: {  	v5 =	vld [tilespmem:s23+$0x200];
	s26 =	sand.u32 $0x3FF80, s31  }
0x3ee: {  	v6 =	vld [tilespmem:s23+$0x280];
	s26 =	sor.u32 s1, s26  }
0x3ef: {  	v7 =	vld [tilespmem:s26+$0x0]  }
0x3f0: {  	s28 =	sadd.s32 $0x280, s28;
	v1 =	vld.idx.msk [tilespmem:v1+s2+$0x0], $0xffff  }
0x3f1: {  	v8 =	vld [tilespmem:s23+$0x300];
	s31 =	sand.u32 $0x780, s28  }
0x3f2: {  	s26 =	sor.u32 s1, s31;
	v2 =	vld.idx.msk [tilespmem:v2+s2+$0x0], $0xffff  }
0x3f3: {  	v9 =	vld [tilespmem:s26+$0x1B800]  }
0x3f4: {  	v4 =	vld.idx.msk [tilespmem:v4+s2+$0x0], $0xffff  }
0x3f5: {  	v10 =	vld [tilespmem:s0+$0x1A400];
	v1 =	vsub.f32 v7, v1  }
0x3f6: {  	v5 =	vld.idx.msk [tilespmem:v5+s2+$0x0], $0xffff  }
0x3f7: {  	v11 =	vld [tilespmem:s0+$0x1A480];
	v2 =	vsub.f32 v7, v2;
	v1 =	vand.u32 $0x7FFFFFFF, v1  }
0x3f8: {  	v6 =	vld.idx.msk [tilespmem:v6+s2+$0x0], $0xffff;
	v1 =	vadd.f32 v1, v9  }
0x3f9: {  	v42 =	vld [tilespmem:s0+$0x1A500];
	v4 =	vsub.f32 v7, v4;
	v2 =	vand.u32 $0x7FFFFFFF, v2  }
0x3fa: {  	v8 =	vld.idx.msk [tilespmem:v8+s2+$0x0], $0xffff;
	v1 =	vadd.f32 v2, v1  }
0x3fb: {  	v3 =	vld.idx.msk [tilespmem:v3+s2+$0x0], $0xffff;
	v5 =	vsub.f32 v7, v5;
	v4 =	vand.u32 $0x7FFFFFFF, v4  }
0x3fc: {  	v2 =	vld [tilespmem:s0+$0x1A580];
	v1 =	vadd.f32 v4, v1  }
0x3fd: {  	v43 =	vld [tilespmem:s0+$0x1A600];
	v6 =	vsub.f32 v7, v6;
	v5 =	vand.u32 $0x7FFFFFFF, v5  }
0x3fe: {  	v10 =	vld.idx.msk [tilespmem:v10+s2+$0x0], $0xffff;
	v1 =	vadd.f32 v5, v1  }
0x3ff: {  	v44 =	vld [tilespmem:s0+$0x1A680];
	v8 =	vsub.f32 v7, v8;
	v6 =	vand.u32 $0x7FFFFFFF, v6  }
0x400: {  	v11 =	vld.idx.msk [tilespmem:v11+s2+$0x0], $0xffff;
	v1 =	vadd.f32 v6, v1  }
0x401: {  	v45 =	vld [tilespmem:s0+$0x1A700];
	v3 =	vsub.f32 v7, v3;
	v8 =	vand.u32 $0x7FFFFFFF, v8  }
0x402: {  	v9 =	vld.idx.msk [tilespmem:v42+s2+$0x0], $0xffff;
	v1 =	vadd.f32 v8, v1  }
0x403: {  	v46 =	vld [tilespmem:s0+$0x1A780];
	v10 =	vsub.f32 v7, v10;
	v3 =	vand.u32 $0x7FFFFFFF, v3  }
0x404: {  	v2 =	vld.idx.msk [tilespmem:v2+s2+$0x0], $0xffff;
	v1 =	vadd.f32 v3, v1  }
0x405: {  	v47 =	vsub.f32 v7, v11;
	v3 =	vand.u32 $0x7FFFFFFF, v10  }
0x406: {  	v4 =	vld.idx.msk [tilespmem:v43+s2+$0x0], $0xffff;
	v1 =	vadd.f32 v3, v1  }
0x407: {  	v9 =	vsub.f32 v7, v9;
	v3 =	vand.u32 $0x7FFFFFFF, v47  }
0x408: {  	v5 =	vld.idx.msk [tilespmem:v44+s2+$0x0], $0xffff;
	v1 =	vadd.f32 v3, v1  }
0x409: {  	v2 =	vsub.f32 v7, v2;
	v3 =	vand.u32 $0x7FFFFFFF, v9  }
0x40a: {  	v6 =	vld.idx.msk [tilespmem:v45+s2+$0x0], $0xffff;
	v1 =	vadd.f32 v3, v1  }
0x40b: {  	v2 =	vand.u32 $0x7FFFFFFF, v2;
	v3 =	vsub.f32 v7, v4  }
0x40c: {  	v48 =	vld.idx.msk [tilespmem:v46+s2+$0x0], $0xffff;
	v1 =	vadd.f32 v2, v1  }
0x40d: {  	v2 =	vand.u32 $0x7FFFFFFF, v3;
	v3 =	vsub.f32 v7, v5  }
0x40e: {  	v1 =	vadd.f32 v2, v1  }
0x40f: {  	v2 =	vand.u32 $0x7FFFFFFF, v3;
	v3 =	vsub.f32 v7, v6  }
0x410: {  	v1 =	vadd.f32 v2, v1  }
0x411: {  	v2 =	vand.u32 $0x7FFFFFFF, v3;
	v3 =	vsub.f32 v7, v48  }
0x412: {  	v1 =	vadd.f32 v2, v1  }
0x413: {  	v2 =	vand.u32 $0x7FFFFFFF, v3  }
0x414: {  	v1 =	vadd.f32 v2, v1;
	_ =	sdelay $0x1  }
0x415: {  	s31 =	simm.s32 $0x0;
	[tilespmem:s26+$0x1B800] =	vst v1  }
0x416: {  	[tilespmem:s22], [sflag:$0x1] =	stream.strided.gather [hbm4b:s6+s20], $0x2800, s21, s20, $0x38;
	[tilespmem:$0x1C500] =	vst v63  }
0x417: {  	s1 =	sand.u32 $0x70, s31;
	s26 =	sand.u32 $0x1C00, s31;
	_ =	swait.ge [sflag:s19], $0x2800  }
0x418: {  	s23 =	sor.u32 s1, s26;
	[sflag:s19] =	ssyncset.done $0x0  }
0x419: {  	s26 =	sadd.s32 $0x19000, s23;
	[sflag:s19] =	ssyncadd.s32 $0xFFFFD800  }
0x41a: {  	v1 =	vld [tilespmem:s26+$0x80]  }
0x41b: {  	s0 =	sor.u32 s31, s31  }
0x41c: {  	s0 =	sor.u32 $0x380, s0;
	v2 =	vld [tilespmem:s26+$0x100]  }
0x41d: {  	v3 =	vld [tilespmem:s0+$0x19000]  }
0x41e: {  	s31 =	sadd.s32 $0x0, s16;
	v49 =	vld [tilespmem:s26+$0x180]  }
0x41f: {  	v50 =	vld [tilespmem:s26+$0x200];
	s0 =	sand.u32 $0x3FF80, s31  }
0x420: {  	v51 =	vld [tilespmem:s26+$0x280];
	s0 =	sor.u32 s1, s0  }
0x421: {  	v52 =	vld [tilespmem:s0+$0x0]  }
0x422: {  	s28 =	simm.s32 $0x500;
	v1 =	vld.idx.msk [tilespmem:v1+s2+$0x0], $0xffff  }
0x423: {  	v53 =	vld [tilespmem:s26+$0x300];
	s31 =	sand.u32 $0xF80, s28  }
0x424: {  	s26 =	sor.u32 s1, s31;
	v2 =	vld.idx.msk [tilespmem:v2+s2+$0x0], $0xffff  }
0x425: {  	v54 =	vld [tilespmem:s26+$0x1B800]  }
0x426: {  	v4 =	vld.idx.msk [tilespmem:v49+s2+$0x0], $0xffff  }
0x427: {  	v55 =	vld [tilespmem:s23+$0x1A400];
	v1 =	vsub.f32 v52, v1  }
0x428: {  	v5 =	vld.idx.msk [tilespmem:v50+s2+$0x0], $0xffff  }
0x429: {  	v56 =	vld [tilespmem:s23+$0x1A480];
	v2 =	vsub.f32 v52, v2;
	v1 =	vand.u32 $0x7FFFFFFF, v1  }
0x42a: {  	v6 =	vld.idx.msk [tilespmem:v51+s2+$0x0], $0xffff;
	v1 =	vadd.f32 v1, v54  }
0x42b: {  	v57 =	vld [tilespmem:s23+$0x1A500];
	v4 =	vsub.f32 v52, v4;
	v2 =	vand.u32 $0x7FFFFFFF, v2  }
0x42c: {  	v8 =	vld.idx.msk [tilespmem:v53+s2+$0x0], $0xffff;
	v1 =	vadd.f32 v2, v1  }
0x42d: {  	v3 =	vld.idx.msk [tilespmem:v3+s2+$0x0], $0xffff;
	v5 =	vsub.f32 v52, v5;
	v4 =	vand.u32 $0x7FFFFFFF, v4  }
0x42e: {  	v2 =	vld [tilespmem:s23+$0x1A580];
	v1 =	vadd.f32 v4, v1  }
0x42f: {  	v58 =	vld [tilespmem:s23+$0x1A600];
	v6 =	vsub.f32 v52, v6;
	v5 =	vand.u32 $0x7FFFFFFF, v5  }
0x430: {  	v10 =	vld.idx.msk [tilespmem:v55+s2+$0x0], $0xffff;
	v1 =	vadd.f32 v5, v1  }
0x431: {  	v59 =	vld [tilespmem:s23+$0x1A680];
	v8 =	vsub.f32 v52, v8;
	v6 =	vand.u32 $0x7FFFFFFF, v6  }
0x432: {  	v11 =	vld.idx.msk [tilespmem:v56+s2+$0x0], $0xffff;
	v1 =	vadd.f32 v6, v1  }
0x433: {  	v60 =	vld [tilespmem:s23+$0x1A700];
	v3 =	vsub.f32 v52, v3;
	v8 =	vand.u32 $0x7FFFFFFF, v8  }
0x434: {  	v9 =	vld.idx.msk [tilespmem:v57+s2+$0x0], $0xffff;
	v1 =	vadd.f32 v8, v1  }
0x435: {  	v61 =	vld [tilespmem:s23+$0x1A780];
	v10 =	vsub.f32 v52, v10;
	v3 =	vand.u32 $0x7FFFFFFF, v3  }
0x436: {  	v2 =	vld.idx.msk [tilespmem:v2+s2+$0x0], $0xffff;
	v1 =	vadd.f32 v3, v1  }
0x437: {  	v62 =	vsub.f32 v52, v11;
	v3 =	vand.u32 $0x7FFFFFFF, v10  }
0x438: {  	v4 =	vld.idx.msk [tilespmem:v58+s2+$0x0], $0xffff;
	v1 =	vadd.f32 v3, v1  }
0x439: {  	v9 =	vsub.f32 v52, v9;
	v3 =	vand.u32 $0x7FFFFFFF, v62  }
0x43a: {  	v5 =	vld.idx.msk [tilespmem:v59+s2+$0x0], $0xffff;
	v1 =	vadd.f32 v3, v1  }
0x43b: {  	v2 =	vsub.f32 v52, v2;
	v3 =	vand.u32 $0x7FFFFFFF, v9  }
0x43c: {  	v6 =	vld.idx.msk [tilespmem:v60+s2+$0x0], $0xffff;
	v1 =	vadd.f32 v3, v1  }
0x43d: {  	v2 =	vand.u32 $0x7FFFFFFF, v2;
	v3 =	vsub.f32 v52, v4  }
0x43e: {  	v63 =	vld.idx.msk [tilespmem:v61+s2+$0x0], $0xffff;
	v1 =	vadd.f32 v2, v1  }
0x43f: {  	v2 =	vand.u32 $0x7FFFFFFF, v3;
	v3 =	vsub.f32 v52, v5  }
0x440: {  	v1 =	vadd.f32 v2, v1  }
0x441: {  	v2 =	vand.u32 $0x7FFFFFFF, v3;
	v3 =	vsub.f32 v52, v6  }
0x442: {  	v1 =	vadd.f32 v2, v1  }
0x443: {  	v2 =	vand.u32 $0x7FFFFFFF, v3;
	v3 =	vsub.f32 v52, v63  }
0x444: {  	v1 =	vadd.f32 v2, v1  }
0x445: {  	s29 =	simm.s32 $0x80;
	s28 =	simm.s32 $0x10;
	v2 =	vand.u32 $0x7FFFFFFF, v3  }
0x446: {  	s30 =	simm.s32 $0x20;
	s1 =	sand.u32 $0x70, s28;
	s0 =	sand.u32 $0x1C00, s29;
	v1 =	vadd.f32 v2, v1  }
.LBB2_18:
0x447: {  	p0 =	sne.s32 s30, $0x270;
	s31 =	sor.u32 s1, s0  }
0x448: {  	s0 =	sadd.s32 $0x19000, s31;
	[tilespmem:s26+$0x1B800] =	vst v1  }
0x449: {  	v1 =	vld [tilespmem:s0+$0x80]  }
0x44a: {  	s23 =	sor.u32 s29, s28  }
0x44b: {  	s23 =	sor.u32 $0x380, s23;
	v2 =	vld [tilespmem:s0+$0x100]  }
0x44c: {  	v3 =	vld [tilespmem:s23+$0x19000]  }
0x44d: {  	v4 =	vld [tilespmem:s0+$0x180]  }
0x44e: {  	v5 =	vld [tilespmem:s0+$0x300]  }
0x44f: {  	s23 =	sadd.s32 s28, s16;
	v6 =	vld [tilespmem:s0+$0x200]  }
0x450: {  	s23 =	sand.u32 $0x3FF80, s23;
	v7 =	vld [tilespmem:s0+$0x280]  }
0x451: {  	s23 =	sor.u32 s1, s23;
	s0 =	sadd.s32 $0x500, s28;
	s28 =	smov.u32 s30;
	v1 =	vld.idx.msk [tilespmem:v1+s2+$0x0], $0xffff  }
0x452: {  	s0 =	sand.u32 $0xF80, s0;
	v8 =	vld [tilespmem:s23+$0x0]  }
0x453: {  	s26 =	sor.u32 s1, s0;
	v2 =	vld.idx.msk [tilespmem:v2+s2+$0x0], $0xffff  }
0x454: {  	v9 =	vld [tilespmem:s26+$0x1B800]  }
0x455: {  	v4 =	vld.idx.msk [tilespmem:v4+s2+$0x0], $0xffff  }
0x456: {  	v10 =	vld [tilespmem:s31+$0x1A400]  }
0x457: {  	v1 =	vsub.f32 v8, v1;
	v6 =	vld.idx.msk [tilespmem:v6+s2+$0x0], $0xffff  }
0x458: {  	v11 =	vld [tilespmem:s31+$0x1A480]  }
0x459: {  	v2 =	vsub.f32 v8, v2;
	v1 =	vand.u32 $0x7FFFFFFF, v1;
	v7 =	vld.idx.msk [tilespmem:v7+s2+$0x0], $0xffff  }
0x45a: {  	v1 =	vadd.f32 v1, v9;
	v9 =	vld [tilespmem:s31+$0x1A500]  }
0x45b: {  	v2 =	vand.u32 $0x7FFFFFFF, v2;
	v4 =	vsub.f32 v8, v4;
	v5 =	vld.idx.msk [tilespmem:v5+s2+$0x0], $0xffff  }
0x45c: {  	v1 =	vadd.f32 v2, v1;
	v2 =	vld [tilespmem:s31+$0x1A580]  }
0x45d: {  	v4 =	vand.u32 $0x7FFFFFFF, v4;
	v6 =	vsub.f32 v8, v6;
	v3 =	vld.idx.msk [tilespmem:v3+s2+$0x0], $0xffff  }
0x45e: {  	v1 =	vadd.f32 v4, v1;
	v4 =	vld [tilespmem:s31+$0x1A600]  }
0x45f: {  	v6 =	vand.u32 $0x7FFFFFFF, v6;
	v7 =	vsub.f32 v8, v7;
	v10 =	vld.idx.msk [tilespmem:v10+s2+$0x0], $0xffff  }
0x460: {  	v1 =	vadd.f32 v6, v1;
	v6 =	vld [tilespmem:s31+$0x1A680]  }
0x461: {  	v7 =	vand.u32 $0x7FFFFFFF, v7;
	v5 =	vsub.f32 v8, v5;
	v11 =	vld.idx.msk [tilespmem:v11+s2+$0x0], $0xffff  }
0x462: {  	v1 =	vadd.f32 v7, v1;
	v7 =	vld [tilespmem:s31+$0x1A700]  }
0x463: {  	v5 =	vand.u32 $0x7FFFFFFF, v5;
	v3 =	vsub.f32 v8, v3;
	v9 =	vld.idx.msk [tilespmem:v9+s2+$0x0], $0xffff  }
0x464: {  	v1 =	vadd.f32 v5, v1;
	v5 =	vld [tilespmem:s31+$0x1A780]  }
0x465: {  	v3 =	vand.u32 $0x7FFFFFFF, v3;
	v10 =	vsub.f32 v8, v10;
	v2 =	vld.idx.msk [tilespmem:v2+s2+$0x0], $0xffff  }
0x466: {  	v1 =	vadd.f32 v3, v1  }
0x467: {  	v3 =	vand.u32 $0x7FFFFFFF, v10;
	v10 =	vsub.f32 v8, v11;
	v4 =	vld.idx.msk [tilespmem:v4+s2+$0x0], $0xffff  }
0x468: {  	v1 =	vadd.f32 v3, v1  }
0x469: {  	v3 =	vand.u32 $0x7FFFFFFF, v10;
	v9 =	vsub.f32 v8, v9;
	v6 =	vld.idx.msk [tilespmem:v6+s2+$0x0], $0xffff  }
0x46a: {  	v1 =	vadd.f32 v3, v1  }
0x46b: {  	v3 =	vand.u32 $0x7FFFFFFF, v9;
	v2 =	vsub.f32 v8, v2;
	v7 =	vld.idx.msk [tilespmem:v7+s2+$0x0], $0xffff  }
0x46c: {  	v1 =	vadd.f32 v3, v1  }
0x46d: {  	v2 =	vand.u32 $0x7FFFFFFF, v2;
	v3 =	vsub.f32 v8, v4;
	v4 =	vld.idx.msk [tilespmem:v5+s2+$0x0], $0xffff  }
0x46e: {  	v1 =	vadd.f32 v2, v1  }
0x46f: {  	v2 =	vand.u32 $0x7FFFFFFF, v3;
	v3 =	vsub.f32 v8, v6  }
0x470: {  	v1 =	vadd.f32 v2, v1  }
0x471: {  	v2 =	vand.u32 $0x7FFFFFFF, v3;
	v3 =	vsub.f32 v8, v7  }
.Ltmp8:
0x472: {  	v1 =	vadd.f32 v2, v1;
	(pc) =	sbr.rel @p0 .LBB2_18-.Ltmp8, $4  }
0x473: {  	v2 =	vand.u32 $0x7FFFFFFF, v3;
	v3 =	vsub.f32 v8, v4  }
0x474: {  	v1 =	vadd.f32 v2, v1  }
0x475: {  	s29 =	sadd.s32 $0x80, s29;
	v2 =	vand.u32 $0x7FFFFFFF, v3  }
0x476: {  	s30 =	sadd.s32 $0x10, s30;
	s1 =	sand.u32 $0x70, s28;
	s0 =	sand.u32 $0x1C00, s29;
	v1 =	vadd.f32 v2, v1  }
0x477: {  	s0 =	sor.u32 s1, s0  }
0x478: {  	s23 =	sadd.s32 $0x19000, s0;
	[tilespmem:s26+$0x1B800] =	vst v1  }
0x479: {  	v1 =	vld [tilespmem:s23+$0x80]  }
0x47a: {  	s31 =	sor.u32 s29, s28  }
0x47b: {  	s26 =	sor.u32 $0x380, s31;
	v2 =	vld [tilespmem:s23+$0x100]  }
0x47c: {  	v3 =	vld [tilespmem:s26+$0x19000]  }
0x47d: {  	s31 =	sadd.s32 s28, s16;
	v4 =	vld [tilespmem:s23+$0x180]  }
0x47e: {  	v5 =	vld [tilespmem:s23+$0x200];
	s26 =	sand.u32 $0x3FF80, s31  }
0x47f: {  	v6 =	vld [tilespmem:s23+$0x280];
	s26 =	sor.u32 s1, s26  }
0x480: {  	v7 =	vld [tilespmem:s26+$0x0]  }
0x481: {  	s28 =	sadd.s32 $0x500, s28;
	v1 =	vld.idx.msk [tilespmem:v1+s2+$0x0], $0xffff  }
0x482: {  	v8 =	vld [tilespmem:s23+$0x300];
	s31 =	sand.u32 $0xF80, s28  }
0x483: {  	s26 =	sor.u32 s1, s31;
	v2 =	vld.idx.msk [tilespmem:v2+s2+$0x0], $0xffff  }
0x484: {  	v9 =	vld [tilespmem:s26+$0x1B800]  }
0x485: {  	v4 =	vld.idx.msk [tilespmem:v4+s2+$0x0], $0xffff  }
0x486: {  	v10 =	vld [tilespmem:s0+$0x1A400];
	v1 =	vsub.f32 v7, v1  }
0x487: {  	v5 =	vld.idx.msk [tilespmem:v5+s2+$0x0], $0xffff  }
0x488: {  	v11 =	vld [tilespmem:s0+$0x1A480];
	v2 =	vsub.f32 v7, v2;
	v1 =	vand.u32 $0x7FFFFFFF, v1  }
0x489: {  	v6 =	vld.idx.msk [tilespmem:v6+s2+$0x0], $0xffff;
	v1 =	vadd.f32 v1, v9  }
0x48a: {  	v42 =	vld [tilespmem:s0+$0x1A500];
	v4 =	vsub.f32 v7, v4;
	v2 =	vand.u32 $0x7FFFFFFF, v2  }
0x48b: {  	v8 =	vld.idx.msk [tilespmem:v8+s2+$0x0], $0xffff;
	v1 =	vadd.f32 v2, v1  }
0x48c: {  	v3 =	vld.idx.msk [tilespmem:v3+s2+$0x0], $0xffff;
	v5 =	vsub.f32 v7, v5;
	v4 =	vand.u32 $0x7FFFFFFF, v4  }
0x48d: {  	v2 =	vld [tilespmem:s0+$0x1A580];
	v1 =	vadd.f32 v4, v1  }
0x48e: {  	v43 =	vld [tilespmem:s0+$0x1A600];
	v6 =	vsub.f32 v7, v6;
	v5 =	vand.u32 $0x7FFFFFFF, v5  }
0x48f: {  	v10 =	vld.idx.msk [tilespmem:v10+s2+$0x0], $0xffff;
	v1 =	vadd.f32 v5, v1  }
0x490: {  	v44 =	vld [tilespmem:s0+$0x1A680];
	v8 =	vsub.f32 v7, v8;
	v6 =	vand.u32 $0x7FFFFFFF, v6  }
0x491: {  	v11 =	vld.idx.msk [tilespmem:v11+s2+$0x0], $0xffff;
	v1 =	vadd.f32 v6, v1  }
0x492: {  	v45 =	vld [tilespmem:s0+$0x1A700];
	v3 =	vsub.f32 v7, v3;
	v8 =	vand.u32 $0x7FFFFFFF, v8  }
0x493: {  	v9 =	vld.idx.msk [tilespmem:v42+s2+$0x0], $0xffff;
	v1 =	vadd.f32 v8, v1  }
0x494: {  	v46 =	vld [tilespmem:s0+$0x1A780];
	v10 =	vsub.f32 v7, v10;
	v3 =	vand.u32 $0x7FFFFFFF, v3  }
0x495: {  	v2 =	vld.idx.msk [tilespmem:v2+s2+$0x0], $0xffff;
	v1 =	vadd.f32 v3, v1  }
0x496: {  	v47 =	vsub.f32 v7, v11;
	v3 =	vand.u32 $0x7FFFFFFF, v10  }
0x497: {  	v4 =	vld.idx.msk [tilespmem:v43+s2+$0x0], $0xffff;
	v1 =	vadd.f32 v3, v1  }
0x498: {  	v9 =	vsub.f32 v7, v9;
	v3 =	vand.u32 $0x7FFFFFFF, v47  }
0x499: {  	v5 =	vld.idx.msk [tilespmem:v44+s2+$0x0], $0xffff;
	v1 =	vadd.f32 v3, v1  }
0x49a: {  	v2 =	vsub.f32 v7, v2;
	v3 =	vand.u32 $0x7FFFFFFF, v9  }
0x49b: {  	v6 =	vld.idx.msk [tilespmem:v45+s2+$0x0], $0xffff;
	v1 =	vadd.f32 v3, v1  }
0x49c: {  	v2 =	vand.u32 $0x7FFFFFFF, v2;
	v3 =	vsub.f32 v7, v4  }
0x49d: {  	v48 =	vld.idx.msk [tilespmem:v46+s2+$0x0], $0xffff;
	v1 =	vadd.f32 v2, v1  }
0x49e: {  	v2 =	vand.u32 $0x7FFFFFFF, v3;
	v3 =	vsub.f32 v7, v5  }
0x49f: {  	v1 =	vadd.f32 v2, v1  }
0x4a0: {  	v2 =	vand.u32 $0x7FFFFFFF, v3;
	v3 =	vsub.f32 v7, v6  }
0x4a1: {  	v1 =	vadd.f32 v2, v1  }
0x4a2: {  	v2 =	vand.u32 $0x7FFFFFFF, v3;
	v3 =	vsub.f32 v7, v48  }
0x4a3: {  	v1 =	vadd.f32 v2, v1  }
0x4a4: {  	v2 =	vand.u32 $0x7FFFFFFF, v3  }
0x4a5: {  	v1 =	vadd.f32 v2, v1;
	_ =	sdelay $0x1  }
0x4a6: {  	s31 =	simm.s32 $0x0;
	[tilespmem:s26+$0x1B800] =	vst v1  }
0x4a7: {  	[tilespmem:s22], [sflag:$0x1] =	stream.strided.gather [hbm4b:s7+s20], $0x2800, s21, s20, $0x38;
	[tilespmem:$0x1C500] =	vst v63  }
0x4a8: {  	s1 =	sand.u32 $0x70, s31;
	s26 =	sand.u32 $0x1C00, s31;
	_ =	swait.ge [sflag:s19], $0x2800  }
0x4a9: {  	s23 =	sor.u32 s1, s26;
	[sflag:s19] =	ssyncset.done $0x0  }
0x4aa: {  	s26 =	sadd.s32 $0x19000, s23;
	[sflag:s19] =	ssyncadd.s32 $0xFFFFD800  }
0x4ab: {  	v1 =	vld [tilespmem:s26+$0x80]  }
0x4ac: {  	s0 =	sor.u32 s31, s31  }
0x4ad: {  	s0 =	sor.u32 $0x380, s0;
	v2 =	vld [tilespmem:s26+$0x100]  }
0x4ae: {  	v3 =	vld [tilespmem:s0+$0x19000]  }
0x4af: {  	s31 =	sadd.s32 $0x0, s17;
	v49 =	vld [tilespmem:s26+$0x180]  }
0x4b0: {  	v50 =	vld [tilespmem:s26+$0x200];
	s0 =	sand.u32 $0x3FF80, s31  }
0x4b1: {  	v51 =	vld [tilespmem:s26+$0x280];
	s0 =	sor.u32 s1, s0  }
0x4b2: {  	v52 =	vld [tilespmem:s0+$0x0]  }
0x4b3: {  	s28 =	simm.s32 $0x780;
	v1 =	vld.idx.msk [tilespmem:v1+s2+$0x0], $0xffff  }
0x4b4: {  	v53 =	vld [tilespmem:s26+$0x300];
	s31 =	sand.u32 $0xF80, s28  }
0x4b5: {  	s26 =	sor.u32 s1, s31;
	v2 =	vld.idx.msk [tilespmem:v2+s2+$0x0], $0xffff  }
0x4b6: {  	v54 =	vld [tilespmem:s26+$0x1B800]  }
0x4b7: {  	v4 =	vld.idx.msk [tilespmem:v49+s2+$0x0], $0xffff  }
0x4b8: {  	v55 =	vld [tilespmem:s23+$0x1A400];
	v1 =	vsub.f32 v52, v1  }
0x4b9: {  	v5 =	vld.idx.msk [tilespmem:v50+s2+$0x0], $0xffff  }
0x4ba: {  	v56 =	vld [tilespmem:s23+$0x1A480];
	v2 =	vsub.f32 v52, v2;
	v1 =	vand.u32 $0x7FFFFFFF, v1  }
0x4bb: {  	v6 =	vld.idx.msk [tilespmem:v51+s2+$0x0], $0xffff;
	v1 =	vadd.f32 v1, v54  }
0x4bc: {  	v57 =	vld [tilespmem:s23+$0x1A500];
	v4 =	vsub.f32 v52, v4;
	v2 =	vand.u32 $0x7FFFFFFF, v2  }
0x4bd: {  	v8 =	vld.idx.msk [tilespmem:v53+s2+$0x0], $0xffff;
	v1 =	vadd.f32 v2, v1  }
0x4be: {  	v3 =	vld.idx.msk [tilespmem:v3+s2+$0x0], $0xffff;
	v5 =	vsub.f32 v52, v5;
	v4 =	vand.u32 $0x7FFFFFFF, v4  }
0x4bf: {  	v2 =	vld [tilespmem:s23+$0x1A580];
	v1 =	vadd.f32 v4, v1  }
0x4c0: {  	v58 =	vld [tilespmem:s23+$0x1A600];
	v6 =	vsub.f32 v52, v6;
	v5 =	vand.u32 $0x7FFFFFFF, v5  }
0x4c1: {  	v10 =	vld.idx.msk [tilespmem:v55+s2+$0x0], $0xffff;
	v1 =	vadd.f32 v5, v1  }
0x4c2: {  	v59 =	vld [tilespmem:s23+$0x1A680];
	v8 =	vsub.f32 v52, v8;
	v6 =	vand.u32 $0x7FFFFFFF, v6  }
0x4c3: {  	v11 =	vld.idx.msk [tilespmem:v56+s2+$0x0], $0xffff;
	v1 =	vadd.f32 v6, v1  }
0x4c4: {  	v60 =	vld [tilespmem:s23+$0x1A700];
	v3 =	vsub.f32 v52, v3;
	v8 =	vand.u32 $0x7FFFFFFF, v8  }
0x4c5: {  	v9 =	vld.idx.msk [tilespmem:v57+s2+$0x0], $0xffff;
	v1 =	vadd.f32 v8, v1  }
0x4c6: {  	v61 =	vld [tilespmem:s23+$0x1A780];
	v10 =	vsub.f32 v52, v10;
	v3 =	vand.u32 $0x7FFFFFFF, v3  }
0x4c7: {  	v2 =	vld.idx.msk [tilespmem:v2+s2+$0x0], $0xffff;
	v1 =	vadd.f32 v3, v1  }
0x4c8: {  	v62 =	vsub.f32 v52, v11;
	v3 =	vand.u32 $0x7FFFFFFF, v10  }
0x4c9: {  	v4 =	vld.idx.msk [tilespmem:v58+s2+$0x0], $0xffff;
	v1 =	vadd.f32 v3, v1  }
0x4ca: {  	v9 =	vsub.f32 v52, v9;
	v3 =	vand.u32 $0x7FFFFFFF, v62  }
0x4cb: {  	v5 =	vld.idx.msk [tilespmem:v59+s2+$0x0], $0xffff;
	v1 =	vadd.f32 v3, v1  }
0x4cc: {  	v2 =	vsub.f32 v52, v2;
	v3 =	vand.u32 $0x7FFFFFFF, v9  }
0x4cd: {  	v6 =	vld.idx.msk [tilespmem:v60+s2+$0x0], $0xffff;
	v1 =	vadd.f32 v3, v1  }
0x4ce: {  	v2 =	vand.u32 $0x7FFFFFFF, v2;
	v3 =	vsub.f32 v52, v4  }
0x4cf: {  	v63 =	vld.idx.msk [tilespmem:v61+s2+$0x0], $0xffff;
	v1 =	vadd.f32 v2, v1  }
0x4d0: {  	v2 =	vand.u32 $0x7FFFFFFF, v3;
	v3 =	vsub.f32 v52, v5  }
0x4d1: {  	v1 =	vadd.f32 v2, v1  }
0x4d2: {  	v2 =	vand.u32 $0x7FFFFFFF, v3;
	v3 =	vsub.f32 v52, v6  }
0x4d3: {  	v1 =	vadd.f32 v2, v1  }
0x4d4: {  	v2 =	vand.u32 $0x7FFFFFFF, v3;
	v3 =	vsub.f32 v52, v63  }
0x4d5: {  	v1 =	vadd.f32 v2, v1  }
0x4d6: {  	s29 =	simm.s32 $0x80;
	s28 =	simm.s32 $0x10;
	v2 =	vand.u32 $0x7FFFFFFF, v3  }
0x4d7: {  	s30 =	simm.s32 $0x20;
	s1 =	sand.u32 $0x70, s28;
	s0 =	sand.u32 $0x1C00, s29;
	v1 =	vadd.f32 v2, v1  }
.LBB2_20:
0x4d8: {  	p0 =	sne.s32 s30, $0x270;
	s31 =	sor.u32 s1, s0  }
0x4d9: {  	s0 =	sadd.s32 $0x19000, s31;
	[tilespmem:s26+$0x1B800] =	vst v1  }
0x4da: {  	v1 =	vld [tilespmem:s0+$0x80]  }
0x4db: {  	s23 =	sor.u32 s29, s28  }
0x4dc: {  	s23 =	sor.u32 $0x380, s23;
	v2 =	vld [tilespmem:s0+$0x100]  }
0x4dd: {  	v3 =	vld [tilespmem:s23+$0x19000]  }
0x4de: {  	v4 =	vld [tilespmem:s0+$0x180]  }
0x4df: {  	v5 =	vld [tilespmem:s0+$0x300]  }
0x4e0: {  	s23 =	sadd.s32 s28, s17;
	v6 =	vld [tilespmem:s0+$0x200]  }
0x4e1: {  	s23 =	sand.u32 $0x3FF80, s23;
	v7 =	vld [tilespmem:s0+$0x280]  }
0x4e2: {  	s23 =	sor.u32 s1, s23;
	s0 =	sadd.s32 $0x780, s28;
	s28 =	smov.u32 s30;
	v1 =	vld.idx.msk [tilespmem:v1+s2+$0x0], $0xffff  }
0x4e3: {  	s0 =	sand.u32 $0xF80, s0;
	v8 =	vld [tilespmem:s23+$0x0]  }
0x4e4: {  	s26 =	sor.u32 s1, s0;
	v2 =	vld.idx.msk [tilespmem:v2+s2+$0x0], $0xffff  }
0x4e5: {  	v9 =	vld [tilespmem:s26+$0x1B800]  }
0x4e6: {  	v4 =	vld.idx.msk [tilespmem:v4+s2+$0x0], $0xffff  }
0x4e7: {  	v10 =	vld [tilespmem:s31+$0x1A400]  }
0x4e8: {  	v1 =	vsub.f32 v8, v1;
	v6 =	vld.idx.msk [tilespmem:v6+s2+$0x0], $0xffff  }
0x4e9: {  	v11 =	vld [tilespmem:s31+$0x1A480]  }
0x4ea: {  	v2 =	vsub.f32 v8, v2;
	v1 =	vand.u32 $0x7FFFFFFF, v1;
	v7 =	vld.idx.msk [tilespmem:v7+s2+$0x0], $0xffff  }
0x4eb: {  	v1 =	vadd.f32 v1, v9;
	v9 =	vld [tilespmem:s31+$0x1A500]  }
0x4ec: {  	v2 =	vand.u32 $0x7FFFFFFF, v2;
	v4 =	vsub.f32 v8, v4;
	v5 =	vld.idx.msk [tilespmem:v5+s2+$0x0], $0xffff  }
0x4ed: {  	v1 =	vadd.f32 v2, v1;
	v2 =	vld [tilespmem:s31+$0x1A580]  }
0x4ee: {  	v4 =	vand.u32 $0x7FFFFFFF, v4;
	v6 =	vsub.f32 v8, v6;
	v3 =	vld.idx.msk [tilespmem:v3+s2+$0x0], $0xffff  }
0x4ef: {  	v1 =	vadd.f32 v4, v1;
	v4 =	vld [tilespmem:s31+$0x1A600]  }
0x4f0: {  	v6 =	vand.u32 $0x7FFFFFFF, v6;
	v7 =	vsub.f32 v8, v7;
	v10 =	vld.idx.msk [tilespmem:v10+s2+$0x0], $0xffff  }
0x4f1: {  	v1 =	vadd.f32 v6, v1;
	v6 =	vld [tilespmem:s31+$0x1A680]  }
0x4f2: {  	v7 =	vand.u32 $0x7FFFFFFF, v7;
	v5 =	vsub.f32 v8, v5;
	v11 =	vld.idx.msk [tilespmem:v11+s2+$0x0], $0xffff  }
0x4f3: {  	v1 =	vadd.f32 v7, v1;
	v7 =	vld [tilespmem:s31+$0x1A700]  }
0x4f4: {  	v5 =	vand.u32 $0x7FFFFFFF, v5;
	v3 =	vsub.f32 v8, v3;
	v9 =	vld.idx.msk [tilespmem:v9+s2+$0x0], $0xffff  }
0x4f5: {  	v1 =	vadd.f32 v5, v1;
	v5 =	vld [tilespmem:s31+$0x1A780]  }
0x4f6: {  	v3 =	vand.u32 $0x7FFFFFFF, v3;
	v10 =	vsub.f32 v8, v10;
	v2 =	vld.idx.msk [tilespmem:v2+s2+$0x0], $0xffff  }
0x4f7: {  	v1 =	vadd.f32 v3, v1  }
0x4f8: {  	v3 =	vand.u32 $0x7FFFFFFF, v10;
	v10 =	vsub.f32 v8, v11;
	v4 =	vld.idx.msk [tilespmem:v4+s2+$0x0], $0xffff  }
0x4f9: {  	v1 =	vadd.f32 v3, v1  }
0x4fa: {  	v3 =	vand.u32 $0x7FFFFFFF, v10;
	v9 =	vsub.f32 v8, v9;
	v6 =	vld.idx.msk [tilespmem:v6+s2+$0x0], $0xffff  }
0x4fb: {  	v1 =	vadd.f32 v3, v1  }
0x4fc: {  	v3 =	vand.u32 $0x7FFFFFFF, v9;
	v2 =	vsub.f32 v8, v2;
	v7 =	vld.idx.msk [tilespmem:v7+s2+$0x0], $0xffff  }
0x4fd: {  	v1 =	vadd.f32 v3, v1  }
0x4fe: {  	v2 =	vand.u32 $0x7FFFFFFF, v2;
	v3 =	vsub.f32 v8, v4;
	v4 =	vld.idx.msk [tilespmem:v5+s2+$0x0], $0xffff  }
0x4ff: {  	v1 =	vadd.f32 v2, v1  }
0x500: {  	v2 =	vand.u32 $0x7FFFFFFF, v3;
	v3 =	vsub.f32 v8, v6  }
0x501: {  	v1 =	vadd.f32 v2, v1  }
0x502: {  	v2 =	vand.u32 $0x7FFFFFFF, v3;
	v3 =	vsub.f32 v8, v7  }
.Ltmp9:
0x503: {  	v1 =	vadd.f32 v2, v1;
	(pc) =	sbr.rel @p0 .LBB2_20-.Ltmp9, $4  }
0x504: {  	v2 =	vand.u32 $0x7FFFFFFF, v3;
	v3 =	vsub.f32 v8, v4  }
0x505: {  	v1 =	vadd.f32 v2, v1  }
0x506: {  	s29 =	sadd.s32 $0x80, s29;
	v2 =	vand.u32 $0x7FFFFFFF, v3  }
0x507: {  	s30 =	sadd.s32 $0x10, s30;
	s1 =	sand.u32 $0x70, s28;
	s0 =	sand.u32 $0x1C00, s29;
	v1 =	vadd.f32 v2, v1  }
0x508: {  	s0 =	sor.u32 s1, s0  }
0x509: {  	s23 =	sadd.s32 $0x19000, s0;
	[tilespmem:s26+$0x1B800] =	vst v1  }
0x50a: {  	v1 =	vld [tilespmem:s23+$0x80]  }
0x50b: {  	s31 =	sor.u32 s29, s28  }
0x50c: {  	s26 =	sor.u32 $0x380, s31;
	v2 =	vld [tilespmem:s23+$0x100]  }
0x50d: {  	v3 =	vld [tilespmem:s26+$0x19000]  }
0x50e: {  	s31 =	sadd.s32 s28, s17;
	v4 =	vld [tilespmem:s23+$0x180]  }
0x50f: {  	v5 =	vld [tilespmem:s23+$0x200];
	s26 =	sand.u32 $0x3FF80, s31  }
0x510: {  	v6 =	vld [tilespmem:s23+$0x280];
	s26 =	sor.u32 s1, s26  }
0x511: {  	v7 =	vld [tilespmem:s26+$0x0]  }
0x512: {  	s28 =	sadd.s32 $0x780, s28;
	v1 =	vld.idx.msk [tilespmem:v1+s2+$0x0], $0xffff  }
0x513: {  	v8 =	vld [tilespmem:s23+$0x300];
	s31 =	sand.u32 $0xF80, s28  }
0x514: {  	s26 =	sor.u32 s1, s31;
	v2 =	vld.idx.msk [tilespmem:v2+s2+$0x0], $0xffff  }
0x515: {  	v9 =	vld [tilespmem:s26+$0x1B800]  }
0x516: {  	v4 =	vld.idx.msk [tilespmem:v4+s2+$0x0], $0xffff  }
0x517: {  	v10 =	vld [tilespmem:s0+$0x1A400];
	v1 =	vsub.f32 v7, v1  }
0x518: {  	v5 =	vld.idx.msk [tilespmem:v5+s2+$0x0], $0xffff  }
0x519: {  	v11 =	vld [tilespmem:s0+$0x1A480];
	v2 =	vsub.f32 v7, v2;
	v1 =	vand.u32 $0x7FFFFFFF, v1  }
0x51a: {  	v6 =	vld.idx.msk [tilespmem:v6+s2+$0x0], $0xffff;
	v1 =	vadd.f32 v1, v9  }
0x51b: {  	v42 =	vld [tilespmem:s0+$0x1A500];
	v4 =	vsub.f32 v7, v4;
	v2 =	vand.u32 $0x7FFFFFFF, v2  }
0x51c: {  	v8 =	vld.idx.msk [tilespmem:v8+s2+$0x0], $0xffff;
	v1 =	vadd.f32 v2, v1  }
0x51d: {  	v3 =	vld.idx.msk [tilespmem:v3+s2+$0x0], $0xffff;
	v5 =	vsub.f32 v7, v5;
	v4 =	vand.u32 $0x7FFFFFFF, v4  }
0x51e: {  	v2 =	vld [tilespmem:s0+$0x1A580];
	v1 =	vadd.f32 v4, v1  }
0x51f: {  	v43 =	vld [tilespmem:s0+$0x1A600];
	v6 =	vsub.f32 v7, v6;
	v5 =	vand.u32 $0x7FFFFFFF, v5  }
0x520: {  	v10 =	vld.idx.msk [tilespmem:v10+s2+$0x0], $0xffff;
	v1 =	vadd.f32 v5, v1  }
0x521: {  	v44 =	vld [tilespmem:s0+$0x1A680];
	v8 =	vsub.f32 v7, v8;
	v6 =	vand.u32 $0x7FFFFFFF, v6  }
0x522: {  	v11 =	vld.idx.msk [tilespmem:v11+s2+$0x0], $0xffff;
	v1 =	vadd.f32 v6, v1  }
0x523: {  	v45 =	vld [tilespmem:s0+$0x1A700];
	v3 =	vsub.f32 v7, v3;
	v8 =	vand.u32 $0x7FFFFFFF, v8  }
0x524: {  	v9 =	vld.idx.msk [tilespmem:v42+s2+$0x0], $0xffff;
	v1 =	vadd.f32 v8, v1  }
0x525: {  	v46 =	vld [tilespmem:s0+$0x1A780];
	v10 =	vsub.f32 v7, v10;
	v3 =	vand.u32 $0x7FFFFFFF, v3  }
0x526: {  	v2 =	vld.idx.msk [tilespmem:v2+s2+$0x0], $0xffff;
	v1 =	vadd.f32 v3, v1  }
0x527: {  	v47 =	vsub.f32 v7, v11;
	v3 =	vand.u32 $0x7FFFFFFF, v10  }
0x528: {  	v4 =	vld.idx.msk [tilespmem:v43+s2+$0x0], $0xffff;
	v1 =	vadd.f32 v3, v1  }
0x529: {  	v9 =	vsub.f32 v7, v9;
	v3 =	vand.u32 $0x7FFFFFFF, v47  }
0x52a: {  	v5 =	vld.idx.msk [tilespmem:v44+s2+$0x0], $0xffff;
	v1 =	vadd.f32 v3, v1  }
0x52b: {  	v2 =	vsub.f32 v7, v2;
	v3 =	vand.u32 $0x7FFFFFFF, v9  }
0x52c: {  	v6 =	vld.idx.msk [tilespmem:v45+s2+$0x0], $0xffff;
	v1 =	vadd.f32 v3, v1  }
0x52d: {  	v2 =	vand.u32 $0x7FFFFFFF, v2;
	v3 =	vsub.f32 v7, v4  }
0x52e: {  	v48 =	vld.idx.msk [tilespmem:v46+s2+$0x0], $0xffff;
	v1 =	vadd.f32 v2, v1  }
0x52f: {  	v2 =	vand.u32 $0x7FFFFFFF, v3;
	v3 =	vsub.f32 v7, v5  }
0x530: {  	v1 =	vadd.f32 v2, v1  }
0x531: {  	v2 =	vand.u32 $0x7FFFFFFF, v3;
	v3 =	vsub.f32 v7, v6  }
0x532: {  	v1 =	vadd.f32 v2, v1  }
0x533: {  	v2 =	vand.u32 $0x7FFFFFFF, v3;
	v3 =	vsub.f32 v7, v48  }
0x534: {  	v1 =	vadd.f32 v2, v1  }
0x535: {  	v2 =	vand.u32 $0x7FFFFFFF, v3  }
0x536: {  	v1 =	vadd.f32 v2, v1;
	_ =	sdelay $0x1  }
0x537: {  	s31 =	simm.s32 $0x0;
	[tilespmem:s26+$0x1B800] =	vst v1  }
0x538: {  	[tilespmem:s22], [sflag:$0x1] =	stream.strided.gather [hbm4b:s8+s20], $0x2800, s21, s20, $0x38;
	[tilespmem:$0x1C500] =	vst v63  }
0x539: {  	s1 =	sand.u32 $0x70, s31;
	s26 =	sand.u32 $0x1C00, s31;
	_ =	swait.ge [sflag:s19], $0x2800  }
0x53a: {  	s23 =	sor.u32 s1, s26;
	[sflag:s19] =	ssyncset.done $0x0  }
0x53b: {  	s26 =	sadd.s32 $0x19000, s23;
	[sflag:s19] =	ssyncadd.s32 $0xFFFFD800  }
0x53c: {  	v1 =	vld [tilespmem:s26+$0x80]  }
0x53d: {  	s0 =	sor.u32 s31, s31  }
0x53e: {  	s0 =	sor.u32 $0x380, s0;
	v2 =	vld [tilespmem:s26+$0x100]  }
0x53f: {  	v3 =	vld [tilespmem:s0+$0x19000]  }
0x540: {  	s31 =	sadd.s32 $0x0, s18;
	v49 =	vld [tilespmem:s26+$0x180]  }
0x541: {  	v50 =	vld [tilespmem:s26+$0x200];
	s0 =	sand.u32 $0x3FF80, s31  }
0x542: {  	v51 =	vld [tilespmem:s26+$0x280];
	s0 =	sor.u32 s1, s0  }
0x543: {  	v52 =	vld [tilespmem:s0+$0x0]  }
0x544: {  	s28 =	simm.s32 $0xA00;
	v1 =	vld.idx.msk [tilespmem:v1+s2+$0x0], $0xffff  }
0x545: {  	v53 =	vld [tilespmem:s26+$0x300];
	s31 =	sand.u32 $0xF80, s28  }
0x546: {  	s26 =	sor.u32 s1, s31;
	v2 =	vld.idx.msk [tilespmem:v2+s2+$0x0], $0xffff  }
0x547: {  	v54 =	vld [tilespmem:s26+$0x1B800]  }
0x548: {  	v4 =	vld.idx.msk [tilespmem:v49+s2+$0x0], $0xffff  }
0x549: {  	v55 =	vld [tilespmem:s23+$0x1A400];
	v1 =	vsub.f32 v52, v1  }
0x54a: {  	v5 =	vld.idx.msk [tilespmem:v50+s2+$0x0], $0xffff  }
0x54b: {  	v56 =	vld [tilespmem:s23+$0x1A480];
	v2 =	vsub.f32 v52, v2;
	v1 =	vand.u32 $0x7FFFFFFF, v1  }
0x54c: {  	v6 =	vld.idx.msk [tilespmem:v51+s2+$0x0], $0xffff;
	v1 =	vadd.f32 v1, v54  }
0x54d: {  	v57 =	vld [tilespmem:s23+$0x1A500];
	v4 =	vsub.f32 v52, v4;
	v2 =	vand.u32 $0x7FFFFFFF, v2  }
0x54e: {  	v8 =	vld.idx.msk [tilespmem:v53+s2+$0x0], $0xffff;
	v1 =	vadd.f32 v2, v1  }
0x54f: {  	v3 =	vld.idx.msk [tilespmem:v3+s2+$0x0], $0xffff;
	v5 =	vsub.f32 v52, v5;
	v4 =	vand.u32 $0x7FFFFFFF, v4  }
0x550: {  	v2 =	vld [tilespmem:s23+$0x1A580];
	v1 =	vadd.f32 v4, v1  }
0x551: {  	v58 =	vld [tilespmem:s23+$0x1A600];
	v6 =	vsub.f32 v52, v6;
	v5 =	vand.u32 $0x7FFFFFFF, v5  }
0x552: {  	v10 =	vld.idx.msk [tilespmem:v55+s2+$0x0], $0xffff;
	v1 =	vadd.f32 v5, v1  }
0x553: {  	v59 =	vld [tilespmem:s23+$0x1A680];
	v8 =	vsub.f32 v52, v8;
	v6 =	vand.u32 $0x7FFFFFFF, v6  }
0x554: {  	v11 =	vld.idx.msk [tilespmem:v56+s2+$0x0], $0xffff;
	v1 =	vadd.f32 v6, v1  }
0x555: {  	v60 =	vld [tilespmem:s23+$0x1A700];
	v3 =	vsub.f32 v52, v3;
	v8 =	vand.u32 $0x7FFFFFFF, v8  }
0x556: {  	v9 =	vld.idx.msk [tilespmem:v57+s2+$0x0], $0xffff;
	v1 =	vadd.f32 v8, v1  }
0x557: {  	v61 =	vld [tilespmem:s23+$0x1A780];
	v10 =	vsub.f32 v52, v10;
	v3 =	vand.u32 $0x7FFFFFFF, v3  }
0x558: {  	v2 =	vld.idx.msk [tilespmem:v2+s2+$0x0], $0xffff;
	v1 =	vadd.f32 v3, v1  }
0x559: {  	v62 =	vsub.f32 v52, v11;
	v3 =	vand.u32 $0x7FFFFFFF, v10  }
0x55a: {  	v4 =	vld.idx.msk [tilespmem:v58+s2+$0x0], $0xffff;
	v1 =	vadd.f32 v3, v1  }
0x55b: {  	v9 =	vsub.f32 v52, v9;
	v3 =	vand.u32 $0x7FFFFFFF, v62  }
0x55c: {  	v5 =	vld.idx.msk [tilespmem:v59+s2+$0x0], $0xffff;
	v1 =	vadd.f32 v3, v1  }
0x55d: {  	v2 =	vsub.f32 v52, v2;
	v3 =	vand.u32 $0x7FFFFFFF, v9  }
0x55e: {  	v6 =	vld.idx.msk [tilespmem:v60+s2+$0x0], $0xffff;
	v1 =	vadd.f32 v3, v1  }
0x55f: {  	v2 =	vand.u32 $0x7FFFFFFF, v2;
	v3 =	vsub.f32 v52, v4  }
0x560: {  	v63 =	vld.idx.msk [tilespmem:v61+s2+$0x0], $0xffff;
	v1 =	vadd.f32 v2, v1  }
0x561: {  	v2 =	vand.u32 $0x7FFFFFFF, v3;
	v3 =	vsub.f32 v52, v5  }
0x562: {  	v1 =	vadd.f32 v2, v1  }
0x563: {  	v2 =	vand.u32 $0x7FFFFFFF, v3;
	v3 =	vsub.f32 v52, v6  }
0x564: {  	v1 =	vadd.f32 v2, v1  }
0x565: {  	v2 =	vand.u32 $0x7FFFFFFF, v3;
	v3 =	vsub.f32 v52, v63  }
0x566: {  	v1 =	vadd.f32 v2, v1  }
0x567: {  	s29 =	simm.s32 $0x80;
	s28 =	simm.s32 $0x10;
	v2 =	vand.u32 $0x7FFFFFFF, v3  }
0x568: {  	s30 =	simm.s32 $0x20;
	s1 =	sand.u32 $0x70, s28;
	s0 =	sand.u32 $0x1C00, s29;
	v1 =	vadd.f32 v2, v1  }
.LBB2_22:
0x569: {  	p0 =	sne.s32 s30, $0x270;
	s31 =	sor.u32 s1, s0  }
0x56a: {  	s0 =	sadd.s32 $0x19000, s31;
	[tilespmem:s26+$0x1B800] =	vst v1  }
0x56b: {  	v1 =	vld [tilespmem:s0+$0x80]  }
0x56c: {  	s23 =	sor.u32 s29, s28  }
0x56d: {  	s23 =	sor.u32 $0x380, s23;
	v2 =	vld [tilespmem:s0+$0x100]  }
0x56e: {  	v3 =	vld [tilespmem:s23+$0x19000]  }
0x56f: {  	v4 =	vld [tilespmem:s0+$0x180]  }
0x570: {  	v5 =	vld [tilespmem:s0+$0x300]  }
0x571: {  	s23 =	sadd.s32 s28, s18;
	v6 =	vld [tilespmem:s0+$0x200]  }
0x572: {  	s23 =	sand.u32 $0x3FF80, s23;
	v7 =	vld [tilespmem:s0+$0x280]  }
0x573: {  	s23 =	sor.u32 s1, s23;
	s0 =	sadd.s32 $0xA00, s28;
	s28 =	smov.u32 s30;
	v1 =	vld.idx.msk [tilespmem:v1+s2+$0x0], $0xffff  }
0x574: {  	s0 =	sand.u32 $0xF80, s0;
	v8 =	vld [tilespmem:s23+$0x0]  }
0x575: {  	s26 =	sor.u32 s1, s0;
	v2 =	vld.idx.msk [tilespmem:v2+s2+$0x0], $0xffff  }
0x576: {  	v9 =	vld [tilespmem:s26+$0x1B800]  }
0x577: {  	v4 =	vld.idx.msk [tilespmem:v4+s2+$0x0], $0xffff  }
0x578: {  	v10 =	vld [tilespmem:s31+$0x1A400]  }
0x579: {  	v1 =	vsub.f32 v8, v1;
	v6 =	vld.idx.msk [tilespmem:v6+s2+$0x0], $0xffff  }
0x57a: {  	v11 =	vld [tilespmem:s31+$0x1A480]  }
0x57b: {  	v2 =	vsub.f32 v8, v2;
	v1 =	vand.u32 $0x7FFFFFFF, v1;
	v7 =	vld.idx.msk [tilespmem:v7+s2+$0x0], $0xffff  }
0x57c: {  	v1 =	vadd.f32 v1, v9;
	v9 =	vld [tilespmem:s31+$0x1A500]  }
0x57d: {  	v2 =	vand.u32 $0x7FFFFFFF, v2;
	v4 =	vsub.f32 v8, v4;
	v5 =	vld.idx.msk [tilespmem:v5+s2+$0x0], $0xffff  }
0x57e: {  	v1 =	vadd.f32 v2, v1;
	v2 =	vld [tilespmem:s31+$0x1A580]  }
0x57f: {  	v4 =	vand.u32 $0x7FFFFFFF, v4;
	v6 =	vsub.f32 v8, v6;
	v3 =	vld.idx.msk [tilespmem:v3+s2+$0x0], $0xffff  }
0x580: {  	v1 =	vadd.f32 v4, v1;
	v4 =	vld [tilespmem:s31+$0x1A600]  }
0x581: {  	v6 =	vand.u32 $0x7FFFFFFF, v6;
	v7 =	vsub.f32 v8, v7;
	v10 =	vld.idx.msk [tilespmem:v10+s2+$0x0], $0xffff  }
0x582: {  	v1 =	vadd.f32 v6, v1;
	v6 =	vld [tilespmem:s31+$0x1A680]  }
0x583: {  	v7 =	vand.u32 $0x7FFFFFFF, v7;
	v5 =	vsub.f32 v8, v5;
	v11 =	vld.idx.msk [tilespmem:v11+s2+$0x0], $0xffff  }
0x584: {  	v1 =	vadd.f32 v7, v1;
	v7 =	vld [tilespmem:s31+$0x1A700]  }
0x585: {  	v5 =	vand.u32 $0x7FFFFFFF, v5;
	v3 =	vsub.f32 v8, v3;
	v9 =	vld.idx.msk [tilespmem:v9+s2+$0x0], $0xffff  }
0x586: {  	v1 =	vadd.f32 v5, v1;
	v5 =	vld [tilespmem:s31+$0x1A780]  }
0x587: {  	v3 =	vand.u32 $0x7FFFFFFF, v3;
	v10 =	vsub.f32 v8, v10;
	v2 =	vld.idx.msk [tilespmem:v2+s2+$0x0], $0xffff  }
0x588: {  	v1 =	vadd.f32 v3, v1  }
0x589: {  	v3 =	vand.u32 $0x7FFFFFFF, v10;
	v10 =	vsub.f32 v8, v11;
	v4 =	vld.idx.msk [tilespmem:v4+s2+$0x0], $0xffff  }
0x58a: {  	v1 =	vadd.f32 v3, v1  }
0x58b: {  	v3 =	vand.u32 $0x7FFFFFFF, v10;
	v9 =	vsub.f32 v8, v9;
	v6 =	vld.idx.msk [tilespmem:v6+s2+$0x0], $0xffff  }
0x58c: {  	v1 =	vadd.f32 v3, v1  }
0x58d: {  	v3 =	vand.u32 $0x7FFFFFFF, v9;
	v2 =	vsub.f32 v8, v2;
	v7 =	vld.idx.msk [tilespmem:v7+s2+$0x0], $0xffff  }
0x58e: {  	v1 =	vadd.f32 v3, v1  }
0x58f: {  	v2 =	vand.u32 $0x7FFFFFFF, v2;
	v3 =	vsub.f32 v8, v4;
	v4 =	vld.idx.msk [tilespmem:v5+s2+$0x0], $0xffff  }
0x590: {  	v1 =	vadd.f32 v2, v1  }
0x591: {  	v2 =	vand.u32 $0x7FFFFFFF, v3;
	v3 =	vsub.f32 v8, v6  }
0x592: {  	v1 =	vadd.f32 v2, v1  }
0x593: {  	v2 =	vand.u32 $0x7FFFFFFF, v3;
	v3 =	vsub.f32 v8, v7  }
.Ltmp10:
0x594: {  	v1 =	vadd.f32 v2, v1;
	(pc) =	sbr.rel @p0 .LBB2_22-.Ltmp10, $4  }
0x595: {  	v2 =	vand.u32 $0x7FFFFFFF, v3;
	v3 =	vsub.f32 v8, v4  }
0x596: {  	v1 =	vadd.f32 v2, v1  }
0x597: {  	s29 =	sadd.s32 $0x80, s29;
	v2 =	vand.u32 $0x7FFFFFFF, v3  }
0x598: {  	s30 =	sadd.s32 $0x10, s30;
	s1 =	sand.u32 $0x70, s28;
	s0 =	sand.u32 $0x1C00, s29;
	v1 =	vadd.f32 v2, v1  }
0x599: {  	s0 =	sor.u32 s1, s0  }
0x59a: {  	s23 =	sadd.s32 $0x19000, s0;
	[tilespmem:s26+$0x1B800] =	vst v1  }
0x59b: {  	v1 =	vld [tilespmem:s23+$0x80]  }
0x59c: {  	s31 =	sor.u32 s29, s28  }
0x59d: {  	s26 =	sor.u32 $0x380, s31;
	v2 =	vld [tilespmem:s23+$0x100]  }
0x59e: {  	v3 =	vld [tilespmem:s26+$0x19000]  }
0x59f: {  	s31 =	sadd.s32 s28, s18;
	v4 =	vld [tilespmem:s23+$0x180]  }
0x5a0: {  	v5 =	vld [tilespmem:s23+$0x200];
	s26 =	sand.u32 $0x3FF80, s31  }
0x5a1: {  	v6 =	vld [tilespmem:s23+$0x280];
	s26 =	sor.u32 s1, s26  }
0x5a2: {  	v7 =	vld [tilespmem:s26+$0x0]  }
0x5a3: {  	s28 =	sadd.s32 $0xA00, s28;
	v1 =	vld.idx.msk [tilespmem:v1+s2+$0x0], $0xffff  }
0x5a4: {  	v8 =	vld [tilespmem:s23+$0x300];
	s31 =	sand.u32 $0xF80, s28  }
0x5a5: {  	s26 =	sor.u32 s1, s31;
	v2 =	vld.idx.msk [tilespmem:v2+s2+$0x0], $0xffff  }
0x5a6: {  	v9 =	vld [tilespmem:s26+$0x1B800]  }
0x5a7: {  	v4 =	vld.idx.msk [tilespmem:v4+s2+$0x0], $0xffff  }
0x5a8: {  	v10 =	vld [tilespmem:s0+$0x1A400];
	v1 =	vsub.f32 v7, v1  }
0x5a9: {  	v5 =	vld.idx.msk [tilespmem:v5+s2+$0x0], $0xffff  }
0x5aa: {  	v11 =	vld [tilespmem:s0+$0x1A480];
	v2 =	vsub.f32 v7, v2;
	v1 =	vand.u32 $0x7FFFFFFF, v1  }
0x5ab: {  	v6 =	vld.idx.msk [tilespmem:v6+s2+$0x0], $0xffff;
	v1 =	vadd.f32 v1, v9  }
0x5ac: {  	v42 =	vld [tilespmem:s0+$0x1A500];
	v4 =	vsub.f32 v7, v4;
	v2 =	vand.u32 $0x7FFFFFFF, v2  }
0x5ad: {  	v8 =	vld.idx.msk [tilespmem:v8+s2+$0x0], $0xffff;
	v1 =	vadd.f32 v2, v1  }
0x5ae: {  	v3 =	vld.idx.msk [tilespmem:v3+s2+$0x0], $0xffff;
	v5 =	vsub.f32 v7, v5;
	v4 =	vand.u32 $0x7FFFFFFF, v4  }
0x5af: {  	v2 =	vld [tilespmem:s0+$0x1A580];
	v1 =	vadd.f32 v4, v1  }
0x5b0: {  	v43 =	vld [tilespmem:s0+$0x1A600];
	v6 =	vsub.f32 v7, v6;
	v5 =	vand.u32 $0x7FFFFFFF, v5  }
0x5b1: {  	v10 =	vld.idx.msk [tilespmem:v10+s2+$0x0], $0xffff;
	v1 =	vadd.f32 v5, v1  }
0x5b2: {  	v44 =	vld [tilespmem:s0+$0x1A680];
	v8 =	vsub.f32 v7, v8;
	v6 =	vand.u32 $0x7FFFFFFF, v6  }
0x5b3: {  	v11 =	vld.idx.msk [tilespmem:v11+s2+$0x0], $0xffff;
	v1 =	vadd.f32 v6, v1  }
0x5b4: {  	v45 =	vld [tilespmem:s0+$0x1A700];
	v3 =	vsub.f32 v7, v3;
	v8 =	vand.u32 $0x7FFFFFFF, v8  }
0x5b5: {  	v9 =	vld.idx.msk [tilespmem:v42+s2+$0x0], $0xffff;
	v1 =	vadd.f32 v8, v1  }
0x5b6: {  	v46 =	vld [tilespmem:s0+$0x1A780];
	v10 =	vsub.f32 v7, v10;
	v3 =	vand.u32 $0x7FFFFFFF, v3  }
0x5b7: {  	v2 =	vld.idx.msk [tilespmem:v2+s2+$0x0], $0xffff;
	v1 =	vadd.f32 v3, v1  }
0x5b8: {  	v47 =	vsub.f32 v7, v11;
	v3 =	vand.u32 $0x7FFFFFFF, v10  }
0x5b9: {  	v4 =	vld.idx.msk [tilespmem:v43+s2+$0x0], $0xffff;
	v1 =	vadd.f32 v3, v1  }
0x5ba: {  	v9 =	vsub.f32 v7, v9;
	v3 =	vand.u32 $0x7FFFFFFF, v47  }
0x5bb: {  	v5 =	vld.idx.msk [tilespmem:v44+s2+$0x0], $0xffff;
	v1 =	vadd.f32 v3, v1  }
0x5bc: {  	v2 =	vsub.f32 v7, v2;
	v3 =	vand.u32 $0x7FFFFFFF, v9  }
0x5bd: {  	v6 =	vld.idx.msk [tilespmem:v45+s2+$0x0], $0xffff;
	v1 =	vadd.f32 v3, v1  }
0x5be: {  	v2 =	vand.u32 $0x7FFFFFFF, v2;
	v3 =	vsub.f32 v7, v4  }
0x5bf: {  	v48 =	vld.idx.msk [tilespmem:v46+s2+$0x0], $0xffff;
	v1 =	vadd.f32 v2, v1  }
0x5c0: {  	v2 =	vand.u32 $0x7FFFFFFF, v3;
	v3 =	vsub.f32 v7, v5  }
0x5c1: {  	v1 =	vadd.f32 v2, v1  }
0x5c2: {  	v2 =	vand.u32 $0x7FFFFFFF, v3;
	v3 =	vsub.f32 v7, v6  }
0x5c3: {  	v1 =	vadd.f32 v2, v1  }
0x5c4: {  	v2 =	vand.u32 $0x7FFFFFFF, v3;
	v3 =	vsub.f32 v7, v48  }
0x5c5: {  	v1 =	vadd.f32 v2, v1  }
0x5c6: {  	v2 =	vand.u32 $0x7FFFFFFF, v3  }
0x5c7: {  	v1 =	vadd.f32 v2, v1;
	_ =	sdelay $0x1  }
0x5c8: {  	s31 =	simm.s32 $0x0;
	[tilespmem:s26+$0x1B800] =	vst v1  }
0x5c9: {  	[tilespmem:s31], [sflag:$0x1] =	stream.linear.gather [hbm4b:s10+s31], $0x19000, $0x38;
	[tilespmem:$0x1C500] =	vst v63  }
0x5ca: {  	_ =	swait.ge [sflag:s19], $0x19000  }
0x5cb: {  	[sflag:s19] =	ssyncset.done $0x0  }
0x5cc: {  	[sflag:s19] =	ssyncadd.s32 $0xFFFE7000  }
0x5cd: {  	[tilespmem:s22], [sflag:$0x1] =	stream.strided.gather [hbm4b:s4+s20], $0x2800, s21, s20, $0x38;
	[tilespmem:$0x1C500] =	vst v63  }
0x5ce: {  	s1 =	sand.u32 $0x70, s31;
	s26 =	sand.u32 $0x1C00, s31;
	_ =	swait.ge [sflag:s19], $0x2800  }
0x5cf: {  	s23 =	sor.u32 s1, s26;
	[sflag:s19] =	ssyncset.done $0x0  }
0x5d0: {  	s26 =	sadd.s32 $0x19000, s23;
	[sflag:s19] =	ssyncadd.s32 $0xFFFFD800  }
0x5d1: {  	v1 =	vld [tilespmem:s26+$0x80]  }
0x5d2: {  	s0 =	sor.u32 s31, s31  }
0x5d3: {  	s0 =	sor.u32 $0x380, s0;
	v2 =	vld [tilespmem:s26+$0x100]  }
0x5d4: {  	v3 =	vld [tilespmem:s0+$0x19000]  }
0x5d5: {  	s31 =	sadd.s32 $0x0, s13;
	v49 =	vld [tilespmem:s26+$0x180]  }
0x5d6: {  	v50 =	vld [tilespmem:s26+$0x200];
	s0 =	sand.u32 $0x3FF80, s31  }
0x5d7: {  	v51 =	vld [tilespmem:s26+$0x280];
	s0 =	sor.u32 s1, s0  }
0x5d8: {  	v52 =	vld [tilespmem:s0+$0x0]  }
0x5d9: {  	v1 =	vld.idx.msk [tilespmem:v1+s2+$0x0], $0xffff  }
0x5da: {  	v53 =	vld [tilespmem:s26+$0x300]  }
0x5db: {  	s26 =	simm.s32 $0x1B800;
	v2 =	vld.idx.msk [tilespmem:v2+s2+$0x0], $0xffff  }
0x5dc: {  	v54 =	vld [tilespmem:s26+$0x0]  }
0x5dd: {  	v4 =	vld.idx.msk [tilespmem:v49+s2+$0x0], $0xffff  }
0x5de: {  	v55 =	vld [tilespmem:s23+$0x1A400];
	v1 =	vsub.f32 v52, v1  }
0x5df: {  	v5 =	vld.idx.msk [tilespmem:v50+s2+$0x0], $0xffff  }
0x5e0: {  	v56 =	vld [tilespmem:s23+$0x1A480];
	v2 =	vsub.f32 v52, v2;
	v1 =	vand.u32 $0x7FFFFFFF, v1  }
0x5e1: {  	v6 =	vld.idx.msk [tilespmem:v51+s2+$0x0], $0xffff;
	v1 =	vadd.f32 v1, v54  }
0x5e2: {  	v57 =	vld [tilespmem:s23+$0x1A500];
	v4 =	vsub.f32 v52, v4;
	v2 =	vand.u32 $0x7FFFFFFF, v2  }
0x5e3: {  	v8 =	vld.idx.msk [tilespmem:v53+s2+$0x0], $0xffff;
	v1 =	vadd.f32 v2, v1  }
0x5e4: {  	v3 =	vld.idx.msk [tilespmem:v3+s2+$0x0], $0xffff;
	v5 =	vsub.f32 v52, v5;
	v4 =	vand.u32 $0x7FFFFFFF, v4  }
0x5e5: {  	v2 =	vld [tilespmem:s23+$0x1A580];
	v1 =	vadd.f32 v4, v1  }
0x5e6: {  	v58 =	vld [tilespmem:s23+$0x1A600];
	v6 =	vsub.f32 v52, v6;
	v5 =	vand.u32 $0x7FFFFFFF, v5  }
0x5e7: {  	v10 =	vld.idx.msk [tilespmem:v55+s2+$0x0], $0xffff;
	v1 =	vadd.f32 v5, v1  }
0x5e8: {  	v59 =	vld [tilespmem:s23+$0x1A680];
	v8 =	vsub.f32 v52, v8;
	v6 =	vand.u32 $0x7FFFFFFF, v6  }
0x5e9: {  	v11 =	vld.idx.msk [tilespmem:v56+s2+$0x0], $0xffff;
	v1 =	vadd.f32 v6, v1  }
0x5ea: {  	v60 =	vld [tilespmem:s23+$0x1A700];
	v3 =	vsub.f32 v52, v3;
	v8 =	vand.u32 $0x7FFFFFFF, v8  }
0x5eb: {  	v9 =	vld.idx.msk [tilespmem:v57+s2+$0x0], $0xffff;
	v1 =	vadd.f32 v8, v1  }
0x5ec: {  	v61 =	vld [tilespmem:s23+$0x1A780];
	v10 =	vsub.f32 v52, v10;
	v3 =	vand.u32 $0x7FFFFFFF, v3  }
0x5ed: {  	v2 =	vld.idx.msk [tilespmem:v2+s2+$0x0], $0xffff;
	v1 =	vadd.f32 v3, v1  }
0x5ee: {  	v62 =	vsub.f32 v52, v11;
	v3 =	vand.u32 $0x7FFFFFFF, v10  }
0x5ef: {  	v4 =	vld.idx.msk [tilespmem:v58+s2+$0x0], $0xffff;
	v1 =	vadd.f32 v3, v1  }
0x5f0: {  	v9 =	vsub.f32 v52, v9;
	v3 =	vand.u32 $0x7FFFFFFF, v62  }
0x5f1: {  	v5 =	vld.idx.msk [tilespmem:v59+s2+$0x0], $0xffff;
	v1 =	vadd.f32 v3, v1  }
0x5f2: {  	v2 =	vsub.f32 v52, v2;
	v3 =	vand.u32 $0x7FFFFFFF, v9  }
0x5f3: {  	v6 =	vld.idx.msk [tilespmem:v60+s2+$0x0], $0xffff;
	v1 =	vadd.f32 v3, v1  }
0x5f4: {  	v2 =	vand.u32 $0x7FFFFFFF, v2;
	v3 =	vsub.f32 v52, v4  }
0x5f5: {  	v63 =	vld.idx.msk [tilespmem:v61+s2+$0x0], $0xffff;
	v1 =	vadd.f32 v2, v1  }
0x5f6: {  	v2 =	vand.u32 $0x7FFFFFFF, v3;
	v3 =	vsub.f32 v52, v5  }
0x5f7: {  	v1 =	vadd.f32 v2, v1  }
0x5f8: {  	v2 =	vand.u32 $0x7FFFFFFF, v3;
	v3 =	vsub.f32 v52, v6  }
0x5f9: {  	v1 =	vadd.f32 v2, v1  }
0x5fa: {  	v2 =	vand.u32 $0x7FFFFFFF, v3;
	v3 =	vsub.f32 v52, v63  }
0x5fb: {  	v1 =	vadd.f32 v2, v1  }
0x5fc: {  	s29 =	simm.s32 $0x80;
	s28 =	simm.s32 $0x10;
	v2 =	vand.u32 $0x7FFFFFFF, v3  }
0x5fd: {  	s30 =	simm.s32 $0x20;
	s1 =	sand.u32 $0x1C00, s29;
	s0 =	sand.u32 $0x70, s28;
	v1 =	vadd.f32 v2, v1  }
.LBB2_24:
0x5fe: {  	p0 =	sne.s32 s30, $0x270;
	s1 =	sor.u32 s0, s1  }
0x5ff: {  	s23 =	sadd.s32 $0x19000, s1;
	[tilespmem:s26+$0x0] =	vst v1  }
0x600: {  	v1 =	vld [tilespmem:s23+$0x80]  }
0x601: {  	s31 =	sor.u32 s29, s28  }
0x602: {  	s31 =	sor.u32 $0x380, s31;
	v2 =	vld [tilespmem:s23+$0x100]  }
0x603: {  	v3 =	vld [tilespmem:s31+$0x19000]  }
0x604: {  	v4 =	vld [tilespmem:s23+$0x180]  }
0x605: {  	v5 =	vld [tilespmem:s23+$0x300]  }
0x606: {  	s31 =	sadd.s32 s28, s13;
	s28 =	smov.u32 s30;
	v6 =	vld [tilespmem:s23+$0x200]  }
0x607: {  	s31 =	sand.u32 $0x3FF80, s31;
	v7 =	vld [tilespmem:s23+$0x280]  }
0x608: {  	s0 =	sor.u32 s0, s31;
	v1 =	vld.idx.msk [tilespmem:v1+s2+$0x0], $0xffff  }
0x609: {  	v8 =	vld [tilespmem:s0+$0x0]  }
0x60a: {  	s26 =	sadd.s32 $0x10, s26;
	v2 =	vld.idx.msk [tilespmem:v2+s2+$0x0], $0xffff  }
0x60b: {  	v9 =	vld [tilespmem:s26+$0x0]  }
0x60c: {  	v4 =	vld.idx.msk [tilespmem:v4+s2+$0x0], $0xffff  }
0x60d: {  	v10 =	vld [tilespmem:s1+$0x1A400]  }
0x60e: {  	v1 =	vsub.f32 v8, v1;
	v6 =	vld.idx.msk [tilespmem:v6+s2+$0x0], $0xffff  }
0x60f: {  	v11 =	vld [tilespmem:s1+$0x1A480]  }
0x610: {  	v2 =	vsub.f32 v8, v2;
	v1 =	vand.u32 $0x7FFFFFFF, v1;
	v7 =	vld.idx.msk [tilespmem:v7+s2+$0x0], $0xffff  }
0x611: {  	v1 =	vadd.f32 v1, v9;
	v9 =	vld [tilespmem:s1+$0x1A500]  }
0x612: {  	v2 =	vand.u32 $0x7FFFFFFF, v2;
	v4 =	vsub.f32 v8, v4;
	v5 =	vld.idx.msk [tilespmem:v5+s2+$0x0], $0xffff  }
0x613: {  	v1 =	vadd.f32 v2, v1;
	v2 =	vld [tilespmem:s1+$0x1A580]  }
0x614: {  	v4 =	vand.u32 $0x7FFFFFFF, v4;
	v6 =	vsub.f32 v8, v6;
	v3 =	vld.idx.msk [tilespmem:v3+s2+$0x0], $0xffff  }
0x615: {  	v1 =	vadd.f32 v4, v1;
	v4 =	vld [tilespmem:s1+$0x1A600]  }
0x616: {  	v6 =	vand.u32 $0x7FFFFFFF, v6;
	v7 =	vsub.f32 v8, v7;
	v10 =	vld.idx.msk [tilespmem:v10+s2+$0x0], $0xffff  }
0x617: {  	v1 =	vadd.f32 v6, v1;
	v6 =	vld [tilespmem:s1+$0x1A680]  }
0x618: {  	v7 =	vand.u32 $0x7FFFFFFF, v7;
	v5 =	vsub.f32 v8, v5;
	v11 =	vld.idx.msk [tilespmem:v11+s2+$0x0], $0xffff  }
0x619: {  	v1 =	vadd.f32 v7, v1;
	v7 =	vld [tilespmem:s1+$0x1A700]  }
0x61a: {  	v5 =	vand.u32 $0x7FFFFFFF, v5;
	v3 =	vsub.f32 v8, v3;
	v9 =	vld.idx.msk [tilespmem:v9+s2+$0x0], $0xffff  }
0x61b: {  	v1 =	vadd.f32 v5, v1;
	v5 =	vld [tilespmem:s1+$0x1A780]  }
0x61c: {  	v3 =	vand.u32 $0x7FFFFFFF, v3;
	v10 =	vsub.f32 v8, v10;
	v2 =	vld.idx.msk [tilespmem:v2+s2+$0x0], $0xffff  }
0x61d: {  	v1 =	vadd.f32 v3, v1  }
0x61e: {  	v3 =	vand.u32 $0x7FFFFFFF, v10;
	v10 =	vsub.f32 v8, v11;
	v4 =	vld.idx.msk [tilespmem:v4+s2+$0x0], $0xffff  }
0x61f: {  	v1 =	vadd.f32 v3, v1  }
0x620: {  	v3 =	vand.u32 $0x7FFFFFFF, v10;
	v9 =	vsub.f32 v8, v9;
	v6 =	vld.idx.msk [tilespmem:v6+s2+$0x0], $0xffff  }
0x621: {  	v1 =	vadd.f32 v3, v1  }
0x622: {  	v3 =	vand.u32 $0x7FFFFFFF, v9;
	v2 =	vsub.f32 v8, v2;
	v7 =	vld.idx.msk [tilespmem:v7+s2+$0x0], $0xffff  }
0x623: {  	v1 =	vadd.f32 v3, v1  }
0x624: {  	v2 =	vand.u32 $0x7FFFFFFF, v2;
	v3 =	vsub.f32 v8, v4;
	v4 =	vld.idx.msk [tilespmem:v5+s2+$0x0], $0xffff  }
0x625: {  	v1 =	vadd.f32 v2, v1  }
0x626: {  	v2 =	vand.u32 $0x7FFFFFFF, v3;
	v3 =	vsub.f32 v8, v6  }
0x627: {  	v1 =	vadd.f32 v2, v1  }
0x628: {  	v2 =	vand.u32 $0x7FFFFFFF, v3;
	v3 =	vsub.f32 v8, v7  }
.Ltmp11:
0x629: {  	v1 =	vadd.f32 v2, v1;
	(pc) =	sbr.rel @p0 .LBB2_24-.Ltmp11, $4  }
0x62a: {  	v2 =	vand.u32 $0x7FFFFFFF, v3;
	v3 =	vsub.f32 v8, v4  }
0x62b: {  	v1 =	vadd.f32 v2, v1  }
0x62c: {  	s29 =	sadd.s32 $0x80, s29;
	v2 =	vand.u32 $0x7FFFFFFF, v3  }
0x62d: {  	s30 =	sadd.s32 $0x10, s30;
	s0 =	sand.u32 $0x70, s28;
	s1 =	sand.u32 $0x1C00, s29;
	v1 =	vadd.f32 v2, v1  }
0x62e: {  	s23 =	sor.u32 s0, s1  }
0x62f: {  	s1 =	sadd.s32 $0x19000, s23;
	[tilespmem:s26+$0x0] =	vst v1  }
0x630: {  	v1 =	vld [tilespmem:s1+$0x80]  }
0x631: {  	s29 =	sor.u32 s29, s28  }
0x632: {  	s29 =	sor.u32 $0x380, s29;
	v2 =	vld [tilespmem:s1+$0x100]  }
0x633: {  	v3 =	vld [tilespmem:s29+$0x19000]  }
0x634: {  	s28 =	sadd.s32 s28, s13;
	v4 =	vld [tilespmem:s1+$0x180]  }
0x635: {  	s28 =	sand.u32 $0x3FF80, s28;
	v5 =	vld [tilespmem:s1+$0x200]  }
0x636: {  	v6 =	vld [tilespmem:s1+$0x280];
	s31 =	sor.u32 s0, s28  }
0x637: {  	v7 =	vld [tilespmem:s31+$0x0]  }
0x638: {  	v1 =	vld.idx.msk [tilespmem:v1+s2+$0x0], $0xffff  }
0x639: {  	v8 =	vld [tilespmem:s1+$0x300]  }
0x63a: {  	s26 =	sadd.s32 $0x10, s26;
	v2 =	vld.idx.msk [tilespmem:v2+s2+$0x0], $0xffff  }
0x63b: {  	v9 =	vld [tilespmem:s26+$0x0]  }
0x63c: {  	v4 =	vld.idx.msk [tilespmem:v4+s2+$0x0], $0xffff  }
0x63d: {  	v10 =	vld [tilespmem:s23+$0x1A400];
	v1 =	vsub.f32 v7, v1  }
0x63e: {  	v5 =	vld.idx.msk [tilespmem:v5+s2+$0x0], $0xffff  }
0x63f: {  	v11 =	vld [tilespmem:s23+$0x1A480];
	v2 =	vsub.f32 v7, v2;
	v1 =	vand.u32 $0x7FFFFFFF, v1  }
0x640: {  	v6 =	vld.idx.msk [tilespmem:v6+s2+$0x0], $0xffff;
	v1 =	vadd.f32 v1, v9  }
0x641: {  	v42 =	vld [tilespmem:s23+$0x1A500];
	v4 =	vsub.f32 v7, v4;
	v2 =	vand.u32 $0x7FFFFFFF, v2  }
0x642: {  	v8 =	vld.idx.msk [tilespmem:v8+s2+$0x0], $0xffff;
	v1 =	vadd.f32 v2, v1  }
0x643: {  	v3 =	vld.idx.msk [tilespmem:v3+s2+$0x0], $0xffff;
	v5 =	vsub.f32 v7, v5;
	v4 =	vand.u32 $0x7FFFFFFF, v4  }
0x644: {  	v2 =	vld [tilespmem:s23+$0x1A580];
	v1 =	vadd.f32 v4, v1  }
0x645: {  	v43 =	vld [tilespmem:s23+$0x1A600];
	v6 =	vsub.f32 v7, v6;
	v5 =	vand.u32 $0x7FFFFFFF, v5  }
0x646: {  	v10 =	vld.idx.msk [tilespmem:v10+s2+$0x0], $0xffff;
	v1 =	vadd.f32 v5, v1  }
0x647: {  	v44 =	vld [tilespmem:s23+$0x1A680];
	v8 =	vsub.f32 v7, v8;
	v6 =	vand.u32 $0x7FFFFFFF, v6  }
0x648: {  	v11 =	vld.idx.msk [tilespmem:v11+s2+$0x0], $0xffff;
	v1 =	vadd.f32 v6, v1  }
0x649: {  	v45 =	vld [tilespmem:s23+$0x1A700];
	v3 =	vsub.f32 v7, v3;
	v8 =	vand.u32 $0x7FFFFFFF, v8  }
0x64a: {  	v9 =	vld.idx.msk [tilespmem:v42+s2+$0x0], $0xffff;
	v1 =	vadd.f32 v8, v1  }
0x64b: {  	v46 =	vld [tilespmem:s23+$0x1A780];
	v10 =	vsub.f32 v7, v10;
	v3 =	vand.u32 $0x7FFFFFFF, v3  }
0x64c: {  	v2 =	vld.idx.msk [tilespmem:v2+s2+$0x0], $0xffff;
	v1 =	vadd.f32 v3, v1  }
0x64d: {  	v47 =	vsub.f32 v7, v11;
	v3 =	vand.u32 $0x7FFFFFFF, v10  }
0x64e: {  	v4 =	vld.idx.msk [tilespmem:v43+s2+$0x0], $0xffff;
	v1 =	vadd.f32 v3, v1  }
0x64f: {  	v9 =	vsub.f32 v7, v9;
	v3 =	vand.u32 $0x7FFFFFFF, v47  }
0x650: {  	v5 =	vld.idx.msk [tilespmem:v44+s2+$0x0], $0xffff;
	v1 =	vadd.f32 v3, v1  }
0x651: {  	v2 =	vsub.f32 v7, v2;
	v3 =	vand.u32 $0x7FFFFFFF, v9  }
0x652: {  	v6 =	vld.idx.msk [tilespmem:v45+s2+$0x0], $0xffff;
	v1 =	vadd.f32 v3, v1  }
0x653: {  	v2 =	vand.u32 $0x7FFFFFFF, v2;
	v3 =	vsub.f32 v7, v4  }
0x654: {  	v48 =	vld.idx.msk [tilespmem:v46+s2+$0x0], $0xffff;
	v1 =	vadd.f32 v2, v1  }
0x655: {  	v2 =	vand.u32 $0x7FFFFFFF, v3;
	v3 =	vsub.f32 v7, v5  }
0x656: {  	v1 =	vadd.f32 v2, v1  }
0x657: {  	v2 =	vand.u32 $0x7FFFFFFF, v3;
	v3 =	vsub.f32 v7, v6  }
0x658: {  	v1 =	vadd.f32 v2, v1  }
0x659: {  	v2 =	vand.u32 $0x7FFFFFFF, v3;
	v3 =	vsub.f32 v7, v48  }
0x65a: {  	v1 =	vadd.f32 v2, v1  }
0x65b: {  	v2 =	vand.u32 $0x7FFFFFFF, v3  }
0x65c: {  	v1 =	vadd.f32 v2, v1;
	_ =	sdelay $0x1  }
0x65d: {  	s31 =	simm.s32 $0x0;
	[tilespmem:s26+$0x0] =	vst v1  }
0x65e: {  	[tilespmem:s22], [sflag:$0x1] =	stream.strided.gather [hbm4b:s5+s20], $0x2800, s21, s20, $0x38;
	[tilespmem:$0x1C500] =	vst v63  }
0x65f: {  	s1 =	sand.u32 $0x70, s31;
	s26 =	sand.u32 $0x1C00, s31;
	_ =	swait.ge [sflag:s19], $0x2800  }
0x660: {  	s23 =	sor.u32 s1, s26;
	[sflag:s19] =	ssyncset.done $0x0  }
0x661: {  	s26 =	sadd.s32 $0x19000, s23;
	[sflag:s19] =	ssyncadd.s32 $0xFFFFD800  }
0x662: {  	v1 =	vld [tilespmem:s26+$0x80]  }
0x663: {  	s0 =	sor.u32 s31, s31  }
0x664: {  	s0 =	sor.u32 $0x380, s0;
	v2 =	vld [tilespmem:s26+$0x100]  }
0x665: {  	v3 =	vld [tilespmem:s0+$0x19000]  }
0x666: {  	s31 =	sadd.s32 $0x0, s15;
	v49 =	vld [tilespmem:s26+$0x180]  }
0x667: {  	v50 =	vld [tilespmem:s26+$0x200];
	s0 =	sand.u32 $0x3FF80, s31  }
0x668: {  	v51 =	vld [tilespmem:s26+$0x280];
	s0 =	sor.u32 s1, s0  }
0x669: {  	v52 =	vld [tilespmem:s0+$0x0]  }
0x66a: {  	s28 =	simm.s32 $0x280;
	v1 =	vld.idx.msk [tilespmem:v1+s2+$0x0], $0xffff  }
0x66b: {  	v53 =	vld [tilespmem:s26+$0x300];
	s31 =	sand.u32 $0x780, s28  }
0x66c: {  	s26 =	sor.u32 s1, s31;
	v2 =	vld.idx.msk [tilespmem:v2+s2+$0x0], $0xffff  }
0x66d: {  	v54 =	vld [tilespmem:s26+$0x1B800]  }
0x66e: {  	v4 =	vld.idx.msk [tilespmem:v49+s2+$0x0], $0xffff  }
0x66f: {  	v55 =	vld [tilespmem:s23+$0x1A400];
	v1 =	vsub.f32 v52, v1  }
0x670: {  	v5 =	vld.idx.msk [tilespmem:v50+s2+$0x0], $0xffff  }
0x671: {  	v56 =	vld [tilespmem:s23+$0x1A480];
	v2 =	vsub.f32 v52, v2;
	v1 =	vand.u32 $0x7FFFFFFF, v1  }
0x672: {  	v6 =	vld.idx.msk [tilespmem:v51+s2+$0x0], $0xffff;
	v1 =	vadd.f32 v1, v54  }
0x673: {  	v57 =	vld [tilespmem:s23+$0x1A500];
	v4 =	vsub.f32 v52, v4;
	v2 =	vand.u32 $0x7FFFFFFF, v2  }
0x674: {  	v8 =	vld.idx.msk [tilespmem:v53+s2+$0x0], $0xffff;
	v1 =	vadd.f32 v2, v1  }
0x675: {  	v3 =	vld.idx.msk [tilespmem:v3+s2+$0x0], $0xffff;
	v5 =	vsub.f32 v52, v5;
	v4 =	vand.u32 $0x7FFFFFFF, v4  }
0x676: {  	v2 =	vld [tilespmem:s23+$0x1A580];
	v1 =	vadd.f32 v4, v1  }
0x677: {  	v58 =	vld [tilespmem:s23+$0x1A600];
	v6 =	vsub.f32 v52, v6;
	v5 =	vand.u32 $0x7FFFFFFF, v5  }
0x678: {  	v10 =	vld.idx.msk [tilespmem:v55+s2+$0x0], $0xffff;
	v1 =	vadd.f32 v5, v1  }
0x679: {  	v59 =	vld [tilespmem:s23+$0x1A680];
	v8 =	vsub.f32 v52, v8;
	v6 =	vand.u32 $0x7FFFFFFF, v6  }
0x67a: {  	v11 =	vld.idx.msk [tilespmem:v56+s2+$0x0], $0xffff;
	v1 =	vadd.f32 v6, v1  }
0x67b: {  	v60 =	vld [tilespmem:s23+$0x1A700];
	v3 =	vsub.f32 v52, v3;
	v8 =	vand.u32 $0x7FFFFFFF, v8  }
0x67c: {  	v9 =	vld.idx.msk [tilespmem:v57+s2+$0x0], $0xffff;
	v1 =	vadd.f32 v8, v1  }
0x67d: {  	v61 =	vld [tilespmem:s23+$0x1A780];
	v10 =	vsub.f32 v52, v10;
	v3 =	vand.u32 $0x7FFFFFFF, v3  }
0x67e: {  	v2 =	vld.idx.msk [tilespmem:v2+s2+$0x0], $0xffff;
	v1 =	vadd.f32 v3, v1  }
0x67f: {  	v62 =	vsub.f32 v52, v11;
	v3 =	vand.u32 $0x7FFFFFFF, v10  }
0x680: {  	v4 =	vld.idx.msk [tilespmem:v58+s2+$0x0], $0xffff;
	v1 =	vadd.f32 v3, v1  }
0x681: {  	v9 =	vsub.f32 v52, v9;
	v3 =	vand.u32 $0x7FFFFFFF, v62  }
0x682: {  	v5 =	vld.idx.msk [tilespmem:v59+s2+$0x0], $0xffff;
	v1 =	vadd.f32 v3, v1  }
0x683: {  	v2 =	vsub.f32 v52, v2;
	v3 =	vand.u32 $0x7FFFFFFF, v9  }
0x684: {  	v6 =	vld.idx.msk [tilespmem:v60+s2+$0x0], $0xffff;
	v1 =	vadd.f32 v3, v1  }
0x685: {  	v2 =	vand.u32 $0x7FFFFFFF, v2;
	v3 =	vsub.f32 v52, v4  }
0x686: {  	v63 =	vld.idx.msk [tilespmem:v61+s2+$0x0], $0xffff;
	v1 =	vadd.f32 v2, v1  }
0x687: {  	v2 =	vand.u32 $0x7FFFFFFF, v3;
	v3 =	vsub.f32 v52, v5  }
0x688: {  	v1 =	vadd.f32 v2, v1  }
0x689: {  	v2 =	vand.u32 $0x7FFFFFFF, v3;
	v3 =	vsub.f32 v52, v6  }
0x68a: {  	v1 =	vadd.f32 v2, v1  }
0x68b: {  	v2 =	vand.u32 $0x7FFFFFFF, v3;
	v3 =	vsub.f32 v52, v63  }
0x68c: {  	v1 =	vadd.f32 v2, v1  }
0x68d: {  	s29 =	simm.s32 $0x80;
	s28 =	simm.s32 $0x10;
	v2 =	vand.u32 $0x7FFFFFFF, v3  }
0x68e: {  	s30 =	simm.s32 $0x20;
	s1 =	sand.u32 $0x70, s28;
	s0 =	sand.u32 $0x1C00, s29;
	v1 =	vadd.f32 v2, v1  }
.LBB2_26:
0x68f: {  	p0 =	sne.s32 s30, $0x270;
	s31 =	sor.u32 s1, s0  }
0x690: {  	s0 =	sadd.s32 $0x19000, s31;
	[tilespmem:s26+$0x1B800] =	vst v1  }
0x691: {  	v1 =	vld [tilespmem:s0+$0x80]  }
0x692: {  	s23 =	sor.u32 s29, s28  }
0x693: {  	s23 =	sor.u32 $0x380, s23;
	v2 =	vld [tilespmem:s0+$0x100]  }
0x694: {  	v3 =	vld [tilespmem:s23+$0x19000]  }
0x695: {  	v4 =	vld [tilespmem:s0+$0x180]  }
0x696: {  	v5 =	vld [tilespmem:s0+$0x300]  }
0x697: {  	s23 =	sadd.s32 s28, s15;
	v6 =	vld [tilespmem:s0+$0x200]  }
0x698: {  	s23 =	sand.u32 $0x3FF80, s23;
	v7 =	vld [tilespmem:s0+$0x280]  }
0x699: {  	s23 =	sor.u32 s1, s23;
	s0 =	sadd.s32 $0x280, s28;
	s28 =	smov.u32 s30;
	v1 =	vld.idx.msk [tilespmem:v1+s2+$0x0], $0xffff  }
0x69a: {  	s0 =	sand.u32 $0x780, s0;
	v8 =	vld [tilespmem:s23+$0x0]  }
0x69b: {  	s26 =	sor.u32 s1, s0;
	v2 =	vld.idx.msk [tilespmem:v2+s2+$0x0], $0xffff  }
0x69c: {  	v9 =	vld [tilespmem:s26+$0x1B800]  }
0x69d: {  	v4 =	vld.idx.msk [tilespmem:v4+s2+$0x0], $0xffff  }
0x69e: {  	v10 =	vld [tilespmem:s31+$0x1A400]  }
0x69f: {  	v1 =	vsub.f32 v8, v1;
	v6 =	vld.idx.msk [tilespmem:v6+s2+$0x0], $0xffff  }
0x6a0: {  	v11 =	vld [tilespmem:s31+$0x1A480]  }
0x6a1: {  	v2 =	vsub.f32 v8, v2;
	v1 =	vand.u32 $0x7FFFFFFF, v1;
	v7 =	vld.idx.msk [tilespmem:v7+s2+$0x0], $0xffff  }
0x6a2: {  	v1 =	vadd.f32 v1, v9;
	v9 =	vld [tilespmem:s31+$0x1A500]  }
0x6a3: {  	v2 =	vand.u32 $0x7FFFFFFF, v2;
	v4 =	vsub.f32 v8, v4;
	v5 =	vld.idx.msk [tilespmem:v5+s2+$0x0], $0xffff  }
0x6a4: {  	v1 =	vadd.f32 v2, v1;
	v2 =	vld [tilespmem:s31+$0x1A580]  }
0x6a5: {  	v4 =	vand.u32 $0x7FFFFFFF, v4;
	v6 =	vsub.f32 v8, v6;
	v3 =	vld.idx.msk [tilespmem:v3+s2+$0x0], $0xffff  }
0x6a6: {  	v1 =	vadd.f32 v4, v1;
	v4 =	vld [tilespmem:s31+$0x1A600]  }
0x6a7: {  	v6 =	vand.u32 $0x7FFFFFFF, v6;
	v7 =	vsub.f32 v8, v7;
	v10 =	vld.idx.msk [tilespmem:v10+s2+$0x0], $0xffff  }
0x6a8: {  	v1 =	vadd.f32 v6, v1;
	v6 =	vld [tilespmem:s31+$0x1A680]  }
0x6a9: {  	v7 =	vand.u32 $0x7FFFFFFF, v7;
	v5 =	vsub.f32 v8, v5;
	v11 =	vld.idx.msk [tilespmem:v11+s2+$0x0], $0xffff  }
0x6aa: {  	v1 =	vadd.f32 v7, v1;
	v7 =	vld [tilespmem:s31+$0x1A700]  }
0x6ab: {  	v5 =	vand.u32 $0x7FFFFFFF, v5;
	v3 =	vsub.f32 v8, v3;
	v9 =	vld.idx.msk [tilespmem:v9+s2+$0x0], $0xffff  }
0x6ac: {  	v1 =	vadd.f32 v5, v1;
	v5 =	vld [tilespmem:s31+$0x1A780]  }
0x6ad: {  	v3 =	vand.u32 $0x7FFFFFFF, v3;
	v10 =	vsub.f32 v8, v10;
	v2 =	vld.idx.msk [tilespmem:v2+s2+$0x0], $0xffff  }
0x6ae: {  	v1 =	vadd.f32 v3, v1  }
0x6af: {  	v3 =	vand.u32 $0x7FFFFFFF, v10;
	v10 =	vsub.f32 v8, v11;
	v4 =	vld.idx.msk [tilespmem:v4+s2+$0x0], $0xffff  }
0x6b0: {  	v1 =	vadd.f32 v3, v1  }
0x6b1: {  	v3 =	vand.u32 $0x7FFFFFFF, v10;
	v9 =	vsub.f32 v8, v9;
	v6 =	vld.idx.msk [tilespmem:v6+s2+$0x0], $0xffff  }
0x6b2: {  	v1 =	vadd.f32 v3, v1  }
0x6b3: {  	v3 =	vand.u32 $0x7FFFFFFF, v9;
	v2 =	vsub.f32 v8, v2;
	v7 =	vld.idx.msk [tilespmem:v7+s2+$0x0], $0xffff  }
0x6b4: {  	v1 =	vadd.f32 v3, v1  }
0x6b5: {  	v2 =	vand.u32 $0x7FFFFFFF, v2;
	v3 =	vsub.f32 v8, v4;
	v4 =	vld.idx.msk [tilespmem:v5+s2+$0x0], $0xffff  }
0x6b6: {  	v1 =	vadd.f32 v2, v1  }
0x6b7: {  	v2 =	vand.u32 $0x7FFFFFFF, v3;
	v3 =	vsub.f32 v8, v6  }
0x6b8: {  	v1 =	vadd.f32 v2, v1  }
0x6b9: {  	v2 =	vand.u32 $0x7FFFFFFF, v3;
	v3 =	vsub.f32 v8, v7  }
.Ltmp12:
0x6ba: {  	v1 =	vadd.f32 v2, v1;
	(pc) =	sbr.rel @p0 .LBB2_26-.Ltmp12, $4  }
0x6bb: {  	v2 =	vand.u32 $0x7FFFFFFF, v3;
	v3 =	vsub.f32 v8, v4  }
0x6bc: {  	v1 =	vadd.f32 v2, v1  }
0x6bd: {  	s29 =	sadd.s32 $0x80, s29;
	v2 =	vand.u32 $0x7FFFFFFF, v3  }
0x6be: {  	s30 =	sadd.s32 $0x10, s30;
	s1 =	sand.u32 $0x70, s28;
	s0 =	sand.u32 $0x1C00, s29;
	v1 =	vadd.f32 v2, v1  }
0x6bf: {  	s0 =	sor.u32 s1, s0  }
0x6c0: {  	s23 =	sadd.s32 $0x19000, s0;
	[tilespmem:s26+$0x1B800] =	vst v1  }
0x6c1: {  	v1 =	vld [tilespmem:s23+$0x80]  }
0x6c2: {  	s31 =	sor.u32 s29, s28  }
0x6c3: {  	s26 =	sor.u32 $0x380, s31;
	v2 =	vld [tilespmem:s23+$0x100]  }
0x6c4: {  	v3 =	vld [tilespmem:s26+$0x19000]  }
0x6c5: {  	s31 =	sadd.s32 s28, s15;
	v4 =	vld [tilespmem:s23+$0x180]  }
0x6c6: {  	v5 =	vld [tilespmem:s23+$0x200];
	s26 =	sand.u32 $0x3FF80, s31  }
0x6c7: {  	v6 =	vld [tilespmem:s23+$0x280];
	s26 =	sor.u32 s1, s26  }
0x6c8: {  	v7 =	vld [tilespmem:s26+$0x0]  }
0x6c9: {  	s28 =	sadd.s32 $0x280, s28;
	v1 =	vld.idx.msk [tilespmem:v1+s2+$0x0], $0xffff  }
0x6ca: {  	v8 =	vld [tilespmem:s23+$0x300];
	s31 =	sand.u32 $0x780, s28  }
0x6cb: {  	s26 =	sor.u32 s1, s31;
	v2 =	vld.idx.msk [tilespmem:v2+s2+$0x0], $0xffff  }
0x6cc: {  	v9 =	vld [tilespmem:s26+$0x1B800]  }
0x6cd: {  	v4 =	vld.idx.msk [tilespmem:v4+s2+$0x0], $0xffff  }
0x6ce: {  	v10 =	vld [tilespmem:s0+$0x1A400];
	v1 =	vsub.f32 v7, v1  }
0x6cf: {  	v5 =	vld.idx.msk [tilespmem:v5+s2+$0x0], $0xffff  }
0x6d0: {  	v11 =	vld [tilespmem:s0+$0x1A480];
	v2 =	vsub.f32 v7, v2;
	v1 =	vand.u32 $0x7FFFFFFF, v1  }
0x6d1: {  	v6 =	vld.idx.msk [tilespmem:v6+s2+$0x0], $0xffff;
	v1 =	vadd.f32 v1, v9  }
0x6d2: {  	v42 =	vld [tilespmem:s0+$0x1A500];
	v4 =	vsub.f32 v7, v4;
	v2 =	vand.u32 $0x7FFFFFFF, v2  }
0x6d3: {  	v8 =	vld.idx.msk [tilespmem:v8+s2+$0x0], $0xffff;
	v1 =	vadd.f32 v2, v1  }
0x6d4: {  	v3 =	vld.idx.msk [tilespmem:v3+s2+$0x0], $0xffff;
	v5 =	vsub.f32 v7, v5;
	v4 =	vand.u32 $0x7FFFFFFF, v4  }
0x6d5: {  	v2 =	vld [tilespmem:s0+$0x1A580];
	v1 =	vadd.f32 v4, v1  }
0x6d6: {  	v43 =	vld [tilespmem:s0+$0x1A600];
	v6 =	vsub.f32 v7, v6;
	v5 =	vand.u32 $0x7FFFFFFF, v5  }
0x6d7: {  	v10 =	vld.idx.msk [tilespmem:v10+s2+$0x0], $0xffff;
	v1 =	vadd.f32 v5, v1  }
0x6d8: {  	v44 =	vld [tilespmem:s0+$0x1A680];
	v8 =	vsub.f32 v7, v8;
	v6 =	vand.u32 $0x7FFFFFFF, v6  }
0x6d9: {  	v11 =	vld.idx.msk [tilespmem:v11+s2+$0x0], $0xffff;
	v1 =	vadd.f32 v6, v1  }
0x6da: {  	v45 =	vld [tilespmem:s0+$0x1A700];
	v3 =	vsub.f32 v7, v3;
	v8 =	vand.u32 $0x7FFFFFFF, v8  }
0x6db: {  	v9 =	vld.idx.msk [tilespmem:v42+s2+$0x0], $0xffff;
	v1 =	vadd.f32 v8, v1  }
0x6dc: {  	v46 =	vld [tilespmem:s0+$0x1A780];
	v10 =	vsub.f32 v7, v10;
	v3 =	vand.u32 $0x7FFFFFFF, v3  }
0x6dd: {  	v2 =	vld.idx.msk [tilespmem:v2+s2+$0x0], $0xffff;
	v1 =	vadd.f32 v3, v1  }
0x6de: {  	v47 =	vsub.f32 v7, v11;
	v3 =	vand.u32 $0x7FFFFFFF, v10  }
0x6df: {  	v4 =	vld.idx.msk [tilespmem:v43+s2+$0x0], $0xffff;
	v1 =	vadd.f32 v3, v1  }
0x6e0: {  	v9 =	vsub.f32 v7, v9;
	v3 =	vand.u32 $0x7FFFFFFF, v47  }
0x6e1: {  	v5 =	vld.idx.msk [tilespmem:v44+s2+$0x0], $0xffff;
	v1 =	vadd.f32 v3, v1  }
0x6e2: {  	v2 =	vsub.f32 v7, v2;
	v3 =	vand.u32 $0x7FFFFFFF, v9  }
0x6e3: {  	v6 =	vld.idx.msk [tilespmem:v45+s2+$0x0], $0xffff;
	v1 =	vadd.f32 v3, v1  }
0x6e4: {  	v2 =	vand.u32 $0x7FFFFFFF, v2;
	v3 =	vsub.f32 v7, v4  }
0x6e5: {  	v48 =	vld.idx.msk [tilespmem:v46+s2+$0x0], $0xffff;
	v1 =	vadd.f32 v2, v1  }
0x6e6: {  	v2 =	vand.u32 $0x7FFFFFFF, v3;
	v3 =	vsub.f32 v7, v5  }
0x6e7: {  	v1 =	vadd.f32 v2, v1  }
0x6e8: {  	v2 =	vand.u32 $0x7FFFFFFF, v3;
	v3 =	vsub.f32 v7, v6  }
0x6e9: {  	v1 =	vadd.f32 v2, v1  }
0x6ea: {  	v2 =	vand.u32 $0x7FFFFFFF, v3;
	v3 =	vsub.f32 v7, v48  }
0x6eb: {  	v1 =	vadd.f32 v2, v1  }
0x6ec: {  	v2 =	vand.u32 $0x7FFFFFFF, v3  }
0x6ed: {  	v1 =	vadd.f32 v2, v1;
	_ =	sdelay $0x1  }
0x6ee: {  	s31 =	simm.s32 $0x0;
	[tilespmem:s26+$0x1B800] =	vst v1  }
0x6ef: {  	[tilespmem:s22], [sflag:$0x1] =	stream.strided.gather [hbm4b:s6+s20], $0x2800, s21, s20, $0x38;
	[tilespmem:$0x1C500] =	vst v63  }
0x6f0: {  	s1 =	sand.u32 $0x70, s31;
	s26 =	sand.u32 $0x1C00, s31;
	_ =	swait.ge [sflag:s19], $0x2800  }
0x6f1: {  	s23 =	sor.u32 s1, s26;
	[sflag:s19] =	ssyncset.done $0x0  }
0x6f2: {  	s26 =	sadd.s32 $0x19000, s23;
	[sflag:s19] =	ssyncadd.s32 $0xFFFFD800  }
0x6f3: {  	v1 =	vld [tilespmem:s26+$0x80]  }
0x6f4: {  	s0 =	sor.u32 s31, s31  }
0x6f5: {  	s0 =	sor.u32 $0x380, s0;
	v2 =	vld [tilespmem:s26+$0x100]  }
0x6f6: {  	v3 =	vld [tilespmem:s0+$0x19000]  }
0x6f7: {  	s31 =	sadd.s32 $0x0, s16;
	v49 =	vld [tilespmem:s26+$0x180]  }
0x6f8: {  	v50 =	vld [tilespmem:s26+$0x200];
	s0 =	sand.u32 $0x3FF80, s31  }
0x6f9: {  	v51 =	vld [tilespmem:s26+$0x280];
	s0 =	sor.u32 s1, s0  }
0x6fa: {  	v52 =	vld [tilespmem:s0+$0x0]  }
0x6fb: {  	s28 =	simm.s32 $0x500;
	v1 =	vld.idx.msk [tilespmem:v1+s2+$0x0], $0xffff  }
0x6fc: {  	v53 =	vld [tilespmem:s26+$0x300];
	s31 =	sand.u32 $0xF80, s28  }
0x6fd: {  	s26 =	sor.u32 s1, s31;
	v2 =	vld.idx.msk [tilespmem:v2+s2+$0x0], $0xffff  }
0x6fe: {  	v54 =	vld [tilespmem:s26+$0x1B800]  }
0x6ff: {  	v4 =	vld.idx.msk [tilespmem:v49+s2+$0x0], $0xffff  }
0x700: {  	v55 =	vld [tilespmem:s23+$0x1A400];
	v1 =	vsub.f32 v52, v1  }
0x701: {  	v5 =	vld.idx.msk [tilespmem:v50+s2+$0x0], $0xffff  }
0x702: {  	v56 =	vld [tilespmem:s23+$0x1A480];
	v2 =	vsub.f32 v52, v2;
	v1 =	vand.u32 $0x7FFFFFFF, v1  }
0x703: {  	v6 =	vld.idx.msk [tilespmem:v51+s2+$0x0], $0xffff;
	v1 =	vadd.f32 v1, v54  }
0x704: {  	v57 =	vld [tilespmem:s23+$0x1A500];
	v4 =	vsub.f32 v52, v4;
	v2 =	vand.u32 $0x7FFFFFFF, v2  }
0x705: {  	v8 =	vld.idx.msk [tilespmem:v53+s2+$0x0], $0xffff;
	v1 =	vadd.f32 v2, v1  }
0x706: {  	v3 =	vld.idx.msk [tilespmem:v3+s2+$0x0], $0xffff;
	v5 =	vsub.f32 v52, v5;
	v4 =	vand.u32 $0x7FFFFFFF, v4  }
0x707: {  	v2 =	vld [tilespmem:s23+$0x1A580];
	v1 =	vadd.f32 v4, v1  }
0x708: {  	v58 =	vld [tilespmem:s23+$0x1A600];
	v6 =	vsub.f32 v52, v6;
	v5 =	vand.u32 $0x7FFFFFFF, v5  }
0x709: {  	v10 =	vld.idx.msk [tilespmem:v55+s2+$0x0], $0xffff;
	v1 =	vadd.f32 v5, v1  }
0x70a: {  	v59 =	vld [tilespmem:s23+$0x1A680];
	v8 =	vsub.f32 v52, v8;
	v6 =	vand.u32 $0x7FFFFFFF, v6  }
0x70b: {  	v11 =	vld.idx.msk [tilespmem:v56+s2+$0x0], $0xffff;
	v1 =	vadd.f32 v6, v1  }
0x70c: {  	v60 =	vld [tilespmem:s23+$0x1A700];
	v3 =	vsub.f32 v52, v3;
	v8 =	vand.u32 $0x7FFFFFFF, v8  }
0x70d: {  	v9 =	vld.idx.msk [tilespmem:v57+s2+$0x0], $0xffff;
	v1 =	vadd.f32 v8, v1  }
0x70e: {  	v61 =	vld [tilespmem:s23+$0x1A780];
	v10 =	vsub.f32 v52, v10;
	v3 =	vand.u32 $0x7FFFFFFF, v3  }
0x70f: {  	v2 =	vld.idx.msk [tilespmem:v2+s2+$0x0], $0xffff;
	v1 =	vadd.f32 v3, v1  }
0x710: {  	v62 =	vsub.f32 v52, v11;
	v3 =	vand.u32 $0x7FFFFFFF, v10  }
0x711: {  	v4 =	vld.idx.msk [tilespmem:v58+s2+$0x0], $0xffff;
	v1 =	vadd.f32 v3, v1  }
0x712: {  	v9 =	vsub.f32 v52, v9;
	v3 =	vand.u32 $0x7FFFFFFF, v62  }
0x713: {  	v5 =	vld.idx.msk [tilespmem:v59+s2+$0x0], $0xffff;
	v1 =	vadd.f32 v3, v1  }
0x714: {  	v2 =	vsub.f32 v52, v2;
	v3 =	vand.u32 $0x7FFFFFFF, v9  }
0x715: {  	v6 =	vld.idx.msk [tilespmem:v60+s2+$0x0], $0xffff;
	v1 =	vadd.f32 v3, v1  }
0x716: {  	v2 =	vand.u32 $0x7FFFFFFF, v2;
	v3 =	vsub.f32 v52, v4  }
0x717: {  	v63 =	vld.idx.msk [tilespmem:v61+s2+$0x0], $0xffff;
	v1 =	vadd.f32 v2, v1  }
0x718: {  	v2 =	vand.u32 $0x7FFFFFFF, v3;
	v3 =	vsub.f32 v52, v5  }
0x719: {  	v1 =	vadd.f32 v2, v1  }
0x71a: {  	v2 =	vand.u32 $0x7FFFFFFF, v3;
	v3 =	vsub.f32 v52, v6  }
0x71b: {  	v1 =	vadd.f32 v2, v1  }
0x71c: {  	v2 =	vand.u32 $0x7FFFFFFF, v3;
	v3 =	vsub.f32 v52, v63  }
0x71d: {  	v1 =	vadd.f32 v2, v1  }
0x71e: {  	s29 =	simm.s32 $0x80;
	s28 =	simm.s32 $0x10;
	v2 =	vand.u32 $0x7FFFFFFF, v3  }
0x71f: {  	s30 =	simm.s32 $0x20;
	s1 =	sand.u32 $0x70, s28;
	s0 =	sand.u32 $0x1C00, s29;
	v1 =	vadd.f32 v2, v1  }
.LBB2_28:
0x720: {  	p0 =	sne.s32 s30, $0x270;
	s31 =	sor.u32 s1, s0  }
0x721: {  	s0 =	sadd.s32 $0x19000, s31;
	[tilespmem:s26+$0x1B800] =	vst v1  }
0x722: {  	v1 =	vld [tilespmem:s0+$0x80]  }
0x723: {  	s23 =	sor.u32 s29, s28  }
0x724: {  	s23 =	sor.u32 $0x380, s23;
	v2 =	vld [tilespmem:s0+$0x100]  }
0x725: {  	v3 =	vld [tilespmem:s23+$0x19000]  }
0x726: {  	v4 =	vld [tilespmem:s0+$0x180]  }
0x727: {  	v5 =	vld [tilespmem:s0+$0x300]  }
0x728: {  	s23 =	sadd.s32 s28, s16;
	v6 =	vld [tilespmem:s0+$0x200]  }
0x729: {  	s23 =	sand.u32 $0x3FF80, s23;
	v7 =	vld [tilespmem:s0+$0x280]  }
0x72a: {  	s23 =	sor.u32 s1, s23;
	s0 =	sadd.s32 $0x500, s28;
	s28 =	smov.u32 s30;
	v1 =	vld.idx.msk [tilespmem:v1+s2+$0x0], $0xffff  }
0x72b: {  	s0 =	sand.u32 $0xF80, s0;
	v8 =	vld [tilespmem:s23+$0x0]  }
0x72c: {  	s26 =	sor.u32 s1, s0;
	v2 =	vld.idx.msk [tilespmem:v2+s2+$0x0], $0xffff  }
0x72d: {  	v9 =	vld [tilespmem:s26+$0x1B800]  }
0x72e: {  	v4 =	vld.idx.msk [tilespmem:v4+s2+$0x0], $0xffff  }
0x72f: {  	v10 =	vld [tilespmem:s31+$0x1A400]  }
0x730: {  	v1 =	vsub.f32 v8, v1;
	v6 =	vld.idx.msk [tilespmem:v6+s2+$0x0], $0xffff  }
0x731: {  	v11 =	vld [tilespmem:s31+$0x1A480]  }
0x732: {  	v2 =	vsub.f32 v8, v2;
	v1 =	vand.u32 $0x7FFFFFFF, v1;
	v7 =	vld.idx.msk [tilespmem:v7+s2+$0x0], $0xffff  }
0x733: {  	v1 =	vadd.f32 v1, v9;
	v9 =	vld [tilespmem:s31+$0x1A500]  }
0x734: {  	v2 =	vand.u32 $0x7FFFFFFF, v2;
	v4 =	vsub.f32 v8, v4;
	v5 =	vld.idx.msk [tilespmem:v5+s2+$0x0], $0xffff  }
0x735: {  	v1 =	vadd.f32 v2, v1;
	v2 =	vld [tilespmem:s31+$0x1A580]  }
0x736: {  	v4 =	vand.u32 $0x7FFFFFFF, v4;
	v6 =	vsub.f32 v8, v6;
	v3 =	vld.idx.msk [tilespmem:v3+s2+$0x0], $0xffff  }
0x737: {  	v1 =	vadd.f32 v4, v1;
	v4 =	vld [tilespmem:s31+$0x1A600]  }
0x738: {  	v6 =	vand.u32 $0x7FFFFFFF, v6;
	v7 =	vsub.f32 v8, v7;
	v10 =	vld.idx.msk [tilespmem:v10+s2+$0x0], $0xffff  }
0x739: {  	v1 =	vadd.f32 v6, v1;
	v6 =	vld [tilespmem:s31+$0x1A680]  }
0x73a: {  	v7 =	vand.u32 $0x7FFFFFFF, v7;
	v5 =	vsub.f32 v8, v5;
	v11 =	vld.idx.msk [tilespmem:v11+s2+$0x0], $0xffff  }
0x73b: {  	v1 =	vadd.f32 v7, v1;
	v7 =	vld [tilespmem:s31+$0x1A700]  }
0x73c: {  	v5 =	vand.u32 $0x7FFFFFFF, v5;
	v3 =	vsub.f32 v8, v3;
	v9 =	vld.idx.msk [tilespmem:v9+s2+$0x0], $0xffff  }
0x73d: {  	v1 =	vadd.f32 v5, v1;
	v5 =	vld [tilespmem:s31+$0x1A780]  }
0x73e: {  	v3 =	vand.u32 $0x7FFFFFFF, v3;
	v10 =	vsub.f32 v8, v10;
	v2 =	vld.idx.msk [tilespmem:v2+s2+$0x0], $0xffff  }
0x73f: {  	v1 =	vadd.f32 v3, v1  }
0x740: {  	v3 =	vand.u32 $0x7FFFFFFF, v10;
	v10 =	vsub.f32 v8, v11;
	v4 =	vld.idx.msk [tilespmem:v4+s2+$0x0], $0xffff  }
0x741: {  	v1 =	vadd.f32 v3, v1  }
0x742: {  	v3 =	vand.u32 $0x7FFFFFFF, v10;
	v9 =	vsub.f32 v8, v9;
	v6 =	vld.idx.msk [tilespmem:v6+s2+$0x0], $0xffff  }
0x743: {  	v1 =	vadd.f32 v3, v1  }
0x744: {  	v3 =	vand.u32 $0x7FFFFFFF, v9;
	v2 =	vsub.f32 v8, v2;
	v7 =	vld.idx.msk [tilespmem:v7+s2+$0x0], $0xffff  }
0x745: {  	v1 =	vadd.f32 v3, v1  }
0x746: {  	v2 =	vand.u32 $0x7FFFFFFF, v2;
	v3 =	vsub.f32 v8, v4;
	v4 =	vld.idx.msk [tilespmem:v5+s2+$0x0], $0xffff  }
0x747: {  	v1 =	vadd.f32 v2, v1  }
0x748: {  	v2 =	vand.u32 $0x7FFFFFFF, v3;
	v3 =	vsub.f32 v8, v6  }
0x749: {  	v1 =	vadd.f32 v2, v1  }
0x74a: {  	v2 =	vand.u32 $0x7FFFFFFF, v3;
	v3 =	vsub.f32 v8, v7  }
.Ltmp13:
0x74b: {  	v1 =	vadd.f32 v2, v1;
	(pc) =	sbr.rel @p0 .LBB2_28-.Ltmp13, $4  }
0x74c: {  	v2 =	vand.u32 $0x7FFFFFFF, v3;
	v3 =	vsub.f32 v8, v4  }
0x74d: {  	v1 =	vadd.f32 v2, v1  }
0x74e: {  	s29 =	sadd.s32 $0x80, s29;
	v2 =	vand.u32 $0x7FFFFFFF, v3  }
0x74f: {  	s30 =	sadd.s32 $0x10, s30;
	s1 =	sand.u32 $0x70, s28;
	s0 =	sand.u32 $0x1C00, s29;
	v1 =	vadd.f32 v2, v1  }
0x750: {  	s0 =	sor.u32 s1, s0  }
0x751: {  	s23 =	sadd.s32 $0x19000, s0;
	[tilespmem:s26+$0x1B800] =	vst v1  }
0x752: {  	v1 =	vld [tilespmem:s23+$0x80]  }
0x753: {  	s31 =	sor.u32 s29, s28  }
0x754: {  	s26 =	sor.u32 $0x380, s31;
	v2 =	vld [tilespmem:s23+$0x100]  }
0x755: {  	v3 =	vld [tilespmem:s26+$0x19000]  }
0x756: {  	s31 =	sadd.s32 s28, s16;
	v4 =	vld [tilespmem:s23+$0x180]  }
0x757: {  	v5 =	vld [tilespmem:s23+$0x200];
	s26 =	sand.u32 $0x3FF80, s31  }
0x758: {  	v6 =	vld [tilespmem:s23+$0x280];
	s26 =	sor.u32 s1, s26  }
0x759: {  	v7 =	vld [tilespmem:s26+$0x0]  }
0x75a: {  	s28 =	sadd.s32 $0x500, s28;
	v1 =	vld.idx.msk [tilespmem:v1+s2+$0x0], $0xffff  }
0x75b: {  	v8 =	vld [tilespmem:s23+$0x300];
	s31 =	sand.u32 $0xF80, s28  }
0x75c: {  	s26 =	sor.u32 s1, s31;
	v2 =	vld.idx.msk [tilespmem:v2+s2+$0x0], $0xffff  }
0x75d: {  	v9 =	vld [tilespmem:s26+$0x1B800]  }
0x75e: {  	v4 =	vld.idx.msk [tilespmem:v4+s2+$0x0], $0xffff  }
0x75f: {  	v10 =	vld [tilespmem:s0+$0x1A400];
	v1 =	vsub.f32 v7, v1  }
0x760: {  	v5 =	vld.idx.msk [tilespmem:v5+s2+$0x0], $0xffff  }
0x761: {  	v11 =	vld [tilespmem:s0+$0x1A480];
	v2 =	vsub.f32 v7, v2;
	v1 =	vand.u32 $0x7FFFFFFF, v1  }
0x762: {  	v6 =	vld.idx.msk [tilespmem:v6+s2+$0x0], $0xffff;
	v1 =	vadd.f32 v1, v9  }
0x763: {  	v42 =	vld [tilespmem:s0+$0x1A500];
	v4 =	vsub.f32 v7, v4;
	v2 =	vand.u32 $0x7FFFFFFF, v2  }
0x764: {  	v8 =	vld.idx.msk [tilespmem:v8+s2+$0x0], $0xffff;
	v1 =	vadd.f32 v2, v1  }
0x765: {  	v3 =	vld.idx.msk [tilespmem:v3+s2+$0x0], $0xffff;
	v5 =	vsub.f32 v7, v5;
	v4 =	vand.u32 $0x7FFFFFFF, v4  }
0x766: {  	v2 =	vld [tilespmem:s0+$0x1A580];
	v1 =	vadd.f32 v4, v1  }
0x767: {  	v43 =	vld [tilespmem:s0+$0x1A600];
	v6 =	vsub.f32 v7, v6;
	v5 =	vand.u32 $0x7FFFFFFF, v5  }
0x768: {  	v10 =	vld.idx.msk [tilespmem:v10+s2+$0x0], $0xffff;
	v1 =	vadd.f32 v5, v1  }
0x769: {  	v44 =	vld [tilespmem:s0+$0x1A680];
	v8 =	vsub.f32 v7, v8;
	v6 =	vand.u32 $0x7FFFFFFF, v6  }
0x76a: {  	v11 =	vld.idx.msk [tilespmem:v11+s2+$0x0], $0xffff;
	v1 =	vadd.f32 v6, v1  }
0x76b: {  	v45 =	vld [tilespmem:s0+$0x1A700];
	v3 =	vsub.f32 v7, v3;
	v8 =	vand.u32 $0x7FFFFFFF, v8  }
0x76c: {  	v9 =	vld.idx.msk [tilespmem:v42+s2+$0x0], $0xffff;
	v1 =	vadd.f32 v8, v1  }
0x76d: {  	v46 =	vld [tilespmem:s0+$0x1A780];
	v10 =	vsub.f32 v7, v10;
	v3 =	vand.u32 $0x7FFFFFFF, v3  }
0x76e: {  	v2 =	vld.idx.msk [tilespmem:v2+s2+$0x0], $0xffff;
	v1 =	vadd.f32 v3, v1  }
0x76f: {  	v47 =	vsub.f32 v7, v11;
	v3 =	vand.u32 $0x7FFFFFFF, v10  }
0x770: {  	v4 =	vld.idx.msk [tilespmem:v43+s2+$0x0], $0xffff;
	v1 =	vadd.f32 v3, v1  }
0x771: {  	v9 =	vsub.f32 v7, v9;
	v3 =	vand.u32 $0x7FFFFFFF, v47  }
0x772: {  	v5 =	vld.idx.msk [tilespmem:v44+s2+$0x0], $0xffff;
	v1 =	vadd.f32 v3, v1  }
0x773: {  	v2 =	vsub.f32 v7, v2;
	v3 =	vand.u32 $0x7FFFFFFF, v9  }
0x774: {  	v6 =	vld.idx.msk [tilespmem:v45+s2+$0x0], $0xffff;
	v1 =	vadd.f32 v3, v1  }
0x775: {  	v2 =	vand.u32 $0x7FFFFFFF, v2;
	v3 =	vsub.f32 v7, v4  }
0x776: {  	v48 =	vld.idx.msk [tilespmem:v46+s2+$0x0], $0xffff;
	v1 =	vadd.f32 v2, v1  }
0x777: {  	v2 =	vand.u32 $0x7FFFFFFF, v3;
	v3 =	vsub.f32 v7, v5  }
0x778: {  	v1 =	vadd.f32 v2, v1  }
0x779: {  	v2 =	vand.u32 $0x7FFFFFFF, v3;
	v3 =	vsub.f32 v7, v6  }
0x77a: {  	v1 =	vadd.f32 v2, v1  }
0x77b: {  	v2 =	vand.u32 $0x7FFFFFFF, v3;
	v3 =	vsub.f32 v7, v48  }
0x77c: {  	v1 =	vadd.f32 v2, v1  }
0x77d: {  	v2 =	vand.u32 $0x7FFFFFFF, v3  }
0x77e: {  	v1 =	vadd.f32 v2, v1;
	_ =	sdelay $0x1  }
0x77f: {  	s31 =	simm.s32 $0x0;
	[tilespmem:s26+$0x1B800] =	vst v1  }
0x780: {  	[tilespmem:s22], [sflag:$0x1] =	stream.strided.gather [hbm4b:s7+s20], $0x2800, s21, s20, $0x38;
	[tilespmem:$0x1C500] =	vst v63  }
0x781: {  	s1 =	sand.u32 $0x70, s31;
	s26 =	sand.u32 $0x1C00, s31;
	_ =	swait.ge [sflag:s19], $0x2800  }
0x782: {  	s23 =	sor.u32 s1, s26;
	[sflag:s19] =	ssyncset.done $0x0  }
0x783: {  	s26 =	sadd.s32 $0x19000, s23;
	[sflag:s19] =	ssyncadd.s32 $0xFFFFD800  }
0x784: {  	v1 =	vld [tilespmem:s26+$0x80]  }
0x785: {  	s0 =	sor.u32 s31, s31  }
0x786: {  	s0 =	sor.u32 $0x380, s0;
	v2 =	vld [tilespmem:s26+$0x100]  }
0x787: {  	v3 =	vld [tilespmem:s0+$0x19000]  }
0x788: {  	s31 =	sadd.s32 $0x0, s17;
	v49 =	vld [tilespmem:s26+$0x180]  }
0x789: {  	v50 =	vld [tilespmem:s26+$0x200];
	s0 =	sand.u32 $0x3FF80, s31  }
0x78a: {  	v51 =	vld [tilespmem:s26+$0x280];
	s0 =	sor.u32 s1, s0  }
0x78b: {  	v52 =	vld [tilespmem:s0+$0x0]  }
0x78c: {  	s28 =	simm.s32 $0x780;
	v1 =	vld.idx.msk [tilespmem:v1+s2+$0x0], $0xffff  }
0x78d: {  	v53 =	vld [tilespmem:s26+$0x300];
	s31 =	sand.u32 $0xF80, s28  }
0x78e: {  	s26 =	sor.u32 s1, s31;
	v2 =	vld.idx.msk [tilespmem:v2+s2+$0x0], $0xffff  }
0x78f: {  	v54 =	vld [tilespmem:s26+$0x1B800]  }
0x790: {  	v4 =	vld.idx.msk [tilespmem:v49+s2+$0x0], $0xffff  }
0x791: {  	v55 =	vld [tilespmem:s23+$0x1A400];
	v1 =	vsub.f32 v52, v1  }
0x792: {  	v5 =	vld.idx.msk [tilespmem:v50+s2+$0x0], $0xffff  }
0x793: {  	v56 =	vld [tilespmem:s23+$0x1A480];
	v2 =	vsub.f32 v52, v2;
	v1 =	vand.u32 $0x7FFFFFFF, v1  }
0x794: {  	v6 =	vld.idx.msk [tilespmem:v51+s2+$0x0], $0xffff;
	v1 =	vadd.f32 v1, v54  }
0x795: {  	v57 =	vld [tilespmem:s23+$0x1A500];
	v4 =	vsub.f32 v52, v4;
	v2 =	vand.u32 $0x7FFFFFFF, v2  }
0x796: {  	v8 =	vld.idx.msk [tilespmem:v53+s2+$0x0], $0xffff;
	v1 =	vadd.f32 v2, v1  }
0x797: {  	v3 =	vld.idx.msk [tilespmem:v3+s2+$0x0], $0xffff;
	v5 =	vsub.f32 v52, v5;
	v4 =	vand.u32 $0x7FFFFFFF, v4  }
0x798: {  	v2 =	vld [tilespmem:s23+$0x1A580];
	v1 =	vadd.f32 v4, v1  }
0x799: {  	v58 =	vld [tilespmem:s23+$0x1A600];
	v6 =	vsub.f32 v52, v6;
	v5 =	vand.u32 $0x7FFFFFFF, v5  }
0x79a: {  	v10 =	vld.idx.msk [tilespmem:v55+s2+$0x0], $0xffff;
	v1 =	vadd.f32 v5, v1  }
0x79b: {  	v59 =	vld [tilespmem:s23+$0x1A680];
	v8 =	vsub.f32 v52, v8;
	v6 =	vand.u32 $0x7FFFFFFF, v6  }
0x79c: {  	v11 =	vld.idx.msk [tilespmem:v56+s2+$0x0], $0xffff;
	v1 =	vadd.f32 v6, v1  }
0x79d: {  	v60 =	vld [tilespmem:s23+$0x1A700];
	v3 =	vsub.f32 v52, v3;
	v8 =	vand.u32 $0x7FFFFFFF, v8  }
0x79e: {  	v9 =	vld.idx.msk [tilespmem:v57+s2+$0x0], $0xffff;
	v1 =	vadd.f32 v8, v1  }
0x79f: {  	v61 =	vld [tilespmem:s23+$0x1A780];
	v10 =	vsub.f32 v52, v10;
	v3 =	vand.u32 $0x7FFFFFFF, v3  }
0x7a0: {  	v2 =	vld.idx.msk [tilespmem:v2+s2+$0x0], $0xffff;
	v1 =	vadd.f32 v3, v1  }
0x7a1: {  	v62 =	vsub.f32 v52, v11;
	v3 =	vand.u32 $0x7FFFFFFF, v10  }
0x7a2: {  	v4 =	vld.idx.msk [tilespmem:v58+s2+$0x0], $0xffff;
	v1 =	vadd.f32 v3, v1  }
0x7a3: {  	v9 =	vsub.f32 v52, v9;
	v3 =	vand.u32 $0x7FFFFFFF, v62  }
0x7a4: {  	v5 =	vld.idx.msk [tilespmem:v59+s2+$0x0], $0xffff;
	v1 =	vadd.f32 v3, v1  }
0x7a5: {  	v2 =	vsub.f32 v52, v2;
	v3 =	vand.u32 $0x7FFFFFFF, v9  }
0x7a6: {  	v6 =	vld.idx.msk [tilespmem:v60+s2+$0x0], $0xffff;
	v1 =	vadd.f32 v3, v1  }
0x7a7: {  	v2 =	vand.u32 $0x7FFFFFFF, v2;
	v3 =	vsub.f32 v52, v4  }
0x7a8: {  	v63 =	vld.idx.msk [tilespmem:v61+s2+$0x0], $0xffff;
	v1 =	vadd.f32 v2, v1  }
0x7a9: {  	v2 =	vand.u32 $0x7FFFFFFF, v3;
	v3 =	vsub.f32 v52, v5  }
0x7aa: {  	v1 =	vadd.f32 v2, v1  }
0x7ab: {  	v2 =	vand.u32 $0x7FFFFFFF, v3;
	v3 =	vsub.f32 v52, v6  }
0x7ac: {  	v1 =	vadd.f32 v2, v1  }
0x7ad: {  	v2 =	vand.u32 $0x7FFFFFFF, v3;
	v3 =	vsub.f32 v52, v63  }
0x7ae: {  	v1 =	vadd.f32 v2, v1  }
0x7af: {  	s29 =	simm.s32 $0x80;
	s28 =	simm.s32 $0x10;
	v2 =	vand.u32 $0x7FFFFFFF, v3  }
0x7b0: {  	s30 =	simm.s32 $0x20;
	s1 =	sand.u32 $0x70, s28;
	s0 =	sand.u32 $0x1C00, s29;
	v1 =	vadd.f32 v2, v1  }
.LBB2_30:
0x7b1: {  	p0 =	sne.s32 s30, $0x270;
	s31 =	sor.u32 s1, s0  }
0x7b2: {  	s0 =	sadd.s32 $0x19000, s31;
	[tilespmem:s26+$0x1B800] =	vst v1  }
0x7b3: {  	v1 =	vld [tilespmem:s0+$0x80]  }
0x7b4: {  	s23 =	sor.u32 s29, s28  }
0x7b5: {  	s23 =	sor.u32 $0x380, s23;
	v2 =	vld [tilespmem:s0+$0x100]  }
0x7b6: {  	v3 =	vld [tilespmem:s23+$0x19000]  }
0x7b7: {  	v4 =	vld [tilespmem:s0+$0x180]  }
0x7b8: {  	v5 =	vld [tilespmem:s0+$0x300]  }
0x7b9: {  	s23 =	sadd.s32 s28, s17;
	v6 =	vld [tilespmem:s0+$0x200]  }
0x7ba: {  	s23 =	sand.u32 $0x3FF80, s23;
	v7 =	vld [tilespmem:s0+$0x280]  }
0x7bb: {  	s23 =	sor.u32 s1, s23;
	s0 =	sadd.s32 $0x780, s28;
	s28 =	smov.u32 s30;
	v1 =	vld.idx.msk [tilespmem:v1+s2+$0x0], $0xffff  }
0x7bc: {  	s0 =	sand.u32 $0xF80, s0;
	v8 =	vld [tilespmem:s23+$0x0]  }
0x7bd: {  	s26 =	sor.u32 s1, s0;
	v2 =	vld.idx.msk [tilespmem:v2+s2+$0x0], $0xffff  }
0x7be: {  	v9 =	vld [tilespmem:s26+$0x1B800]  }
0x7bf: {  	v4 =	vld.idx.msk [tilespmem:v4+s2+$0x0], $0xffff  }
0x7c0: {  	v10 =	vld [tilespmem:s31+$0x1A400]  }
0x7c1: {  	v1 =	vsub.f32 v8, v1;
	v6 =	vld.idx.msk [tilespmem:v6+s2+$0x0], $0xffff  }
0x7c2: {  	v11 =	vld [tilespmem:s31+$0x1A480]  }
0x7c3: {  	v2 =	vsub.f32 v8, v2;
	v1 =	vand.u32 $0x7FFFFFFF, v1;
	v7 =	vld.idx.msk [tilespmem:v7+s2+$0x0], $0xffff  }
0x7c4: {  	v1 =	vadd.f32 v1, v9;
	v9 =	vld [tilespmem:s31+$0x1A500]  }
0x7c5: {  	v2 =	vand.u32 $0x7FFFFFFF, v2;
	v4 =	vsub.f32 v8, v4;
	v5 =	vld.idx.msk [tilespmem:v5+s2+$0x0], $0xffff  }
0x7c6: {  	v1 =	vadd.f32 v2, v1;
	v2 =	vld [tilespmem:s31+$0x1A580]  }
0x7c7: {  	v4 =	vand.u32 $0x7FFFFFFF, v4;
	v6 =	vsub.f32 v8, v6;
	v3 =	vld.idx.msk [tilespmem:v3+s2+$0x0], $0xffff  }
0x7c8: {  	v1 =	vadd.f32 v4, v1;
	v4 =	vld [tilespmem:s31+$0x1A600]  }
0x7c9: {  	v6 =	vand.u32 $0x7FFFFFFF, v6;
	v7 =	vsub.f32 v8, v7;
	v10 =	vld.idx.msk [tilespmem:v10+s2+$0x0], $0xffff  }
0x7ca: {  	v1 =	vadd.f32 v6, v1;
	v6 =	vld [tilespmem:s31+$0x1A680]  }
0x7cb: {  	v7 =	vand.u32 $0x7FFFFFFF, v7;
	v5 =	vsub.f32 v8, v5;
	v11 =	vld.idx.msk [tilespmem:v11+s2+$0x0], $0xffff  }
0x7cc: {  	v1 =	vadd.f32 v7, v1;
	v7 =	vld [tilespmem:s31+$0x1A700]  }
0x7cd: {  	v5 =	vand.u32 $0x7FFFFFFF, v5;
	v3 =	vsub.f32 v8, v3;
	v9 =	vld.idx.msk [tilespmem:v9+s2+$0x0], $0xffff  }
0x7ce: {  	v1 =	vadd.f32 v5, v1;
	v5 =	vld [tilespmem:s31+$0x1A780]  }
0x7cf: {  	v3 =	vand.u32 $0x7FFFFFFF, v3;
	v10 =	vsub.f32 v8, v10;
	v2 =	vld.idx.msk [tilespmem:v2+s2+$0x0], $0xffff  }
0x7d0: {  	v1 =	vadd.f32 v3, v1  }
0x7d1: {  	v3 =	vand.u32 $0x7FFFFFFF, v10;
	v10 =	vsub.f32 v8, v11;
	v4 =	vld.idx.msk [tilespmem:v4+s2+$0x0], $0xffff  }
0x7d2: {  	v1 =	vadd.f32 v3, v1  }
0x7d3: {  	v3 =	vand.u32 $0x7FFFFFFF, v10;
	v9 =	vsub.f32 v8, v9;
	v6 =	vld.idx.msk [tilespmem:v6+s2+$0x0], $0xffff  }
0x7d4: {  	v1 =	vadd.f32 v3, v1  }
0x7d5: {  	v3 =	vand.u32 $0x7FFFFFFF, v9;
	v2 =	vsub.f32 v8, v2;
	v7 =	vld.idx.msk [tilespmem:v7+s2+$0x0], $0xffff  }
0x7d6: {  	v1 =	vadd.f32 v3, v1  }
0x7d7: {  	v2 =	vand.u32 $0x7FFFFFFF, v2;
	v3 =	vsub.f32 v8, v4;
	v4 =	vld.idx.msk [tilespmem:v5+s2+$0x0], $0xffff  }
0x7d8: {  	v1 =	vadd.f32 v2, v1  }
0x7d9: {  	v2 =	vand.u32 $0x7FFFFFFF, v3;
	v3 =	vsub.f32 v8, v6  }
0x7da: {  	v1 =	vadd.f32 v2, v1  }
0x7db: {  	v2 =	vand.u32 $0x7FFFFFFF, v3;
	v3 =	vsub.f32 v8, v7  }
.Ltmp14:
0x7dc: {  	v1 =	vadd.f32 v2, v1;
	(pc) =	sbr.rel @p0 .LBB2_30-.Ltmp14, $4  }
0x7dd: {  	v2 =	vand.u32 $0x7FFFFFFF, v3;
	v3 =	vsub.f32 v8, v4  }
0x7de: {  	v1 =	vadd.f32 v2, v1  }
0x7df: {  	s29 =	sadd.s32 $0x80, s29;
	v2 =	vand.u32 $0x7FFFFFFF, v3  }
0x7e0: {  	s30 =	sadd.s32 $0x10, s30;
	s1 =	sand.u32 $0x70, s28;
	s0 =	sand.u32 $0x1C00, s29;
	v1 =	vadd.f32 v2, v1  }
0x7e1: {  	s0 =	sor.u32 s1, s0  }
0x7e2: {  	s23 =	sadd.s32 $0x19000, s0;
	[tilespmem:s26+$0x1B800] =	vst v1  }
0x7e3: {  	v1 =	vld [tilespmem:s23+$0x80];
	_ =	sdelay $0x1  }
0x7e4: {  	s26 =	sor.u32 s29, s28;
	v2 =	vld [tilespmem:s23+$0x100]  }
0x7e5: {  	s26 =	sor.u32 $0x380, s26;
	v4 =	vld [tilespmem:s23+$0x180]  }
0x7e6: {  	v3 =	vld [tilespmem:s26+$0x19000];
	s26 =	sadd.s32 s28, s17  }
0x7e7: {  	v5 =	vld [tilespmem:s23+$0x200];
	s26 =	sand.u32 $0x3FF80, s26  }
0x7e8: {  	v6 =	vld [tilespmem:s23+$0x280];
	s26 =	sor.u32 s1, s26  }
0x7e9: {  	v7 =	vld [tilespmem:s26+$0x0]  }
0x7ea: {  	s28 =	sadd.s32 $0x780, s28;
	v1 =	vld.idx.msk [tilespmem:v1+s2+$0x0], $0xffff  }
0x7eb: {  	v8 =	vld [tilespmem:s23+$0x300];
	s26 =	sand.u32 $0xF80, s28  }
0x7ec: {  	s26 =	sor.u32 s1, s26;
	v2 =	vld.idx.msk [tilespmem:v2+s2+$0x0], $0xffff  }
0x7ed: {  	v9 =	vld [tilespmem:s26+$0x1B800]  }
0x7ee: {  	v4 =	vld.idx.msk [tilespmem:v4+s2+$0x0], $0xffff  }
0x7ef: {  	v10 =	vld [tilespmem:s0+$0x1A400];
	v1 =	vsub.f32 v7, v1  }
0x7f0: {  	v5 =	vld.idx.msk [tilespmem:v5+s2+$0x0], $0xffff  }
0x7f1: {  	v11 =	vld [tilespmem:s0+$0x1A480];
	v2 =	vsub.f32 v7, v2;
	v1 =	vand.u32 $0x7FFFFFFF, v1  }
0x7f2: {  	v6 =	vld.idx.msk [tilespmem:v6+s2+$0x0], $0xffff;
	v1 =	vadd.f32 v1, v9  }
0x7f3: {  	v42 =	vld [tilespmem:s0+$0x1A500];
	v4 =	vsub.f32 v7, v4;
	v2 =	vand.u32 $0x7FFFFFFF, v2  }
0x7f4: {  	v8 =	vld.idx.msk [tilespmem:v8+s2+$0x0], $0xffff;
	v1 =	vadd.f32 v2, v1  }
0x7f5: {  	v3 =	vld.idx.msk [tilespmem:v3+s2+$0x0], $0xffff;
	v5 =	vsub.f32 v7, v5;
	v4 =	vand.u32 $0x7FFFFFFF, v4  }
0x7f6: {  	v2 =	vld [tilespmem:s0+$0x1A580];
	v1 =	vadd.f32 v4, v1  }
0x7f7: {  	v43 =	vld [tilespmem:s0+$0x1A600];
	v6 =	vsub.f32 v7, v6;
	v5 =	vand.u32 $0x7FFFFFFF, v5  }
0x7f8: {  	v10 =	vld.idx.msk [tilespmem:v10+s2+$0x0], $0xffff;
	v1 =	vadd.f32 v5, v1  }
0x7f9: {  	v44 =	vld [tilespmem:s0+$0x1A680];
	v8 =	vsub.f32 v7, v8;
	v6 =	vand.u32 $0x7FFFFFFF, v6  }
0x7fa: {  	v11 =	vld.idx.msk [tilespmem:v11+s2+$0x0], $0xffff;
	v1 =	vadd.f32 v6, v1  }
0x7fb: {  	v45 =	vld [tilespmem:s0+$0x1A700];
	v3 =	vsub.f32 v7, v3;
	v8 =	vand.u32 $0x7FFFFFFF, v8  }
0x7fc: {  	v9 =	vld.idx.msk [tilespmem:v42+s2+$0x0], $0xffff;
	v1 =	vadd.f32 v8, v1  }
0x7fd: {  	v46 =	vld [tilespmem:s0+$0x1A780];
	v10 =	vsub.f32 v7, v10;
	v3 =	vand.u32 $0x7FFFFFFF, v3  }
0x7fe: {  	v2 =	vld.idx.msk [tilespmem:v2+s2+$0x0], $0xffff;
	v1 =	vadd.f32 v3, v1  }
0x7ff: {  	v47 =	vsub.f32 v7, v11;
	v3 =	vand.u32 $0x7FFFFFFF, v10  }
0x800: {  	v4 =	vld.idx.msk [tilespmem:v43+s2+$0x0], $0xffff;
	v1 =	vadd.f32 v3, v1  }
0x801: {  	v9 =	vsub.f32 v7, v9;
	v3 =	vand.u32 $0x7FFFFFFF, v47  }
0x802: {  	v5 =	vld.idx.msk [tilespmem:v44+s2+$0x0], $0xffff;
	v1 =	vadd.f32 v3, v1  }
0x803: {  	v2 =	vsub.f32 v7, v2;
	v3 =	vand.u32 $0x7FFFFFFF, v9  }
0x804: {  	v6 =	vld.idx.msk [tilespmem:v45+s2+$0x0], $0xffff;
	v1 =	vadd.f32 v3, v1  }
0x805: {  	v2 =	vand.u32 $0x7FFFFFFF, v2;
	v3 =	vsub.f32 v7, v4  }
0x806: {  	v48 =	vld.idx.msk [tilespmem:v46+s2+$0x0], $0xffff;
	v1 =	vadd.f32 v2, v1  }
0x807: {  	v2 =	vand.u32 $0x7FFFFFFF, v3;
	v3 =	vsub.f32 v7, v5  }
0x808: {  	v1 =	vadd.f32 v2, v1  }
0x809: {  	v2 =	vand.u32 $0x7FFFFFFF, v3;
	v3 =	vsub.f32 v7, v6  }
0x80a: {  	v1 =	vadd.f32 v2, v1  }
0x80b: {  	v2 =	vand.u32 $0x7FFFFFFF, v3;
	v3 =	vsub.f32 v7, v48  }
0x80c: {  	v1 =	vadd.f32 v2, v1  }
0x80d: {  	v2 =	vand.u32 $0x7FFFFFFF, v3  }
0x80e: {  	v1 =	vadd.f32 v2, v1;
	_ =	sdelay $0x1  }
0x80f: {  	[tilespmem:s26+$0x1B800] =	vst v1;
	s26 =	simm.s32 $0x0  }
0x810: {  	[tilespmem:s22], [sflag:$0x1] =	stream.strided.gather [hbm4b:s8+s20], $0x2800, s21, s20, $0x38;
	[tilespmem:$0x1C500] =	vst v63  }
0x811: {  	s0 =	sand.u32 $0x70, s26;
	s23 =	sand.u32 $0x1C00, s26;
	_ =	swait.ge [sflag:s19], $0x2800  }
0x812: {  	s1 =	sor.u32 s0, s23;
	[sflag:s19] =	ssyncset.done $0x0  }
0x813: {  	s23 =	sadd.s32 $0x19000, s1;
	[sflag:s19] =	ssyncadd.s32 $0xFFFFD800  }
0x814: {  	v1 =	vld [tilespmem:s23+$0x80]  }
0x815: {  	s28 =	sor.u32 s26, s26  }
0x816: {  	s28 =	sor.u32 $0x380, s28;
	v2 =	vld [tilespmem:s23+$0x100]  }
0x817: {  	v3 =	vld [tilespmem:s28+$0x19000]  }
0x818: {  	v49 =	vld [tilespmem:s23+$0x180];
	s28 =	sadd.s32 $0x0, s18  }
0x819: {  	v50 =	vld [tilespmem:s23+$0x200];
	s28 =	sand.u32 $0x3FF80, s28  }
0x81a: {  	v51 =	vld [tilespmem:s23+$0x280];
	s28 =	sor.u32 s0, s28  }
0x81b: {  	v52 =	vld [tilespmem:s28+$0x0]  }
0x81c: {  	s29 =	simm.s32 $0xA00;
	v1 =	vld.idx.msk [tilespmem:v1+s26+$0x0], $0xffff  }
0x81d: {  	v53 =	vld [tilespmem:s23+$0x300];
	s23 =	sand.u32 $0xF80, s29  }
0x81e: {  	s28 =	sor.u32 s0, s23;
	v2 =	vld.idx.msk [tilespmem:v2+s26+$0x0], $0xffff  }
0x81f: {  	v54 =	vld [tilespmem:s28+$0x1B800]  }
0x820: {  	v4 =	vld.idx.msk [tilespmem:v49+s26+$0x0], $0xffff  }
0x821: {  	v55 =	vld [tilespmem:s1+$0x1A400];
	v1 =	vsub.f32 v52, v1  }
0x822: {  	v5 =	vld.idx.msk [tilespmem:v50+s26+$0x0], $0xffff  }
0x823: {  	v56 =	vld [tilespmem:s1+$0x1A480];
	v2 =	vsub.f32 v52, v2;
	v1 =	vand.u32 $0x7FFFFFFF, v1  }
0x824: {  	v6 =	vld.idx.msk [tilespmem:v51+s26+$0x0], $0xffff;
	v1 =	vadd.f32 v1, v54  }
0x825: {  	v57 =	vld [tilespmem:s1+$0x1A500];
	v4 =	vsub.f32 v52, v4;
	v2 =	vand.u32 $0x7FFFFFFF, v2  }
0x826: {  	v8 =	vld.idx.msk [tilespmem:v53+s26+$0x0], $0xffff;
	v1 =	vadd.f32 v2, v1  }
0x827: {  	v3 =	vld.idx.msk [tilespmem:v3+s26+$0x0], $0xffff;
	v5 =	vsub.f32 v52, v5;
	v4 =	vand.u32 $0x7FFFFFFF, v4  }
0x828: {  	v2 =	vld [tilespmem:s1+$0x1A580];
	v1 =	vadd.f32 v4, v1  }
0x829: {  	v58 =	vld [tilespmem:s1+$0x1A600];
	v6 =	vsub.f32 v52, v6;
	v5 =	vand.u32 $0x7FFFFFFF, v5  }
0x82a: {  	v10 =	vld.idx.msk [tilespmem:v55+s26+$0x0], $0xffff;
	v1 =	vadd.f32 v5, v1  }
0x82b: {  	v59 =	vld [tilespmem:s1+$0x1A680];
	v8 =	vsub.f32 v52, v8;
	v6 =	vand.u32 $0x7FFFFFFF, v6  }
0x82c: {  	v11 =	vld.idx.msk [tilespmem:v56+s26+$0x0], $0xffff;
	v1 =	vadd.f32 v6, v1  }
0x82d: {  	v60 =	vld [tilespmem:s1+$0x1A700];
	v3 =	vsub.f32 v52, v3;
	v8 =	vand.u32 $0x7FFFFFFF, v8  }
0x82e: {  	v9 =	vld.idx.msk [tilespmem:v57+s26+$0x0], $0xffff;
	v1 =	vadd.f32 v8, v1  }
0x82f: {  	v61 =	vld [tilespmem:s1+$0x1A780];
	v10 =	vsub.f32 v52, v10;
	v3 =	vand.u32 $0x7FFFFFFF, v3  }
0x830: {  	v2 =	vld.idx.msk [tilespmem:v2+s26+$0x0], $0xffff;
	v1 =	vadd.f32 v3, v1  }
0x831: {  	v62 =	vsub.f32 v52, v11;
	v3 =	vand.u32 $0x7FFFFFFF, v10  }
0x832: {  	v4 =	vld.idx.msk [tilespmem:v58+s26+$0x0], $0xffff;
	v1 =	vadd.f32 v3, v1  }
0x833: {  	v9 =	vsub.f32 v52, v9;
	v3 =	vand.u32 $0x7FFFFFFF, v62  }
0x834: {  	v5 =	vld.idx.msk [tilespmem:v59+s26+$0x0], $0xffff;
	v1 =	vadd.f32 v3, v1  }
0x835: {  	v2 =	vsub.f32 v52, v2;
	v3 =	vand.u32 $0x7FFFFFFF, v9  }
0x836: {  	v6 =	vld.idx.msk [tilespmem:v60+s26+$0x0], $0xffff;
	v1 =	vadd.f32 v3, v1  }
0x837: {  	v2 =	vand.u32 $0x7FFFFFFF, v2;
	v3 =	vsub.f32 v52, v4  }
0x838: {  	v63 =	vld.idx.msk [tilespmem:v61+s26+$0x0], $0xffff;
	v1 =	vadd.f32 v2, v1  }
0x839: {  	v2 =	vand.u32 $0x7FFFFFFF, v3;
	v3 =	vsub.f32 v52, v5  }
0x83a: {  	v1 =	vadd.f32 v2, v1  }
0x83b: {  	v2 =	vand.u32 $0x7FFFFFFF, v3;
	v3 =	vsub.f32 v52, v6  }
0x83c: {  	v1 =	vadd.f32 v2, v1  }
0x83d: {  	v2 =	vand.u32 $0x7FFFFFFF, v3;
	v3 =	vsub.f32 v52, v63  }
0x83e: {  	v1 =	vadd.f32 v2, v1  }
0x83f: {  	s30 =	simm.s32 $0x80;
	s29 =	simm.s32 $0x10;
	v2 =	vand.u32 $0x7FFFFFFF, v3  }
0x840: {  	s31 =	simm.s32 $0x20;
	s0 =	sand.u32 $0x70, s29;
	s1 =	sand.u32 $0x1C00, s30;
	v1 =	vadd.f32 v2, v1  }
.LBB2_32:
0x841: {  	p0 =	sne.s32 s31, $0x270;
	s1 =	sor.u32 s0, s1  }
0x842: {  	s23 =	sadd.s32 $0x19000, s1;
	[tilespmem:s28+$0x1B800] =	vst v1  }
0x843: {  	v1 =	vld [tilespmem:s23+$0x80]  }
0x844: {  	s28 =	sor.u32 s30, s29  }
0x845: {  	s28 =	sor.u32 $0x380, s28;
	v2 =	vld [tilespmem:s23+$0x100]  }
0x846: {  	v3 =	vld [tilespmem:s28+$0x19000]  }
0x847: {  	v4 =	vld [tilespmem:s23+$0x180]  }
0x848: {  	v5 =	vld [tilespmem:s23+$0x300]  }
0x849: {  	s28 =	sadd.s32 s29, s18;
	v6 =	vld [tilespmem:s23+$0x200]  }
0x84a: {  	s28 =	sand.u32 $0x3FF80, s28;
	v7 =	vld [tilespmem:s23+$0x280]  }
0x84b: {  	s28 =	sor.u32 s0, s28;
	s23 =	sadd.s32 $0xA00, s29;
	s29 =	smov.u32 s31;
	v1 =	vld.idx.msk [tilespmem:v1+s26+$0x0], $0xffff  }
0x84c: {  	s23 =	sand.u32 $0xF80, s23;
	v8 =	vld [tilespmem:s28+$0x0]  }
0x84d: {  	s28 =	sor.u32 s0, s23;
	v2 =	vld.idx.msk [tilespmem:v2+s26+$0x0], $0xffff  }
0x84e: {  	v9 =	vld [tilespmem:s28+$0x1B800]  }
0x84f: {  	v4 =	vld.idx.msk [tilespmem:v4+s26+$0x0], $0xffff  }
0x850: {  	v10 =	vld [tilespmem:s1+$0x1A400]  }
0x851: {  	v1 =	vsub.f32 v8, v1;
	v6 =	vld.idx.msk [tilespmem:v6+s26+$0x0], $0xffff  }
0x852: {  	v11 =	vld [tilespmem:s1+$0x1A480]  }
0x853: {  	v2 =	vsub.f32 v8, v2;
	v1 =	vand.u32 $0x7FFFFFFF, v1;
	v7 =	vld.idx.msk [tilespmem:v7+s26+$0x0], $0xffff  }
0x854: {  	v1 =	vadd.f32 v1, v9;
	v9 =	vld [tilespmem:s1+$0x1A500]  }
0x855: {  	v2 =	vand.u32 $0x7FFFFFFF, v2;
	v4 =	vsub.f32 v8, v4;
	v5 =	vld.idx.msk [tilespmem:v5+s26+$0x0], $0xffff  }
0x856: {  	v1 =	vadd.f32 v2, v1;
	v2 =	vld [tilespmem:s1+$0x1A580]  }
0x857: {  	v4 =	vand.u32 $0x7FFFFFFF, v4;
	v6 =	vsub.f32 v8, v6;
	v3 =	vld.idx.msk [tilespmem:v3+s26+$0x0], $0xffff  }
0x858: {  	v1 =	vadd.f32 v4, v1;
	v4 =	vld [tilespmem:s1+$0x1A600]  }
0x859: {  	v6 =	vand.u32 $0x7FFFFFFF, v6;
	v7 =	vsub.f32 v8, v7;
	v10 =	vld.idx.msk [tilespmem:v10+s26+$0x0], $0xffff  }
0x85a: {  	v1 =	vadd.f32 v6, v1;
	v6 =	vld [tilespmem:s1+$0x1A680]  }
0x85b: {  	v7 =	vand.u32 $0x7FFFFFFF, v7;
	v5 =	vsub.f32 v8, v5;
	v11 =	vld.idx.msk [tilespmem:v11+s26+$0x0], $0xffff  }
0x85c: {  	v1 =	vadd.f32 v7, v1;
	v7 =	vld [tilespmem:s1+$0x1A700]  }
0x85d: {  	v5 =	vand.u32 $0x7FFFFFFF, v5;
	v3 =	vsub.f32 v8, v3;
	v9 =	vld.idx.msk [tilespmem:v9+s26+$0x0], $0xffff  }
0x85e: {  	v1 =	vadd.f32 v5, v1;
	v5 =	vld [tilespmem:s1+$0x1A780]  }
0x85f: {  	v3 =	vand.u32 $0x7FFFFFFF, v3;
	v10 =	vsub.f32 v8, v10;
	v2 =	vld.idx.msk [tilespmem:v2+s26+$0x0], $0xffff  }
0x860: {  	v1 =	vadd.f32 v3, v1  }
0x861: {  	v3 =	vand.u32 $0x7FFFFFFF, v10;
	v10 =	vsub.f32 v8, v11;
	v4 =	vld.idx.msk [tilespmem:v4+s26+$0x0], $0xffff  }
0x862: {  	v1 =	vadd.f32 v3, v1  }
0x863: {  	v3 =	vand.u32 $0x7FFFFFFF, v10;
	v9 =	vsub.f32 v8, v9;
	v6 =	vld.idx.msk [tilespmem:v6+s26+$0x0], $0xffff  }
0x864: {  	v1 =	vadd.f32 v3, v1  }
0x865: {  	v3 =	vand.u32 $0x7FFFFFFF, v9;
	v2 =	vsub.f32 v8, v2;
	v7 =	vld.idx.msk [tilespmem:v7+s26+$0x0], $0xffff  }
0x866: {  	v1 =	vadd.f32 v3, v1  }
0x867: {  	v2 =	vand.u32 $0x7FFFFFFF, v2;
	v3 =	vsub.f32 v8, v4;
	v4 =	vld.idx.msk [tilespmem:v5+s26+$0x0], $0xffff  }
0x868: {  	v1 =	vadd.f32 v2, v1  }
0x869: {  	v2 =	vand.u32 $0x7FFFFFFF, v3;
	v3 =	vsub.f32 v8, v6  }
0x86a: {  	v1 =	vadd.f32 v2, v1  }
0x86b: {  	v2 =	vand.u32 $0x7FFFFFFF, v3;
	v3 =	vsub.f32 v8, v7  }
.Ltmp15:
0x86c: {  	v1 =	vadd.f32 v2, v1;
	(pc) =	sbr.rel @p0 .LBB2_32-.Ltmp15, $4  }
0x86d: {  	v2 =	vand.u32 $0x7FFFFFFF, v3;
	v3 =	vsub.f32 v8, v4  }
0x86e: {  	v1 =	vadd.f32 v2, v1  }
0x86f: {  	s30 =	sadd.s32 $0x80, s30;
	v2 =	vand.u32 $0x7FFFFFFF, v3  }
0x870: {  	s31 =	sadd.s32 $0x10, s31;
	s0 =	sand.u32 $0x70, s29;
	s1 =	sand.u32 $0x1C00, s30;
	v1 =	vadd.f32 v2, v1  }
0x871: {  	s23 =	sor.u32 s0, s1  }
0x872: {  	s1 =	sadd.s32 $0x19000, s23;
	[tilespmem:s28+$0x1B800] =	vst v1  }
0x873: {  	v1 =	vld [tilespmem:s1+$0x80];
	_ =	sdelay $0x1  }
0x874: {  	s28 =	sor.u32 s30, s29;
	v2 =	vld [tilespmem:s1+$0x100]  }
0x875: {  	s28 =	sor.u32 $0x380, s28;
	v4 =	vld [tilespmem:s1+$0x180]  }
0x876: {  	v3 =	vld [tilespmem:s28+$0x19000];
	s28 =	sadd.s32 s29, s18  }
0x877: {  	v5 =	vld [tilespmem:s1+$0x200];
	s28 =	sand.u32 $0x3FF80, s28  }
0x878: {  	v6 =	vld [tilespmem:s1+$0x280];
	s28 =	sor.u32 s0, s28  }
0x879: {  	v7 =	vld [tilespmem:s28+$0x0]  }
0x87a: {  	s30 =	sadd.s32 $0xA00, s29;
	v1 =	vld.idx.msk [tilespmem:v1+s26+$0x0], $0xffff  }
0x87b: {  	v8 =	vld [tilespmem:s1+$0x300];
	s31 =	sand.u32 $0xF80, s30  }
0x87c: {  	s1 =	sor.u32 s0, s31;
	v2 =	vld.idx.msk [tilespmem:v2+s26+$0x0], $0xffff  }
0x87d: {  	v9 =	vld [tilespmem:s1+$0x1B800]  }
0x87e: {  	v4 =	vld.idx.msk [tilespmem:v4+s26+$0x0], $0xffff  }
0x87f: {  	v10 =	vld [tilespmem:s23+$0x1A400];
	v1 =	vsub.f32 v7, v1  }
0x880: {  	v5 =	vld.idx.msk [tilespmem:v5+s26+$0x0], $0xffff  }
0x881: {  	v11 =	vld [tilespmem:s23+$0x1A480];
	v2 =	vsub.f32 v7, v2;
	v1 =	vand.u32 $0x7FFFFFFF, v1  }
0x882: {  	v6 =	vld.idx.msk [tilespmem:v6+s26+$0x0], $0xffff;
	v1 =	vadd.f32 v1, v9  }
0x883: {  	v57 =	vld [tilespmem:s23+$0x1A500];
	v4 =	vsub.f32 v7, v4;
	v2 =	vand.u32 $0x7FFFFFFF, v2  }
0x884: {  	v8 =	vld.idx.msk [tilespmem:v8+s26+$0x0], $0xffff;
	v1 =	vadd.f32 v2, v1  }
0x885: {  	v3 =	vld.idx.msk [tilespmem:v3+s26+$0x0], $0xffff;
	v5 =	vsub.f32 v7, v5;
	v4 =	vand.u32 $0x7FFFFFFF, v4  }
0x886: {  	v2 =	vld [tilespmem:s23+$0x1A580];
	v1 =	vadd.f32 v4, v1  }
0x887: {  	v58 =	vld [tilespmem:s23+$0x1A600];
	v6 =	vsub.f32 v7, v6;
	v5 =	vand.u32 $0x7FFFFFFF, v5  }
0x888: {  	v10 =	vld.idx.msk [tilespmem:v10+s26+$0x0], $0xffff;
	v1 =	vadd.f32 v5, v1  }
0x889: {  	v59 =	vld [tilespmem:s23+$0x1A680];
	v8 =	vsub.f32 v7, v8;
	v6 =	vand.u32 $0x7FFFFFFF, v6  }
0x88a: {  	v11 =	vld.idx.msk [tilespmem:v11+s26+$0x0], $0xffff;
	v1 =	vadd.f32 v6, v1  }
0x88b: {  	v60 =	vld [tilespmem:s23+$0x1A700];
	v3 =	vsub.f32 v7, v3;
	v8 =	vand.u32 $0x7FFFFFFF, v8  }
0x88c: {  	v9 =	vld.idx.msk [tilespmem:v57+s26+$0x0], $0xffff;
	v1 =	vadd.f32 v8, v1  }
0x88d: {  	v61 =	vld [tilespmem:s23+$0x1A780];
	v10 =	vsub.f32 v7, v10;
	v3 =	vand.u32 $0x7FFFFFFF, v3  }
0x88e: {  	v2 =	vld.idx.msk [tilespmem:v2+s26+$0x0], $0xffff;
	v1 =	vadd.f32 v3, v1  }
0x88f: {  	v62 =	vsub.f32 v7, v11;
	v3 =	vand.u32 $0x7FFFFFFF, v10  }
0x890: {  	v4 =	vld.idx.msk [tilespmem:v58+s26+$0x0], $0xffff;
	v1 =	vadd.f32 v3, v1  }
0x891: {  	v9 =	vsub.f32 v7, v9;
	v3 =	vand.u32 $0x7FFFFFFF, v62  }
0x892: {  	v5 =	vld.idx.msk [tilespmem:v59+s26+$0x0], $0xffff;
	v1 =	vadd.f32 v3, v1  }
0x893: {  	v2 =	vsub.f32 v7, v2;
	v3 =	vand.u32 $0x7FFFFFFF, v9  }
0x894: {  	v6 =	vld.idx.msk [tilespmem:v60+s26+$0x0], $0xffff;
	v1 =	vadd.f32 v3, v1  }
0x895: {  	v2 =	vand.u32 $0x7FFFFFFF, v2;
	v3 =	vsub.f32 v7, v4  }
0x896: {  	v63 =	vld.idx.msk [tilespmem:v61+s26+$0x0], $0xffff;
	v1 =	vadd.f32 v2, v1  }
0x897: {  	v2 =	vand.u32 $0x7FFFFFFF, v3;
	v3 =	vsub.f32 v7, v5  }
0x898: {  	v1 =	vadd.f32 v2, v1  }
0x899: {  	v2 =	vand.u32 $0x7FFFFFFF, v3;
	v3 =	vsub.f32 v7, v6  }
0x89a: {  	v1 =	vadd.f32 v2, v1  }
0x89b: {  	v2 =	vand.u32 $0x7FFFFFFF, v3;
	v3 =	vsub.f32 v7, v63  }
0x89c: {  	v1 =	vadd.f32 v2, v1  }
0x89d: {  	v2 =	vand.u32 $0x7FFFFFFF, v3  }
0x89e: {  	v1 =	vadd.f32 v2, v1;
	_ =	sdelay $0x1  }
0x89f: {  	s0 =	simm.s32 $0x0;
	[tilespmem:s1+$0x1B800] =	vst v1  }
0x8a0: {  	v2 =	vld [tilespmem:s0+$0x1B800];
	_ =	sdelay $0x4  }
0x8a1: {  	p1 =	slt.u32 s13, $0x186A0;
	v2 =	vmul.f32 $6.666667010e-02, v2  }
0x8a2: {  	s28 =	simm.s32 $0x80;
	s26 =	simm.s32 $0x40;
	v1 =	vimm.f32 $0.0e+00;
	s1 =	smov.u32 s13  }
.LBB2_34:
0x8a3: {  	p0 =	sne.s32 s28, $0x31C0;
	[tilespmem:s0+$0x1B800] =	vst v2;
	s0 =	sshra.s32 s26, $0x2;
	v2 =	vpsel !p1, $0x0, v2;
	s26 =	smov.u32 s28  }
0x8a4: {  	v3 =	vld [tilespmem:s0+$0x1B800];
	v1 =	vadd.f32 v2, v1;
	_ =	sdelay $0x1  }
.Ltmp16:
0x8a5: {  	(pc) =	sbr.rel @p0 .LBB2_34-.Ltmp16, $3  }
0x8a6: {  	_ =	sdelay $0x1  }
0x8a7: {  	s1 =	sadd.s32 $0x10, s1;
	v2 =	vmul.f32 $6.666667010e-02, v3  }
0x8a8: {  	s28 =	sadd.s32 $0x40, s28;
	p1 =	slt.u32 s1, $0x186A0  }
0x8a9: {  	s23 =	sshra.s32 s26, $0x2;
	[tilespmem:s0+$0x1B800] =	vst v2  }
0x8aa: {  	v3 =	vld [tilespmem:s23+$0x1B800];
	_ =	sdelay $0x4  }
0x8ab: {  	v2 =	vpsel !p1, $0x0, v2;
	s30 =	sadd.s32 $0x10, s1;
	v3 =	vmul.f32 $6.666667010e-02, v3  }
0x8ac: {  	v1 =	vadd.f32 v2, v1;
	p0 =	slt.u32 s30, $0x186A0  }
0x8ad: {  	v2 =	vpsel !p0, $0x0, v3  }
0x8ae: {  	v1 =	vadd.f32 v2, v1  }
0x8af: {  	[tilespmem:s23+$0x1B800] =	vst v3  }
0x8b0: {  	s31 =	simm.s32 $0x1C480;
	[tilespmem:$0x1C480] =	vst v1  }
0x8b1: {  	[hbm4b:s11+s2] =	stream.linear.scatter [tilespmem:s31], [sflag:$0x1], $0x80, $0x38;
	[tilespmem:$0x1C500] =	vst v63  }
0x8b2: {  	s25 =	sadd.s32 $0x1, s25;
	_ =	swait.ge [sflag:s19], $0x80  }
0x8b3: {  	p0 =	sne.s32 s25, s14;
	[sflag:s19] =	ssyncset.done $0x0  }
.Ltmp17:
0x8b4: {  	[sflag:s19] =	ssyncadd.s32 $0xFFFFFF80;
	(pc) =	sbr.rel @p0 .LBB2_1-.Ltmp17, $4  }
0x8b5: {  	[hbm4b:s12+s2] =	stream.linear.scatter [tilespmem:s24], [sflag:$0x1], $0xC80, $0x38;
	[tilespmem:$0x1C500] =	vst v63  }
0x8b6: {  	_ =	swait.ge [sflag:s19], $0xC80  }
0x8b7: {  	[sflag:s19] =	ssyncset.done $0x0  }
0x8b8: {  	[sflag:s19] =	ssyncadd.s32 $0xFFFFF380  }
0x8b9: {  	_ =	sfence.sel $0x180000  }
0x8ba: {  	[bflag:$0x0] =	sbarrier.arrive $0xFFFF  }
0x8bb: {  	_ =	strace $0x90000047  }
0x8bc: {  	s0 =	stileid.u32;
	[bflag:$0x2] =	sbarrier.arrive $0xFFFF  }
0x8bd: {  	p0 =	sne.s32 s0, $0x0;
	s0 =	rddreg [dreg:$0x1]  }
0x8be: {  	s0 =	sadd.s32 @!p0 $0x100000, s0  }
0x8bf: {  	[sflag:s0] =	ssyncadd.tile.s32 @!p0 $0x1;
	_ =	shalt  }
.Lfunc_end2:
_tile_overlayer_lowered:
.L_overlay_start_2:
0x8c0: {  	(tag) =	ssettag $0x2  }
0x8c1: {  	s0 =	rddreg [dreg:$0x0];
	s2 =	stileid.u32  }
0x8c2: {  	s1 =	rddreg [dreg:$0x1];
	p0 =	sne.s32 s2, $0x0  }
0x8c3: {  	s3 =	rddreg [dreg:$0x2];
	[bflag:$0x3] =	sbarrier.arrive $0xFFFF;
	s2 =	simm.s32 @!p0 $0x1C01  }
0x8c4: {  	[timem:s3], [sflag:s2] =	dma.local @!p0 [hbm:s0], s1  }
0x8c5: {  	s0 =	simm.s32 @!p0 $0x1  }
0x8c6: {  	_ =	swait.ge @!p0 [sflag:s0], s1  }
0x8c7: {  	s1 =	ssub.s32 @!p0 $0x0, s1;
	[sflag:s0] =	ssyncset.done @!p0 $0x0  }
0x8c8: {  	[sflag:s0] =	ssyncadd.s32 @!p0 s1  }
0x8c9: {  	[bflag:$0x3] =	sbarrier.arrive $0xFFFF  }
0x8ca: {  	_ =	shalt  }

</sc_bundles>
